<compile_context>
chip_gen: v7x
topology: tpu7x:2x2x1
jax: 0.10.2.dev20260603
libtpu: 0.0.44.dev20260713+nightly
codegen_flags: <defaults>
</compile_context>

<pallas_src>
import functools

import jax
import jax.numpy as jnp
from jax import lax
from jax.experimental import pallas as pl
from jax.experimental.pallas import tpu as pltpu
from jax.experimental.pallas import tpu_sc as plsc

B, C, N_IN, N_OUT, K = 2, 256, 50000, 12500, 8
NW = 32
CP = 4
ROWS = CP * K
SLAB = B * C
BLK = 128
MB = 3
MAINC = MB * BLK // CP
TAILBASE = NW * MB * BLK
TAILCH = (N_OUT - TAILBASE) // CP
PPT = MB * BLK + 2 * CP


def _body(tab_hbm, idxt_hbm, tailg_hbm, out_hbm, idxk_v, idx_v, idx2_v,
          rows_v, stage_v, gsem, osem):
    wid = lax.axis_index("c") * 16 + lax.axis_index("s")

    for i in range(MB):
        pltpu.sync_copy(idxt_hbm.at[:, pl.ds((wid + NW * i) * BLK, BLK)],
                        idxk_v.at[:, pl.ds(i * BLK, BLK)])
    pltpu.sync_copy(tailg_hbm.at[pl.ds(wid * ROWS, ROWS)],
                    idx_v.at[pl.ds(MAINC * ROWS, ROWS)])

    @pl.when(wid + NW < TAILCH)
    def _tail2():
        pltpu.sync_copy(tailg_hbm.at[pl.ds((wid + NW) * ROWS, ROWS)],
                        idx_v.at[pl.ds((MAINC + 1) * ROWS, ROWS)])

    lanes8 = lax.iota(jnp.int32, 16) * 8

    def repack(g, _):
        for k in range(K):
            v = idxk_v[k, pl.ds(g * 16, 16)]
            pos = lanes8 + (g * 128 + k)
            plsc.store_scatter(idx_v, [pos], v)
            plsc.store_scatter(idx2_v, [pos], v + N_IN)
        return _

    lax.fori_loop(0, MB * BLK // 16, repack, 0)

    def tshift(i, _):
        idx2_v[pl.ds(MAINC * ROWS + i * 16, 16)] = (
            idx_v[pl.ds(MAINC * ROWS + i * 16, 16)] + N_IN)
        return _

    lax.fori_loop(0, 2 * ROWS // 16, tshift, 0)
    idxs = (idx_v, idx2_v)

    def out_word(c):
        main = (wid + NW * (c // (BLK // CP))) * BLK + lax.rem(c, BLK // CP) * CP
        tail = TAILBASE + (wid + NW * (c - MAINC)) * CP
        return jnp.where(c < MAINC, main, tail) * SLAB

    def gather(c, buf):
        for b in range(B):
            pltpu.async_copy(
                tab_hbm.at[idxs[b].at[pl.ds(c * ROWS, ROWS)]],
                rows_v.at[buf, pl.ds(b * ROWS, ROWS)],
                gsem.at[buf],
            )

    def gwait(c, buf):
        for b in range(B):
            pltpu.make_async_copy(
                tab_hbm.at[idxs[b].at[pl.ds(c * ROWS, ROWS)]],
                rows_v.at[buf, pl.ds(b * ROWS, ROWS)],
                gsem.at[buf],
            ).wait()

    def compute(c, buf):
        def do_v(v, _):
            coff = (v // 8) * 256 + (v % 8) * 16
            for p in range(CP):
                for b in range(B):
                    acc = None
                    for k in range(K):
                        r = rows_v[buf, b * ROWS + p * K + k, pl.ds(v * 16, 16)]
                        acc = r if acc is None else jnp.maximum(acc, r)
                    stage_v[buf, pl.ds(p * SLAB + b * 128 + coff, 16)] = acc
            return _

        lax.fori_loop(0, 16, do_v, 0, unroll=2)
        pltpu.async_copy(
            stage_v.at[buf],
            out_hbm.at[pl.ds(out_word(c), CP * SLAB)],
            osem.at[buf],
        )

    def owait(c, buf):
        pltpu.make_async_copy(
            stage_v.at[buf],
            out_hbm.at[pl.ds(out_word(c), CP * SLAB)],
            osem.at[buf],
        ).wait()

    ncr = MAINC + 1 + jnp.where(wid + NW < TAILCH, 1, 0)

    gather(0, 0)
    gather(1, 1)

    def step(c, _):
        buf = lax.rem(c, 3)

        @pl.when(c + 2 < ncr)
        def _prefetch():
            gather(c + 2, lax.rem(c + 2, 3))

        gwait(c, buf)

        @pl.when(c >= 3)
        def _drain_out():
            owait(c - 3, buf)

        compute(c, buf)
        return _

    lax.fori_loop(0, ncr, step, 0)
    owait(ncr - 3, lax.rem(ncr - 3, 3))
    owait(ncr - 2, lax.rem(ncr - 2, 3))
    owait(ncr - 1, lax.rem(ncr - 1, 3))


_sc_call = functools.partial(
    pl.kernel,
    out_type=jax.ShapeDtypeStruct((N_OUT * SLAB,), jnp.float32),
    mesh=plsc.VectorSubcoreMesh(core_axis_name="c", subcore_axis_name="s"),
    compiler_params=pltpu.CompilerParams(
        needs_layout_passes=False, use_tc_tiling_on_sc=True
    ),
    scratch_types=[
        pltpu.VMEM((K, MB * BLK), jnp.int32),
        pltpu.VMEM((PPT * K,), jnp.int32),
        pltpu.VMEM((PPT * K,), jnp.int32),
        pltpu.VMEM((3, B * ROWS, C), jnp.float32),
        pltpu.VMEM((3, CP * SLAB), jnp.float32),
        pltpu.SemaphoreType.DMA((3,)),
        pltpu.SemaphoreType.DMA((3,)),
    ],
)(_body)


def kernel(x, idx):
    tab = x.transpose(0, 2, 1).reshape(B * N_IN, C)
    idxt = idx.T
    tailg = idx[TAILBASE:].reshape(-1)
    out = _sc_call(tab, idxt, tailg)
    o4 = out.reshape(N_OUT, 2, B, 128)
    return o4.transpose(2, 1, 3, 0).reshape(B, C, N_OUT)

# --- scband reference (transcript-rebuilt; emitter-appended) ---
"""Pipeline reference for scband-max-pool-ng-32169305047344 (READ-ONLY COPY).

The authoritative reference and input builder live on the scoring server;
editing this copy changes nothing except your own understanding.
"""

import jax, jax.numpy as jnp
import numpy as np

B, C, N_IN, N_OUT, K = 2, 256, 50000, 12500, 8

def setup_inputs(seed: int = 0) -> dict:
    key = jax.random.key(seed)
    k1, k2 = jax.random.split(key)
    x = jax.random.normal(k1, (B, C, N_IN), dtype=jnp.float32)
    # idx is the precomputed kNN neighbor index buffer (built in __init__ via cKDTree
    # in the original module). For benchmarking, random in-range indices reproduce the
    # same gather/reduce access pattern: shape [N_OUT, K], values in [0, N_IN).
    idx = jax.random.randint(k2, (N_OUT, K), 0, N_IN, dtype=jnp.int32)
    return {"x": x, "idx": idx}

def reference(x, idx):
    # x: [B, C, N_in]; idx: [N_out, K]
    # torch: x = x[:, :, self.idx]  -> [B, C, N_out, K]
    gathered = jnp.take(x, idx, axis=2)
    # torch: x.max(-1)[0] -> [B, C, N_out]
    out = jnp.max(gathered, axis=-1)
    return out

if __name__ == "__main__":
    import jax
    _d = setup_inputs()
    print(jax.jit(kernel)(*tuple(_d.values())))

</pallas_src>

<mosaic_0001>
#map = affine_map<(d0, d1) -> (0, 0)>
#map1 = affine_map<(d0, d1) -> (0)>
module attributes {stable_mosaic.version = 14 : i64} {
  func.func @_body(%arg0: i32, %arg1: i32, %arg2: memref<100000x256xf32, #tpu.memory_space<hbm>>, %arg3: memref<8x12500xi32, #tpu.memory_space<hbm>>, %arg4: memref<1696xi32, #tpu.memory_space<hbm>>, %arg5: memref<6400000xf32, #tpu.memory_space<hbm>>, %arg6: memref<8x384xi32, #tpu.memory_space<vmem>>, %arg7: memref<3136xi32, #tpu.memory_space<vmem>>, %arg8: memref<3136xi32, #tpu.memory_space<vmem>>, %arg9: memref<3x64x256xf32, #tpu.memory_space<vmem>>, %arg10: memref<3x2048xf32, #tpu.memory_space<vmem>>, %arg11: memref<3x!tpu.dma_semaphore, #tpu.memory_space<semaphore_mem>>, %arg12: memref<3x!tpu.dma_semaphore, #tpu.memory_space<semaphore_mem>>) attributes {dimension_semantics = [#tpu.dimension_semantics<core_parallel>, #tpu.dimension_semantics<subcore_parallel>], iteration_bounds = array<i64: 2, 16>, scalar_prefetch = 0 : i64, scratch_operands = 7 : i64, tpu.core_type = #tpu.core_type<sc_vector_subcore>, window_params = [{transform_indices = #map}, {transform_indices = #map}, {transform_indices = #map1}, {transform_indices = #map1}]} {
    %mul3A = arith.constant 16 : i32
    %mul3A_0 = arith.muli %arg0, %mul3A : i32
    %add3A = arith.addi %mul3A_0, %arg1 : i32
    %add3A_1 = arith.constant 0 : i32
    %add3A_2 = arith.addi %add3A, %add3A_1 : i32
    %mul3A_3 = arith.constant 128 : i32
    %mul3A_4 = arith.muli %add3A_2, %mul3A_3 : i32
    "tpu.region"() ({
      %run_scoped3A = tpu.sem_alloc : memref<!tpu.dma_semaphore, #tpu.memory_space<semaphore_mem>>
      %dma_start3A_285 = arith.constant 0 : i32
      %dma_start3A_286 = arith.constant 0 : i32
      %dma_start3A_287 = tpu.memref_slice %arg6[%dma_start3A_285, %dma_start3A_286] : memref<8x384xi32, #tpu.memory_space<vmem>> -> memref<8x128xi32, #tpu.memory_space<vmem>>
      %dma_start3A_288 = arith.constant 0 : i32
      %dma_start3A_289 = tpu.memref_slice %arg3[%dma_start3A_288, %mul3A_4] : memref<8x12500xi32, #tpu.memory_space<hbm>> -> memref<8x128xi32, #tpu.memory_space<hbm>>
      %dma_start3A_290 = arith.constant 0 : i32
      %dma_start3A_291 = arith.constant 0 : i32
      %dma_start3A_292 = tpu.memref_slice %arg6[%dma_start3A_290, %dma_start3A_291] : memref<8x384xi32, #tpu.memory_space<vmem>> -> memref<8x128xi32, #tpu.memory_space<vmem>>
      %dma_start3A_293 = arith.constant 0 : i32
      %dma_start3A_294 = tpu.memref_slice %arg3[%dma_start3A_293, %mul3A_4] : memref<8x12500xi32, #tpu.memory_space<hbm>> -> memref<8x128xi32, #tpu.memory_space<hbm>>
      tpu.enqueue_dma source(%dma_start3A_294 : memref<8x128xi32, #tpu.memory_space<hbm>>) target(%dma_start3A_292 : memref<8x128xi32, #tpu.memory_space<vmem>>) target_semaphore(%run_scoped3A : memref<!tpu.dma_semaphore, #tpu.memory_space<semaphore_mem>>)
      %dma_wait3A_295 = arith.constant 0 : i32
      %dma_wait3A_296 = arith.constant 0 : i32
      %dma_wait3A_297 = tpu.memref_slice %arg6[%dma_wait3A_295, %dma_wait3A_296] : memref<8x384xi32, #tpu.memory_space<vmem>> -> memref<8x128xi32, #tpu.memory_space<vmem>>
      %dma_wait3A_298 = arith.constant 0 : i32
      %dma_wait3A_299 = tpu.memref_slice %arg3[%dma_wait3A_298, %mul3A_4] : memref<8x12500xi32, #tpu.memory_space<hbm>> -> memref<8x128xi32, #tpu.memory_space<hbm>>
      %dma_wait3A_300 = arith.constant 0 : i32
      %dma_wait3A_301 = arith.constant 0 : i32
      %dma_wait3A_302 = tpu.memref_slice %arg6[%dma_wait3A_300, %dma_wait3A_301] : memref<8x384xi32, #tpu.memory_space<vmem>> -> memref<8x128xi32, #tpu.memory_space<vmem>>
      %dma_wait3A_303 = arith.constant 0 : i32
      %dma_wait3A_304 = tpu.memref_slice %arg3[%dma_wait3A_303, %mul3A_4] : memref<8x12500xi32, #tpu.memory_space<hbm>> -> memref<8x128xi32, #tpu.memory_space<hbm>>
      tpu.wait_dma2 semaphore(%run_scoped3A : memref<!tpu.dma_semaphore, #tpu.memory_space<semaphore_mem>>) src(%dma_wait3A_304 : memref<8x128xi32, #tpu.memory_space<hbm>>) dst(%dma_wait3A_302 : memref<8x128xi32, #tpu.memory_space<vmem>>)
      tpu.yield
    }) : () -> ()
    %add3A_5 = arith.constant 32 : i32
    %add3A_6 = arith.addi %add3A, %add3A_5 : i32
    %mul3A_7 = arith.constant 128 : i32
    %mul3A_8 = arith.muli %add3A_6, %mul3A_7 : i32
    "tpu.region"() ({
      %run_scoped3A = tpu.sem_alloc : memref<!tpu.dma_semaphore, #tpu.memory_space<semaphore_mem>>
      %dma_start3A_285 = arith.constant 0 : i32
      %dma_start3A_286 = arith.constant 128 : i32
      %dma_start3A_287 = tpu.memref_slice %arg6[%dma_start3A_285, %dma_start3A_286] : memref<8x384xi32, #tpu.memory_space<vmem>> -> memref<8x128xi32, #tpu.memory_space<vmem>>
      %dma_start3A_288 = arith.constant 0 : i32
      %dma_start3A_289 = tpu.memref_slice %arg3[%dma_start3A_288, %mul3A_8] : memref<8x12500xi32, #tpu.memory_space<hbm>> -> memref<8x128xi32, #tpu.memory_space<hbm>>
      %dma_start3A_290 = arith.constant 0 : i32
      %dma_start3A_291 = arith.constant 128 : i32
      %dma_start3A_292 = tpu.memref_slice %arg6[%dma_start3A_290, %dma_start3A_291] : memref<8x384xi32, #tpu.memory_space<vmem>> -> memref<8x128xi32, #tpu.memory_space<vmem>>
      %dma_start3A_293 = arith.constant 0 : i32
      %dma_start3A_294 = tpu.memref_slice %arg3[%dma_start3A_293, %mul3A_8] : memref<8x12500xi32, #tpu.memory_space<hbm>> -> memref<8x128xi32, #tpu.memory_space<hbm>>
      tpu.enqueue_dma source(%dma_start3A_294 : memref<8x128xi32, #tpu.memory_space<hbm>>) target(%dma_start3A_292 : memref<8x128xi32, #tpu.memory_space<vmem>>) target_semaphore(%run_scoped3A : memref<!tpu.dma_semaphore, #tpu.memory_space<semaphore_mem>>)
      %dma_wait3A_295 = arith.constant 0 : i32
      %dma_wait3A_296 = arith.constant 128 : i32
      %dma_wait3A_297 = tpu.memref_slice %arg6[%dma_wait3A_295, %dma_wait3A_296] : memref<8x384xi32, #tpu.memory_space<vmem>> -> memref<8x128xi32, #tpu.memory_space<vmem>>
      %dma_wait3A_298 = arith.constant 0 : i32
      %dma_wait3A_299 = tpu.memref_slice %arg3[%dma_wait3A_298, %mul3A_8] : memref<8x12500xi32, #tpu.memory_space<hbm>> -> memref<8x128xi32, #tpu.memory_space<hbm>>
      %dma_wait3A_300 = arith.constant 0 : i32
      %dma_wait3A_301 = arith.constant 128 : i32
      %dma_wait3A_302 = tpu.memref_slice %arg6[%dma_wait3A_300, %dma_wait3A_301] : memref<8x384xi32, #tpu.memory_space<vmem>> -> memref<8x128xi32, #tpu.memory_space<vmem>>
      %dma_wait3A_303 = arith.constant 0 : i32
      %dma_wait3A_304 = tpu.memref_slice %arg3[%dma_wait3A_303, %mul3A_8] : memref<8x12500xi32, #tpu.memory_space<hbm>> -> memref<8x128xi32, #tpu.memory_space<hbm>>
      tpu.wait_dma2 semaphore(%run_scoped3A : memref<!tpu.dma_semaphore, #tpu.memory_space<semaphore_mem>>) src(%dma_wait3A_304 : memref<8x128xi32, #tpu.memory_space<hbm>>) dst(%dma_wait3A_302 : memref<8x128xi32, #tpu.memory_space<vmem>>)
      tpu.yield
    }) : () -> ()
    %add3A_9 = arith.constant 64 : i32
    %add3A_10 = arith.addi %add3A, %add3A_9 : i32
    %mul3A_11 = arith.constant 128 : i32
    %mul3A_12 = arith.muli %add3A_10, %mul3A_11 : i32
    "tpu.region"() ({
      %run_scoped3A = tpu.sem_alloc : memref<!tpu.dma_semaphore, #tpu.memory_space<semaphore_mem>>
      %dma_start3A_285 = arith.constant 0 : i32
      %dma_start3A_286 = arith.constant 256 : i32
      %dma_start3A_287 = tpu.memref_slice %arg6[%dma_start3A_285, %dma_start3A_286] : memref<8x384xi32, #tpu.memory_space<vmem>> -> memref<8x128xi32, #tpu.memory_space<vmem>>
      %dma_start3A_288 = arith.constant 0 : i32
      %dma_start3A_289 = tpu.memref_slice %arg3[%dma_start3A_288, %mul3A_12] : memref<8x12500xi32, #tpu.memory_space<hbm>> -> memref<8x128xi32, #tpu.memory_space<hbm>>
      %dma_start3A_290 = arith.constant 0 : i32
      %dma_start3A_291 = arith.constant 256 : i32
      %dma_start3A_292 = tpu.memref_slice %arg6[%dma_start3A_290, %dma_start3A_291] : memref<8x384xi32, #tpu.memory_space<vmem>> -> memref<8x128xi32, #tpu.memory_space<vmem>>
      %dma_start3A_293 = arith.constant 0 : i32
      %dma_start3A_294 = tpu.memref_slice %arg3[%dma_start3A_293, %mul3A_12] : memref<8x12500xi32, #tpu.memory_space<hbm>> -> memref<8x128xi32, #tpu.memory_space<hbm>>
      tpu.enqueue_dma source(%dma_start3A_294 : memref<8x128xi32, #tpu.memory_space<hbm>>) target(%dma_start3A_292 : memref<8x128xi32, #tpu.memory_space<vmem>>) target_semaphore(%run_scoped3A : memref<!tpu.dma_semaphore, #tpu.memory_space<semaphore_mem>>)
      %dma_wait3A_295 = arith.constant 0 : i32
      %dma_wait3A_296 = arith.constant 256 : i32
      %dma_wait3A_297 = tpu.memref_slice %arg6[%dma_wait3A_295, %dma_wait3A_296] : memref<8x384xi32, #tpu.memory_space<vmem>> -> memref<8x128xi32, #tpu.memory_space<vmem>>
      %dma_wait3A_298 = arith.constant 0 : i32
      %dma_wait3A_299 = tpu.memref_slice %arg3[%dma_wait3A_298, %mul3A_12] : memref<8x12500xi32, #tpu.memory_space<hbm>> -> memref<8x128xi32, #tpu.memory_space<hbm>>
      %dma_wait3A_300 = arith.constant 0 : i32
      %dma_wait3A_301 = arith.constant 256 : i32
      %dma_wait3A_302 = tpu.memref_slice %arg6[%dma_wait3A_300, %dma_wait3A_301] : memref<8x384xi32, #tpu.memory_space<vmem>> -> memref<8x128xi32, #tpu.memory_space<vmem>>
      %dma_wait3A_303 = arith.constant 0 : i32
      %dma_wait3A_304 = tpu.memref_slice %arg3[%dma_wait3A_303, %mul3A_12] : memref<8x12500xi32, #tpu.memory_space<hbm>> -> memref<8x128xi32, #tpu.memory_space<hbm>>
      tpu.wait_dma2 semaphore(%run_scoped3A : memref<!tpu.dma_semaphore, #tpu.memory_space<semaphore_mem>>) src(%dma_wait3A_304 : memref<8x128xi32, #tpu.memory_space<hbm>>) dst(%dma_wait3A_302 : memref<8x128xi32, #tpu.memory_space<vmem>>)
      tpu.yield
    }) : () -> ()
    %mul3A_13 = arith.constant 32 : i32
    %mul3A_14 = arith.muli %add3A, %mul3A_13 : i32
    "tpu.region"() ({
      %run_scoped3A = tpu.sem_alloc : memref<!tpu.dma_semaphore, #tpu.memory_space<semaphore_mem>>
      %dma_start3A_285 = arith.constant 3072 : i32
      %dma_start3A_286 = tpu.memref_slice %arg7[%dma_start3A_285] : memref<3136xi32, #tpu.memory_space<vmem>> -> memref<32xi32, #tpu.memory_space<vmem>>
      %dma_start3A_287 = tpu.memref_slice %arg4[%mul3A_14] : memref<1696xi32, #tpu.memory_space<hbm>> -> memref<32xi32, #tpu.memory_space<hbm>>
      %dma_start3A_288 = arith.constant 3072 : i32
      %dma_start3A_289 = tpu.memref_slice %arg7[%dma_start3A_288] : memref<3136xi32, #tpu.memory_space<vmem>> -> memref<32xi32, #tpu.memory_space<vmem>>
      %dma_start3A_290 = tpu.memref_slice %arg4[%mul3A_14] : memref<1696xi32, #tpu.memory_space<hbm>> -> memref<32xi32, #tpu.memory_space<hbm>>
      tpu.enqueue_dma source(%dma_start3A_290 : memref<32xi32, #tpu.memory_space<hbm>>) target(%dma_start3A_289 : memref<32xi32, #tpu.memory_space<vmem>>) target_semaphore(%run_scoped3A : memref<!tpu.dma_semaphore, #tpu.memory_space<semaphore_mem>>)
      %dma_wait3A_291 = arith.constant 3072 : i32
      %dma_wait3A_292 = tpu.memref_slice %arg7[%dma_wait3A_291] : memref<3136xi32, #tpu.memory_space<vmem>> -> memref<32xi32, #tpu.memory_space<vmem>>
      %dma_wait3A_293 = tpu.memref_slice %arg4[%mul3A_14] : memref<1696xi32, #tpu.memory_space<hbm>> -> memref<32xi32, #tpu.memory_space<hbm>>
      %dma_wait3A_294 = arith.constant 3072 : i32
      %dma_wait3A_295 = tpu.memref_slice %arg7[%dma_wait3A_294] : memref<3136xi32, #tpu.memory_space<vmem>> -> memref<32xi32, #tpu.memory_space<vmem>>
      %dma_wait3A_296 = tpu.memref_slice %arg4[%mul3A_14] : memref<1696xi32, #tpu.memory_space<hbm>> -> memref<32xi32, #tpu.memory_space<hbm>>
      tpu.wait_dma2 semaphore(%run_scoped3A : memref<!tpu.dma_semaphore, #tpu.memory_space<semaphore_mem>>) src(%dma_wait3A_296 : memref<32xi32, #tpu.memory_space<hbm>>) dst(%dma_wait3A_295 : memref<32xi32, #tpu.memory_space<vmem>>)
      tpu.yield
    }) : () -> ()
    %add3A_15 = arith.constant 32 : i32
    %add3A_16 = arith.addi %add3A, %add3A_15 : i32
    %lt3A = arith.constant 53 : i32
    %lt3A_17 = arith.cmpi slt, %add3A_16, %lt3A : i32
    %convert_element_type3A = arith.extui %lt3A_17 : i1 to i32
    %cond3A = arith.constant 0 : i32
    %cond3A_18 = arith.cmpi ne, %convert_element_type3A, %cond3A : i32
    scf.if %cond3A_18 {
      %add3A_285 = arith.constant 32 : i32
      %add3A_286 = arith.addi %add3A, %add3A_285 : i32
      %mul3A_287 = arith.constant 32 : i32
      %mul3A_288 = arith.muli %add3A_286, %mul3A_287 : i32
      "tpu.region"() ({
        %run_scoped3A = tpu.sem_alloc : memref<!tpu.dma_semaphore, #tpu.memory_space<semaphore_mem>>
        %dma_start3A_289 = arith.constant 3104 : i32
        %dma_start3A_290 = tpu.memref_slice %arg7[%dma_start3A_289] : memref<3136xi32, #tpu.memory_space<vmem>> -> memref<32xi32, #tpu.memory_space<vmem>>
        %dma_start3A_291 = tpu.memref_slice %arg4[%mul3A_288] : memref<1696xi32, #tpu.memory_space<hbm>> -> memref<32xi32, #tpu.memory_space<hbm>>
        %dma_start3A_292 = arith.constant 3104 : i32
        %dma_start3A_293 = tpu.memref_slice %arg7[%dma_start3A_292] : memref<3136xi32, #tpu.memory_space<vmem>> -> memref<32xi32, #tpu.memory_space<vmem>>
        %dma_start3A_294 = tpu.memref_slice %arg4[%mul3A_288] : memref<1696xi32, #tpu.memory_space<hbm>> -> memref<32xi32, #tpu.memory_space<hbm>>
        tpu.enqueue_dma source(%dma_start3A_294 : memref<32xi32, #tpu.memory_space<hbm>>) target(%dma_start3A_293 : memref<32xi32, #tpu.memory_space<vmem>>) target_semaphore(%run_scoped3A : memref<!tpu.dma_semaphore, #tpu.memory_space<semaphore_mem>>)
        %dma_wait3A_295 = arith.constant 3104 : i32
        %dma_wait3A_296 = tpu.memref_slice %arg7[%dma_wait3A_295] : memref<3136xi32, #tpu.memory_space<vmem>> -> memref<32xi32, #tpu.memory_space<vmem>>
        %dma_wait3A_297 = tpu.memref_slice %arg4[%mul3A_288] : memref<1696xi32, #tpu.memory_space<hbm>> -> memref<32xi32, #tpu.memory_space<hbm>>
        %dma_wait3A_298 = arith.constant 3104 : i32
        %dma_wait3A_299 = tpu.memref_slice %arg7[%dma_wait3A_298] : memref<3136xi32, #tpu.memory_space<vmem>> -> memref<32xi32, #tpu.memory_space<vmem>>
        %dma_wait3A_300 = tpu.memref_slice %arg4[%mul3A_288] : memref<1696xi32, #tpu.memory_space<hbm>> -> memref<32xi32, #tpu.memory_space<hbm>>
        tpu.wait_dma2 semaphore(%run_scoped3A : memref<!tpu.dma_semaphore, #tpu.memory_space<semaphore_mem>>) src(%dma_wait3A_300 : memref<32xi32, #tpu.memory_space<hbm>>) dst(%dma_wait3A_299 : memref<32xi32, #tpu.memory_space<vmem>>)
        tpu.yield
      }) : () -> ()
    } else {
    }
    %iota3A = tpu.iota {dimensions = array<i32: 0>} : vector<16xi32>
    %mul3A_19 = arith.constant 8 : i32
    %mul3A_20 = vector.broadcast %mul3A_19 : i32 to vector<16xi32>
    %mul3A_21 = arith.muli %iota3A, %mul3A_20 : vector<16xi32>
    %scan3A = arith.constant 0 : i32
    %scan3A_22 = arith.constant 0 : i32
    %scan3A_23 = arith.constant 24 : i32
    %scan3A_24 = arith.addi %scan3A_22, %scan3A_23 : i32
    %scan3A_25 = arith.constant 1 : i32
    scf.for %scan3A_285 = %scan3A_22 to %scan3A_24 step %scan3A_25  : i32 {
      %mul3A_286 = arith.constant 16 : i32
      %mul3A_287 = arith.muli %scan3A_285, %mul3A_286 : i32
      %get3A = arith.constant 0 : i32
      %get3A_288 = arith.index_cast %get3A : i32 to index
      %get3A_289 = arith.index_cast %mul3A_287 : i32 to index
      %get3A_290 = tpu.vector_load %arg6[%get3A_288, %get3A_289] {strides = array<i32>} : memref<8x384xi32, #tpu.memory_space<vmem>>, vector<16xi32>,
      %mul3A_291 = arith.constant 128 : i32
      %mul3A_292 = arith.muli %scan3A_285, %mul3A_291 : i32
      %add3A_293 = arith.constant 0 : i32
      %add3A_294 = arith.addi %mul3A_292, %add3A_293 : i32
      %add3A_295 = vector.broadcast %add3A_294 : i32 to vector<16xi32>
      %add3A_296 = arith.addi %mul3A_21, %add3A_295 : vector<16xi32>
      tpu.vector_store_idx %arg7[%add3A_296], %get3A_290 : memref<3136xi32, #tpu.memory_space<vmem>>[vector<16xi32>], vector<16xi32>,
      %add3A_297 = arith.constant 50000 : i32
      %add3A_298 = vector.broadcast %add3A_297 : i32 to vector<16xi32>
      %add3A_299 = arith.addi %get3A_290, %add3A_298 : vector<16xi32>
      tpu.vector_store_idx %arg8[%add3A_296], %add3A_299 : memref<3136xi32, #tpu.memory_space<vmem>>[vector<16xi32>], vector<16xi32>,
      %mul3A_300 = arith.constant 16 : i32
      %mul3A_301 = arith.muli %scan3A_285, %mul3A_300 : i32
      %get3A_302 = arith.constant 1 : i32
      %get3A_303 = arith.index_cast %get3A_302 : i32 to index
      %get3A_304 = arith.index_cast %mul3A_301 : i32 to index
      %get3A_305 = tpu.vector_load %arg6[%get3A_303, %get3A_304] {strides = array<i32>} : memref<8x384xi32, #tpu.memory_space<vmem>>, vector<16xi32>,
      %mul3A_306 = arith.constant 128 : i32
      %mul3A_307 = arith.muli %scan3A_285, %mul3A_306 : i32
      %add3A_308 = arith.constant 1 : i32
      %add3A_309 = arith.addi %mul3A_307, %add3A_308 : i32
      %add3A_310 = vector.broadcast %add3A_309 : i32 to vector<16xi32>
      %add3A_311 = arith.addi %mul3A_21, %add3A_310 : vector<16xi32>
      tpu.vector_store_idx %arg7[%add3A_311], %get3A_305 : memref<3136xi32, #tpu.memory_space<vmem>>[vector<16xi32>], vector<16xi32>,
      %add3A_312 = arith.constant 50000 : i32
      %add3A_313 = vector.broadcast %add3A_312 : i32 to vector<16xi32>
      %add3A_314 = arith.addi %get3A_305, %add3A_313 : vector<16xi32>
      tpu.vector_store_idx %arg8[%add3A_311], %add3A_314 : memref<3136xi32, #tpu.memory_space<vmem>>[vector<16xi32>], vector<16xi32>,
      %mul3A_315 = arith.constant 16 : i32
      %mul3A_316 = arith.muli %scan3A_285, %mul3A_315 : i32
      %get3A_317 = arith.constant 2 : i32
      %get3A_318 = arith.index_cast %get3A_317 : i32 to index
      %get3A_319 = arith.index_cast %mul3A_316 : i32 to index
      %get3A_320 = tpu.vector_load %arg6[%get3A_318, %get3A_319] {strides = array<i32>} : memref<8x384xi32, #tpu.memory_space<vmem>>, vector<16xi32>,
      %mul3A_321 = arith.constant 128 : i32
      %mul3A_322 = arith.muli %scan3A_285, %mul3A_321 : i32
      %add3A_323 = arith.constant 2 : i32
      %add3A_324 = arith.addi %mul3A_322, %add3A_323 : i32
      %add3A_325 = vector.broadcast %add3A_324 : i32 to vector<16xi32>
      %add3A_326 = arith.addi %mul3A_21, %add3A_325 : vector<16xi32>
      tpu.vector_store_idx %arg7[%add3A_326], %get3A_320 : memref<3136xi32, #tpu.memory_space<vmem>>[vector<16xi32>], vector<16xi32>,
      %add3A_327 = arith.constant 50000 : i32
      %add3A_328 = vector.broadcast %add3A_327 : i32 to vector<16xi32>
      %add3A_329 = arith.addi %get3A_320, %add3A_328 : vector<16xi32>
      tpu.vector_store_idx %arg8[%add3A_326], %add3A_329 : memref<3136xi32, #tpu.memory_space<vmem>>[vector<16xi32>], vector<16xi32>,
      %mul3A_330 = arith.constant 16 : i32
      %mul3A_331 = arith.muli %scan3A_285, %mul3A_330 : i32
      %get3A_332 = arith.constant 3 : i32
      %get3A_333 = arith.index_cast %get3A_332 : i32 to index
      %get3A_334 = arith.index_cast %mul3A_331 : i32 to index
      %get3A_335 = tpu.vector_load %arg6[%get3A_333, %get3A_334] {strides = array<i32>} : memref<8x384xi32, #tpu.memory_space<vmem>>, vector<16xi32>,
      %mul3A_336 = arith.constant 128 : i32
      %mul3A_337 = arith.muli %scan3A_285, %mul3A_336 : i32
      %add3A_338 = arith.constant 3 : i32
      %add3A_339 = arith.addi %mul3A_337, %add3A_338 : i32
      %add3A_340 = vector.broadcast %add3A_339 : i32 to vector<16xi32>
      %add3A_341 = arith.addi %mul3A_21, %add3A_340 : vector<16xi32>
      tpu.vector_store_idx %arg7[%add3A_341], %get3A_335 : memref<3136xi32, #tpu.memory_space<vmem>>[vector<16xi32>], vector<16xi32>,
      %add3A_342 = arith.constant 50000 : i32
      %add3A_343 = vector.broadcast %add3A_342 : i32 to vector<16xi32>
      %add3A_344 = arith.addi %get3A_335, %add3A_343 : vector<16xi32>
      tpu.vector_store_idx %arg8[%add3A_341], %add3A_344 : memref<3136xi32, #tpu.memory_space<vmem>>[vector<16xi32>], vector<16xi32>,
      %mul3A_345 = arith.constant 16 : i32
      %mul3A_346 = arith.muli %scan3A_285, %mul3A_345 : i32
      %get3A_347 = arith.constant 4 : i32
      %get3A_348 = arith.index_cast %get3A_347 : i32 to index
      %get3A_349 = arith.index_cast %mul3A_346 : i32 to index
      %get3A_350 = tpu.vector_load %arg6[%get3A_348, %get3A_349] {strides = array<i32>} : memref<8x384xi32, #tpu.memory_space<vmem>>, vector<16xi32>,
      %mul3A_351 = arith.constant 128 : i32
      %mul3A_352 = arith.muli %scan3A_285, %mul3A_351 : i32
      %add3A_353 = arith.constant 4 : i32
      %add3A_354 = arith.addi %mul3A_352, %add3A_353 : i32
      %add3A_355 = vector.broadcast %add3A_354 : i32 to vector<16xi32>
      %add3A_356 = arith.addi %mul3A_21, %add3A_355 : vector<16xi32>
      tpu.vector_store_idx %arg7[%add3A_356], %get3A_350 : memref<3136xi32, #tpu.memory_space<vmem>>[vector<16xi32>], vector<16xi32>,
      %add3A_357 = arith.constant 50000 : i32
      %add3A_358 = vector.broadcast %add3A_357 : i32 to vector<16xi32>
      %add3A_359 = arith.addi %get3A_350, %add3A_358 : vector<16xi32>
      tpu.vector_store_idx %arg8[%add3A_356], %add3A_359 : memref<3136xi32, #tpu.memory_space<vmem>>[vector<16xi32>], vector<16xi32>,
      %mul3A_360 = arith.constant 16 : i32
      %mul3A_361 = arith.muli %scan3A_285, %mul3A_360 : i32
      %get3A_362 = arith.constant 5 : i32
      %get3A_363 = arith.index_cast %get3A_362 : i32 to index
      %get3A_364 = arith.index_cast %mul3A_361 : i32 to index
      %get3A_365 = tpu.vector_load %arg6[%get3A_363, %get3A_364] {strides = array<i32>} : memref<8x384xi32, #tpu.memory_space<vmem>>, vector<16xi32>,
      %mul3A_366 = arith.constant 128 : i32
      %mul3A_367 = arith.muli %scan3A_285, %mul3A_366 : i32
      %add3A_368 = arith.constant 5 : i32
      %add3A_369 = arith.addi %mul3A_367, %add3A_368 : i32
      %add3A_370 = vector.broadcast %add3A_369 : i32 to vector<16xi32>
      %add3A_371 = arith.addi %mul3A_21, %add3A_370 : vector<16xi32>
      tpu.vector_store_idx %arg7[%add3A_371], %get3A_365 : memref<3136xi32, #tpu.memory_space<vmem>>[vector<16xi32>], vector<16xi32>,
      %add3A_372 = arith.constant 50000 : i32
      %add3A_373 = vector.broadcast %add3A_372 : i32 to vector<16xi32>
      %add3A_374 = arith.addi %get3A_365, %add3A_373 : vector<16xi32>
      tpu.vector_store_idx %arg8[%add3A_371], %add3A_374 : memref<3136xi32, #tpu.memory_space<vmem>>[vector<16xi32>], vector<16xi32>,
      %mul3A_375 = arith.constant 16 : i32
      %mul3A_376 = arith.muli %scan3A_285, %mul3A_375 : i32
      %get3A_377 = arith.constant 6 : i32
      %get3A_378 = arith.index_cast %get3A_377 : i32 to index
      %get3A_379 = arith.index_cast %mul3A_376 : i32 to index
      %get3A_380 = tpu.vector_load %arg6[%get3A_378, %get3A_379] {strides = array<i32>} : memref<8x384xi32, #tpu.memory_space<vmem>>, vector<16xi32>,
      %mul3A_381 = arith.constant 128 : i32
      %mul3A_382 = arith.muli %scan3A_285, %mul3A_381 : i32
      %add3A_383 = arith.constant 6 : i32
      %add3A_384 = arith.addi %mul3A_382, %add3A_383 : i32
      %add3A_385 = vector.broadcast %add3A_384 : i32 to vector<16xi32>
      %add3A_386 = arith.addi %mul3A_21, %add3A_385 : vector<16xi32>
      tpu.vector_store_idx %arg7[%add3A_386], %get3A_380 : memref<3136xi32, #tpu.memory_space<vmem>>[vector<16xi32>], vector<16xi32>,
      %add3A_387 = arith.constant 50000 : i32
      %add3A_388 = vector.broadcast %add3A_387 : i32 to vector<16xi32>
      %add3A_389 = arith.addi %get3A_380, %add3A_388 : vector<16xi32>
      tpu.vector_store_idx %arg8[%add3A_386], %add3A_389 : memref<3136xi32, #tpu.memory_space<vmem>>[vector<16xi32>], vector<16xi32>,
      %mul3A_390 = arith.constant 16 : i32
      %mul3A_391 = arith.muli %scan3A_285, %mul3A_390 : i32
      %get3A_392 = arith.constant 7 : i32
      %get3A_393 = arith.index_cast %get3A_392 : i32 to index
      %get3A_394 = arith.index_cast %mul3A_391 : i32 to index
      %get3A_395 = tpu.vector_load %arg6[%get3A_393, %get3A_394] {strides = array<i32>} : memref<8x384xi32, #tpu.memory_space<vmem>>, vector<16xi32>,
      %mul3A_396 = arith.constant 128 : i32
      %mul3A_397 = arith.muli %scan3A_285, %mul3A_396 : i32
      %add3A_398 = arith.constant 7 : i32
      %add3A_399 = arith.addi %mul3A_397, %add3A_398 : i32
      %add3A_400 = vector.broadcast %add3A_399 : i32 to vector<16xi32>
      %add3A_401 = arith.addi %mul3A_21, %add3A_400 : vector<16xi32>
      tpu.vector_store_idx %arg7[%add3A_401], %get3A_395 : memref<3136xi32, #tpu.memory_space<vmem>>[vector<16xi32>], vector<16xi32>,
      %add3A_402 = arith.constant 50000 : i32
      %add3A_403 = vector.broadcast %add3A_402 : i32 to vector<16xi32>
      %add3A_404 = arith.addi %get3A_395, %add3A_403 : vector<16xi32>
      tpu.vector_store_idx %arg8[%add3A_401], %add3A_404 : memref<3136xi32, #tpu.memory_space<vmem>>[vector<16xi32>], vector<16xi32>,
    }
    %scan3A_26 = arith.constant 24 : i32
    %scan3A_27 = arith.constant 0 : i32
    %scan3A_28 = arith.constant 0 : i32
    %scan3A_29 = arith.constant 4 : i32
    %scan3A_30 = arith.addi %scan3A_28, %scan3A_29 : i32
    %scan3A_31 = arith.constant 1 : i32
    scf.for %scan3A_285 = %scan3A_28 to %scan3A_30 step %scan3A_31  : i32 {
      %mul3A_286 = arith.constant 16 : i32
      %mul3A_287 = arith.muli %scan3A_285, %mul3A_286 : i32
      %add3A_288 = arith.constant 3072 : i32
      %add3A_289 = arith.addi %add3A_288, %mul3A_287 : i32
      %get3A = arith.index_cast %add3A_289 : i32 to index
      %get3A_290 = tpu.vector_load %arg7[%get3A] {strides = array<i32>} : memref<3136xi32, #tpu.memory_space<vmem>>, vector<16xi32>,
      %add3A_291 = arith.constant 50000 : i32
      %add3A_292 = vector.broadcast %add3A_291 : i32 to vector<16xi32>
      %add3A_293 = arith.addi %get3A_290, %add3A_292 : vector<16xi32>
      %mul3A_294 = arith.constant 16 : i32
      %mul3A_295 = arith.muli %scan3A_285, %mul3A_294 : i32
      %add3A_296 = arith.constant 3072 : i32
      %add3A_297 = arith.addi %add3A_296, %mul3A_295 : i32
      %swap3A = arith.index_cast %add3A_297 : i32 to index
      %swap3A_298 = tpu.vector_load %arg8[%swap3A] {strides = array<i32>} : memref<3136xi32, #tpu.memory_space<vmem>>, vector<16xi32>,
      tpu.vector_store %arg8[%swap3A], %add3A_293 {strides = array<i32>} : memref<3136xi32, #tpu.memory_space<vmem>>, vector<16xi32>,
    }
    %scan3A_32 = arith.constant 4 : i32
    %add3A_33 = arith.constant 32 : i32
    %add3A_34 = arith.addi %add3A, %add3A_33 : i32
    %lt3A_35 = arith.constant 53 : i32
    %lt3A_36 = arith.cmpi slt, %add3A_34, %lt3A_35 : i32
    %jit3A = arith.constant 1 : i32
    %jit3A_37 = arith.constant 0 : i32
    %select_n3A = arith.select %lt3A_36, %jit3A, %jit3A_37 : i32
    %add3A_38 = arith.constant 97 : i32
    %add3A_39 = arith.addi %add3A_38, %select_n3A : i32
    %dma_start3A = arith.constant 0 : i32
    %dma_start3A_40 = arith.constant 0 : i32
    %dma_start3A_41 = arith.constant 0 : i32
    %dma_start3A_42 = arith.constant 0 : i32
    %dma_start3A_43 = tpu.memref_slice %arg9[%dma_start3A, %dma_start3A_41, %dma_start3A_42] : memref<3x64x256xf32, #tpu.memory_space<vmem>> -> memref<1x32x256xf32, #tpu.memory_space<vmem>>
    %dma_start3A_44 = tpu.memref_squeeze %dma_start3A_43 : memref<1x32x256xf32, #tpu.memory_space<vmem>> -> memref<32x256xf32, #tpu.memory_space<vmem>>
    %dma_start3A_45 = arith.constant 0 : i32
    %dma_start3A_46 = tpu.memref_slice %arg7[%dma_start3A_45] : memref<3136xi32, #tpu.memory_space<vmem>> -> memref<32xi32, #tpu.memory_space<vmem>>
    %dma_start3A_47 = arith.constant 0 : i32
    %dma_start3A_48 = arith.constant 0 : i32
    %dma_start3A_49 = tpu.memref_slice %arg2[%dma_start3A_47, %dma_start3A_48] : memref<100000x256xf32, #tpu.memory_space<hbm>> -> memref<100000x256xf32, #tpu.memory_space<hbm>>
    %dma_start3A_50 = tpu.memref_slice %arg11[%dma_start3A_40] : memref<3x!tpu.dma_semaphore, #tpu.memory_space<semaphore_mem>> -> memref<1x!tpu.dma_semaphore, #tpu.memory_space<semaphore_mem>>
    %dma_start3A_51 = tpu.memref_squeeze %dma_start3A_50 : memref<1x!tpu.dma_semaphore, #tpu.memory_space<semaphore_mem>> -> memref<!tpu.dma_semaphore, #tpu.memory_space<semaphore_mem>>
    tpu.enqueue_indirect_dma source(%dma_start3A_49 : memref<100000x256xf32, #tpu.memory_space<hbm>>) target(%dma_start3A_44 : memref<32x256xf32, #tpu.memory_space<vmem>>) offsets(%dma_start3A_46 : memref<32xi32, #tpu.memory_space<vmem>>) semaphore(%dma_start3A_51 : memref<!tpu.dma_semaphore, #tpu.memory_space<semaphore_mem>>)
    %dma_start3A_52 = arith.constant 0 : i32
    %dma_start3A_53 = arith.constant 0 : i32
    %dma_start3A_54 = arith.constant 32 : i32
    %dma_start3A_55 = arith.constant 0 : i32
    %dma_start3A_56 = tpu.memref_slice %arg9[%dma_start3A_52, %dma_start3A_54, %dma_start3A_55] : memref<3x64x256xf32, #tpu.memory_space<vmem>> -> memref<1x32x256xf32, #tpu.memory_space<vmem>>
    %dma_start3A_57 = tpu.memref_squeeze %dma_start3A_56 : memref<1x32x256xf32, #tpu.memory_space<vmem>> -> memref<32x256xf32, #tpu.memory_space<vmem>>
    %dma_start3A_58 = arith.constant 0 : i32
    %dma_start3A_59 = tpu.memref_slice %arg8[%dma_start3A_58] : memref<3136xi32, #tpu.memory_space<vmem>> -> memref<32xi32, #tpu.memory_space<vmem>>
    %dma_start3A_60 = arith.constant 0 : i32
    %dma_start3A_61 = arith.constant 0 : i32
    %dma_start3A_62 = tpu.memref_slice %arg2[%dma_start3A_60, %dma_start3A_61] : memref<100000x256xf32, #tpu.memory_space<hbm>> -> memref<100000x256xf32, #tpu.memory_space<hbm>>
    %dma_start3A_63 = tpu.memref_slice %arg11[%dma_start3A_53] : memref<3x!tpu.dma_semaphore, #tpu.memory_space<semaphore_mem>> -> memref<1x!tpu.dma_semaphore, #tpu.memory_space<semaphore_mem>>
    %dma_start3A_64 = tpu.memref_squeeze %dma_start3A_63 : memref<1x!tpu.dma_semaphore, #tpu.memory_space<semaphore_mem>> -> memref<!tpu.dma_semaphore, #tpu.memory_space<semaphore_mem>>
    tpu.enqueue_indirect_dma source(%dma_start3A_62 : memref<100000x256xf32, #tpu.memory_space<hbm>>) target(%dma_start3A_57 : memref<32x256xf32, #tpu.memory_space<vmem>>) offsets(%dma_start3A_59 : memref<32xi32, #tpu.memory_space<vmem>>) semaphore(%dma_start3A_64 : memref<!tpu.dma_semaphore, #tpu.memory_space<semaphore_mem>>)
    %dma_start3A_65 = arith.constant 1 : i32
    %dma_start3A_66 = arith.constant 1 : i32
    %dma_start3A_67 = arith.constant 0 : i32
    %dma_start3A_68 = arith.constant 0 : i32
    %dma_start3A_69 = tpu.memref_slice %arg9[%dma_start3A_65, %dma_start3A_67, %dma_start3A_68] : memref<3x64x256xf32, #tpu.memory_space<vmem>> -> memref<1x32x256xf32, #tpu.memory_space<vmem>>
    %dma_start3A_70 = tpu.memref_squeeze %dma_start3A_69 : memref<1x32x256xf32, #tpu.memory_space<vmem>> -> memref<32x256xf32, #tpu.memory_space<vmem>>
    %dma_start3A_71 = arith.constant 32 : i32
    %dma_start3A_72 = tpu.memref_slice %arg7[%dma_start3A_71] : memref<3136xi32, #tpu.memory_space<vmem>> -> memref<32xi32, #tpu.memory_space<vmem>>
    %dma_start3A_73 = arith.constant 0 : i32
    %dma_start3A_74 = arith.constant 0 : i32
    %dma_start3A_75 = tpu.memref_slice %arg2[%dma_start3A_73, %dma_start3A_74] : memref<100000x256xf32, #tpu.memory_space<hbm>> -> memref<100000x256xf32, #tpu.memory_space<hbm>>
    %dma_start3A_76 = tpu.memref_slice %arg11[%dma_start3A_66] : memref<3x!tpu.dma_semaphore, #tpu.memory_space<semaphore_mem>> -> memref<1x!tpu.dma_semaphore, #tpu.memory_space<semaphore_mem>>
    %dma_start3A_77 = tpu.memref_squeeze %dma_start3A_76 : memref<1x!tpu.dma_semaphore, #tpu.memory_space<semaphore_mem>> -> memref<!tpu.dma_semaphore, #tpu.memory_space<semaphore_mem>>
    tpu.enqueue_indirect_dma source(%dma_start3A_75 : memref<100000x256xf32, #tpu.memory_space<hbm>>) target(%dma_start3A_70 : memref<32x256xf32, #tpu.memory_space<vmem>>) offsets(%dma_start3A_72 : memref<32xi32, #tpu.memory_space<vmem>>) semaphore(%dma_start3A_77 : memref<!tpu.dma_semaphore, #tpu.memory_space<semaphore_mem>>)
    %dma_start3A_78 = arith.constant 1 : i32
    %dma_start3A_79 = arith.constant 1 : i32
    %dma_start3A_80 = arith.constant 32 : i32
    %dma_start3A_81 = arith.constant 0 : i32
    %dma_start3A_82 = tpu.memref_slice %arg9[%dma_start3A_78, %dma_start3A_80, %dma_start3A_81] : memref<3x64x256xf32, #tpu.memory_space<vmem>> -> memref<1x32x256xf32, #tpu.memory_space<vmem>>
    %dma_start3A_83 = tpu.memref_squeeze %dma_start3A_82 : memref<1x32x256xf32, #tpu.memory_space<vmem>> -> memref<32x256xf32, #tpu.memory_space<vmem>>
    %dma_start3A_84 = arith.constant 32 : i32
    %dma_start3A_85 = tpu.memref_slice %arg8[%dma_start3A_84] : memref<3136xi32, #tpu.memory_space<vmem>> -> memref<32xi32, #tpu.memory_space<vmem>>
    %dma_start3A_86 = arith.constant 0 : i32
    %dma_start3A_87 = arith.constant 0 : i32
    %dma_start3A_88 = tpu.memref_slice %arg2[%dma_start3A_86, %dma_start3A_87] : memref<100000x256xf32, #tpu.memory_space<hbm>> -> memref<100000x256xf32, #tpu.memory_space<hbm>>
    %dma_start3A_89 = tpu.memref_slice %arg11[%dma_start3A_79] : memref<3x!tpu.dma_semaphore, #tpu.memory_space<semaphore_mem>> -> memref<1x!tpu.dma_semaphore, #tpu.memory_space<semaphore_mem>>
    %dma_start3A_90 = tpu.memref_squeeze %dma_start3A_89 : memref<1x!tpu.dma_semaphore, #tpu.memory_space<semaphore_mem>> -> memref<!tpu.dma_semaphore, #tpu.memory_space<semaphore_mem>>
    tpu.enqueue_indirect_dma source(%dma_start3A_88 : memref<100000x256xf32, #tpu.memory_space<hbm>>) target(%dma_start3A_83 : memref<32x256xf32, #tpu.memory_space<vmem>>) offsets(%dma_start3A_85 : memref<32xi32, #tpu.memory_space<vmem>>) semaphore(%dma_start3A_90 : memref<!tpu.dma_semaphore, #tpu.memory_space<semaphore_mem>>)
    %while3A = arith.constant 0 : i32
    %while3A_91 = arith.constant 0 : i32
    %while3A_92 = arith.subi %add3A_39, %while3A_91 : i32
    %while3A_93 = arith.addi %while3A_91, %while3A_92 : i32
    %while3A_94 = arith.constant 1 : i32
    %while3A_95 = arith.divsi %while3A_92, %while3A_94 : i32
    %while3A_96 = arith.muli %while3A_95, %while3A_94 : i32
    %while3A_97 = arith.addi %while3A_91, %while3A_96 : i32
    %while3A_98 = arith.constant 1 : i32
    scf.for %while3A_285 = %while3A_91 to %while3A_97 step %while3A_98  : i32 {
      %rem3A_286 = arith.constant 3 : i32
      %rem3A_287 = arith.remsi %while3A_285, %rem3A_286 : i32
      %add3A_288 = arith.constant 2 : i32
      %add3A_289 = arith.addi %while3A_285, %add3A_288 : i32
      %lt3A_290 = arith.cmpi slt, %add3A_289, %add3A_39 : i32
      %convert_element_type3A_291 = arith.extui %lt3A_290 : i1 to i32
      %cond3A_292 = arith.constant 0 : i32
      %cond3A_293 = arith.cmpi ne, %convert_element_type3A_291, %cond3A_292 : i32
      scf.if %cond3A_293 {
        %add3A_386 = arith.constant 2 : i32
        %add3A_387 = arith.addi %while3A_285, %add3A_386 : i32
        %add3A_388 = arith.constant 2 : i32
        %add3A_389 = arith.addi %while3A_285, %add3A_388 : i32
        %rem3A_390 = arith.constant 3 : i32
        %rem3A_391 = arith.remsi %add3A_389, %rem3A_390 : i32
        %mul3A_392 = arith.constant 32 : i32
        %mul3A_393 = arith.muli %add3A_387, %mul3A_392 : i32
        %dma_start3A_394 = arith.constant 0 : i32
        %dma_start3A_395 = arith.constant 0 : i32
        %dma_start3A_396 = tpu.memref_slice %arg9[%rem3A_391, %dma_start3A_394, %dma_start3A_395] : memref<3x64x256xf32, #tpu.memory_space<vmem>> -> memref<1x32x256xf32, #tpu.memory_space<vmem>>
        %dma_start3A_397 = tpu.memref_squeeze %dma_start3A_396 : memref<1x32x256xf32, #tpu.memory_space<vmem>> -> memref<32x256xf32, #tpu.memory_space<vmem>>
        %dma_start3A_398 = tpu.memref_slice %arg7[%mul3A_393] : memref<3136xi32, #tpu.memory_space<vmem>> -> memref<32xi32, #tpu.memory_space<vmem>>
        %dma_start3A_399 = arith.constant 0 : i32
        %dma_start3A_400 = arith.constant 0 : i32
        %dma_start3A_401 = tpu.memref_slice %arg2[%dma_start3A_399, %dma_start3A_400] : memref<100000x256xf32, #tpu.memory_space<hbm>> -> memref<100000x256xf32, #tpu.memory_space<hbm>>
        %dma_start3A_402 = tpu.memref_slice %arg11[%rem3A_391] : memref<3x!tpu.dma_semaphore, #tpu.memory_space<semaphore_mem>> -> memref<1x!tpu.dma_semaphore, #tpu.memory_space<semaphore_mem>>
        %dma_start3A_403 = tpu.memref_squeeze %dma_start3A_402 : memref<1x!tpu.dma_semaphore, #tpu.memory_space<semaphore_mem>> -> memref<!tpu.dma_semaphore, #tpu.memory_space<semaphore_mem>>
        tpu.enqueue_indirect_dma source(%dma_start3A_401 : memref<100000x256xf32, #tpu.memory_space<hbm>>) target(%dma_start3A_397 : memref<32x256xf32, #tpu.memory_space<vmem>>) offsets(%dma_start3A_398 : memref<32xi32, #tpu.memory_space<vmem>>) semaphore(%dma_start3A_403 : memref<!tpu.dma_semaphore, #tpu.memory_space<semaphore_mem>>)
        %mul3A_404 = arith.constant 32 : i32
        %mul3A_405 = arith.muli %add3A_387, %mul3A_404 : i32
        %dma_start3A_406 = arith.constant 32 : i32
        %dma_start3A_407 = arith.constant 0 : i32
        %dma_start3A_408 = tpu.memref_slice %arg9[%rem3A_391, %dma_start3A_406, %dma_start3A_407] : memref<3x64x256xf32, #tpu.memory_space<vmem>> -> memref<1x32x256xf32, #tpu.memory_space<vmem>>
        %dma_start3A_409 = tpu.memref_squeeze %dma_start3A_408 : memref<1x32x256xf32, #tpu.memory_space<vmem>> -> memref<32x256xf32, #tpu.memory_space<vmem>>
        %dma_start3A_410 = tpu.memref_slice %arg8[%mul3A_405] : memref<3136xi32, #tpu.memory_space<vmem>> -> memref<32xi32, #tpu.memory_space<vmem>>
        %dma_start3A_411 = arith.constant 0 : i32
        %dma_start3A_412 = arith.constant 0 : i32
        %dma_start3A_413 = tpu.memref_slice %arg2[%dma_start3A_411, %dma_start3A_412] : memref<100000x256xf32, #tpu.memory_space<hbm>> -> memref<100000x256xf32, #tpu.memory_space<hbm>>
        %dma_start3A_414 = tpu.memref_slice %arg11[%rem3A_391] : memref<3x!tpu.dma_semaphore, #tpu.memory_space<semaphore_mem>> -> memref<1x!tpu.dma_semaphore, #tpu.memory_space<semaphore_mem>>
        %dma_start3A_415 = tpu.memref_squeeze %dma_start3A_414 : memref<1x!tpu.dma_semaphore, #tpu.memory_space<semaphore_mem>> -> memref<!tpu.dma_semaphore, #tpu.memory_space<semaphore_mem>>
        tpu.enqueue_indirect_dma source(%dma_start3A_413 : memref<100000x256xf32, #tpu.memory_space<hbm>>) target(%dma_start3A_409 : memref<32x256xf32, #tpu.memory_space<vmem>>) offsets(%dma_start3A_410 : memref<32xi32, #tpu.memory_space<vmem>>) semaphore(%dma_start3A_415 : memref<!tpu.dma_semaphore, #tpu.memory_space<semaphore_mem>>)
      } else {
      }
      %mul3A_294 = arith.constant 32 : i32
      %mul3A_295 = arith.muli %while3A_285, %mul3A_294 : i32
      %dma_wait3A_296 = arith.constant 0 : i32
      %dma_wait3A_297 = arith.constant 0 : i32
      %dma_wait3A_298 = tpu.memref_slice %arg9[%rem3A_287, %dma_wait3A_296, %dma_wait3A_297] : memref<3x64x256xf32, #tpu.memory_space<vmem>> -> memref<1x32x256xf32, #tpu.memory_space<vmem>>
      %dma_wait3A_299 = tpu.memref_squeeze %dma_wait3A_298 : memref<1x32x256xf32, #tpu.memory_space<vmem>> -> memref<32x256xf32, #tpu.memory_space<vmem>>
      %dma_wait3A_300 = tpu.memref_slice %arg7[%mul3A_295] : memref<3136xi32, #tpu.memory_space<vmem>> -> memref<32xi32, #tpu.memory_space<vmem>>
      %dma_wait3A_301 = arith.constant 0 : i32
      %dma_wait3A_302 = arith.constant 0 : i32
      %dma_wait3A_303 = tpu.memref_slice %arg2[%dma_wait3A_301, %dma_wait3A_302] : memref<100000x256xf32, #tpu.memory_space<hbm>> -> memref<100000x256xf32, #tpu.memory_space<hbm>>
      %dma_wait3A_304 = tpu.memref_slice %arg11[%rem3A_287] : memref<3x!tpu.dma_semaphore, #tpu.memory_space<semaphore_mem>> -> memref<1x!tpu.dma_semaphore, #tpu.memory_space<semaphore_mem>>
      %dma_wait3A_305 = tpu.memref_squeeze %dma_wait3A_304 : memref<1x!tpu.dma_semaphore, #tpu.memory_space<semaphore_mem>> -> memref<!tpu.dma_semaphore, #tpu.memory_space<semaphore_mem>>
      tpu.wait_indirect_dma semaphore(%dma_wait3A_305 : memref<!tpu.dma_semaphore, #tpu.memory_space<semaphore_mem>>) src(%dma_wait3A_303 : memref<100000x256xf32, #tpu.memory_space<hbm>>) dst(%dma_wait3A_299 : memref<32x256xf32, #tpu.memory_space<vmem>>)
      %mul3A_306 = arith.constant 32 : i32
      %mul3A_307 = arith.muli %while3A_285, %mul3A_306 : i32
      %dma_wait3A_308 = arith.constant 32 : i32
      %dma_wait3A_309 = arith.constant 0 : i32
      %dma_wait3A_310 = tpu.memref_slice %arg9[%rem3A_287, %dma_wait3A_308, %dma_wait3A_309] : memref<3x64x256xf32, #tpu.memory_space<vmem>> -> memref<1x32x256xf32, #tpu.memory_space<vmem>>
      %dma_wait3A_311 = tpu.memref_squeeze %dma_wait3A_310 : memref<1x32x256xf32, #tpu.memory_space<vmem>> -> memref<32x256xf32, #tpu.memory_space<vmem>>
      %dma_wait3A_312 = tpu.memref_slice %arg8[%mul3A_307] : memref<3136xi32, #tpu.memory_space<vmem>> -> memref<32xi32, #tpu.memory_space<vmem>>
      %dma_wait3A_313 = arith.constant 0 : i32
      %dma_wait3A_314 = arith.constant 0 : i32
      %dma_wait3A_315 = tpu.memref_slice %arg2[%dma_wait3A_313, %dma_wait3A_314] : memref<100000x256xf32, #tpu.memory_space<hbm>> -> memref<100000x256xf32, #tpu.memory_space<hbm>>
      %dma_wait3A_316 = tpu.memref_slice %arg11[%rem3A_287] : memref<3x!tpu.dma_semaphore, #tpu.memory_space<semaphore_mem>> -> memref<1x!tpu.dma_semaphore, #tpu.memory_space<semaphore_mem>>
      %dma_wait3A_317 = tpu.memref_squeeze %dma_wait3A_316 : memref<1x!tpu.dma_semaphore, #tpu.memory_space<semaphore_mem>> -> memref<!tpu.dma_semaphore, #tpu.memory_space<semaphore_mem>>
      tpu.wait_indirect_dma semaphore(%dma_wait3A_317 : memref<!tpu.dma_semaphore, #tpu.memory_space<semaphore_mem>>) src(%dma_wait3A_315 : memref<100000x256xf32, #tpu.memory_space<hbm>>) dst(%dma_wait3A_311 : memref<32x256xf32, #tpu.memory_space<vmem>>)
      %ge3A = arith.constant 3 : i32
      %ge3A_318 = arith.cmpi sge, %while3A_285, %ge3A : i32
      %convert_element_type3A_319 = arith.extui %ge3A_318 : i1 to i32
      %cond3A_320 = arith.constant 0 : i32
      %cond3A_321 = arith.cmpi ne, %convert_element_type3A_319, %cond3A_320 : i32
      scf.if %cond3A_321 {
        %sub3A_386 = arith.constant 3 : i32
        %sub3A_387 = arith.subi %while3A_285, %sub3A_386 : i32
        %jit3A_388 = arith.constant 32 : i32
        %div3A_389 = arith.divsi %sub3A_387, %jit3A_388 : i32
        %sign3A_390 = arith.constant 0 : i32
        %sign3A_391 = arith.cmpi sgt, %sub3A_387, %sign3A_390 : i32
        %sign3A_392 = arith.extui %sign3A_391 : i1 to i32
        %sign3A_393 = arith.constant 0 : i32
        %sign3A_394 = arith.cmpi slt, %sub3A_387, %sign3A_393 : i32
        %sign3A_395 = arith.extui %sign3A_394 : i1 to i32
        %sign3A_396 = arith.subi %sign3A_392, %sign3A_395 : i32
        %sign3A_397 = arith.constant 0 : i32
        %sign3A_398 = arith.cmpi sgt, %jit3A_388, %sign3A_397 : i32
        %sign3A_399 = arith.extui %sign3A_398 : i1 to i32
        %sign3A_400 = arith.constant 0 : i32
        %sign3A_401 = arith.cmpi slt, %jit3A_388, %sign3A_400 : i32
        %sign3A_402 = arith.extui %sign3A_401 : i1 to i32
        %sign3A_403 = arith.subi %sign3A_399, %sign3A_402 : i32
        %ne3A_404 = arith.cmpi ne, %sign3A_396, %sign3A_403 : i32
        %rem3A_405 = arith.remsi %sub3A_387, %jit3A_388 : i32
        %ne3A_406 = arith.constant 0 : i32
        %ne3A_407 = arith.cmpi ne, %rem3A_405, %ne3A_406 : i32
        %and3A_408 = arith.andi %ne3A_404, %ne3A_407 : i1
        %sub3A_409 = arith.constant 1 : i32
        %sub3A_410 = arith.subi %div3A_389, %sub3A_409 : i32
        %select_n3A_411 = arith.select %and3A_408, %sub3A_410, %div3A_389 : i32
        %mul3A_412 = arith.constant 32 : i32
        %mul3A_413 = arith.muli %mul3A_412, %select_n3A_411 : i32
        %add3A_414 = arith.addi %add3A, %mul3A_413 : i32
        %mul3A_415 = arith.constant 128 : i32
        %mul3A_416 = arith.muli %add3A_414, %mul3A_415 : i32
        %rem3A_417 = arith.constant 32 : i32
        %rem3A_418 = arith.remsi %sub3A_387, %rem3A_417 : i32
        %mul3A_419 = arith.constant 4 : i32
        %mul3A_420 = arith.muli %rem3A_418, %mul3A_419 : i32
        %add3A_421 = arith.addi %mul3A_416, %mul3A_420 : i32
        %sub3A_422 = arith.constant 96 : i32
        %sub3A_423 = arith.subi %sub3A_387, %sub3A_422 : i32
        %mul3A_424 = arith.constant 32 : i32
        %mul3A_425 = arith.muli %mul3A_424, %sub3A_423 : i32
        %add3A_426 = arith.addi %add3A, %mul3A_425 : i32
        %mul3A_427 = arith.constant 4 : i32
        %mul3A_428 = arith.muli %add3A_426, %mul3A_427 : i32
        %add3A_429 = arith.constant 12288 : i32
        %add3A_430 = arith.addi %add3A_429, %mul3A_428 : i32
        %lt3A_431 = arith.constant 96 : i32
        %lt3A_432 = arith.cmpi slt, %sub3A_387, %lt3A_431 : i32
        %select_n3A_433 = arith.select %lt3A_432, %add3A_421, %add3A_430 : i32
        %mul3A_434 = arith.constant 512 : i32
        %mul3A_435 = arith.muli %select_n3A_433, %mul3A_434 : i32
        %dma_wait3A_436 = arith.constant 0 : i32
        %dma_wait3A_437 = tpu.memref_slice %arg10[%rem3A_287, %dma_wait3A_436] : memref<3x2048xf32, #tpu.memory_space<vmem>> -> memref<1x2048xf32, #tpu.memory_space<vmem>>
        %dma_wait3A_438 = tpu.memref_squeeze %dma_wait3A_437 : memref<1x2048xf32, #tpu.memory_space<vmem>> -> memref<2048xf32, #tpu.memory_space<vmem>>
        %dma_wait3A_439 = tpu.memref_slice %arg5[%mul3A_435] : memref<6400000xf32, #tpu.memory_space<hbm>> -> memref<2048xf32, #tpu.memory_space<hbm>>
        %dma_wait3A_440 = tpu.memref_slice %arg12[%rem3A_287] : memref<3x!tpu.dma_semaphore, #tpu.memory_space<semaphore_mem>> -> memref<1x!tpu.dma_semaphore, #tpu.memory_space<semaphore_mem>>
        %dma_wait3A_441 = tpu.memref_squeeze %dma_wait3A_440 : memref<1x!tpu.dma_semaphore, #tpu.memory_space<semaphore_mem>> -> memref<!tpu.dma_semaphore, #tpu.memory_space<semaphore_mem>>
        %dma_wait3A_442 = tpu.memref_slice %arg5[%mul3A_435] : memref<6400000xf32, #tpu.memory_space<hbm>> -> memref<2048xf32, #tpu.memory_space<hbm>>
        %dma_wait3A_443 = arith.constant 0 : i32
        %dma_wait3A_444 = tpu.memref_slice %arg10[%rem3A_287, %dma_wait3A_443] : memref<3x2048xf32, #tpu.memory_space<vmem>> -> memref<1x2048xf32, #tpu.memory_space<vmem>>
        %dma_wait3A_445 = tpu.memref_squeeze %dma_wait3A_444 : memref<1x2048xf32, #tpu.memory_space<vmem>> -> memref<2048xf32, #tpu.memory_space<vmem>>
        tpu.wait_dma2 semaphore(%dma_wait3A_441 : memref<!tpu.dma_semaphore, #tpu.memory_space<semaphore_mem>>) src(%dma_wait3A_445 : memref<2048xf32, #tpu.memory_space<vmem>>) dst(%dma_wait3A_442 : memref<2048xf32, #tpu.memory_space<hbm>>)
      } else {
      }
      %scan3A_322 = arith.constant 0 : i32
      %scan3A_323 = arith.constant 0 : i32
      %scan3A_324 = arith.constant 16 : i32
      %scan3A_325 = arith.addi %scan3A_323, %scan3A_324 : i32
      %scan3A_326 = arith.constant 2 : i32
      scf.for %scan3A_386 = %scan3A_323 to %scan3A_325 step %scan3A_326  : i32 {
        %jit3A_387 = arith.constant 8 : i32
        %div3A_388 = arith.divsi %scan3A_386, %jit3A_387 : i32
        %sign3A_389 = arith.constant 0 : i32
        %sign3A_390 = arith.cmpi sgt, %scan3A_386, %sign3A_389 : i32
        %sign3A_391 = arith.extui %sign3A_390 : i1 to i32
        %sign3A_392 = arith.constant 0 : i32
        %sign3A_393 = arith.cmpi slt, %scan3A_386, %sign3A_392 : i32
        %sign3A_394 = arith.extui %sign3A_393 : i1 to i32
        %sign3A_395 = arith.subi %sign3A_391, %sign3A_394 : i32
        %sign3A_396 = arith.constant 0 : i32
        %sign3A_397 = arith.cmpi sgt, %jit3A_387, %sign3A_396 : i32
        %sign3A_398 = arith.extui %sign3A_397 : i1 to i32
        %sign3A_399 = arith.constant 0 : i32
        %sign3A_400 = arith.cmpi slt, %jit3A_387, %sign3A_399 : i32
        %sign3A_401 = arith.extui %sign3A_400 : i1 to i32
        %sign3A_402 = arith.subi %sign3A_398, %sign3A_401 : i32
        %ne3A_403 = arith.cmpi ne, %sign3A_395, %sign3A_402 : i32
        %rem3A_404 = arith.remsi %scan3A_386, %jit3A_387 : i32
        %ne3A_405 = arith.constant 0 : i32
        %ne3A_406 = arith.cmpi ne, %rem3A_404, %ne3A_405 : i32
        %and3A_407 = arith.andi %ne3A_403, %ne3A_406 : i1
        %sub3A_408 = arith.constant 1 : i32
        %sub3A_409 = arith.subi %div3A_388, %sub3A_408 : i32
        %select_n3A_410 = arith.select %and3A_407, %sub3A_409, %div3A_388 : i32
        %mul3A_411 = arith.constant 256 : i32
        %mul3A_412 = arith.muli %select_n3A_410, %mul3A_411 : i32
        %jit3A_413 = arith.constant 8 : i32
        %eq3A = arith.constant 0 : i32
        %eq3A_414 = arith.cmpi eq, %jit3A_413, %eq3A : i32
        %jit3A_415 = arith.constant 1 : i32
        %select_n3A_416 = arith.select %eq3A_414, %jit3A_415, %jit3A_413 : i32
        %rem3A_417 = arith.remsi %scan3A_386, %select_n3A_416 : i32
        %ne3A_418 = arith.constant 0 : i32
        %ne3A_419 = arith.cmpi ne, %rem3A_417, %ne3A_418 : i32
        %lt3A_420 = arith.constant 0 : i32
        %lt3A_421 = arith.cmpi slt, %rem3A_417, %lt3A_420 : i32
        %lt3A_422 = arith.constant 0 : i32
        %lt3A_423 = arith.cmpi slt, %select_n3A_416, %lt3A_422 : i32
        %ne3A_424 = arith.xori %lt3A_421, %lt3A_423 : i1
        %and3A_425 = arith.andi %ne3A_424, %ne3A_419 : i1
        %add3A_426 = arith.addi %rem3A_417, %select_n3A_416 : i32
        %select_n3A_427 = arith.select %and3A_425, %add3A_426, %rem3A_417 : i32
        %mul3A_428 = arith.constant 16 : i32
        %mul3A_429 = arith.muli %select_n3A_427, %mul3A_428 : i32
        %add3A_430 = arith.addi %mul3A_412, %mul3A_429 : i32
        %mul3A_431 = arith.constant 16 : i32
        %mul3A_432 = arith.muli %scan3A_386, %mul3A_431 : i32
        %get3A = arith.constant 0 : i32
        %get3A_433 = arith.index_cast %rem3A_287 : i32 to index
        %get3A_434 = arith.index_cast %get3A : i32 to index
        %get3A_435 = arith.index_cast %mul3A_432 : i32 to index
        %get3A_436 = tpu.vector_load %arg9[%get3A_433, %get3A_434, %get3A_435] {strides = array<i32>} : memref<3x64x256xf32, #tpu.memory_space<vmem>>, vector<16xf32>,
        %mul3A_437 = arith.constant 16 : i32
        %mul3A_438 = arith.muli %scan3A_386, %mul3A_437 : i32
        %get3A_439 = arith.constant 1 : i32
        %get3A_440 = arith.index_cast %rem3A_287 : i32 to index
        %get3A_441 = arith.index_cast %get3A_439 : i32 to index
        %get3A_442 = arith.index_cast %mul3A_438 : i32 to index
        %get3A_443 = tpu.vector_load %arg9[%get3A_440, %get3A_441, %get3A_442] {strides = array<i32>} : memref<3x64x256xf32, #tpu.memory_space<vmem>>, vector<16xf32>,
        %max3A = arith.maximumf %get3A_436, %get3A_443 : vector<16xf32>
        %mul3A_444 = arith.constant 16 : i32
        %mul3A_445 = arith.muli %scan3A_386, %mul3A_444 : i32
        %get3A_446 = arith.constant 2 : i32
        %get3A_447 = arith.index_cast %rem3A_287 : i32 to index
        %get3A_448 = arith.index_cast %get3A_446 : i32 to index
        %get3A_449 = arith.index_cast %mul3A_445 : i32 to index
        %get3A_450 = tpu.vector_load %arg9[%get3A_447, %get3A_448, %get3A_449] {strides = array<i32>} : memref<3x64x256xf32, #tpu.memory_space<vmem>>, vector<16xf32>,
        %max3A_451 = arith.maximumf %max3A, %get3A_450 : vector<16xf32>
        %mul3A_452 = arith.constant 16 : i32
        %mul3A_453 = arith.muli %scan3A_386, %mul3A_452 : i32
        %get3A_454 = arith.constant 3 : i32
        %get3A_455 = arith.index_cast %rem3A_287 : i32 to index
        %get3A_456 = arith.index_cast %get3A_454 : i32 to index
        %get3A_457 = arith.index_cast %mul3A_453 : i32 to index
        %get3A_458 = tpu.vector_load %arg9[%get3A_455, %get3A_456, %get3A_457] {strides = array<i32>} : memref<3x64x256xf32, #tpu.memory_space<vmem>>, vector<16xf32>,
        %max3A_459 = arith.maximumf %max3A_451, %get3A_458 : vector<16xf32>
        %mul3A_460 = arith.constant 16 : i32
        %mul3A_461 = arith.muli %scan3A_386, %mul3A_460 : i32
        %get3A_462 = arith.constant 4 : i32
        %get3A_463 = arith.index_cast %rem3A_287 : i32 to index
        %get3A_464 = arith.index_cast %get3A_462 : i32 to index
        %get3A_465 = arith.index_cast %mul3A_461 : i32 to index
        %get3A_466 = tpu.vector_load %arg9[%get3A_463, %get3A_464, %get3A_465] {strides = array<i32>} : memref<3x64x256xf32, #tpu.memory_space<vmem>>, vector<16xf32>,
        %max3A_467 = arith.maximumf %max3A_459, %get3A_466 : vector<16xf32>
        %mul3A_468 = arith.constant 16 : i32
        %mul3A_469 = arith.muli %scan3A_386, %mul3A_468 : i32
        %get3A_470 = arith.constant 5 : i32
        %get3A_471 = arith.index_cast %rem3A_287 : i32 to index
        %get3A_472 = arith.index_cast %get3A_470 : i32 to index
        %get3A_473 = arith.index_cast %mul3A_469 : i32 to index
        %get3A_474 = tpu.vector_load %arg9[%get3A_471, %get3A_472, %get3A_473] {strides = array<i32>} : memref<3x64x256xf32, #tpu.memory_space<vmem>>, vector<16xf32>,
        %max3A_475 = arith.maximumf %max3A_467, %get3A_474 : vector<16xf32>
        %mul3A_476 = arith.constant 16 : i32
        %mul3A_477 = arith.muli %scan3A_386, %mul3A_476 : i32
        %get3A_478 = arith.constant 6 : i32
        %get3A_479 = arith.index_cast %rem3A_287 : i32 to index
        %get3A_480 = arith.index_cast %get3A_478 : i32 to index
        %get3A_481 = arith.index_cast %mul3A_477 : i32 to index
        %get3A_482 = tpu.vector_load %arg9[%get3A_479, %get3A_480, %get3A_481] {strides = array<i32>} : memref<3x64x256xf32, #tpu.memory_space<vmem>>, vector<16xf32>,
        %max3A_483 = arith.maximumf %max3A_475, %get3A_482 : vector<16xf32>
        %mul3A_484 = arith.constant 16 : i32
        %mul3A_485 = arith.muli %scan3A_386, %mul3A_484 : i32
        %get3A_486 = arith.constant 7 : i32
        %get3A_487 = arith.index_cast %rem3A_287 : i32 to index
        %get3A_488 = arith.index_cast %get3A_486 : i32 to index
        %get3A_489 = arith.index_cast %mul3A_485 : i32 to index
        %get3A_490 = tpu.vector_load %arg9[%get3A_487, %get3A_488, %get3A_489] {strides = array<i32>} : memref<3x64x256xf32, #tpu.memory_space<vmem>>, vector<16xf32>,
        %max3A_491 = arith.maximumf %max3A_483, %get3A_490 : vector<16xf32>
        %add3A_492 = arith.constant 0 : i32
        %add3A_493 = arith.addi %add3A_492, %add3A_430 : i32
        %swap3A = arith.index_cast %rem3A_287 : i32 to index
        %swap3A_494 = arith.index_cast %add3A_493 : i32 to index
        %swap3A_495 = tpu.vector_load %arg10[%swap3A, %swap3A_494] {strides = array<i32>} : memref<3x2048xf32, #tpu.memory_space<vmem>>, vector<16xf32>,
        tpu.vector_store %arg10[%swap3A, %swap3A_494], %max3A_491 {strides = array<i32>} : memref<3x2048xf32, #tpu.memory_space<vmem>>, vector<16xf32>,
        %mul3A_496 = arith.constant 16 : i32
        %mul3A_497 = arith.muli %scan3A_386, %mul3A_496 : i32
        %get3A_498 = arith.constant 32 : i32
        %get3A_499 = arith.index_cast %rem3A_287 : i32 to index
        %get3A_500 = arith.index_cast %get3A_498 : i32 to index
        %get3A_501 = arith.index_cast %mul3A_497 : i32 to index
        %get3A_502 = tpu.vector_load %arg9[%get3A_499, %get3A_500, %get3A_501] {strides = array<i32>} : memref<3x64x256xf32, #tpu.memory_space<vmem>>, vector<16xf32>,
        %mul3A_503 = arith.constant 16 : i32
        %mul3A_504 = arith.muli %scan3A_386, %mul3A_503 : i32
        %get3A_505 = arith.constant 33 : i32
        %get3A_506 = arith.index_cast %rem3A_287 : i32 to index
        %get3A_507 = arith.index_cast %get3A_505 : i32 to index
        %get3A_508 = arith.index_cast %mul3A_504 : i32 to index
        %get3A_509 = tpu.vector_load %arg9[%get3A_506, %get3A_507, %get3A_508] {strides = array<i32>} : memref<3x64x256xf32, #tpu.memory_space<vmem>>, vector<16xf32>,
        %max3A_510 = arith.maximumf %get3A_502, %get3A_509 : vector<16xf32>
        %mul3A_511 = arith.constant 16 : i32
        %mul3A_512 = arith.muli %scan3A_386, %mul3A_511 : i32
        %get3A_513 = arith.constant 34 : i32
        %get3A_514 = arith.index_cast %rem3A_287 : i32 to index
        %get3A_515 = arith.index_cast %get3A_513 : i32 to index
        %get3A_516 = arith.index_cast %mul3A_512 : i32 to index
        %get3A_517 = tpu.vector_load %arg9[%get3A_514, %get3A_515, %get3A_516] {strides = array<i32>} : memref<3x64x256xf32, #tpu.memory_space<vmem>>, vector<16xf32>,
        %max3A_518 = arith.maximumf %max3A_510, %get3A_517 : vector<16xf32>
        %mul3A_519 = arith.constant 16 : i32
        %mul3A_520 = arith.muli %scan3A_386, %mul3A_519 : i32
        %get3A_521 = arith.constant 35 : i32
        %get3A_522 = arith.index_cast %rem3A_287 : i32 to index
        %get3A_523 = arith.index_cast %get3A_521 : i32 to index
        %get3A_524 = arith.index_cast %mul3A_520 : i32 to index
        %get3A_525 = tpu.vector_load %arg9[%get3A_522, %get3A_523, %get3A_524] {strides = array<i32>} : memref<3x64x256xf32, #tpu.memory_space<vmem>>, vector<16xf32>,
        %max3A_526 = arith.maximumf %max3A_518, %get3A_525 : vector<16xf32>
        %mul3A_527 = arith.constant 16 : i32
        %mul3A_528 = arith.muli %scan3A_386, %mul3A_527 : i32
        %get3A_529 = arith.constant 36 : i32
        %get3A_530 = arith.index_cast %rem3A_287 : i32 to index
        %get3A_531 = arith.index_cast %get3A_529 : i32 to index
        %get3A_532 = arith.index_cast %mul3A_528 : i32 to index
        %get3A_533 = tpu.vector_load %arg9[%get3A_530, %get3A_531, %get3A_532] {strides = array<i32>} : memref<3x64x256xf32, #tpu.memory_space<vmem>>, vector<16xf32>,
        %max3A_534 = arith.maximumf %max3A_526, %get3A_533 : vector<16xf32>
        %mul3A_535 = arith.constant 16 : i32
        %mul3A_536 = arith.muli %scan3A_386, %mul3A_535 : i32
        %get3A_537 = arith.constant 37 : i32
        %get3A_538 = arith.index_cast %rem3A_287 : i32 to index
        %get3A_539 = arith.index_cast %get3A_537 : i32 to index
        %get3A_540 = arith.index_cast %mul3A_536 : i32 to index
        %get3A_541 = tpu.vector_load %arg9[%get3A_538, %get3A_539, %get3A_540] {strides = array<i32>} : memref<3x64x256xf32, #tpu.memory_space<vmem>>, vector<16xf32>,
        %max3A_542 = arith.maximumf %max3A_534, %get3A_541 : vector<16xf32>
        %mul3A_543 = arith.constant 16 : i32
        %mul3A_544 = arith.muli %scan3A_386, %mul3A_543 : i32
        %get3A_545 = arith.constant 38 : i32
        %get3A_546 = arith.index_cast %rem3A_287 : i32 to index
        %get3A_547 = arith.index_cast %get3A_545 : i32 to index
        %get3A_548 = arith.index_cast %mul3A_544 : i32 to index
        %get3A_549 = tpu.vector_load %arg9[%get3A_546, %get3A_547, %get3A_548] {strides = array<i32>} : memref<3x64x256xf32, #tpu.memory_space<vmem>>, vector<16xf32>,
        %max3A_550 = arith.maximumf %max3A_542, %get3A_549 : vector<16xf32>
        %mul3A_551 = arith.constant 16 : i32
        %mul3A_552 = arith.muli %scan3A_386, %mul3A_551 : i32
        %get3A_553 = arith.constant 39 : i32
        %get3A_554 = arith.index_cast %rem3A_287 : i32 to index
        %get3A_555 = arith.index_cast %get3A_553 : i32 to index
        %get3A_556 = arith.index_cast %mul3A_552 : i32 to index
        %get3A_557 = tpu.vector_load %arg9[%get3A_554, %get3A_555, %get3A_556] {strides = array<i32>} : memref<3x64x256xf32, #tpu.memory_space<vmem>>, vector<16xf32>,
        %max3A_558 = arith.maximumf %max3A_550, %get3A_557 : vector<16xf32>
        %add3A_559 = arith.constant 128 : i32
        %add3A_560 = arith.addi %add3A_559, %add3A_430 : i32
        %swap3A_561 = arith.index_cast %rem3A_287 : i32 to index
        %swap3A_562 = arith.index_cast %add3A_560 : i32 to index
        %swap3A_563 = tpu.vector_load %arg10[%swap3A_561, %swap3A_562] {strides = array<i32>} : memref<3x2048xf32, #tpu.memory_space<vmem>>, vector<16xf32>,
        tpu.vector_store %arg10[%swap3A_561, %swap3A_562], %max3A_558 {strides = array<i32>} : memref<3x2048xf32, #tpu.memory_space<vmem>>, vector<16xf32>,
        %mul3A_564 = arith.constant 16 : i32
        %mul3A_565 = arith.muli %scan3A_386, %mul3A_564 : i32
        %get3A_566 = arith.constant 8 : i32
        %get3A_567 = arith.index_cast %rem3A_287 : i32 to index
        %get3A_568 = arith.index_cast %get3A_566 : i32 to index
        %get3A_569 = arith.index_cast %mul3A_565 : i32 to index
        %get3A_570 = tpu.vector_load %arg9[%get3A_567, %get3A_568, %get3A_569] {strides = array<i32>} : memref<3x64x256xf32, #tpu.memory_space<vmem>>, vector<16xf32>,
        %mul3A_571 = arith.constant 16 : i32
        %mul3A_572 = arith.muli %scan3A_386, %mul3A_571 : i32
        %get3A_573 = arith.constant 9 : i32
        %get3A_574 = arith.index_cast %rem3A_287 : i32 to index
        %get3A_575 = arith.index_cast %get3A_573 : i32 to index
        %get3A_576 = arith.index_cast %mul3A_572 : i32 to index
        %get3A_577 = tpu.vector_load %arg9[%get3A_574, %get3A_575, %get3A_576] {strides = array<i32>} : memref<3x64x256xf32, #tpu.memory_space<vmem>>, vector<16xf32>,
        %max3A_578 = arith.maximumf %get3A_570, %get3A_577 : vector<16xf32>
        %mul3A_579 = arith.constant 16 : i32
        %mul3A_580 = arith.muli %scan3A_386, %mul3A_579 : i32
        %get3A_581 = arith.constant 10 : i32
        %get3A_582 = arith.index_cast %rem3A_287 : i32 to index
        %get3A_583 = arith.index_cast %get3A_581 : i32 to index
        %get3A_584 = arith.index_cast %mul3A_580 : i32 to index
        %get3A_585 = tpu.vector_load %arg9[%get3A_582, %get3A_583, %get3A_584] {strides = array<i32>} : memref<3x64x256xf32, #tpu.memory_space<vmem>>, vector<16xf32>,
        %max3A_586 = arith.maximumf %max3A_578, %get3A_585 : vector<16xf32>
        %mul3A_587 = arith.constant 16 : i32
        %mul3A_588 = arith.muli %scan3A_386, %mul3A_587 : i32
        %get3A_589 = arith.constant 11 : i32
        %get3A_590 = arith.index_cast %rem3A_287 : i32 to index
        %get3A_591 = arith.index_cast %get3A_589 : i32 to index
        %get3A_592 = arith.index_cast %mul3A_588 : i32 to index
        %get3A_593 = tpu.vector_load %arg9[%get3A_590, %get3A_591, %get3A_592] {strides = array<i32>} : memref<3x64x256xf32, #tpu.memory_space<vmem>>, vector<16xf32>,
        %max3A_594 = arith.maximumf %max3A_586, %get3A_593 : vector<16xf32>
        %mul3A_595 = arith.constant 16 : i32
        %mul3A_596 = arith.muli %scan3A_386, %mul3A_595 : i32
        %get3A_597 = arith.constant 12 : i32
        %get3A_598 = arith.index_cast %rem3A_287 : i32 to index
        %get3A_599 = arith.index_cast %get3A_597 : i32 to index
        %get3A_600 = arith.index_cast %mul3A_596 : i32 to index
        %get3A_601 = tpu.vector_load %arg9[%get3A_598, %get3A_599, %get3A_600] {strides = array<i32>} : memref<3x64x256xf32, #tpu.memory_space<vmem>>, vector<16xf32>,
        %max3A_602 = arith.maximumf %max3A_594, %get3A_601 : vector<16xf32>
        %mul3A_603 = arith.constant 16 : i32
        %mul3A_604 = arith.muli %scan3A_386, %mul3A_603 : i32
        %get3A_605 = arith.constant 13 : i32
        %get3A_606 = arith.index_cast %rem3A_287 : i32 to index
        %get3A_607 = arith.index_cast %get3A_605 : i32 to index
        %get3A_608 = arith.index_cast %mul3A_604 : i32 to index
        %get3A_609 = tpu.vector_load %arg9[%get3A_606, %get3A_607, %get3A_608] {strides = array<i32>} : memref<3x64x256xf32, #tpu.memory_space<vmem>>, vector<16xf32>,
        %max3A_610 = arith.maximumf %max3A_602, %get3A_609 : vector<16xf32>
        %mul3A_611 = arith.constant 16 : i32
        %mul3A_612 = arith.muli %scan3A_386, %mul3A_611 : i32
        %get3A_613 = arith.constant 14 : i32
        %get3A_614 = arith.index_cast %rem3A_287 : i32 to index
        %get3A_615 = arith.index_cast %get3A_613 : i32 to index
        %get3A_616 = arith.index_cast %mul3A_612 : i32 to index
        %get3A_617 = tpu.vector_load %arg9[%get3A_614, %get3A_615, %get3A_616] {strides = array<i32>} : memref<3x64x256xf32, #tpu.memory_space<vmem>>, vector<16xf32>,
        %max3A_618 = arith.maximumf %max3A_610, %get3A_617 : vector<16xf32>
        %mul3A_619 = arith.constant 16 : i32
        %mul3A_620 = arith.muli %scan3A_386, %mul3A_619 : i32
        %get3A_621 = arith.constant 15 : i32
        %get3A_622 = arith.index_cast %rem3A_287 : i32 to index
        %get3A_623 = arith.index_cast %get3A_621 : i32 to index
        %get3A_624 = arith.index_cast %mul3A_620 : i32 to index
        %get3A_625 = tpu.vector_load %arg9[%get3A_622, %get3A_623, %get3A_624] {strides = array<i32>} : memref<3x64x256xf32, #tpu.memory_space<vmem>>, vector<16xf32>,
        %max3A_626 = arith.maximumf %max3A_618, %get3A_625 : vector<16xf32>
        %add3A_627 = arith.constant 512 : i32
        %add3A_628 = arith.addi %add3A_627, %add3A_430 : i32
        %swap3A_629 = arith.index_cast %rem3A_287 : i32 to index
        %swap3A_630 = arith.index_cast %add3A_628 : i32 to index
        %swap3A_631 = tpu.vector_load %arg10[%swap3A_629, %swap3A_630] {strides = array<i32>} : memref<3x2048xf32, #tpu.memory_space<vmem>>, vector<16xf32>,
        tpu.vector_store %arg10[%swap3A_629, %swap3A_630], %max3A_626 {strides = array<i32>} : memref<3x2048xf32, #tpu.memory_space<vmem>>, vector<16xf32>,
        %mul3A_632 = arith.constant 16 : i32
        %mul3A_633 = arith.muli %scan3A_386, %mul3A_632 : i32
        %get3A_634 = arith.constant 40 : i32
        %get3A_635 = arith.index_cast %rem3A_287 : i32 to index
        %get3A_636 = arith.index_cast %get3A_634 : i32 to index
        %get3A_637 = arith.index_cast %mul3A_633 : i32 to index
        %get3A_638 = tpu.vector_load %arg9[%get3A_635, %get3A_636, %get3A_637] {strides = array<i32>} : memref<3x64x256xf32, #tpu.memory_space<vmem>>, vector<16xf32>,
        %mul3A_639 = arith.constant 16 : i32
        %mul3A_640 = arith.muli %scan3A_386, %mul3A_639 : i32
        %get3A_641 = arith.constant 41 : i32
        %get3A_642 = arith.index_cast %rem3A_287 : i32 to index
        %get3A_643 = arith.index_cast %get3A_641 : i32 to index
        %get3A_644 = arith.index_cast %mul3A_640 : i32 to index
        %get3A_645 = tpu.vector_load %arg9[%get3A_642, %get3A_643, %get3A_644] {strides = array<i32>} : memref<3x64x256xf32, #tpu.memory_space<vmem>>, vector<16xf32>,
        %max3A_646 = arith.maximumf %get3A_638, %get3A_645 : vector<16xf32>
        %mul3A_647 = arith.constant 16 : i32
        %mul3A_648 = arith.muli %scan3A_386, %mul3A_647 : i32
        %get3A_649 = arith.constant 42 : i32
        %get3A_650 = arith.index_cast %rem3A_287 : i32 to index
        %get3A_651 = arith.index_cast %get3A_649 : i32 to index
        %get3A_652 = arith.index_cast %mul3A_648 : i32 to index
        %get3A_653 = tpu.vector_load %arg9[%get3A_650, %get3A_651, %get3A_652] {strides = array<i32>} : memref<3x64x256xf32, #tpu.memory_space<vmem>>, vector<16xf32>,
        %max3A_654 = arith.maximumf %max3A_646, %get3A_653 : vector<16xf32>
        %mul3A_655 = arith.constant 16 : i32
        %mul3A_656 = arith.muli %scan3A_386, %mul3A_655 : i32
        %get3A_657 = arith.constant 43 : i32
        %get3A_658 = arith.index_cast %rem3A_287 : i32 to index
        %get3A_659 = arith.index_cast %get3A_657 : i32 to index
        %get3A_660 = arith.index_cast %mul3A_656 : i32 to index
        %get3A_661 = tpu.vector_load %arg9[%get3A_658, %get3A_659, %get3A_660] {strides = array<i32>} : memref<3x64x256xf32, #tpu.memory_space<vmem>>, vector<16xf32>,
        %max3A_662 = arith.maximumf %max3A_654, %get3A_661 : vector<16xf32>
        %mul3A_663 = arith.constant 16 : i32
        %mul3A_664 = arith.muli %scan3A_386, %mul3A_663 : i32
        %get3A_665 = arith.constant 44 : i32
        %get3A_666 = arith.index_cast %rem3A_287 : i32 to index
        %get3A_667 = arith.index_cast %get3A_665 : i32 to index
        %get3A_668 = arith.index_cast %mul3A_664 : i32 to index
        %get3A_669 = tpu.vector_load %arg9[%get3A_666, %get3A_667, %get3A_668] {strides = array<i32>} : memref<3x64x256xf32, #tpu.memory_space<vmem>>, vector<16xf32>,
        %max3A_670 = arith.maximumf %max3A_662, %get3A_669 : vector<16xf32>
        %mul3A_671 = arith.constant 16 : i32
        %mul3A_672 = arith.muli %scan3A_386, %mul3A_671 : i32
        %get3A_673 = arith.constant 45 : i32
        %get3A_674 = arith.index_cast %rem3A_287 : i32 to index
        %get3A_675 = arith.index_cast %get3A_673 : i32 to index
        %get3A_676 = arith.index_cast %mul3A_672 : i32 to index
        %get3A_677 = tpu.vector_load %arg9[%get3A_674, %get3A_675, %get3A_676] {strides = array<i32>} : memref<3x64x256xf32, #tpu.memory_space<vmem>>, vector<16xf32>,
        %max3A_678 = arith.maximumf %max3A_670, %get3A_677 : vector<16xf32>
        %mul3A_679 = arith.constant 16 : i32
        %mul3A_680 = arith.muli %scan3A_386, %mul3A_679 : i32
        %get3A_681 = arith.constant 46 : i32
        %get3A_682 = arith.index_cast %rem3A_287 : i32 to index
        %get3A_683 = arith.index_cast %get3A_681 : i32 to index
        %get3A_684 = arith.index_cast %mul3A_680 : i32 to index
        %get3A_685 = tpu.vector_load %arg9[%get3A_682, %get3A_683, %get3A_684] {strides = array<i32>} : memref<3x64x256xf32, #tpu.memory_space<vmem>>, vector<16xf32>,
        %max3A_686 = arith.maximumf %max3A_678, %get3A_685 : vector<16xf32>
        %mul3A_687 = arith.constant 16 : i32
        %mul3A_688 = arith.muli %scan3A_386, %mul3A_687 : i32
        %get3A_689 = arith.constant 47 : i32
        %get3A_690 = arith.index_cast %rem3A_287 : i32 to index
        %get3A_691 = arith.index_cast %get3A_689 : i32 to index
        %get3A_692 = arith.index_cast %mul3A_688 : i32 to index
        %get3A_693 = tpu.vector_load %arg9[%get3A_690, %get3A_691, %get3A_692] {strides = array<i32>} : memref<3x64x256xf32, #tpu.memory_space<vmem>>, vector<16xf32>,
        %max3A_694 = arith.maximumf %max3A_686, %get3A_693 : vector<16xf32>
        %add3A_695 = arith.constant 640 : i32
        %add3A_696 = arith.addi %add3A_695, %add3A_430 : i32
        %swap3A_697 = arith.index_cast %rem3A_287 : i32 to index
        %swap3A_698 = arith.index_cast %add3A_696 : i32 to index
        %swap3A_699 = tpu.vector_load %arg10[%swap3A_697, %swap3A_698] {strides = array<i32>} : memref<3x2048xf32, #tpu.memory_space<vmem>>, vector<16xf32>,
        tpu.vector_store %arg10[%swap3A_697, %swap3A_698], %max3A_694 {strides = array<i32>} : memref<3x2048xf32, #tpu.memory_space<vmem>>, vector<16xf32>,
        %mul3A_700 = arith.constant 16 : i32
        %mul3A_701 = arith.muli %scan3A_386, %mul3A_700 : i32
        %get3A_702 = arith.constant 16 : i32
        %get3A_703 = arith.index_cast %rem3A_287 : i32 to index
        %get3A_704 = arith.index_cast %get3A_702 : i32 to index
        %get3A_705 = arith.index_cast %mul3A_701 : i32 to index
        %get3A_706 = tpu.vector_load %arg9[%get3A_703, %get3A_704, %get3A_705] {strides = array<i32>} : memref<3x64x256xf32, #tpu.memory_space<vmem>>, vector<16xf32>,
        %mul3A_707 = arith.constant 16 : i32
        %mul3A_708 = arith.muli %scan3A_386, %mul3A_707 : i32
        %get3A_709 = arith.constant 17 : i32
        %get3A_710 = arith.index_cast %rem3A_287 : i32 to index
        %get3A_711 = arith.index_cast %get3A_709 : i32 to index
        %get3A_712 = arith.index_cast %mul3A_708 : i32 to index
        %get3A_713 = tpu.vector_load %arg9[%get3A_710, %get3A_711, %get3A_712] {strides = array<i32>} : memref<3x64x256xf32, #tpu.memory_space<vmem>>, vector<16xf32>,
        %max3A_714 = arith.maximumf %get3A_706, %get3A_713 : vector<16xf32>
        %mul3A_715 = arith.constant 16 : i32
        %mul3A_716 = arith.muli %scan3A_386, %mul3A_715 : i32
        %get3A_717 = arith.constant 18 : i32
        %get3A_718 = arith.index_cast %rem3A_287 : i32 to index
        %get3A_719 = arith.index_cast %get3A_717 : i32 to index
        %get3A_720 = arith.index_cast %mul3A_716 : i32 to index
        %get3A_721 = tpu.vector_load %arg9[%get3A_718, %get3A_719, %get3A_720] {strides = array<i32>} : memref<3x64x256xf32, #tpu.memory_space<vmem>>, vector<16xf32>,
        %max3A_722 = arith.maximumf %max3A_714, %get3A_721 : vector<16xf32>
        %mul3A_723 = arith.constant 16 : i32
        %mul3A_724 = arith.muli %scan3A_386, %mul3A_723 : i32
        %get3A_725 = arith.constant 19 : i32
        %get3A_726 = arith.index_cast %rem3A_287 : i32 to index
        %get3A_727 = arith.index_cast %get3A_725 : i32 to index
        %get3A_728 = arith.index_cast %mul3A_724 : i32 to index
        %get3A_729 = tpu.vector_load %arg9[%get3A_726, %get3A_727, %get3A_728] {strides = array<i32>} : memref<3x64x256xf32, #tpu.memory_space<vmem>>, vector<16xf32>,
        %max3A_730 = arith.maximumf %max3A_722, %get3A_729 : vector<16xf32>
        %mul3A_731 = arith.constant 16 : i32
        %mul3A_732 = arith.muli %scan3A_386, %mul3A_731 : i32
        %get3A_733 = arith.constant 20 : i32
        %get3A_734 = arith.index_cast %rem3A_287 : i32 to index
        %get3A_735 = arith.index_cast %get3A_733 : i32 to index
        %get3A_736 = arith.index_cast %mul3A_732 : i32 to index
        %get3A_737 = tpu.vector_load %arg9[%get3A_734, %get3A_735, %get3A_736] {strides = array<i32>} : memref<3x64x256xf32, #tpu.memory_space<vmem>>, vector<16xf32>,
        %max3A_738 = arith.maximumf %max3A_730, %get3A_737 : vector<16xf32>
        %mul3A_739 = arith.constant 16 : i32
        %mul3A_740 = arith.muli %scan3A_386, %mul3A_739 : i32
        %get3A_741 = arith.constant 21 : i32
        %get3A_742 = arith.index_cast %rem3A_287 : i32 to index
        %get3A_743 = arith.index_cast %get3A_741 : i32 to index
        %get3A_744 = arith.index_cast %mul3A_740 : i32 to index
        %get3A_745 = tpu.vector_load %arg9[%get3A_742, %get3A_743, %get3A_744] {strides = array<i32>} : memref<3x64x256xf32, #tpu.memory_space<vmem>>, vector<16xf32>,
        %max3A_746 = arith.maximumf %max3A_738, %get3A_745 : vector<16xf32>
        %mul3A_747 = arith.constant 16 : i32
        %mul3A_748 = arith.muli %scan3A_386, %mul3A_747 : i32
        %get3A_749 = arith.constant 22 : i32
        %get3A_750 = arith.index_cast %rem3A_287 : i32 to index
        %get3A_751 = arith.index_cast %get3A_749 : i32 to index
        %get3A_752 = arith.index_cast %mul3A_748 : i32 to index
        %get3A_753 = tpu.vector_load %arg9[%get3A_750, %get3A_751, %get3A_752] {strides = array<i32>} : memref<3x64x256xf32, #tpu.memory_space<vmem>>, vector<16xf32>,
        %max3A_754 = arith.maximumf %max3A_746, %get3A_753 : vector<16xf32>
        %mul3A_755 = arith.constant 16 : i32
        %mul3A_756 = arith.muli %scan3A_386, %mul3A_755 : i32
        %get3A_757 = arith.constant 23 : i32
        %get3A_758 = arith.index_cast %rem3A_287 : i32 to index
        %get3A_759 = arith.index_cast %get3A_757 : i32 to index
        %get3A_760 = arith.index_cast %mul3A_756 : i32 to index
        %get3A_761 = tpu.vector_load %arg9[%get3A_758, %get3A_759, %get3A_760] {strides = array<i32>} : memref<3x64x256xf32, #tpu.memory_space<vmem>>, vector<16xf32>,
        %max3A_762 = arith.maximumf %max3A_754, %get3A_761 : vector<16xf32>
        %add3A_763 = arith.constant 1024 : i32
        %add3A_764 = arith.addi %add3A_763, %add3A_430 : i32
        %swap3A_765 = arith.index_cast %rem3A_287 : i32 to index
        %swap3A_766 = arith.index_cast %add3A_764 : i32 to index
        %swap3A_767 = tpu.vector_load %arg10[%swap3A_765, %swap3A_766] {strides = array<i32>} : memref<3x2048xf32, #tpu.memory_space<vmem>>, vector<16xf32>,
        tpu.vector_store %arg10[%swap3A_765, %swap3A_766], %max3A_762 {strides = array<i32>} : memref<3x2048xf32, #tpu.memory_space<vmem>>, vector<16xf32>,
        %mul3A_768 = arith.constant 16 : i32
        %mul3A_769 = arith.muli %scan3A_386, %mul3A_768 : i32
        %get3A_770 = arith.constant 48 : i32
        %get3A_771 = arith.index_cast %rem3A_287 : i32 to index
        %get3A_772 = arith.index_cast %get3A_770 : i32 to index
        %get3A_773 = arith.index_cast %mul3A_769 : i32 to index
        %get3A_774 = tpu.vector_load %arg9[%get3A_771, %get3A_772, %get3A_773] {strides = array<i32>} : memref<3x64x256xf32, #tpu.memory_space<vmem>>, vector<16xf32>,
        %mul3A_775 = arith.constant 16 : i32
        %mul3A_776 = arith.muli %scan3A_386, %mul3A_775 : i32
        %get3A_777 = arith.constant 49 : i32
        %get3A_778 = arith.index_cast %rem3A_287 : i32 to index
        %get3A_779 = arith.index_cast %get3A_777 : i32 to index
        %get3A_780 = arith.index_cast %mul3A_776 : i32 to index
        %get3A_781 = tpu.vector_load %arg9[%get3A_778, %get3A_779, %get3A_780] {strides = array<i32>} : memref<3x64x256xf32, #tpu.memory_space<vmem>>, vector<16xf32>,
        %max3A_782 = arith.maximumf %get3A_774, %get3A_781 : vector<16xf32>
        %mul3A_783 = arith.constant 16 : i32
        %mul3A_784 = arith.muli %scan3A_386, %mul3A_783 : i32
        %get3A_785 = arith.constant 50 : i32
        %get3A_786 = arith.index_cast %rem3A_287 : i32 to index
        %get3A_787 = arith.index_cast %get3A_785 : i32 to index
        %get3A_788 = arith.index_cast %mul3A_784 : i32 to index
        %get3A_789 = tpu.vector_load %arg9[%get3A_786, %get3A_787, %get3A_788] {strides = array<i32>} : memref<3x64x256xf32, #tpu.memory_space<vmem>>, vector<16xf32>,
        %max3A_790 = arith.maximumf %max3A_782, %get3A_789 : vector<16xf32>
        %mul3A_791 = arith.constant 16 : i32
        %mul3A_792 = arith.muli %scan3A_386, %mul3A_791 : i32
        %get3A_793 = arith.constant 51 : i32
        %get3A_794 = arith.index_cast %rem3A_287 : i32 to index
        %get3A_795 = arith.index_cast %get3A_793 : i32 to index
        %get3A_796 = arith.index_cast %mul3A_792 : i32 to index
        %get3A_797 = tpu.vector_load %arg9[%get3A_794, %get3A_795, %get3A_796] {strides = array<i32>} : memref<3x64x256xf32, #tpu.memory_space<vmem>>, vector<16xf32>,
        %max3A_798 = arith.maximumf %max3A_790, %get3A_797 : vector<16xf32>
        %mul3A_799 = arith.constant 16 : i32
        %mul3A_800 = arith.muli %scan3A_386, %mul3A_799 : i32
        %get3A_801 = arith.constant 52 : i32
        %get3A_802 = arith.index_cast %rem3A_287 : i32 to index
        %get3A_803 = arith.index_cast %get3A_801 : i32 to index
        %get3A_804 = arith.index_cast %mul3A_800 : i32 to index
        %get3A_805 = tpu.vector_load %arg9[%get3A_802, %get3A_803, %get3A_804] {strides = array<i32>} : memref<3x64x256xf32, #tpu.memory_space<vmem>>, vector<16xf32>,
        %max3A_806 = arith.maximumf %max3A_798, %get3A_805 : vector<16xf32>
        %mul3A_807 = arith.constant 16 : i32
        %mul3A_808 = arith.muli %scan3A_386, %mul3A_807 : i32
        %get3A_809 = arith.constant 53 : i32
        %get3A_810 = arith.index_cast %rem3A_287 : i32 to index
        %get3A_811 = arith.index_cast %get3A_809 : i32 to index
        %get3A_812 = arith.index_cast %mul3A_808 : i32 to index
        %get3A_813 = tpu.vector_load %arg9[%get3A_810, %get3A_811, %get3A_812] {strides = array<i32>} : memref<3x64x256xf32, #tpu.memory_space<vmem>>, vector<16xf32>,
        %max3A_814 = arith.maximumf %max3A_806, %get3A_813 : vector<16xf32>
        %mul3A_815 = arith.constant 16 : i32
        %mul3A_816 = arith.muli %scan3A_386, %mul3A_815 : i32
        %get3A_817 = arith.constant 54 : i32
        %get3A_818 = arith.index_cast %rem3A_287 : i32 to index
        %get3A_819 = arith.index_cast %get3A_817 : i32 to index
        %get3A_820 = arith.index_cast %mul3A_816 : i32 to index
        %get3A_821 = tpu.vector_load %arg9[%get3A_818, %get3A_819, %get3A_820] {strides = array<i32>} : memref<3x64x256xf32, #tpu.memory_space<vmem>>, vector<16xf32>,
        %max3A_822 = arith.maximumf %max3A_814, %get3A_821 : vector<16xf32>
        %mul3A_823 = arith.constant 16 : i32
        %mul3A_824 = arith.muli %scan3A_386, %mul3A_823 : i32
        %get3A_825 = arith.constant 55 : i32
        %get3A_826 = arith.index_cast %rem3A_287 : i32 to index
        %get3A_827 = arith.index_cast %get3A_825 : i32 to index
        %get3A_828 = arith.index_cast %mul3A_824 : i32 to index
        %get3A_829 = tpu.vector_load %arg9[%get3A_826, %get3A_827, %get3A_828] {strides = array<i32>} : memref<3x64x256xf32, #tpu.memory_space<vmem>>, vector<16xf32>,
        %max3A_830 = arith.maximumf %max3A_822, %get3A_829 : vector<16xf32>
        %add3A_831 = arith.constant 1152 : i32
        %add3A_832 = arith.addi %add3A_831, %add3A_430 : i32
        %swap3A_833 = arith.index_cast %rem3A_287 : i32 to index
        %swap3A_834 = arith.index_cast %add3A_832 : i32 to index
        %swap3A_835 = tpu.vector_load %arg10[%swap3A_833, %swap3A_834] {strides = array<i32>} : memref<3x2048xf32, #tpu.memory_space<vmem>>, vector<16xf32>,
        tpu.vector_store %arg10[%swap3A_833, %swap3A_834], %max3A_830 {strides = array<i32>} : memref<3x2048xf32, #tpu.memory_space<vmem>>, vector<16xf32>,
        %mul3A_836 = arith.constant 16 : i32
        %mul3A_837 = arith.muli %scan3A_386, %mul3A_836 : i32
        %get3A_838 = arith.constant 24 : i32
        %get3A_839 = arith.index_cast %rem3A_287 : i32 to index
        %get3A_840 = arith.index_cast %get3A_838 : i32 to index
        %get3A_841 = arith.index_cast %mul3A_837 : i32 to index
        %get3A_842 = tpu.vector_load %arg9[%get3A_839, %get3A_840, %get3A_841] {strides = array<i32>} : memref<3x64x256xf32, #tpu.memory_space<vmem>>, vector<16xf32>,
        %mul3A_843 = arith.constant 16 : i32
        %mul3A_844 = arith.muli %scan3A_386, %mul3A_843 : i32
        %get3A_845 = arith.constant 25 : i32
        %get3A_846 = arith.index_cast %rem3A_287 : i32 to index
        %get3A_847 = arith.index_cast %get3A_845 : i32 to index
        %get3A_848 = arith.index_cast %mul3A_844 : i32 to index
        %get3A_849 = tpu.vector_load %arg9[%get3A_846, %get3A_847, %get3A_848] {strides = array<i32>} : memref<3x64x256xf32, #tpu.memory_space<vmem>>, vector<16xf32>,
        %max3A_850 = arith.maximumf %get3A_842, %get3A_849 : vector<16xf32>
        %mul3A_851 = arith.constant 16 : i32
        %mul3A_852 = arith.muli %scan3A_386, %mul3A_851 : i32
        %get3A_853 = arith.constant 26 : i32
        %get3A_854 = arith.index_cast %rem3A_287 : i32 to index
        %get3A_855 = arith.index_cast %get3A_853 : i32 to index
        %get3A_856 = arith.index_cast %mul3A_852 : i32 to index
        %get3A_857 = tpu.vector_load %arg9[%get3A_854, %get3A_855, %get3A_856] {strides = array<i32>} : memref<3x64x256xf32, #tpu.memory_space<vmem>>, vector<16xf32>,
        %max3A_858 = arith.maximumf %max3A_850, %get3A_857 : vector<16xf32>
        %mul3A_859 = arith.constant 16 : i32
        %mul3A_860 = arith.muli %scan3A_386, %mul3A_859 : i32
        %get3A_861 = arith.constant 27 : i32
        %get3A_862 = arith.index_cast %rem3A_287 : i32 to index
        %get3A_863 = arith.index_cast %get3A_861 : i32 to index
        %get3A_864 = arith.index_cast %mul3A_860 : i32 to index
        %get3A_865 = tpu.vector_load %arg9[%get3A_862, %get3A_863, %get3A_864] {strides = array<i32>} : memref<3x64x256xf32, #tpu.memory_space<vmem>>, vector<16xf32>,
        %max3A_866 = arith.maximumf %max3A_858, %get3A_865 : vector<16xf32>
        %mul3A_867 = arith.constant 16 : i32
        %mul3A_868 = arith.muli %scan3A_386, %mul3A_867 : i32
        %get3A_869 = arith.constant 28 : i32
        %get3A_870 = arith.index_cast %rem3A_287 : i32 to index
        %get3A_871 = arith.index_cast %get3A_869 : i32 to index
        %get3A_872 = arith.index_cast %mul3A_868 : i32 to index
        %get3A_873 = tpu.vector_load %arg9[%get3A_870, %get3A_871, %get3A_872] {strides = array<i32>} : memref<3x64x256xf32, #tpu.memory_space<vmem>>, vector<16xf32>,
        %max3A_874 = arith.maximumf %max3A_866, %get3A_873 : vector<16xf32>
        %mul3A_875 = arith.constant 16 : i32
        %mul3A_876 = arith.muli %scan3A_386, %mul3A_875 : i32
        %get3A_877 = arith.constant 29 : i32
        %get3A_878 = arith.index_cast %rem3A_287 : i32 to index
        %get3A_879 = arith.index_cast %get3A_877 : i32 to index
        %get3A_880 = arith.index_cast %mul3A_876 : i32 to index
        %get3A_881 = tpu.vector_load %arg9[%get3A_878, %get3A_879, %get3A_880] {strides = array<i32>} : memref<3x64x256xf32, #tpu.memory_space<vmem>>, vector<16xf32>,
        %max3A_882 = arith.maximumf %max3A_874, %get3A_881 : vector<16xf32>
        %mul3A_883 = arith.constant 16 : i32
        %mul3A_884 = arith.muli %scan3A_386, %mul3A_883 : i32
        %get3A_885 = arith.constant 30 : i32
        %get3A_886 = arith.index_cast %rem3A_287 : i32 to index
        %get3A_887 = arith.index_cast %get3A_885 : i32 to index
        %get3A_888 = arith.index_cast %mul3A_884 : i32 to index
        %get3A_889 = tpu.vector_load %arg9[%get3A_886, %get3A_887, %get3A_888] {strides = array<i32>} : memref<3x64x256xf32, #tpu.memory_space<vmem>>, vector<16xf32>,
        %max3A_890 = arith.maximumf %max3A_882, %get3A_889 : vector<16xf32>
        %mul3A_891 = arith.constant 16 : i32
        %mul3A_892 = arith.muli %scan3A_386, %mul3A_891 : i32
        %get3A_893 = arith.constant 31 : i32
        %get3A_894 = arith.index_cast %rem3A_287 : i32 to index
        %get3A_895 = arith.index_cast %get3A_893 : i32 to index
        %get3A_896 = arith.index_cast %mul3A_892 : i32 to index
        %get3A_897 = tpu.vector_load %arg9[%get3A_894, %get3A_895, %get3A_896] {strides = array<i32>} : memref<3x64x256xf32, #tpu.memory_space<vmem>>, vector<16xf32>,
        %max3A_898 = arith.maximumf %max3A_890, %get3A_897 : vector<16xf32>
        %add3A_899 = arith.constant 1536 : i32
        %add3A_900 = arith.addi %add3A_899, %add3A_430 : i32
        %swap3A_901 = arith.index_cast %rem3A_287 : i32 to index
        %swap3A_902 = arith.index_cast %add3A_900 : i32 to index
        %swap3A_903 = tpu.vector_load %arg10[%swap3A_901, %swap3A_902] {strides = array<i32>} : memref<3x2048xf32, #tpu.memory_space<vmem>>, vector<16xf32>,
        tpu.vector_store %arg10[%swap3A_901, %swap3A_902], %max3A_898 {strides = array<i32>} : memref<3x2048xf32, #tpu.memory_space<vmem>>, vector<16xf32>,
        %mul3A_904 = arith.constant 16 : i32
        %mul3A_905 = arith.muli %scan3A_386, %mul3A_904 : i32
        %get3A_906 = arith.constant 56 : i32
        %get3A_907 = arith.index_cast %rem3A_287 : i32 to index
        %get3A_908 = arith.index_cast %get3A_906 : i32 to index
        %get3A_909 = arith.index_cast %mul3A_905 : i32 to index
        %get3A_910 = tpu.vector_load %arg9[%get3A_907, %get3A_908, %get3A_909] {strides = array<i32>} : memref<3x64x256xf32, #tpu.memory_space<vmem>>, vector<16xf32>,
        %mul3A_911 = arith.constant 16 : i32
        %mul3A_912 = arith.muli %scan3A_386, %mul3A_911 : i32
        %get3A_913 = arith.constant 57 : i32
        %get3A_914 = arith.index_cast %rem3A_287 : i32 to index
        %get3A_915 = arith.index_cast %get3A_913 : i32 to index
        %get3A_916 = arith.index_cast %mul3A_912 : i32 to index
        %get3A_917 = tpu.vector_load %arg9[%get3A_914, %get3A_915, %get3A_916] {strides = array<i32>} : memref<3x64x256xf32, #tpu.memory_space<vmem>>, vector<16xf32>,
        %max3A_918 = arith.maximumf %get3A_910, %get3A_917 : vector<16xf32>
        %mul3A_919 = arith.constant 16 : i32
        %mul3A_920 = arith.muli %scan3A_386, %mul3A_919 : i32
        %get3A_921 = arith.constant 58 : i32
        %get3A_922 = arith.index_cast %rem3A_287 : i32 to index
        %get3A_923 = arith.index_cast %get3A_921 : i32 to index
        %get3A_924 = arith.index_cast %mul3A_920 : i32 to index
        %get3A_925 = tpu.vector_load %arg9[%get3A_922, %get3A_923, %get3A_924] {strides = array<i32>} : memref<3x64x256xf32, #tpu.memory_space<vmem>>, vector<16xf32>,
        %max3A_926 = arith.maximumf %max3A_918, %get3A_925 : vector<16xf32>
        %mul3A_927 = arith.constant 16 : i32
        %mul3A_928 = arith.muli %scan3A_386, %mul3A_927 : i32
        %get3A_929 = arith.constant 59 : i32
        %get3A_930 = arith.index_cast %rem3A_287 : i32 to index
        %get3A_931 = arith.index_cast %get3A_929 : i32 to index
        %get3A_932 = arith.index_cast %mul3A_928 : i32 to index
        %get3A_933 = tpu.vector_load %arg9[%get3A_930, %get3A_931, %get3A_932] {strides = array<i32>} : memref<3x64x256xf32, #tpu.memory_space<vmem>>, vector<16xf32>,
        %max3A_934 = arith.maximumf %max3A_926, %get3A_933 : vector<16xf32>
        %mul3A_935 = arith.constant 16 : i32
        %mul3A_936 = arith.muli %scan3A_386, %mul3A_935 : i32
        %get3A_937 = arith.constant 60 : i32
        %get3A_938 = arith.index_cast %rem3A_287 : i32 to index
        %get3A_939 = arith.index_cast %get3A_937 : i32 to index
        %get3A_940 = arith.index_cast %mul3A_936 : i32 to index
        %get3A_941 = tpu.vector_load %arg9[%get3A_938, %get3A_939, %get3A_940] {strides = array<i32>} : memref<3x64x256xf32, #tpu.memory_space<vmem>>, vector<16xf32>,
        %max3A_942 = arith.maximumf %max3A_934, %get3A_941 : vector<16xf32>
        %mul3A_943 = arith.constant 16 : i32
        %mul3A_944 = arith.muli %scan3A_386, %mul3A_943 : i32
        %get3A_945 = arith.constant 61 : i32
        %get3A_946 = arith.index_cast %rem3A_287 : i32 to index
        %get3A_947 = arith.index_cast %get3A_945 : i32 to index
        %get3A_948 = arith.index_cast %mul3A_944 : i32 to index
        %get3A_949 = tpu.vector_load %arg9[%get3A_946, %get3A_947, %get3A_948] {strides = array<i32>} : memref<3x64x256xf32, #tpu.memory_space<vmem>>, vector<16xf32>,
        %max3A_950 = arith.maximumf %max3A_942, %get3A_949 : vector<16xf32>
        %mul3A_951 = arith.constant 16 : i32
        %mul3A_952 = arith.muli %scan3A_386, %mul3A_951 : i32
        %get3A_953 = arith.constant 62 : i32
        %get3A_954 = arith.index_cast %rem3A_287 : i32 to index
        %get3A_955 = arith.index_cast %get3A_953 : i32 to index
        %get3A_956 = arith.index_cast %mul3A_952 : i32 to index
        %get3A_957 = tpu.vector_load %arg9[%get3A_954, %get3A_955, %get3A_956] {strides = array<i32>} : memref<3x64x256xf32, #tpu.memory_space<vmem>>, vector<16xf32>,
        %max3A_958 = arith.maximumf %max3A_950, %get3A_957 : vector<16xf32>
        %mul3A_959 = arith.constant 16 : i32
        %mul3A_960 = arith.muli %scan3A_386, %mul3A_959 : i32
        %get3A_961 = arith.constant 63 : i32
        %get3A_962 = arith.index_cast %rem3A_287 : i32 to index
        %get3A_963 = arith.index_cast %get3A_961 : i32 to index
        %get3A_964 = arith.index_cast %mul3A_960 : i32 to index
        %get3A_965 = tpu.vector_load %arg9[%get3A_962, %get3A_963, %get3A_964] {strides = array<i32>} : memref<3x64x256xf32, #tpu.memory_space<vmem>>, vector<16xf32>,
        %max3A_966 = arith.maximumf %max3A_958, %get3A_965 : vector<16xf32>
        %add3A_967 = arith.constant 1664 : i32
        %add3A_968 = arith.addi %add3A_967, %add3A_430 : i32
        %swap3A_969 = arith.index_cast %rem3A_287 : i32 to index
        %swap3A_970 = arith.index_cast %add3A_968 : i32 to index
        %swap3A_971 = tpu.vector_load %arg10[%swap3A_969, %swap3A_970] {strides = array<i32>} : memref<3x2048xf32, #tpu.memory_space<vmem>>, vector<16xf32>,
        tpu.vector_store %arg10[%swap3A_969, %swap3A_970], %max3A_966 {strides = array<i32>} : memref<3x2048xf32, #tpu.memory_space<vmem>>, vector<16xf32>,
        %scan3A_972 = arith.constant 1 : i32
        %scan3A_973 = arith.addi %scan3A_386, %scan3A_972 : i32
        %jit3A_974 = arith.constant 8 : i32
        %div3A_975 = arith.divsi %scan3A_973, %jit3A_974 : i32
        %sign3A_976 = arith.constant 0 : i32
        %sign3A_977 = arith.cmpi sgt, %scan3A_973, %sign3A_976 : i32
        %sign3A_978 = arith.extui %sign3A_977 : i1 to i32
        %sign3A_979 = arith.constant 0 : i32
        %sign3A_980 = arith.cmpi slt, %scan3A_973, %sign3A_979 : i32
        %sign3A_981 = arith.extui %sign3A_980 : i1 to i32
        %sign3A_982 = arith.subi %sign3A_978, %sign3A_981 : i32
        %sign3A_983 = arith.constant 0 : i32
        %sign3A_984 = arith.cmpi sgt, %jit3A_974, %sign3A_983 : i32
        %sign3A_985 = arith.extui %sign3A_984 : i1 to i32
        %sign3A_986 = arith.constant 0 : i32
        %sign3A_987 = arith.cmpi slt, %jit3A_974, %sign3A_986 : i32
        %sign3A_988 = arith.extui %sign3A_987 : i1 to i32
        %sign3A_989 = arith.subi %sign3A_985, %sign3A_988 : i32
        %ne3A_990 = arith.cmpi ne, %sign3A_982, %sign3A_989 : i32
        %rem3A_991 = arith.remsi %scan3A_973, %jit3A_974 : i32
        %ne3A_992 = arith.constant 0 : i32
        %ne3A_993 = arith.cmpi ne, %rem3A_991, %ne3A_992 : i32
        %and3A_994 = arith.andi %ne3A_990, %ne3A_993 : i1
        %sub3A_995 = arith.constant 1 : i32
        %sub3A_996 = arith.subi %div3A_975, %sub3A_995 : i32
        %select_n3A_997 = arith.select %and3A_994, %sub3A_996, %div3A_975 : i32
        %mul3A_998 = arith.constant 256 : i32
        %mul3A_999 = arith.muli %select_n3A_997, %mul3A_998 : i32
        %jit3A_1000 = arith.constant 8 : i32
        %eq3A_1001 = arith.constant 0 : i32
        %eq3A_1002 = arith.cmpi eq, %jit3A_1000, %eq3A_1001 : i32
        %jit3A_1003 = arith.constant 1 : i32
        %select_n3A_1004 = arith.select %eq3A_1002, %jit3A_1003, %jit3A_1000 : i32
        %rem3A_1005 = arith.remsi %scan3A_973, %select_n3A_1004 : i32
        %ne3A_1006 = arith.constant 0 : i32
        %ne3A_1007 = arith.cmpi ne, %rem3A_1005, %ne3A_1006 : i32
        %lt3A_1008 = arith.constant 0 : i32
        %lt3A_1009 = arith.cmpi slt, %rem3A_1005, %lt3A_1008 : i32
        %lt3A_1010 = arith.constant 0 : i32
        %lt3A_1011 = arith.cmpi slt, %select_n3A_1004, %lt3A_1010 : i32
        %ne3A_1012 = arith.xori %lt3A_1009, %lt3A_1011 : i1
        %and3A_1013 = arith.andi %ne3A_1012, %ne3A_1007 : i1
        %add3A_1014 = arith.addi %rem3A_1005, %select_n3A_1004 : i32
        %select_n3A_1015 = arith.select %and3A_1013, %add3A_1014, %rem3A_1005 : i32
        %mul3A_1016 = arith.constant 16 : i32
        %mul3A_1017 = arith.muli %select_n3A_1015, %mul3A_1016 : i32
        %add3A_1018 = arith.addi %mul3A_999, %mul3A_1017 : i32
        %mul3A_1019 = arith.constant 16 : i32
        %mul3A_1020 = arith.muli %scan3A_973, %mul3A_1019 : i32
        %get3A_1021 = arith.constant 0 : i32
        %get3A_1022 = arith.index_cast %rem3A_287 : i32 to index
        %get3A_1023 = arith.index_cast %get3A_1021 : i32 to index
        %get3A_1024 = arith.index_cast %mul3A_1020 : i32 to index
        %get3A_1025 = tpu.vector_load %arg9[%get3A_1022, %get3A_1023, %get3A_1024] {strides = array<i32>} : memref<3x64x256xf32, #tpu.memory_space<vmem>>, vector<16xf32>,
        %mul3A_1026 = arith.constant 16 : i32
        %mul3A_1027 = arith.muli %scan3A_973, %mul3A_1026 : i32
        %get3A_1028 = arith.constant 1 : i32
        %get3A_1029 = arith.index_cast %rem3A_287 : i32 to index
        %get3A_1030 = arith.index_cast %get3A_1028 : i32 to index
        %get3A_1031 = arith.index_cast %mul3A_1027 : i32 to index
        %get3A_1032 = tpu.vector_load %arg9[%get3A_1029, %get3A_1030, %get3A_1031] {strides = array<i32>} : memref<3x64x256xf32, #tpu.memory_space<vmem>>, vector<16xf32>,
        %max3A_1033 = arith.maximumf %get3A_1025, %get3A_1032 : vector<16xf32>
        %mul3A_1034 = arith.constant 16 : i32
        %mul3A_1035 = arith.muli %scan3A_973, %mul3A_1034 : i32
        %get3A_1036 = arith.constant 2 : i32
        %get3A_1037 = arith.index_cast %rem3A_287 : i32 to index
        %get3A_1038 = arith.index_cast %get3A_1036 : i32 to index
        %get3A_1039 = arith.index_cast %mul3A_1035 : i32 to index
        %get3A_1040 = tpu.vector_load %arg9[%get3A_1037, %get3A_1038, %get3A_1039] {strides = array<i32>} : memref<3x64x256xf32, #tpu.memory_space<vmem>>, vector<16xf32>,
        %max3A_1041 = arith.maximumf %max3A_1033, %get3A_1040 : vector<16xf32>
        %mul3A_1042 = arith.constant 16 : i32
        %mul3A_1043 = arith.muli %scan3A_973, %mul3A_1042 : i32
        %get3A_1044 = arith.constant 3 : i32
        %get3A_1045 = arith.index_cast %rem3A_287 : i32 to index
        %get3A_1046 = arith.index_cast %get3A_1044 : i32 to index
        %get3A_1047 = arith.index_cast %mul3A_1043 : i32 to index
        %get3A_1048 = tpu.vector_load %arg9[%get3A_1045, %get3A_1046, %get3A_1047] {strides = array<i32>} : memref<3x64x256xf32, #tpu.memory_space<vmem>>, vector<16xf32>,
        %max3A_1049 = arith.maximumf %max3A_1041, %get3A_1048 : vector<16xf32>
        %mul3A_1050 = arith.constant 16 : i32
        %mul3A_1051 = arith.muli %scan3A_973, %mul3A_1050 : i32
        %get3A_1052 = arith.constant 4 : i32
        %get3A_1053 = arith.index_cast %rem3A_287 : i32 to index
        %get3A_1054 = arith.index_cast %get3A_1052 : i32 to index
        %get3A_1055 = arith.index_cast %mul3A_1051 : i32 to index
        %get3A_1056 = tpu.vector_load %arg9[%get3A_1053, %get3A_1054, %get3A_1055] {strides = array<i32>} : memref<3x64x256xf32, #tpu.memory_space<vmem>>, vector<16xf32>,
        %max3A_1057 = arith.maximumf %max3A_1049, %get3A_1056 : vector<16xf32>
        %mul3A_1058 = arith.constant 16 : i32
        %mul3A_1059 = arith.muli %scan3A_973, %mul3A_1058 : i32
        %get3A_1060 = arith.constant 5 : i32
        %get3A_1061 = arith.index_cast %rem3A_287 : i32 to index
        %get3A_1062 = arith.index_cast %get3A_1060 : i32 to index
        %get3A_1063 = arith.index_cast %mul3A_1059 : i32 to index
        %get3A_1064 = tpu.vector_load %arg9[%get3A_1061, %get3A_1062, %get3A_1063] {strides = array<i32>} : memref<3x64x256xf32, #tpu.memory_space<vmem>>, vector<16xf32>,
        %max3A_1065 = arith.maximumf %max3A_1057, %get3A_1064 : vector<16xf32>
        %mul3A_1066 = arith.constant 16 : i32
        %mul3A_1067 = arith.muli %scan3A_973, %mul3A_1066 : i32
        %get3A_1068 = arith.constant 6 : i32
        %get3A_1069 = arith.index_cast %rem3A_287 : i32 to index
        %get3A_1070 = arith.index_cast %get3A_1068 : i32 to index
        %get3A_1071 = arith.index_cast %mul3A_1067 : i32 to index
        %get3A_1072 = tpu.vector_load %arg9[%get3A_1069, %get3A_1070, %get3A_1071] {strides = array<i32>} : memref<3x64x256xf32, #tpu.memory_space<vmem>>, vector<16xf32>,
        %max3A_1073 = arith.maximumf %max3A_1065, %get3A_1072 : vector<16xf32>
        %mul3A_1074 = arith.constant 16 : i32
        %mul3A_1075 = arith.muli %scan3A_973, %mul3A_1074 : i32
        %get3A_1076 = arith.constant 7 : i32
        %get3A_1077 = arith.index_cast %rem3A_287 : i32 to index
        %get3A_1078 = arith.index_cast %get3A_1076 : i32 to index
        %get3A_1079 = arith.index_cast %mul3A_1075 : i32 to index
        %get3A_1080 = tpu.vector_load %arg9[%get3A_1077, %get3A_1078, %get3A_1079] {strides = array<i32>} : memref<3x64x256xf32, #tpu.memory_space<vmem>>, vector<16xf32>,
        %max3A_1081 = arith.maximumf %max3A_1073, %get3A_1080 : vector<16xf32>
        %add3A_1082 = arith.constant 0 : i32
        %add3A_1083 = arith.addi %add3A_1082, %add3A_1018 : i32
        %swap3A_1084 = arith.index_cast %rem3A_287 : i32 to index
        %swap3A_1085 = arith.index_cast %add3A_1083 : i32 to index
        %swap3A_1086 = tpu.vector_load %arg10[%swap3A_1084, %swap3A_1085] {strides = array<i32>} : memref<3x2048xf32, #tpu.memory_space<vmem>>, vector<16xf32>,
        tpu.vector_store %arg10[%swap3A_1084, %swap3A_1085], %max3A_1081 {strides = array<i32>} : memref<3x2048xf32, #tpu.memory_space<vmem>>, vector<16xf32>,
        %mul3A_1087 = arith.constant 16 : i32
        %mul3A_1088 = arith.muli %scan3A_973, %mul3A_1087 : i32
        %get3A_1089 = arith.constant 32 : i32
        %get3A_1090 = arith.index_cast %rem3A_287 : i32 to index
        %get3A_1091 = arith.index_cast %get3A_1089 : i32 to index
        %get3A_1092 = arith.index_cast %mul3A_1088 : i32 to index
        %get3A_1093 = tpu.vector_load %arg9[%get3A_1090, %get3A_1091, %get3A_1092] {strides = array<i32>} : memref<3x64x256xf32, #tpu.memory_space<vmem>>, vector<16xf32>,
        %mul3A_1094 = arith.constant 16 : i32
        %mul3A_1095 = arith.muli %scan3A_973, %mul3A_1094 : i32
        %get3A_1096 = arith.constant 33 : i32
        %get3A_1097 = arith.index_cast %rem3A_287 : i32 to index
        %get3A_1098 = arith.index_cast %get3A_1096 : i32 to index
        %get3A_1099 = arith.index_cast %mul3A_1095 : i32 to index
        %get3A_1100 = tpu.vector_load %arg9[%get3A_1097, %get3A_1098, %get3A_1099] {strides = array<i32>} : memref<3x64x256xf32, #tpu.memory_space<vmem>>, vector<16xf32>,
        %max3A_1101 = arith.maximumf %get3A_1093, %get3A_1100 : vector<16xf32>
        %mul3A_1102 = arith.constant 16 : i32
        %mul3A_1103 = arith.muli %scan3A_973, %mul3A_1102 : i32
        %get3A_1104 = arith.constant 34 : i32
        %get3A_1105 = arith.index_cast %rem3A_287 : i32 to index
        %get3A_1106 = arith.index_cast %get3A_1104 : i32 to index
        %get3A_1107 = arith.index_cast %mul3A_1103 : i32 to index
        %get3A_1108 = tpu.vector_load %arg9[%get3A_1105, %get3A_1106, %get3A_1107] {strides = array<i32>} : memref<3x64x256xf32, #tpu.memory_space<vmem>>, vector<16xf32>,
        %max3A_1109 = arith.maximumf %max3A_1101, %get3A_1108 : vector<16xf32>
        %mul3A_1110 = arith.constant 16 : i32
        %mul3A_1111 = arith.muli %scan3A_973, %mul3A_1110 : i32
        %get3A_1112 = arith.constant 35 : i32
        %get3A_1113 = arith.index_cast %rem3A_287 : i32 to index
        %get3A_1114 = arith.index_cast %get3A_1112 : i32 to index
        %get3A_1115 = arith.index_cast %mul3A_1111 : i32 to index
        %get3A_1116 = tpu.vector_load %arg9[%get3A_1113, %get3A_1114, %get3A_1115] {strides = array<i32>} : memref<3x64x256xf32, #tpu.memory_space<vmem>>, vector<16xf32>,
        %max3A_1117 = arith.maximumf %max3A_1109, %get3A_1116 : vector<16xf32>
        %mul3A_1118 = arith.constant 16 : i32
        %mul3A_1119 = arith.muli %scan3A_973, %mul3A_1118 : i32
        %get3A_1120 = arith.constant 36 : i32
        %get3A_1121 = arith.index_cast %rem3A_287 : i32 to index
        %get3A_1122 = arith.index_cast %get3A_1120 : i32 to index
        %get3A_1123 = arith.index_cast %mul3A_1119 : i32 to index
        %get3A_1124 = tpu.vector_load %arg9[%get3A_1121, %get3A_1122, %get3A_1123] {strides = array<i32>} : memref<3x64x256xf32, #tpu.memory_space<vmem>>, vector<16xf32>,
        %max3A_1125 = arith.maximumf %max3A_1117, %get3A_1124 : vector<16xf32>
        %mul3A_1126 = arith.constant 16 : i32
        %mul3A_1127 = arith.muli %scan3A_973, %mul3A_1126 : i32
        %get3A_1128 = arith.constant 37 : i32
        %get3A_1129 = arith.index_cast %rem3A_287 : i32 to index
        %get3A_1130 = arith.index_cast %get3A_1128 : i32 to index
        %get3A_1131 = arith.index_cast %mul3A_1127 : i32 to index
        %get3A_1132 = tpu.vector_load %arg9[%get3A_1129, %get3A_1130, %get3A_1131] {strides = array<i32>} : memref<3x64x256xf32, #tpu.memory_space<vmem>>, vector<16xf32>,
        %max3A_1133 = arith.maximumf %max3A_1125, %get3A_1132 : vector<16xf32>
        %mul3A_1134 = arith.constant 16 : i32
        %mul3A_1135 = arith.muli %scan3A_973, %mul3A_1134 : i32
        %get3A_1136 = arith.constant 38 : i32
        %get3A_1137 = arith.index_cast %rem3A_287 : i32 to index
        %get3A_1138 = arith.index_cast %get3A_1136 : i32 to index
        %get3A_1139 = arith.index_cast %mul3A_1135 : i32 to index
        %get3A_1140 = tpu.vector_load %arg9[%get3A_1137, %get3A_1138, %get3A_1139] {strides = array<i32>} : memref<3x64x256xf32, #tpu.memory_space<vmem>>, vector<16xf32>,
        %max3A_1141 = arith.maximumf %max3A_1133, %get3A_1140 : vector<16xf32>
        %mul3A_1142 = arith.constant 16 : i32
        %mul3A_1143 = arith.muli %scan3A_973, %mul3A_1142 : i32
        %get3A_1144 = arith.constant 39 : i32
        %get3A_1145 = arith.index_cast %rem3A_287 : i32 to index
        %get3A_1146 = arith.index_cast %get3A_1144 : i32 to index
        %get3A_1147 = arith.index_cast %mul3A_1143 : i32 to index
        %get3A_1148 = tpu.vector_load %arg9[%get3A_1145, %get3A_1146, %get3A_1147] {strides = array<i32>} : memref<3x64x256xf32, #tpu.memory_space<vmem>>, vector<16xf32>,
        %max3A_1149 = arith.maximumf %max3A_1141, %get3A_1148 : vector<16xf32>
        %add3A_1150 = arith.constant 128 : i32
        %add3A_1151 = arith.addi %add3A_1150, %add3A_1018 : i32
        %swap3A_1152 = arith.index_cast %rem3A_287 : i32 to index
        %swap3A_1153 = arith.index_cast %add3A_1151 : i32 to index
        %swap3A_1154 = tpu.vector_load %arg10[%swap3A_1152, %swap3A_1153] {strides = array<i32>} : memref<3x2048xf32, #tpu.memory_space<vmem>>, vector<16xf32>,
        tpu.vector_store %arg10[%swap3A_1152, %swap3A_1153], %max3A_1149 {strides = array<i32>} : memref<3x2048xf32, #tpu.memory_space<vmem>>, vector<16xf32>,
        %mul3A_1155 = arith.constant 16 : i32
        %mul3A_1156 = arith.muli %scan3A_973, %mul3A_1155 : i32
        %get3A_1157 = arith.constant 8 : i32
        %get3A_1158 = arith.index_cast %rem3A_287 : i32 to index
        %get3A_1159 = arith.index_cast %get3A_1157 : i32 to index
        %get3A_1160 = arith.index_cast %mul3A_1156 : i32 to index
        %get3A_1161 = tpu.vector_load %arg9[%get3A_1158, %get3A_1159, %get3A_1160] {strides = array<i32>} : memref<3x64x256xf32, #tpu.memory_space<vmem>>, vector<16xf32>,
        %mul3A_1162 = arith.constant 16 : i32
        %mul3A_1163 = arith.muli %scan3A_973, %mul3A_1162 : i32
        %get3A_1164 = arith.constant 9 : i32
        %get3A_1165 = arith.index_cast %rem3A_287 : i32 to index
        %get3A_1166 = arith.index_cast %get3A_1164 : i32 to index
        %get3A_1167 = arith.index_cast %mul3A_1163 : i32 to index
        %get3A_1168 = tpu.vector_load %arg9[%get3A_1165, %get3A_1166, %get3A_1167] {strides = array<i32>} : memref<3x64x256xf32, #tpu.memory_space<vmem>>, vector<16xf32>,
        %max3A_1169 = arith.maximumf %get3A_1161, %get3A_1168 : vector<16xf32>
        %mul3A_1170 = arith.constant 16 : i32
        %mul3A_1171 = arith.muli %scan3A_973, %mul3A_1170 : i32
        %get3A_1172 = arith.constant 10 : i32
        %get3A_1173 = arith.index_cast %rem3A_287 : i32 to index
        %get3A_1174 = arith.index_cast %get3A_1172 : i32 to index
        %get3A_1175 = arith.index_cast %mul3A_1171 : i32 to index
        %get3A_1176 = tpu.vector_load %arg9[%get3A_1173, %get3A_1174, %get3A_1175] {strides = array<i32>} : memref<3x64x256xf32, #tpu.memory_space<vmem>>, vector<16xf32>,
        %max3A_1177 = arith.maximumf %max3A_1169, %get3A_1176 : vector<16xf32>
        %mul3A_1178 = arith.constant 16 : i32
        %mul3A_1179 = arith.muli %scan3A_973, %mul3A_1178 : i32
        %get3A_1180 = arith.constant 11 : i32
        %get3A_1181 = arith.index_cast %rem3A_287 : i32 to index
        %get3A_1182 = arith.index_cast %get3A_1180 : i32 to index
        %get3A_1183 = arith.index_cast %mul3A_1179 : i32 to index
        %get3A_1184 = tpu.vector_load %arg9[%get3A_1181, %get3A_1182, %get3A_1183] {strides = array<i32>} : memref<3x64x256xf32, #tpu.memory_space<vmem>>, vector<16xf32>,
        %max3A_1185 = arith.maximumf %max3A_1177, %get3A_1184 : vector<16xf32>
        %mul3A_1186 = arith.constant 16 : i32
        %mul3A_1187 = arith.muli %scan3A_973, %mul3A_1186 : i32
        %get3A_1188 = arith.constant 12 : i32
        %get3A_1189 = arith.index_cast %rem3A_287 : i32 to index
        %get3A_1190 = arith.index_cast %get3A_1188 : i32 to index
        %get3A_1191 = arith.index_cast %mul3A_1187 : i32 to index
        %get3A_1192 = tpu.vector_load %arg9[%get3A_1189, %get3A_1190, %get3A_1191] {strides = array<i32>} : memref<3x64x256xf32, #tpu.memory_space<vmem>>, vector<16xf32>,
        %max3A_1193 = arith.maximumf %max3A_1185, %get3A_1192 : vector<16xf32>
        %mul3A_1194 = arith.constant 16 : i32
        %mul3A_1195 = arith.muli %scan3A_973, %mul3A_1194 : i32
        %get3A_1196 = arith.constant 13 : i32
        %get3A_1197 = arith.index_cast %rem3A_287 : i32 to index
        %get3A_1198 = arith.index_cast %get3A_1196 : i32 to index
        %get3A_1199 = arith.index_cast %mul3A_1195 : i32 to index
        %get3A_1200 = tpu.vector_load %arg9[%get3A_1197, %get3A_1198, %get3A_1199] {strides = array<i32>} : memref<3x64x256xf32, #tpu.memory_space<vmem>>, vector<16xf32>,
        %max3A_1201 = arith.maximumf %max3A_1193, %get3A_1200 : vector<16xf32>
        %mul3A_1202 = arith.constant 16 : i32
        %mul3A_1203 = arith.muli %scan3A_973, %mul3A_1202 : i32
        %get3A_1204 = arith.constant 14 : i32
        %get3A_1205 = arith.index_cast %rem3A_287 : i32 to index
        %get3A_1206 = arith.index_cast %get3A_1204 : i32 to index
        %get3A_1207 = arith.index_cast %mul3A_1203 : i32 to index
        %get3A_1208 = tpu.vector_load %arg9[%get3A_1205, %get3A_1206, %get3A_1207] {strides = array<i32>} : memref<3x64x256xf32, #tpu.memory_space<vmem>>, vector<16xf32>,
        %max3A_1209 = arith.maximumf %max3A_1201, %get3A_1208 : vector<16xf32>
        %mul3A_1210 = arith.constant 16 : i32
        %mul3A_1211 = arith.muli %scan3A_973, %mul3A_1210 : i32
        %get3A_1212 = arith.constant 15 : i32
        %get3A_1213 = arith.index_cast %rem3A_287 : i32 to index
        %get3A_1214 = arith.index_cast %get3A_1212 : i32 to index
        %get3A_1215 = arith.index_cast %mul3A_1211 : i32 to index
        %get3A_1216 = tpu.vector_load %arg9[%get3A_1213, %get3A_1214, %get3A_1215] {strides = array<i32>} : memref<3x64x256xf32, #tpu.memory_space<vmem>>, vector<16xf32>,
        %max3A_1217 = arith.maximumf %max3A_1209, %get3A_1216 : vector<16xf32>
        %add3A_1218 = arith.constant 512 : i32
        %add3A_1219 = arith.addi %add3A_1218, %add3A_1018 : i32
        %swap3A_1220 = arith.index_cast %rem3A_287 : i32 to index
        %swap3A_1221 = arith.index_cast %add3A_1219 : i32 to index
        %swap3A_1222 = tpu.vector_load %arg10[%swap3A_1220, %swap3A_1221] {strides = array<i32>} : memref<3x2048xf32, #tpu.memory_space<vmem>>, vector<16xf32>,
        tpu.vector_store %arg10[%swap3A_1220, %swap3A_1221], %max3A_1217 {strides = array<i32>} : memref<3x2048xf32, #tpu.memory_space<vmem>>, vector<16xf32>,
        %mul3A_1223 = arith.constant 16 : i32
        %mul3A_1224 = arith.muli %scan3A_973, %mul3A_1223 : i32
        %get3A_1225 = arith.constant 40 : i32
        %get3A_1226 = arith.index_cast %rem3A_287 : i32 to index
        %get3A_1227 = arith.index_cast %get3A_1225 : i32 to index
        %get3A_1228 = arith.index_cast %mul3A_1224 : i32 to index
        %get3A_1229 = tpu.vector_load %arg9[%get3A_1226, %get3A_1227, %get3A_1228] {strides = array<i32>} : memref<3x64x256xf32, #tpu.memory_space<vmem>>, vector<16xf32>,
        %mul3A_1230 = arith.constant 16 : i32
        %mul3A_1231 = arith.muli %scan3A_973, %mul3A_1230 : i32
        %get3A_1232 = arith.constant 41 : i32
        %get3A_1233 = arith.index_cast %rem3A_287 : i32 to index
        %get3A_1234 = arith.index_cast %get3A_1232 : i32 to index
        %get3A_1235 = arith.index_cast %mul3A_1231 : i32 to index
        %get3A_1236 = tpu.vector_load %arg9[%get3A_1233, %get3A_1234, %get3A_1235] {strides = array<i32>} : memref<3x64x256xf32, #tpu.memory_space<vmem>>, vector<16xf32>,
        %max3A_1237 = arith.maximumf %get3A_1229, %get3A_1236 : vector<16xf32>
        %mul3A_1238 = arith.constant 16 : i32
        %mul3A_1239 = arith.muli %scan3A_973, %mul3A_1238 : i32
        %get3A_1240 = arith.constant 42 : i32
        %get3A_1241 = arith.index_cast %rem3A_287 : i32 to index
        %get3A_1242 = arith.index_cast %get3A_1240 : i32 to index
        %get3A_1243 = arith.index_cast %mul3A_1239 : i32 to index
        %get3A_1244 = tpu.vector_load %arg9[%get3A_1241, %get3A_1242, %get3A_1243] {strides = array<i32>} : memref<3x64x256xf32, #tpu.memory_space<vmem>>, vector<16xf32>,
        %max3A_1245 = arith.maximumf %max3A_1237, %get3A_1244 : vector<16xf32>
        %mul3A_1246 = arith.constant 16 : i32
        %mul3A_1247 = arith.muli %scan3A_973, %mul3A_1246 : i32
        %get3A_1248 = arith.constant 43 : i32
        %get3A_1249 = arith.index_cast %rem3A_287 : i32 to index
        %get3A_1250 = arith.index_cast %get3A_1248 : i32 to index
        %get3A_1251 = arith.index_cast %mul3A_1247 : i32 to index
        %get3A_1252 = tpu.vector_load %arg9[%get3A_1249, %get3A_1250, %get3A_1251] {strides = array<i32>} : memref<3x64x256xf32, #tpu.memory_space<vmem>>, vector<16xf32>,
        %max3A_1253 = arith.maximumf %max3A_1245, %get3A_1252 : vector<16xf32>
        %mul3A_1254 = arith.constant 16 : i32
        %mul3A_1255 = arith.muli %scan3A_973, %mul3A_1254 : i32
        %get3A_1256 = arith.constant 44 : i32
        %get3A_1257 = arith.index_cast %rem3A_287 : i32 to index
        %get3A_1258 = arith.index_cast %get3A_1256 : i32 to index
        %get3A_1259 = arith.index_cast %mul3A_1255 : i32 to index
        %get3A_1260 = tpu.vector_load %arg9[%get3A_1257, %get3A_1258, %get3A_1259] {strides = array<i32>} : memref<3x64x256xf32, #tpu.memory_space<vmem>>, vector<16xf32>,
        %max3A_1261 = arith.maximumf %max3A_1253, %get3A_1260 : vector<16xf32>
        %mul3A_1262 = arith.constant 16 : i32
        %mul3A_1263 = arith.muli %scan3A_973, %mul3A_1262 : i32
        %get3A_1264 = arith.constant 45 : i32
        %get3A_1265 = arith.index_cast %rem3A_287 : i32 to index
        %get3A_1266 = arith.index_cast %get3A_1264 : i32 to index
        %get3A_1267 = arith.index_cast %mul3A_1263 : i32 to index
        %get3A_1268 = tpu.vector_load %arg9[%get3A_1265, %get3A_1266, %get3A_1267] {strides = array<i32>} : memref<3x64x256xf32, #tpu.memory_space<vmem>>, vector<16xf32>,
        %max3A_1269 = arith.maximumf %max3A_1261, %get3A_1268 : vector<16xf32>
        %mul3A_1270 = arith.constant 16 : i32
        %mul3A_1271 = arith.muli %scan3A_973, %mul3A_1270 : i32
        %get3A_1272 = arith.constant 46 : i32
        %get3A_1273 = arith.index_cast %rem3A_287 : i32 to index
        %get3A_1274 = arith.index_cast %get3A_1272 : i32 to index
        %get3A_1275 = arith.index_cast %mul3A_1271 : i32 to index
        %get3A_1276 = tpu.vector_load %arg9[%get3A_1273, %get3A_1274, %get3A_1275] {strides = array<i32>} : memref<3x64x256xf32, #tpu.memory_space<vmem>>, vector<16xf32>,
        %max3A_1277 = arith.maximumf %max3A_1269, %get3A_1276 : vector<16xf32>
        %mul3A_1278 = arith.constant 16 : i32
        %mul3A_1279 = arith.muli %scan3A_973, %mul3A_1278 : i32
        %get3A_1280 = arith.constant 47 : i32
        %get3A_1281 = arith.index_cast %rem3A_287 : i32 to index
        %get3A_1282 = arith.index_cast %get3A_1280 : i32 to index
        %get3A_1283 = arith.index_cast %mul3A_1279 : i32 to index
        %get3A_1284 = tpu.vector_load %arg9[%get3A_1281, %get3A_1282, %get3A_1283] {strides = array<i32>} : memref<3x64x256xf32, #tpu.memory_space<vmem>>, vector<16xf32>,
        %max3A_1285 = arith.maximumf %max3A_1277, %get3A_1284 : vector<16xf32>
        %add3A_1286 = arith.constant 640 : i32
        %add3A_1287 = arith.addi %add3A_1286, %add3A_1018 : i32
        %swap3A_1288 = arith.index_cast %rem3A_287 : i32 to index
        %swap3A_1289 = arith.index_cast %add3A_1287 : i32 to index
        %swap3A_1290 = tpu.vector_load %arg10[%swap3A_1288, %swap3A_1289] {strides = array<i32>} : memref<3x2048xf32, #tpu.memory_space<vmem>>, vector<16xf32>,
        tpu.vector_store %arg10[%swap3A_1288, %swap3A_1289], %max3A_1285 {strides = array<i32>} : memref<3x2048xf32, #tpu.memory_space<vmem>>, vector<16xf32>,
        %mul3A_1291 = arith.constant 16 : i32
        %mul3A_1292 = arith.muli %scan3A_973, %mul3A_1291 : i32
        %get3A_1293 = arith.constant 16 : i32
        %get3A_1294 = arith.index_cast %rem3A_287 : i32 to index
        %get3A_1295 = arith.index_cast %get3A_1293 : i32 to index
        %get3A_1296 = arith.index_cast %mul3A_1292 : i32 to index
        %get3A_1297 = tpu.vector_load %arg9[%get3A_1294, %get3A_1295, %get3A_1296] {strides = array<i32>} : memref<3x64x256xf32, #tpu.memory_space<vmem>>, vector<16xf32>,
        %mul3A_1298 = arith.constant 16 : i32
        %mul3A_1299 = arith.muli %scan3A_973, %mul3A_1298 : i32
        %get3A_1300 = arith.constant 17 : i32
        %get3A_1301 = arith.index_cast %rem3A_287 : i32 to index
        %get3A_1302 = arith.index_cast %get3A_1300 : i32 to index
        %get3A_1303 = arith.index_cast %mul3A_1299 : i32 to index
        %get3A_1304 = tpu.vector_load %arg9[%get3A_1301, %get3A_1302, %get3A_1303] {strides = array<i32>} : memref<3x64x256xf32, #tpu.memory_space<vmem>>, vector<16xf32>,
        %max3A_1305 = arith.maximumf %get3A_1297, %get3A_1304 : vector<16xf32>
        %mul3A_1306 = arith.constant 16 : i32
        %mul3A_1307 = arith.muli %scan3A_973, %mul3A_1306 : i32
        %get3A_1308 = arith.constant 18 : i32
        %get3A_1309 = arith.index_cast %rem3A_287 : i32 to index
        %get3A_1310 = arith.index_cast %get3A_1308 : i32 to index
        %get3A_1311 = arith.index_cast %mul3A_1307 : i32 to index
        %get3A_1312 = tpu.vector_load %arg9[%get3A_1309, %get3A_1310, %get3A_1311] {strides = array<i32>} : memref<3x64x256xf32, #tpu.memory_space<vmem>>, vector<16xf32>,
        %max3A_1313 = arith.maximumf %max3A_1305, %get3A_1312 : vector<16xf32>
        %mul3A_1314 = arith.constant 16 : i32
        %mul3A_1315 = arith.muli %scan3A_973, %mul3A_1314 : i32
        %get3A_1316 = arith.constant 19 : i32
        %get3A_1317 = arith.index_cast %rem3A_287 : i32 to index
        %get3A_1318 = arith.index_cast %get3A_1316 : i32 to index
        %get3A_1319 = arith.index_cast %mul3A_1315 : i32 to index
        %get3A_1320 = tpu.vector_load %arg9[%get3A_1317, %get3A_1318, %get3A_1319] {strides = array<i32>} : memref<3x64x256xf32, #tpu.memory_space<vmem>>, vector<16xf32>,
        %max3A_1321 = arith.maximumf %max3A_1313, %get3A_1320 : vector<16xf32>
        %mul3A_1322 = arith.constant 16 : i32
        %mul3A_1323 = arith.muli %scan3A_973, %mul3A_1322 : i32
        %get3A_1324 = arith.constant 20 : i32
        %get3A_1325 = arith.index_cast %rem3A_287 : i32 to index
        %get3A_1326 = arith.index_cast %get3A_1324 : i32 to index
        %get3A_1327 = arith.index_cast %mul3A_1323 : i32 to index
        %get3A_1328 = tpu.vector_load %arg9[%get3A_1325, %get3A_1326, %get3A_1327] {strides = array<i32>} : memref<3x64x256xf32, #tpu.memory_space<vmem>>, vector<16xf32>,
        %max3A_1329 = arith.maximumf %max3A_1321, %get3A_1328 : vector<16xf32>
        %mul3A_1330 = arith.constant 16 : i32
        %mul3A_1331 = arith.muli %scan3A_973, %mul3A_1330 : i32
        %get3A_1332 = arith.constant 21 : i32
        %get3A_1333 = arith.index_cast %rem3A_287 : i32 to index
        %get3A_1334 = arith.index_cast %get3A_1332 : i32 to index
        %get3A_1335 = arith.index_cast %mul3A_1331 : i32 to index
        %get3A_1336 = tpu.vector_load %arg9[%get3A_1333, %get3A_1334, %get3A_1335] {strides = array<i32>} : memref<3x64x256xf32, #tpu.memory_space<vmem>>, vector<16xf32>,
        %max3A_1337 = arith.maximumf %max3A_1329, %get3A_1336 : vector<16xf32>
        %mul3A_1338 = arith.constant 16 : i32
        %mul3A_1339 = arith.muli %scan3A_973, %mul3A_1338 : i32
        %get3A_1340 = arith.constant 22 : i32
        %get3A_1341 = arith.index_cast %rem3A_287 : i32 to index
        %get3A_1342 = arith.index_cast %get3A_1340 : i32 to index
        %get3A_1343 = arith.index_cast %mul3A_1339 : i32 to index
        %get3A_1344 = tpu.vector_load %arg9[%get3A_1341, %get3A_1342, %get3A_1343] {strides = array<i32>} : memref<3x64x256xf32, #tpu.memory_space<vmem>>, vector<16xf32>,
        %max3A_1345 = arith.maximumf %max3A_1337, %get3A_1344 : vector<16xf32>
        %mul3A_1346 = arith.constant 16 : i32
        %mul3A_1347 = arith.muli %scan3A_973, %mul3A_1346 : i32
        %get3A_1348 = arith.constant 23 : i32
        %get3A_1349 = arith.index_cast %rem3A_287 : i32 to index
        %get3A_1350 = arith.index_cast %get3A_1348 : i32 to index
        %get3A_1351 = arith.index_cast %mul3A_1347 : i32 to index
        %get3A_1352 = tpu.vector_load %arg9[%get3A_1349, %get3A_1350, %get3A_1351] {strides = array<i32>} : memref<3x64x256xf32, #tpu.memory_space<vmem>>, vector<16xf32>,
        %max3A_1353 = arith.maximumf %max3A_1345, %get3A_1352 : vector<16xf32>
        %add3A_1354 = arith.constant 1024 : i32
        %add3A_1355 = arith.addi %add3A_1354, %add3A_1018 : i32
        %swap3A_1356 = arith.index_cast %rem3A_287 : i32 to index
        %swap3A_1357 = arith.index_cast %add3A_1355 : i32 to index
        %swap3A_1358 = tpu.vector_load %arg10[%swap3A_1356, %swap3A_1357] {strides = array<i32>} : memref<3x2048xf32, #tpu.memory_space<vmem>>, vector<16xf32>,
        tpu.vector_store %arg10[%swap3A_1356, %swap3A_1357], %max3A_1353 {strides = array<i32>} : memref<3x2048xf32, #tpu.memory_space<vmem>>, vector<16xf32>,
        %mul3A_1359 = arith.constant 16 : i32
        %mul3A_1360 = arith.muli %scan3A_973, %mul3A_1359 : i32
        %get3A_1361 = arith.constant 48 : i32
        %get3A_1362 = arith.index_cast %rem3A_287 : i32 to index
        %get3A_1363 = arith.index_cast %get3A_1361 : i32 to index
        %get3A_1364 = arith.index_cast %mul3A_1360 : i32 to index
        %get3A_1365 = tpu.vector_load %arg9[%get3A_1362, %get3A_1363, %get3A_1364] {strides = array<i32>} : memref<3x64x256xf32, #tpu.memory_space<vmem>>, vector<16xf32>,
        %mul3A_1366 = arith.constant 16 : i32
        %mul3A_1367 = arith.muli %scan3A_973, %mul3A_1366 : i32
        %get3A_1368 = arith.constant 49 : i32
        %get3A_1369 = arith.index_cast %rem3A_287 : i32 to index
        %get3A_1370 = arith.index_cast %get3A_1368 : i32 to index
        %get3A_1371 = arith.index_cast %mul3A_1367 : i32 to index
        %get3A_1372 = tpu.vector_load %arg9[%get3A_1369, %get3A_1370, %get3A_1371] {strides = array<i32>} : memref<3x64x256xf32, #tpu.memory_space<vmem>>, vector<16xf32>,
        %max3A_1373 = arith.maximumf %get3A_1365, %get3A_1372 : vector<16xf32>
        %mul3A_1374 = arith.constant 16 : i32
        %mul3A_1375 = arith.muli %scan3A_973, %mul3A_1374 : i32
        %get3A_1376 = arith.constant 50 : i32
        %get3A_1377 = arith.index_cast %rem3A_287 : i32 to index
        %get3A_1378 = arith.index_cast %get3A_1376 : i32 to index
        %get3A_1379 = arith.index_cast %mul3A_1375 : i32 to index
        %get3A_1380 = tpu.vector_load %arg9[%get3A_1377, %get3A_1378, %get3A_1379] {strides = array<i32>} : memref<3x64x256xf32, #tpu.memory_space<vmem>>, vector<16xf32>,
        %max3A_1381 = arith.maximumf %max3A_1373, %get3A_1380 : vector<16xf32>
        %mul3A_1382 = arith.constant 16 : i32
        %mul3A_1383 = arith.muli %scan3A_973, %mul3A_1382 : i32
        %get3A_1384 = arith.constant 51 : i32
        %get3A_1385 = arith.index_cast %rem3A_287 : i32 to index
        %get3A_1386 = arith.index_cast %get3A_1384 : i32 to index
        %get3A_1387 = arith.index_cast %mul3A_1383 : i32 to index
        %get3A_1388 = tpu.vector_load %arg9[%get3A_1385, %get3A_1386, %get3A_1387] {strides = array<i32>} : memref<3x64x256xf32, #tpu.memory_space<vmem>>, vector<16xf32>,
        %max3A_1389 = arith.maximumf %max3A_1381, %get3A_1388 : vector<16xf32>
        %mul3A_1390 = arith.constant 16 : i32
        %mul3A_1391 = arith.muli %scan3A_973, %mul3A_1390 : i32
        %get3A_1392 = arith.constant 52 : i32
        %get3A_1393 = arith.index_cast %rem3A_287 : i32 to index
        %get3A_1394 = arith.index_cast %get3A_1392 : i32 to index
        %get3A_1395 = arith.index_cast %mul3A_1391 : i32 to index
        %get3A_1396 = tpu.vector_load %arg9[%get3A_1393, %get3A_1394, %get3A_1395] {strides = array<i32>} : memref<3x64x256xf32, #tpu.memory_space<vmem>>, vector<16xf32>,
        %max3A_1397 = arith.maximumf %max3A_1389, %get3A_1396 : vector<16xf32>
        %mul3A_1398 = arith.constant 16 : i32
        %mul3A_1399 = arith.muli %scan3A_973, %mul3A_1398 : i32
        %get3A_1400 = arith.constant 53 : i32
        %get3A_1401 = arith.index_cast %rem3A_287 : i32 to index
        %get3A_1402 = arith.index_cast %get3A_1400 : i32 to index
        %get3A_1403 = arith.index_cast %mul3A_1399 : i32 to index
        %get3A_1404 = tpu.vector_load %arg9[%get3A_1401, %get3A_1402, %get3A_1403] {strides = array<i32>} : memref<3x64x256xf32, #tpu.memory_space<vmem>>, vector<16xf32>,
        %max3A_1405 = arith.maximumf %max3A_1397, %get3A_1404 : vector<16xf32>
        %mul3A_1406 = arith.constant 16 : i32
        %mul3A_1407 = arith.muli %scan3A_973, %mul3A_1406 : i32
        %get3A_1408 = arith.constant 54 : i32
        %get3A_1409 = arith.index_cast %rem3A_287 : i32 to index
        %get3A_1410 = arith.index_cast %get3A_1408 : i32 to index
        %get3A_1411 = arith.index_cast %mul3A_1407 : i32 to index
        %get3A_1412 = tpu.vector_load %arg9[%get3A_1409, %get3A_1410, %get3A_1411] {strides = array<i32>} : memref<3x64x256xf32, #tpu.memory_space<vmem>>, vector<16xf32>,
        %max3A_1413 = arith.maximumf %max3A_1405, %get3A_1412 : vector<16xf32>
        %mul3A_1414 = arith.constant 16 : i32
        %mul3A_1415 = arith.muli %scan3A_973, %mul3A_1414 : i32
        %get3A_1416 = arith.constant 55 : i32
        %get3A_1417 = arith.index_cast %rem3A_287 : i32 to index
        %get3A_1418 = arith.index_cast %get3A_1416 : i32 to index
        %get3A_1419 = arith.index_cast %mul3A_1415 : i32 to index
        %get3A_1420 = tpu.vector_load %arg9[%get3A_1417, %get3A_1418, %get3A_1419] {strides = array<i32>} : memref<3x64x256xf32, #tpu.memory_space<vmem>>, vector<16xf32>,
        %max3A_1421 = arith.maximumf %max3A_1413, %get3A_1420 : vector<16xf32>
        %add3A_1422 = arith.constant 1152 : i32
        %add3A_1423 = arith.addi %add3A_1422, %add3A_1018 : i32
        %swap3A_1424 = arith.index_cast %rem3A_287 : i32 to index
        %swap3A_1425 = arith.index_cast %add3A_1423 : i32 to index
        %swap3A_1426 = tpu.vector_load %arg10[%swap3A_1424, %swap3A_1425] {strides = array<i32>} : memref<3x2048xf32, #tpu.memory_space<vmem>>, vector<16xf32>,
        tpu.vector_store %arg10[%swap3A_1424, %swap3A_1425], %max3A_1421 {strides = array<i32>} : memref<3x2048xf32, #tpu.memory_space<vmem>>, vector<16xf32>,
        %mul3A_1427 = arith.constant 16 : i32
        %mul3A_1428 = arith.muli %scan3A_973, %mul3A_1427 : i32
        %get3A_1429 = arith.constant 24 : i32
        %get3A_1430 = arith.index_cast %rem3A_287 : i32 to index
        %get3A_1431 = arith.index_cast %get3A_1429 : i32 to index
        %get3A_1432 = arith.index_cast %mul3A_1428 : i32 to index
        %get3A_1433 = tpu.vector_load %arg9[%get3A_1430, %get3A_1431, %get3A_1432] {strides = array<i32>} : memref<3x64x256xf32, #tpu.memory_space<vmem>>, vector<16xf32>,
        %mul3A_1434 = arith.constant 16 : i32
        %mul3A_1435 = arith.muli %scan3A_973, %mul3A_1434 : i32
        %get3A_1436 = arith.constant 25 : i32
        %get3A_1437 = arith.index_cast %rem3A_287 : i32 to index
        %get3A_1438 = arith.index_cast %get3A_1436 : i32 to index
        %get3A_1439 = arith.index_cast %mul3A_1435 : i32 to index
        %get3A_1440 = tpu.vector_load %arg9[%get3A_1437, %get3A_1438, %get3A_1439] {strides = array<i32>} : memref<3x64x256xf32, #tpu.memory_space<vmem>>, vector<16xf32>,
        %max3A_1441 = arith.maximumf %get3A_1433, %get3A_1440 : vector<16xf32>
        %mul3A_1442 = arith.constant 16 : i32
        %mul3A_1443 = arith.muli %scan3A_973, %mul3A_1442 : i32
        %get3A_1444 = arith.constant 26 : i32
        %get3A_1445 = arith.index_cast %rem3A_287 : i32 to index
        %get3A_1446 = arith.index_cast %get3A_1444 : i32 to index
        %get3A_1447 = arith.index_cast %mul3A_1443 : i32 to index
        %get3A_1448 = tpu.vector_load %arg9[%get3A_1445, %get3A_1446, %get3A_1447] {strides = array<i32>} : memref<3x64x256xf32, #tpu.memory_space<vmem>>, vector<16xf32>,
        %max3A_1449 = arith.maximumf %max3A_1441, %get3A_1448 : vector<16xf32>
        %mul3A_1450 = arith.constant 16 : i32
        %mul3A_1451 = arith.muli %scan3A_973, %mul3A_1450 : i32
        %get3A_1452 = arith.constant 27 : i32
        %get3A_1453 = arith.index_cast %rem3A_287 : i32 to index
        %get3A_1454 = arith.index_cast %get3A_1452 : i32 to index
        %get3A_1455 = arith.index_cast %mul3A_1451 : i32 to index
        %get3A_1456 = tpu.vector_load %arg9[%get3A_1453, %get3A_1454, %get3A_1455] {strides = array<i32>} : memref<3x64x256xf32, #tpu.memory_space<vmem>>, vector<16xf32>,
        %max3A_1457 = arith.maximumf %max3A_1449, %get3A_1456 : vector<16xf32>
        %mul3A_1458 = arith.constant 16 : i32
        %mul3A_1459 = arith.muli %scan3A_973, %mul3A_1458 : i32
        %get3A_1460 = arith.constant 28 : i32
        %get3A_1461 = arith.index_cast %rem3A_287 : i32 to index
        %get3A_1462 = arith.index_cast %get3A_1460 : i32 to index
        %get3A_1463 = arith.index_cast %mul3A_1459 : i32 to index
        %get3A_1464 = tpu.vector_load %arg9[%get3A_1461, %get3A_1462, %get3A_1463] {strides = array<i32>} : memref<3x64x256xf32, #tpu.memory_space<vmem>>, vector<16xf32>,
        %max3A_1465 = arith.maximumf %max3A_1457, %get3A_1464 : vector<16xf32>
        %mul3A_1466 = arith.constant 16 : i32
        %mul3A_1467 = arith.muli %scan3A_973, %mul3A_1466 : i32
        %get3A_1468 = arith.constant 29 : i32
        %get3A_1469 = arith.index_cast %rem3A_287 : i32 to index
        %get3A_1470 = arith.index_cast %get3A_1468 : i32 to index
        %get3A_1471 = arith.index_cast %mul3A_1467 : i32 to index
        %get3A_1472 = tpu.vector_load %arg9[%get3A_1469, %get3A_1470, %get3A_1471] {strides = array<i32>} : memref<3x64x256xf32, #tpu.memory_space<vmem>>, vector<16xf32>,
        %max3A_1473 = arith.maximumf %max3A_1465, %get3A_1472 : vector<16xf32>
        %mul3A_1474 = arith.constant 16 : i32
        %mul3A_1475 = arith.muli %scan3A_973, %mul3A_1474 : i32
        %get3A_1476 = arith.constant 30 : i32
        %get3A_1477 = arith.index_cast %rem3A_287 : i32 to index
        %get3A_1478 = arith.index_cast %get3A_1476 : i32 to index
        %get3A_1479 = arith.index_cast %mul3A_1475 : i32 to index
        %get3A_1480 = tpu.vector_load %arg9[%get3A_1477, %get3A_1478, %get3A_1479] {strides = array<i32>} : memref<3x64x256xf32, #tpu.memory_space<vmem>>, vector<16xf32>,
        %max3A_1481 = arith.maximumf %max3A_1473, %get3A_1480 : vector<16xf32>
        %mul3A_1482 = arith.constant 16 : i32
        %mul3A_1483 = arith.muli %scan3A_973, %mul3A_1482 : i32
        %get3A_1484 = arith.constant 31 : i32
        %get3A_1485 = arith.index_cast %rem3A_287 : i32 to index
        %get3A_1486 = arith.index_cast %get3A_1484 : i32 to index
        %get3A_1487 = arith.index_cast %mul3A_1483 : i32 to index
        %get3A_1488 = tpu.vector_load %arg9[%get3A_1485, %get3A_1486, %get3A_1487] {strides = array<i32>} : memref<3x64x256xf32, #tpu.memory_space<vmem>>, vector<16xf32>,
        %max3A_1489 = arith.maximumf %max3A_1481, %get3A_1488 : vector<16xf32>
        %add3A_1490 = arith.constant 1536 : i32
        %add3A_1491 = arith.addi %add3A_1490, %add3A_1018 : i32
        %swap3A_1492 = arith.index_cast %rem3A_287 : i32 to index
        %swap3A_1493 = arith.index_cast %add3A_1491 : i32 to index
        %swap3A_1494 = tpu.vector_load %arg10[%swap3A_1492, %swap3A_1493] {strides = array<i32>} : memref<3x2048xf32, #tpu.memory_space<vmem>>, vector<16xf32>,
        tpu.vector_store %arg10[%swap3A_1492, %swap3A_1493], %max3A_1489 {strides = array<i32>} : memref<3x2048xf32, #tpu.memory_space<vmem>>, vector<16xf32>,
        %mul3A_1495 = arith.constant 16 : i32
        %mul3A_1496 = arith.muli %scan3A_973, %mul3A_1495 : i32
        %get3A_1497 = arith.constant 56 : i32
        %get3A_1498 = arith.index_cast %rem3A_287 : i32 to index
        %get3A_1499 = arith.index_cast %get3A_1497 : i32 to index
        %get3A_1500 = arith.index_cast %mul3A_1496 : i32 to index
        %get3A_1501 = tpu.vector_load %arg9[%get3A_1498, %get3A_1499, %get3A_1500] {strides = array<i32>} : memref<3x64x256xf32, #tpu.memory_space<vmem>>, vector<16xf32>,
        %mul3A_1502 = arith.constant 16 : i32
        %mul3A_1503 = arith.muli %scan3A_973, %mul3A_1502 : i32
        %get3A_1504 = arith.constant 57 : i32
        %get3A_1505 = arith.index_cast %rem3A_287 : i32 to index
        %get3A_1506 = arith.index_cast %get3A_1504 : i32 to index
        %get3A_1507 = arith.index_cast %mul3A_1503 : i32 to index
        %get3A_1508 = tpu.vector_load %arg9[%get3A_1505, %get3A_1506, %get3A_1507] {strides = array<i32>} : memref<3x64x256xf32, #tpu.memory_space<vmem>>, vector<16xf32>,
        %max3A_1509 = arith.maximumf %get3A_1501, %get3A_1508 : vector<16xf32>
        %mul3A_1510 = arith.constant 16 : i32
        %mul3A_1511 = arith.muli %scan3A_973, %mul3A_1510 : i32
        %get3A_1512 = arith.constant 58 : i32
        %get3A_1513 = arith.index_cast %rem3A_287 : i32 to index
        %get3A_1514 = arith.index_cast %get3A_1512 : i32 to index
        %get3A_1515 = arith.index_cast %mul3A_1511 : i32 to index
        %get3A_1516 = tpu.vector_load %arg9[%get3A_1513, %get3A_1514, %get3A_1515] {strides = array<i32>} : memref<3x64x256xf32, #tpu.memory_space<vmem>>, vector<16xf32>,
        %max3A_1517 = arith.maximumf %max3A_1509, %get3A_1516 : vector<16xf32>
        %mul3A_1518 = arith.constant 16 : i32
        %mul3A_1519 = arith.muli %scan3A_973, %mul3A_1518 : i32
        %get3A_1520 = arith.constant 59 : i32
        %get3A_1521 = arith.index_cast %rem3A_287 : i32 to index
        %get3A_1522 = arith.index_cast %get3A_1520 : i32 to index
        %get3A_1523 = arith.index_cast %mul3A_1519 : i32 to index
        %get3A_1524 = tpu.vector_load %arg9[%get3A_1521, %get3A_1522, %get3A_1523] {strides = array<i32>} : memref<3x64x256xf32, #tpu.memory_space<vmem>>, vector<16xf32>,
        %max3A_1525 = arith.maximumf %max3A_1517, %get3A_1524 : vector<16xf32>
        %mul3A_1526 = arith.constant 16 : i32
        %mul3A_1527 = arith.muli %scan3A_973, %mul3A_1526 : i32
        %get3A_1528 = arith.constant 60 : i32
        %get3A_1529 = arith.index_cast %rem3A_287 : i32 to index
        %get3A_1530 = arith.index_cast %get3A_1528 : i32 to index
        %get3A_1531 = arith.index_cast %mul3A_1527 : i32 to index
        %get3A_1532 = tpu.vector_load %arg9[%get3A_1529, %get3A_1530, %get3A_1531] {strides = array<i32>} : memref<3x64x256xf32, #tpu.memory_space<vmem>>, vector<16xf32>,
        %max3A_1533 = arith.maximumf %max3A_1525, %get3A_1532 : vector<16xf32>
        %mul3A_1534 = arith.constant 16 : i32
        %mul3A_1535 = arith.muli %scan3A_973, %mul3A_1534 : i32
        %get3A_1536 = arith.constant 61 : i32
        %get3A_1537 = arith.index_cast %rem3A_287 : i32 to index
        %get3A_1538 = arith.index_cast %get3A_1536 : i32 to index
        %get3A_1539 = arith.index_cast %mul3A_1535 : i32 to index
        %get3A_1540 = tpu.vector_load %arg9[%get3A_1537, %get3A_1538, %get3A_1539] {strides = array<i32>} : memref<3x64x256xf32, #tpu.memory_space<vmem>>, vector<16xf32>,
        %max3A_1541 = arith.maximumf %max3A_1533, %get3A_1540 : vector<16xf32>
        %mul3A_1542 = arith.constant 16 : i32
        %mul3A_1543 = arith.muli %scan3A_973, %mul3A_1542 : i32
        %get3A_1544 = arith.constant 62 : i32
        %get3A_1545 = arith.index_cast %rem3A_287 : i32 to index
        %get3A_1546 = arith.index_cast %get3A_1544 : i32 to index
        %get3A_1547 = arith.index_cast %mul3A_1543 : i32 to index
        %get3A_1548 = tpu.vector_load %arg9[%get3A_1545, %get3A_1546, %get3A_1547] {strides = array<i32>} : memref<3x64x256xf32, #tpu.memory_space<vmem>>, vector<16xf32>,
        %max3A_1549 = arith.maximumf %max3A_1541, %get3A_1548 : vector<16xf32>
        %mul3A_1550 = arith.constant 16 : i32
        %mul3A_1551 = arith.muli %scan3A_973, %mul3A_1550 : i32
        %get3A_1552 = arith.constant 63 : i32
        %get3A_1553 = arith.index_cast %rem3A_287 : i32 to index
        %get3A_1554 = arith.index_cast %get3A_1552 : i32 to index
        %get3A_1555 = arith.index_cast %mul3A_1551 : i32 to index
        %get3A_1556 = tpu.vector_load %arg9[%get3A_1553, %get3A_1554, %get3A_1555] {strides = array<i32>} : memref<3x64x256xf32, #tpu.memory_space<vmem>>, vector<16xf32>,
        %max3A_1557 = arith.maximumf %max3A_1549, %get3A_1556 : vector<16xf32>
        %add3A_1558 = arith.constant 1664 : i32
        %add3A_1559 = arith.addi %add3A_1558, %add3A_1018 : i32
        %swap3A_1560 = arith.index_cast %rem3A_287 : i32 to index
        %swap3A_1561 = arith.index_cast %add3A_1559 : i32 to index
        %swap3A_1562 = tpu.vector_load %arg10[%swap3A_1560, %swap3A_1561] {strides = array<i32>} : memref<3x2048xf32, #tpu.memory_space<vmem>>, vector<16xf32>,
        tpu.vector_store %arg10[%swap3A_1560, %swap3A_1561], %max3A_1557 {strides = array<i32>} : memref<3x2048xf32, #tpu.memory_space<vmem>>, vector<16xf32>,
      }
      %scan3A_327 = arith.constant 16 : i32
      %jit3A_328 = arith.constant 32 : i32
      %div3A_329 = arith.divsi %while3A_285, %jit3A_328 : i32
      %sign3A_330 = arith.constant 0 : i32
      %sign3A_331 = arith.cmpi sgt, %while3A_285, %sign3A_330 : i32
      %sign3A_332 = arith.extui %sign3A_331 : i1 to i32
      %sign3A_333 = arith.constant 0 : i32
      %sign3A_334 = arith.cmpi slt, %while3A_285, %sign3A_333 : i32
      %sign3A_335 = arith.extui %sign3A_334 : i1 to i32
      %sign3A_336 = arith.subi %sign3A_332, %sign3A_335 : i32
      %sign3A_337 = arith.constant 0 : i32
      %sign3A_338 = arith.cmpi sgt, %jit3A_328, %sign3A_337 : i32
      %sign3A_339 = arith.extui %sign3A_338 : i1 to i32
      %sign3A_340 = arith.constant 0 : i32
      %sign3A_341 = arith.cmpi slt, %jit3A_328, %sign3A_340 : i32
      %sign3A_342 = arith.extui %sign3A_341 : i1 to i32
      %sign3A_343 = arith.subi %sign3A_339, %sign3A_342 : i32
      %ne3A_344 = arith.cmpi ne, %sign3A_336, %sign3A_343 : i32
      %rem3A_345 = arith.remsi %while3A_285, %jit3A_328 : i32
      %ne3A_346 = arith.constant 0 : i32
      %ne3A_347 = arith.cmpi ne, %rem3A_345, %ne3A_346 : i32
      %and3A_348 = arith.andi %ne3A_344, %ne3A_347 : i1
      %sub3A_349 = arith.constant 1 : i32
      %sub3A_350 = arith.subi %div3A_329, %sub3A_349 : i32
      %select_n3A_351 = arith.select %and3A_348, %sub3A_350, %div3A_329 : i32
      %mul3A_352 = arith.constant 32 : i32
      %mul3A_353 = arith.muli %mul3A_352, %select_n3A_351 : i32
      %add3A_354 = arith.addi %add3A, %mul3A_353 : i32
      %mul3A_355 = arith.constant 128 : i32
      %mul3A_356 = arith.muli %add3A_354, %mul3A_355 : i32
      %rem3A_357 = arith.constant 32 : i32
      %rem3A_358 = arith.remsi %while3A_285, %rem3A_357 : i32
      %mul3A_359 = arith.constant 4 : i32
      %mul3A_360 = arith.muli %rem3A_358, %mul3A_359 : i32
      %add3A_361 = arith.addi %mul3A_356, %mul3A_360 : i32
      %sub3A_362 = arith.constant 96 : i32
      %sub3A_363 = arith.subi %while3A_285, %sub3A_362 : i32
      %mul3A_364 = arith.constant 32 : i32
      %mul3A_365 = arith.muli %mul3A_364, %sub3A_363 : i32
      %add3A_366 = arith.addi %add3A, %mul3A_365 : i32
      %mul3A_367 = arith.constant 4 : i32
      %mul3A_368 = arith.muli %add3A_366, %mul3A_367 : i32
      %add3A_369 = arith.constant 12288 : i32
      %add3A_370 = arith.addi %add3A_369, %mul3A_368 : i32
      %lt3A_371 = arith.constant 96 : i32
      %lt3A_372 = arith.cmpi slt, %while3A_285, %lt3A_371 : i32
      %select_n3A_373 = arith.select %lt3A_372, %add3A_361, %add3A_370 : i32
      %mul3A_374 = arith.constant 512 : i32
      %mul3A_375 = arith.muli %select_n3A_373, %mul3A_374 : i32
      %dma_start3A_376 = arith.constant 0 : i32
      %dma_start3A_377 = tpu.memref_slice %arg10[%rem3A_287, %dma_start3A_376] : memref<3x2048xf32, #tpu.memory_space<vmem>> -> memref<1x2048xf32, #tpu.memory_space<vmem>>
      %dma_start3A_378 = tpu.memref_squeeze %dma_start3A_377 : memref<1x2048xf32, #tpu.memory_space<vmem>> -> memref<2048xf32, #tpu.memory_space<vmem>>
      %dma_start3A_379 = tpu.memref_slice %arg5[%mul3A_375] : memref<6400000xf32, #tpu.memory_space<hbm>> -> memref<2048xf32, #tpu.memory_space<hbm>>
      %dma_start3A_380 = tpu.memref_slice %arg12[%rem3A_287] : memref<3x!tpu.dma_semaphore, #tpu.memory_space<semaphore_mem>> -> memref<1x!tpu.dma_semaphore, #tpu.memory_space<semaphore_mem>>
      %dma_start3A_381 = tpu.memref_squeeze %dma_start3A_380 : memref<1x!tpu.dma_semaphore, #tpu.memory_space<semaphore_mem>> -> memref<!tpu.dma_semaphore, #tpu.memory_space<semaphore_mem>>
      %dma_start3A_382 = tpu.memref_slice %arg5[%mul3A_375] : memref<6400000xf32, #tpu.memory_space<hbm>> -> memref<2048xf32, #tpu.memory_space<hbm>>
      %dma_start3A_383 = arith.constant 0 : i32
      %dma_start3A_384 = tpu.memref_slice %arg10[%rem3A_287, %dma_start3A_383] : memref<3x2048xf32, #tpu.memory_space<vmem>> -> memref<1x2048xf32, #tpu.memory_space<vmem>>
      %dma_start3A_385 = tpu.memref_squeeze %dma_start3A_384 : memref<1x2048xf32, #tpu.memory_space<vmem>> -> memref<2048xf32, #tpu.memory_space<vmem>>
      tpu.enqueue_dma source(%dma_start3A_385 : memref<2048xf32, #tpu.memory_space<vmem>>) target(%dma_start3A_382 : memref<2048xf32, #tpu.memory_space<hbm>>) target_semaphore(%dma_start3A_381 : memref<!tpu.dma_semaphore, #tpu.memory_space<semaphore_mem>>)
    }
    %while3A_99 = arith.constant 1 : i32
    scf.for %while3A_285 = %while3A_97 to %while3A_93 step %while3A_99  : i32 {
      %rem3A_286 = arith.constant 3 : i32
      %rem3A_287 = arith.remsi %while3A_285, %rem3A_286 : i32
      %add3A_288 = arith.constant 2 : i32
      %add3A_289 = arith.addi %while3A_285, %add3A_288 : i32
      %lt3A_290 = arith.cmpi slt, %add3A_289, %add3A_39 : i32
      %convert_element_type3A_291 = arith.extui %lt3A_290 : i1 to i32
      %cond3A_292 = arith.constant 0 : i32
      %cond3A_293 = arith.cmpi ne, %convert_element_type3A_291, %cond3A_292 : i32
      scf.if %cond3A_293 {
        %add3A_386 = arith.constant 2 : i32
        %add3A_387 = arith.addi %while3A_285, %add3A_386 : i32
        %add3A_388 = arith.constant 2 : i32
        %add3A_389 = arith.addi %while3A_285, %add3A_388 : i32
        %rem3A_390 = arith.constant 3 : i32
        %rem3A_391 = arith.remsi %add3A_389, %rem3A_390 : i32
        %mul3A_392 = arith.constant 32 : i32
        %mul3A_393 = arith.muli %add3A_387, %mul3A_392 : i32
        %dma_start3A_394 = arith.constant 0 : i32
        %dma_start3A_395 = arith.constant 0 : i32
        %dma_start3A_396 = tpu.memref_slice %arg9[%rem3A_391, %dma_start3A_394, %dma_start3A_395] : memref<3x64x256xf32, #tpu.memory_space<vmem>> -> memref<1x32x256xf32, #tpu.memory_space<vmem>>
        %dma_start3A_397 = tpu.memref_squeeze %dma_start3A_396 : memref<1x32x256xf32, #tpu.memory_space<vmem>> -> memref<32x256xf32, #tpu.memory_space<vmem>>
        %dma_start3A_398 = tpu.memref_slice %arg7[%mul3A_393] : memref<3136xi32, #tpu.memory_space<vmem>> -> memref<32xi32, #tpu.memory_space<vmem>>
        %dma_start3A_399 = arith.constant 0 : i32
        %dma_start3A_400 = arith.constant 0 : i32
        %dma_start3A_401 = tpu.memref_slice %arg2[%dma_start3A_399, %dma_start3A_400] : memref<100000x256xf32, #tpu.memory_space<hbm>> -> memref<100000x256xf32, #tpu.memory_space<hbm>>
        %dma_start3A_402 = tpu.memref_slice %arg11[%rem3A_391] : memref<3x!tpu.dma_semaphore, #tpu.memory_space<semaphore_mem>> -> memref<1x!tpu.dma_semaphore, #tpu.memory_space<semaphore_mem>>
        %dma_start3A_403 = tpu.memref_squeeze %dma_start3A_402 : memref<1x!tpu.dma_semaphore, #tpu.memory_space<semaphore_mem>> -> memref<!tpu.dma_semaphore, #tpu.memory_space<semaphore_mem>>
        tpu.enqueue_indirect_dma source(%dma_start3A_401 : memref<100000x256xf32, #tpu.memory_space<hbm>>) target(%dma_start3A_397 : memref<32x256xf32, #tpu.memory_space<vmem>>) offsets(%dma_start3A_398 : memref<32xi32, #tpu.memory_space<vmem>>) semaphore(%dma_start3A_403 : memref<!tpu.dma_semaphore, #tpu.memory_space<semaphore_mem>>)
        %mul3A_404 = arith.constant 32 : i32
        %mul3A_405 = arith.muli %add3A_387, %mul3A_404 : i32
        %dma_start3A_406 = arith.constant 32 : i32
        %dma_start3A_407 = arith.constant 0 : i32
        %dma_start3A_408 = tpu.memref_slice %arg9[%rem3A_391, %dma_start3A_406, %dma_start3A_407] : memref<3x64x256xf32, #tpu.memory_space<vmem>> -> memref<1x32x256xf32, #tpu.memory_space<vmem>>
        %dma_start3A_409 = tpu.memref_squeeze %dma_start3A_408 : memref<1x32x256xf32, #tpu.memory_space<vmem>> -> memref<32x256xf32, #tpu.memory_space<vmem>>
        %dma_start3A_410 = tpu.memref_slice %arg8[%mul3A_405] : memref<3136xi32, #tpu.memory_space<vmem>> -> memref<32xi32, #tpu.memory_space<vmem>>
        %dma_start3A_411 = arith.constant 0 : i32
        %dma_start3A_412 = arith.constant 0 : i32
        %dma_start3A_413 = tpu.memref_slice %arg2[%dma_start3A_411, %dma_start3A_412] : memref<100000x256xf32, #tpu.memory_space<hbm>> -> memref<100000x256xf32, #tpu.memory_space<hbm>>
        %dma_start3A_414 = tpu.memref_slice %arg11[%rem3A_391] : memref<3x!tpu.dma_semaphore, #tpu.memory_space<semaphore_mem>> -> memref<1x!tpu.dma_semaphore, #tpu.memory_space<semaphore_mem>>
        %dma_start3A_415 = tpu.memref_squeeze %dma_start3A_414 : memref<1x!tpu.dma_semaphore, #tpu.memory_space<semaphore_mem>> -> memref<!tpu.dma_semaphore, #tpu.memory_space<semaphore_mem>>
        tpu.enqueue_indirect_dma source(%dma_start3A_413 : memref<100000x256xf32, #tpu.memory_space<hbm>>) target(%dma_start3A_409 : memref<32x256xf32, #tpu.memory_space<vmem>>) offsets(%dma_start3A_410 : memref<32xi32, #tpu.memory_space<vmem>>) semaphore(%dma_start3A_415 : memref<!tpu.dma_semaphore, #tpu.memory_space<semaphore_mem>>)
      } else {
      }
      %mul3A_294 = arith.constant 32 : i32
      %mul3A_295 = arith.muli %while3A_285, %mul3A_294 : i32
      %dma_wait3A_296 = arith.constant 0 : i32
      %dma_wait3A_297 = arith.constant 0 : i32
      %dma_wait3A_298 = tpu.memref_slice %arg9[%rem3A_287, %dma_wait3A_296, %dma_wait3A_297] : memref<3x64x256xf32, #tpu.memory_space<vmem>> -> memref<1x32x256xf32, #tpu.memory_space<vmem>>
      %dma_wait3A_299 = tpu.memref_squeeze %dma_wait3A_298 : memref<1x32x256xf32, #tpu.memory_space<vmem>> -> memref<32x256xf32, #tpu.memory_space<vmem>>
      %dma_wait3A_300 = tpu.memref_slice %arg7[%mul3A_295] : memref<3136xi32, #tpu.memory_space<vmem>> -> memref<32xi32, #tpu.memory_space<vmem>>
      %dma_wait3A_301 = arith.constant 0 : i32
      %dma_wait3A_302 = arith.constant 0 : i32
      %dma_wait3A_303 = tpu.memref_slice %arg2[%dma_wait3A_301, %dma_wait3A_302] : memref<100000x256xf32, #tpu.memory_space<hbm>> -> memref<100000x256xf32, #tpu.memory_space<hbm>>
      %dma_wait3A_304 = tpu.memref_slice %arg11[%rem3A_287] : memref<3x!tpu.dma_semaphore, #tpu.memory_space<semaphore_mem>> -> memref<1x!tpu.dma_semaphore, #tpu.memory_space<semaphore_mem>>
      %dma_wait3A_305 = tpu.memref_squeeze %dma_wait3A_304 : memref<1x!tpu.dma_semaphore, #tpu.memory_space<semaphore_mem>> -> memref<!tpu.dma_semaphore, #tpu.memory_space<semaphore_mem>>
      tpu.wait_indirect_dma semaphore(%dma_wait3A_305 : memref<!tpu.dma_semaphore, #tpu.memory_space<semaphore_mem>>) src(%dma_wait3A_303 : memref<100000x256xf32, #tpu.memory_space<hbm>>) dst(%dma_wait3A_299 : memref<32x256xf32, #tpu.memory_space<vmem>>)
      %mul3A_306 = arith.constant 32 : i32
      %mul3A_307 = arith.muli %while3A_285, %mul3A_306 : i32
      %dma_wait3A_308 = arith.constant 32 : i32
      %dma_wait3A_309 = arith.constant 0 : i32
      %dma_wait3A_310 = tpu.memref_slice %arg9[%rem3A_287, %dma_wait3A_308, %dma_wait3A_309] : memref<3x64x256xf32, #tpu.memory_space<vmem>> -> memref<1x32x256xf32, #tpu.memory_space<vmem>>
      %dma_wait3A_311 = tpu.memref_squeeze %dma_wait3A_310 : memref<1x32x256xf32, #tpu.memory_space<vmem>> -> memref<32x256xf32, #tpu.memory_space<vmem>>
      %dma_wait3A_312 = tpu.memref_slice %arg8[%mul3A_307] : memref<3136xi32, #tpu.memory_space<vmem>> -> memref<32xi32, #tpu.memory_space<vmem>>
      %dma_wait3A_313 = arith.constant 0 : i32
      %dma_wait3A_314 = arith.constant 0 : i32
      %dma_wait3A_315 = tpu.memref_slice %arg2[%dma_wait3A_313, %dma_wait3A_314] : memref<100000x256xf32, #tpu.memory_space<hbm>> -> memref<100000x256xf32, #tpu.memory_space<hbm>>
      %dma_wait3A_316 = tpu.memref_slice %arg11[%rem3A_287] : memref<3x!tpu.dma_semaphore, #tpu.memory_space<semaphore_mem>> -> memref<1x!tpu.dma_semaphore, #tpu.memory_space<semaphore_mem>>
      %dma_wait3A_317 = tpu.memref_squeeze %dma_wait3A_316 : memref<1x!tpu.dma_semaphore, #tpu.memory_space<semaphore_mem>> -> memref<!tpu.dma_semaphore, #tpu.memory_space<semaphore_mem>>
      tpu.wait_indirect_dma semaphore(%dma_wait3A_317 : memref<!tpu.dma_semaphore, #tpu.memory_space<semaphore_mem>>) src(%dma_wait3A_315 : memref<100000x256xf32, #tpu.memory_space<hbm>>) dst(%dma_wait3A_311 : memref<32x256xf32, #tpu.memory_space<vmem>>)
      %ge3A = arith.constant 3 : i32
      %ge3A_318 = arith.cmpi sge, %while3A_285, %ge3A : i32
      %convert_element_type3A_319 = arith.extui %ge3A_318 : i1 to i32
      %cond3A_320 = arith.constant 0 : i32
      %cond3A_321 = arith.cmpi ne, %convert_element_type3A_319, %cond3A_320 : i32
      scf.if %cond3A_321 {
        %sub3A_386 = arith.constant 3 : i32
        %sub3A_387 = arith.subi %while3A_285, %sub3A_386 : i32
        %jit3A_388 = arith.constant 32 : i32
        %div3A_389 = arith.divsi %sub3A_387, %jit3A_388 : i32
        %sign3A_390 = arith.constant 0 : i32
        %sign3A_391 = arith.cmpi sgt, %sub3A_387, %sign3A_390 : i32
        %sign3A_392 = arith.extui %sign3A_391 : i1 to i32
        %sign3A_393 = arith.constant 0 : i32
        %sign3A_394 = arith.cmpi slt, %sub3A_387, %sign3A_393 : i32
        %sign3A_395 = arith.extui %sign3A_394 : i1 to i32
        %sign3A_396 = arith.subi %sign3A_392, %sign3A_395 : i32
        %sign3A_397 = arith.constant 0 : i32
        %sign3A_398 = arith.cmpi sgt, %jit3A_388, %sign3A_397 : i32
        %sign3A_399 = arith.extui %sign3A_398 : i1 to i32
        %sign3A_400 = arith.constant 0 : i32
        %sign3A_401 = arith.cmpi slt, %jit3A_388, %sign3A_400 : i32
        %sign3A_402 = arith.extui %sign3A_401 : i1 to i32
        %sign3A_403 = arith.subi %sign3A_399, %sign3A_402 : i32
        %ne3A_404 = arith.cmpi ne, %sign3A_396, %sign3A_403 : i32
        %rem3A_405 = arith.remsi %sub3A_387, %jit3A_388 : i32
        %ne3A_406 = arith.constant 0 : i32
        %ne3A_407 = arith.cmpi ne, %rem3A_405, %ne3A_406 : i32
        %and3A_408 = arith.andi %ne3A_404, %ne3A_407 : i1
        %sub3A_409 = arith.constant 1 : i32
        %sub3A_410 = arith.subi %div3A_389, %sub3A_409 : i32
        %select_n3A_411 = arith.select %and3A_408, %sub3A_410, %div3A_389 : i32
        %mul3A_412 = arith.constant 32 : i32
        %mul3A_413 = arith.muli %mul3A_412, %select_n3A_411 : i32
        %add3A_414 = arith.addi %add3A, %mul3A_413 : i32
        %mul3A_415 = arith.constant 128 : i32
        %mul3A_416 = arith.muli %add3A_414, %mul3A_415 : i32
        %rem3A_417 = arith.constant 32 : i32
        %rem3A_418 = arith.remsi %sub3A_387, %rem3A_417 : i32
        %mul3A_419 = arith.constant 4 : i32
        %mul3A_420 = arith.muli %rem3A_418, %mul3A_419 : i32
        %add3A_421 = arith.addi %mul3A_416, %mul3A_420 : i32
        %sub3A_422 = arith.constant 96 : i32
        %sub3A_423 = arith.subi %sub3A_387, %sub3A_422 : i32
        %mul3A_424 = arith.constant 32 : i32
        %mul3A_425 = arith.muli %mul3A_424, %sub3A_423 : i32
        %add3A_426 = arith.addi %add3A, %mul3A_425 : i32
        %mul3A_427 = arith.constant 4 : i32
        %mul3A_428 = arith.muli %add3A_426, %mul3A_427 : i32
        %add3A_429 = arith.constant 12288 : i32
        %add3A_430 = arith.addi %add3A_429, %mul3A_428 : i32
        %lt3A_431 = arith.constant 96 : i32
        %lt3A_432 = arith.cmpi slt, %sub3A_387, %lt3A_431 : i32
        %select_n3A_433 = arith.select %lt3A_432, %add3A_421, %add3A_430 : i32
        %mul3A_434 = arith.constant 512 : i32
        %mul3A_435 = arith.muli %select_n3A_433, %mul3A_434 : i32
        %dma_wait3A_436 = arith.constant 0 : i32
        %dma_wait3A_437 = tpu.memref_slice %arg10[%rem3A_287, %dma_wait3A_436] : memref<3x2048xf32, #tpu.memory_space<vmem>> -> memref<1x2048xf32, #tpu.memory_space<vmem>>
        %dma_wait3A_438 = tpu.memref_squeeze %dma_wait3A_437 : memref<1x2048xf32, #tpu.memory_space<vmem>> -> memref<2048xf32, #tpu.memory_space<vmem>>
        %dma_wait3A_439 = tpu.memref_slice %arg5[%mul3A_435] : memref<6400000xf32, #tpu.memory_space<hbm>> -> memref<2048xf32, #tpu.memory_space<hbm>>
        %dma_wait3A_440 = tpu.memref_slice %arg12[%rem3A_287] : memref<3x!tpu.dma_semaphore, #tpu.memory_space<semaphore_mem>> -> memref<1x!tpu.dma_semaphore, #tpu.memory_space<semaphore_mem>>
        %dma_wait3A_441 = tpu.memref_squeeze %dma_wait3A_440 : memref<1x!tpu.dma_semaphore, #tpu.memory_space<semaphore_mem>> -> memref<!tpu.dma_semaphore, #tpu.memory_space<semaphore_mem>>
        %dma_wait3A_442 = tpu.memref_slice %arg5[%mul3A_435] : memref<6400000xf32, #tpu.memory_space<hbm>> -> memref<2048xf32, #tpu.memory_space<hbm>>
        %dma_wait3A_443 = arith.constant 0 : i32
        %dma_wait3A_444 = tpu.memref_slice %arg10[%rem3A_287, %dma_wait3A_443] : memref<3x2048xf32, #tpu.memory_space<vmem>> -> memref<1x2048xf32, #tpu.memory_space<vmem>>
        %dma_wait3A_445 = tpu.memref_squeeze %dma_wait3A_444 : memref<1x2048xf32, #tpu.memory_space<vmem>> -> memref<2048xf32, #tpu.memory_space<vmem>>
        tpu.wait_dma2 semaphore(%dma_wait3A_441 : memref<!tpu.dma_semaphore, #tpu.memory_space<semaphore_mem>>) src(%dma_wait3A_445 : memref<2048xf32, #tpu.memory_space<vmem>>) dst(%dma_wait3A_442 : memref<2048xf32, #tpu.memory_space<hbm>>)
      } else {
      }
      %scan3A_322 = arith.constant 0 : i32
      %scan3A_323 = arith.constant 0 : i32
      %scan3A_324 = arith.constant 16 : i32
      %scan3A_325 = arith.addi %scan3A_323, %scan3A_324 : i32
      %scan3A_326 = arith.constant 2 : i32
      scf.for %scan3A_386 = %scan3A_323 to %scan3A_325 step %scan3A_326  : i32 {
        %jit3A_387 = arith.constant 8 : i32
        %div3A_388 = arith.divsi %scan3A_386, %jit3A_387 : i32
        %sign3A_389 = arith.constant 0 : i32
        %sign3A_390 = arith.cmpi sgt, %scan3A_386, %sign3A_389 : i32
        %sign3A_391 = arith.extui %sign3A_390 : i1 to i32
        %sign3A_392 = arith.constant 0 : i32
        %sign3A_393 = arith.cmpi slt, %scan3A_386, %sign3A_392 : i32
        %sign3A_394 = arith.extui %sign3A_393 : i1 to i32
        %sign3A_395 = arith.subi %sign3A_391, %sign3A_394 : i32
        %sign3A_396 = arith.constant 0 : i32
        %sign3A_397 = arith.cmpi sgt, %jit3A_387, %sign3A_396 : i32
        %sign3A_398 = arith.extui %sign3A_397 : i1 to i32
        %sign3A_399 = arith.constant 0 : i32
        %sign3A_400 = arith.cmpi slt, %jit3A_387, %sign3A_399 : i32
        %sign3A_401 = arith.extui %sign3A_400 : i1 to i32
        %sign3A_402 = arith.subi %sign3A_398, %sign3A_401 : i32
        %ne3A_403 = arith.cmpi ne, %sign3A_395, %sign3A_402 : i32
        %rem3A_404 = arith.remsi %scan3A_386, %jit3A_387 : i32
        %ne3A_405 = arith.constant 0 : i32
        %ne3A_406 = arith.cmpi ne, %rem3A_404, %ne3A_405 : i32
        %and3A_407 = arith.andi %ne3A_403, %ne3A_406 : i1
        %sub3A_408 = arith.constant 1 : i32
        %sub3A_409 = arith.subi %div3A_388, %sub3A_408 : i32
        %select_n3A_410 = arith.select %and3A_407, %sub3A_409, %div3A_388 : i32
        %mul3A_411 = arith.constant 256 : i32
        %mul3A_412 = arith.muli %select_n3A_410, %mul3A_411 : i32
        %jit3A_413 = arith.constant 8 : i32
        %eq3A = arith.constant 0 : i32
        %eq3A_414 = arith.cmpi eq, %jit3A_413, %eq3A : i32
        %jit3A_415 = arith.constant 1 : i32
        %select_n3A_416 = arith.select %eq3A_414, %jit3A_415, %jit3A_413 : i32
        %rem3A_417 = arith.remsi %scan3A_386, %select_n3A_416 : i32
        %ne3A_418 = arith.constant 0 : i32
        %ne3A_419 = arith.cmpi ne, %rem3A_417, %ne3A_418 : i32
        %lt3A_420 = arith.constant 0 : i32
        %lt3A_421 = arith.cmpi slt, %rem3A_417, %lt3A_420 : i32
        %lt3A_422 = arith.constant 0 : i32
        %lt3A_423 = arith.cmpi slt, %select_n3A_416, %lt3A_422 : i32
        %ne3A_424 = arith.xori %lt3A_421, %lt3A_423 : i1
        %and3A_425 = arith.andi %ne3A_424, %ne3A_419 : i1
        %add3A_426 = arith.addi %rem3A_417, %select_n3A_416 : i32
        %select_n3A_427 = arith.select %and3A_425, %add3A_426, %rem3A_417 : i32
        %mul3A_428 = arith.constant 16 : i32
        %mul3A_429 = arith.muli %select_n3A_427, %mul3A_428 : i32
        %add3A_430 = arith.addi %mul3A_412, %mul3A_429 : i32
        %mul3A_431 = arith.constant 16 : i32
        %mul3A_432 = arith.muli %scan3A_386, %mul3A_431 : i32
        %get3A = arith.constant 0 : i32
        %get3A_433 = arith.index_cast %rem3A_287 : i32 to index
        %get3A_434 = arith.index_cast %get3A : i32 to index
        %get3A_435 = arith.index_cast %mul3A_432 : i32 to index
        %get3A_436 = tpu.vector_load %arg9[%get3A_433, %get3A_434, %get3A_435] {strides = array<i32>} : memref<3x64x256xf32, #tpu.memory_space<vmem>>, vector<16xf32>,
        %mul3A_437 = arith.constant 16 : i32
        %mul3A_438 = arith.muli %scan3A_386, %mul3A_437 : i32
        %get3A_439 = arith.constant 1 : i32
        %get3A_440 = arith.index_cast %rem3A_287 : i32 to index
        %get3A_441 = arith.index_cast %get3A_439 : i32 to index
        %get3A_442 = arith.index_cast %mul3A_438 : i32 to index
        %get3A_443 = tpu.vector_load %arg9[%get3A_440, %get3A_441, %get3A_442] {strides = array<i32>} : memref<3x64x256xf32, #tpu.memory_space<vmem>>, vector<16xf32>,
        %max3A = arith.maximumf %get3A_436, %get3A_443 : vector<16xf32>
        %mul3A_444 = arith.constant 16 : i32
        %mul3A_445 = arith.muli %scan3A_386, %mul3A_444 : i32
        %get3A_446 = arith.constant 2 : i32
        %get3A_447 = arith.index_cast %rem3A_287 : i32 to index
        %get3A_448 = arith.index_cast %get3A_446 : i32 to index
        %get3A_449 = arith.index_cast %mul3A_445 : i32 to index
        %get3A_450 = tpu.vector_load %arg9[%get3A_447, %get3A_448, %get3A_449] {strides = array<i32>} : memref<3x64x256xf32, #tpu.memory_space<vmem>>, vector<16xf32>,
        %max3A_451 = arith.maximumf %max3A, %get3A_450 : vector<16xf32>
        %mul3A_452 = arith.constant 16 : i32
        %mul3A_453 = arith.muli %scan3A_386, %mul3A_452 : i32
        %get3A_454 = arith.constant 3 : i32
        %get3A_455 = arith.index_cast %rem3A_287 : i32 to index
        %get3A_456 = arith.index_cast %get3A_454 : i32 to index
        %get3A_457 = arith.index_cast %mul3A_453 : i32 to index
        %get3A_458 = tpu.vector_load %arg9[%get3A_455, %get3A_456, %get3A_457] {strides = array<i32>} : memref<3x64x256xf32, #tpu.memory_space<vmem>>, vector<16xf32>,
        %max3A_459 = arith.maximumf %max3A_451, %get3A_458 : vector<16xf32>
        %mul3A_460 = arith.constant 16 : i32
        %mul3A_461 = arith.muli %scan3A_386, %mul3A_460 : i32
        %get3A_462 = arith.constant 4 : i32
        %get3A_463 = arith.index_cast %rem3A_287 : i32 to index
        %get3A_464 = arith.index_cast %get3A_462 : i32 to index
        %get3A_465 = arith.index_cast %mul3A_461 : i32 to index
        %get3A_466 = tpu.vector_load %arg9[%get3A_463, %get3A_464, %get3A_465] {strides = array<i32>} : memref<3x64x256xf32, #tpu.memory_space<vmem>>, vector<16xf32>,
        %max3A_467 = arith.maximumf %max3A_459, %get3A_466 : vector<16xf32>
        %mul3A_468 = arith.constant 16 : i32
        %mul3A_469 = arith.muli %scan3A_386, %mul3A_468 : i32
        %get3A_470 = arith.constant 5 : i32
        %get3A_471 = arith.index_cast %rem3A_287 : i32 to index
        %get3A_472 = arith.index_cast %get3A_470 : i32 to index
        %get3A_473 = arith.index_cast %mul3A_469 : i32 to index
        %get3A_474 = tpu.vector_load %arg9[%get3A_471, %get3A_472, %get3A_473] {strides = array<i32>} : memref<3x64x256xf32, #tpu.memory_space<vmem>>, vector<16xf32>,
        %max3A_475 = arith.maximumf %max3A_467, %get3A_474 : vector<16xf32>
        %mul3A_476 = arith.constant 16 : i32
        %mul3A_477 = arith.muli %scan3A_386, %mul3A_476 : i32
        %get3A_478 = arith.constant 6 : i32
        %get3A_479 = arith.index_cast %rem3A_287 : i32 to index
        %get3A_480 = arith.index_cast %get3A_478 : i32 to index
        %get3A_481 = arith.index_cast %mul3A_477 : i32 to index
        %get3A_482 = tpu.vector_load %arg9[%get3A_479, %get3A_480, %get3A_481] {strides = array<i32>} : memref<3x64x256xf32, #tpu.memory_space<vmem>>, vector<16xf32>,
        %max3A_483 = arith.maximumf %max3A_475, %get3A_482 : vector<16xf32>
        %mul3A_484 = arith.constant 16 : i32
        %mul3A_485 = arith.muli %scan3A_386, %mul3A_484 : i32
        %get3A_486 = arith.constant 7 : i32
        %get3A_487 = arith.index_cast %rem3A_287 : i32 to index
        %get3A_488 = arith.index_cast %get3A_486 : i32 to index
        %get3A_489 = arith.index_cast %mul3A_485 : i32 to index
        %get3A_490 = tpu.vector_load %arg9[%get3A_487, %get3A_488, %get3A_489] {strides = array<i32>} : memref<3x64x256xf32, #tpu.memory_space<vmem>>, vector<16xf32>,
        %max3A_491 = arith.maximumf %max3A_483, %get3A_490 : vector<16xf32>
        %add3A_492 = arith.constant 0 : i32
        %add3A_493 = arith.addi %add3A_492, %add3A_430 : i32
        %swap3A = arith.index_cast %rem3A_287 : i32 to index
        %swap3A_494 = arith.index_cast %add3A_493 : i32 to index
        %swap3A_495 = tpu.vector_load %arg10[%swap3A, %swap3A_494] {strides = array<i32>} : memref<3x2048xf32, #tpu.memory_space<vmem>>, vector<16xf32>,
        tpu.vector_store %arg10[%swap3A, %swap3A_494], %max3A_491 {strides = array<i32>} : memref<3x2048xf32, #tpu.memory_space<vmem>>, vector<16xf32>,
        %mul3A_496 = arith.constant 16 : i32
        %mul3A_497 = arith.muli %scan3A_386, %mul3A_496 : i32
        %get3A_498 = arith.constant 32 : i32
        %get3A_499 = arith.index_cast %rem3A_287 : i32 to index
        %get3A_500 = arith.index_cast %get3A_498 : i32 to index
        %get3A_501 = arith.index_cast %mul3A_497 : i32 to index
        %get3A_502 = tpu.vector_load %arg9[%get3A_499, %get3A_500, %get3A_501] {strides = array<i32>} : memref<3x64x256xf32, #tpu.memory_space<vmem>>, vector<16xf32>,
        %mul3A_503 = arith.constant 16 : i32
        %mul3A_504 = arith.muli %scan3A_386, %mul3A_503 : i32
        %get3A_505 = arith.constant 33 : i32
        %get3A_506 = arith.index_cast %rem3A_287 : i32 to index
        %get3A_507 = arith.index_cast %get3A_505 : i32 to index
        %get3A_508 = arith.index_cast %mul3A_504 : i32 to index
        %get3A_509 = tpu.vector_load %arg9[%get3A_506, %get3A_507, %get3A_508] {strides = array<i32>} : memref<3x64x256xf32, #tpu.memory_space<vmem>>, vector<16xf32>,
        %max3A_510 = arith.maximumf %get3A_502, %get3A_509 : vector<16xf32>
        %mul3A_511 = arith.constant 16 : i32
        %mul3A_512 = arith.muli %scan3A_386, %mul3A_511 : i32
        %get3A_513 = arith.constant 34 : i32
        %get3A_514 = arith.index_cast %rem3A_287 : i32 to index
        %get3A_515 = arith.index_cast %get3A_513 : i32 to index
        %get3A_516 = arith.index_cast %mul3A_512 : i32 to index
        %get3A_517 = tpu.vector_load %arg9[%get3A_514, %get3A_515, %get3A_516] {strides = array<i32>} : memref<3x64x256xf32, #tpu.memory_space<vmem>>, vector<16xf32>,
        %max3A_518 = arith.maximumf %max3A_510, %get3A_517 : vector<16xf32>
        %mul3A_519 = arith.constant 16 : i32
        %mul3A_520 = arith.muli %scan3A_386, %mul3A_519 : i32
        %get3A_521 = arith.constant 35 : i32
        %get3A_522 = arith.index_cast %rem3A_287 : i32 to index
        %get3A_523 = arith.index_cast %get3A_521 : i32 to index
        %get3A_524 = arith.index_cast %mul3A_520 : i32 to index
        %get3A_525 = tpu.vector_load %arg9[%get3A_522, %get3A_523, %get3A_524] {strides = array<i32>} : memref<3x64x256xf32, #tpu.memory_space<vmem>>, vector<16xf32>,
        %max3A_526 = arith.maximumf %max3A_518, %get3A_525 : vector<16xf32>
        %mul3A_527 = arith.constant 16 : i32
        %mul3A_528 = arith.muli %scan3A_386, %mul3A_527 : i32
        %get3A_529 = arith.constant 36 : i32
        %get3A_530 = arith.index_cast %rem3A_287 : i32 to index
        %get3A_531 = arith.index_cast %get3A_529 : i32 to index
        %get3A_532 = arith.index_cast %mul3A_528 : i32 to index
        %get3A_533 = tpu.vector_load %arg9[%get3A_530, %get3A_531, %get3A_532] {strides = array<i32>} : memref<3x64x256xf32, #tpu.memory_space<vmem>>, vector<16xf32>,
        %max3A_534 = arith.maximumf %max3A_526, %get3A_533 : vector<16xf32>
        %mul3A_535 = arith.constant 16 : i32
        %mul3A_536 = arith.muli %scan3A_386, %mul3A_535 : i32
        %get3A_537 = arith.constant 37 : i32
        %get3A_538 = arith.index_cast %rem3A_287 : i32 to index
        %get3A_539 = arith.index_cast %get3A_537 : i32 to index
        %get3A_540 = arith.index_cast %mul3A_536 : i32 to index
        %get3A_541 = tpu.vector_load %arg9[%get3A_538, %get3A_539, %get3A_540] {strides = array<i32>} : memref<3x64x256xf32, #tpu.memory_space<vmem>>, vector<16xf32>,
        %max3A_542 = arith.maximumf %max3A_534, %get3A_541 : vector<16xf32>
        %mul3A_543 = arith.constant 16 : i32
        %mul3A_544 = arith.muli %scan3A_386, %mul3A_543 : i32
        %get3A_545 = arith.constant 38 : i32
        %get3A_546 = arith.index_cast %rem3A_287 : i32 to index
        %get3A_547 = arith.index_cast %get3A_545 : i32 to index
        %get3A_548 = arith.index_cast %mul3A_544 : i32 to index
        %get3A_549 = tpu.vector_load %arg9[%get3A_546, %get3A_547, %get3A_548] {strides = array<i32>} : memref<3x64x256xf32, #tpu.memory_space<vmem>>, vector<16xf32>,
        %max3A_550 = arith.maximumf %max3A_542, %get3A_549 : vector<16xf32>
        %mul3A_551 = arith.constant 16 : i32
        %mul3A_552 = arith.muli %scan3A_386, %mul3A_551 : i32
        %get3A_553 = arith.constant 39 : i32
        %get3A_554 = arith.index_cast %rem3A_287 : i32 to index
        %get3A_555 = arith.index_cast %get3A_553 : i32 to index
        %get3A_556 = arith.index_cast %mul3A_552 : i32 to index
        %get3A_557 = tpu.vector_load %arg9[%get3A_554, %get3A_555, %get3A_556] {strides = array<i32>} : memref<3x64x256xf32, #tpu.memory_space<vmem>>, vector<16xf32>,
        %max3A_558 = arith.maximumf %max3A_550, %get3A_557 : vector<16xf32>
        %add3A_559 = arith.constant 128 : i32
        %add3A_560 = arith.addi %add3A_559, %add3A_430 : i32
        %swap3A_561 = arith.index_cast %rem3A_287 : i32 to index
        %swap3A_562 = arith.index_cast %add3A_560 : i32 to index
        %swap3A_563 = tpu.vector_load %arg10[%swap3A_561, %swap3A_562] {strides = array<i32>} : memref<3x2048xf32, #tpu.memory_space<vmem>>, vector<16xf32>,
        tpu.vector_store %arg10[%swap3A_561, %swap3A_562], %max3A_558 {strides = array<i32>} : memref<3x2048xf32, #tpu.memory_space<vmem>>, vector<16xf32>,
        %mul3A_564 = arith.constant 16 : i32
        %mul3A_565 = arith.muli %scan3A_386, %mul3A_564 : i32
        %get3A_566 = arith.constant 8 : i32
        %get3A_567 = arith.index_cast %rem3A_287 : i32 to index
        %get3A_568 = arith.index_cast %get3A_566 : i32 to index
        %get3A_569 = arith.index_cast %mul3A_565 : i32 to index
        %get3A_570 = tpu.vector_load %arg9[%get3A_567, %get3A_568, %get3A_569] {strides = array<i32>} : memref<3x64x256xf32, #tpu.memory_space<vmem>>, vector<16xf32>,
        %mul3A_571 = arith.constant 16 : i32
        %mul3A_572 = arith.muli %scan3A_386, %mul3A_571 : i32
        %get3A_573 = arith.constant 9 : i32
        %get3A_574 = arith.index_cast %rem3A_287 : i32 to index
        %get3A_575 = arith.index_cast %get3A_573 : i32 to index
        %get3A_576 = arith.index_cast %mul3A_572 : i32 to index
        %get3A_577 = tpu.vector_load %arg9[%get3A_574, %get3A_575, %get3A_576] {strides = array<i32>} : memref<3x64x256xf32, #tpu.memory_space<vmem>>, vector<16xf32>,
        %max3A_578 = arith.maximumf %get3A_570, %get3A_577 : vector<16xf32>
        %mul3A_579 = arith.constant 16 : i32
        %mul3A_580 = arith.muli %scan3A_386, %mul3A_579 : i32
        %get3A_581 = arith.constant 10 : i32
        %get3A_582 = arith.index_cast %rem3A_287 : i32 to index
        %get3A_583 = arith.index_cast %get3A_581 : i32 to index
        %get3A_584 = arith.index_cast %mul3A_580 : i32 to index
        %get3A_585 = tpu.vector_load %arg9[%get3A_582, %get3A_583, %get3A_584] {strides = array<i32>} : memref<3x64x256xf32, #tpu.memory_space<vmem>>, vector<16xf32>,
        %max3A_586 = arith.maximumf %max3A_578, %get3A_585 : vector<16xf32>
        %mul3A_587 = arith.constant 16 : i32
        %mul3A_588 = arith.muli %scan3A_386, %mul3A_587 : i32
        %get3A_589 = arith.constant 11 : i32
        %get3A_590 = arith.index_cast %rem3A_287 : i32 to index
        %get3A_591 = arith.index_cast %get3A_589 : i32 to index
        %get3A_592 = arith.index_cast %mul3A_588 : i32 to index
        %get3A_593 = tpu.vector_load %arg9[%get3A_590, %get3A_591, %get3A_592] {strides = array<i32>} : memref<3x64x256xf32, #tpu.memory_space<vmem>>, vector<16xf32>,
        %max3A_594 = arith.maximumf %max3A_586, %get3A_593 : vector<16xf32>
        %mul3A_595 = arith.constant 16 : i32
        %mul3A_596 = arith.muli %scan3A_386, %mul3A_595 : i32
        %get3A_597 = arith.constant 12 : i32
        %get3A_598 = arith.index_cast %rem3A_287 : i32 to index
        %get3A_599 = arith.index_cast %get3A_597 : i32 to index
        %get3A_600 = arith.index_cast %mul3A_596 : i32 to index
        %get3A_601 = tpu.vector_load %arg9[%get3A_598, %get3A_599, %get3A_600] {strides = array<i32>} : memref<3x64x256xf32, #tpu.memory_space<vmem>>, vector<16xf32>,
        %max3A_602 = arith.maximumf %max3A_594, %get3A_601 : vector<16xf32>
        %mul3A_603 = arith.constant 16 : i32
        %mul3A_604 = arith.muli %scan3A_386, %mul3A_603 : i32
        %get3A_605 = arith.constant 13 : i32
        %get3A_606 = arith.index_cast %rem3A_287 : i32 to index
        %get3A_607 = arith.index_cast %get3A_605 : i32 to index
        %get3A_608 = arith.index_cast %mul3A_604 : i32 to index
        %get3A_609 = tpu.vector_load %arg9[%get3A_606, %get3A_607, %get3A_608] {strides = array<i32>} : memref<3x64x256xf32, #tpu.memory_space<vmem>>, vector<16xf32>,
        %max3A_610 = arith.maximumf %max3A_602, %get3A_609 : vector<16xf32>
        %mul3A_611 = arith.constant 16 : i32
        %mul3A_612 = arith.muli %scan3A_386, %mul3A_611 : i32
        %get3A_613 = arith.constant 14 : i32
        %get3A_614 = arith.index_cast %rem3A_287 : i32 to index
        %get3A_615 = arith.index_cast %get3A_613 : i32 to index
        %get3A_616 = arith.index_cast %mul3A_612 : i32 to index
        %get3A_617 = tpu.vector_load %arg9[%get3A_614, %get3A_615, %get3A_616] {strides = array<i32>} : memref<3x64x256xf32, #tpu.memory_space<vmem>>, vector<16xf32>,
        %max3A_618 = arith.maximumf %max3A_610, %get3A_617 : vector<16xf32>
        %mul3A_619 = arith.constant 16 : i32
        %mul3A_620 = arith.muli %scan3A_386, %mul3A_619 : i32
        %get3A_621 = arith.constant 15 : i32
        %get3A_622 = arith.index_cast %rem3A_287 : i32 to index
        %get3A_623 = arith.index_cast %get3A_621 : i32 to index
        %get3A_624 = arith.index_cast %mul3A_620 : i32 to index
        %get3A_625 = tpu.vector_load %arg9[%get3A_622, %get3A_623, %get3A_624] {strides = array<i32>} : memref<3x64x256xf32, #tpu.memory_space<vmem>>, vector<16xf32>,
        %max3A_626 = arith.maximumf %max3A_618, %get3A_625 : vector<16xf32>
        %add3A_627 = arith.constant 512 : i32
        %add3A_628 = arith.addi %add3A_627, %add3A_430 : i32
        %swap3A_629 = arith.index_cast %rem3A_287 : i32 to index
        %swap3A_630 = arith.index_cast %add3A_628 : i32 to index
        %swap3A_631 = tpu.vector_load %arg10[%swap3A_629, %swap3A_630] {strides = array<i32>} : memref<3x2048xf32, #tpu.memory_space<vmem>>, vector<16xf32>,
        tpu.vector_store %arg10[%swap3A_629, %swap3A_630], %max3A_626 {strides = array<i32>} : memref<3x2048xf32, #tpu.memory_space<vmem>>, vector<16xf32>,
        %mul3A_632 = arith.constant 16 : i32
        %mul3A_633 = arith.muli %scan3A_386, %mul3A_632 : i32
        %get3A_634 = arith.constant 40 : i32
        %get3A_635 = arith.index_cast %rem3A_287 : i32 to index
        %get3A_636 = arith.index_cast %get3A_634 : i32 to index
        %get3A_637 = arith.index_cast %mul3A_633 : i32 to index
        %get3A_638 = tpu.vector_load %arg9[%get3A_635, %get3A_636, %get3A_637] {strides = array<i32>} : memref<3x64x256xf32, #tpu.memory_space<vmem>>, vector<16xf32>,
        %mul3A_639 = arith.constant 16 : i32
        %mul3A_640 = arith.muli %scan3A_386, %mul3A_639 : i32
        %get3A_641 = arith.constant 41 : i32
        %get3A_642 = arith.index_cast %rem3A_287 : i32 to index
        %get3A_643 = arith.index_cast %get3A_641 : i32 to index
        %get3A_644 = arith.index_cast %mul3A_640 : i32 to index
        %get3A_645 = tpu.vector_load %arg9[%get3A_642, %get3A_643, %get3A_644] {strides = array<i32>} : memref<3x64x256xf32, #tpu.memory_space<vmem>>, vector<16xf32>,
        %max3A_646 = arith.maximumf %get3A_638, %get3A_645 : vector<16xf32>
        %mul3A_647 = arith.constant 16 : i32
        %mul3A_648 = arith.muli %scan3A_386, %mul3A_647 : i32
        %get3A_649 = arith.constant 42 : i32
        %get3A_650 = arith.index_cast %rem3A_287 : i32 to index
        %get3A_651 = arith.index_cast %get3A_649 : i32 to index
        %get3A_652 = arith.index_cast %mul3A_648 : i32 to index
        %get3A_653 = tpu.vector_load %arg9[%get3A_650, %get3A_651, %get3A_652] {strides = array<i32>} : memref<3x64x256xf32, #tpu.memory_space<vmem>>, vector<16xf32>,
        %max3A_654 = arith.maximumf %max3A_646, %get3A_653 : vector<16xf32>
        %mul3A_655 = arith.constant 16 : i32
        %mul3A_656 = arith.muli %scan3A_386, %mul3A_655 : i32
        %get3A_657 = arith.constant 43 : i32
        %get3A_658 = arith.index_cast %rem3A_287 : i32 to index
        %get3A_659 = arith.index_cast %get3A_657 : i32 to index
        %get3A_660 = arith.index_cast %mul3A_656 : i32 to index
        %get3A_661 = tpu.vector_load %arg9[%get3A_658, %get3A_659, %get3A_660] {strides = array<i32>} : memref<3x64x256xf32, #tpu.memory_space<vmem>>, vector<16xf32>,
        %max3A_662 = arith.maximumf %max3A_654, %get3A_661 : vector<16xf32>
        %mul3A_663 = arith.constant 16 : i32
        %mul3A_664 = arith.muli %scan3A_386, %mul3A_663 : i32
        %get3A_665 = arith.constant 44 : i32
        %get3A_666 = arith.index_cast %rem3A_287 : i32 to index
        %get3A_667 = arith.index_cast %get3A_665 : i32 to index
        %get3A_668 = arith.index_cast %mul3A_664 : i32 to index
        %get3A_669 = tpu.vector_load %arg9[%get3A_666, %get3A_667, %get3A_668] {strides = array<i32>} : memref<3x64x256xf32, #tpu.memory_space<vmem>>, vector<16xf32>,
        %max3A_670 = arith.maximumf %max3A_662, %get3A_669 : vector<16xf32>
        %mul3A_671 = arith.constant 16 : i32
        %mul3A_672 = arith.muli %scan3A_386, %mul3A_671 : i32
        %get3A_673 = arith.constant 45 : i32
        %get3A_674 = arith.index_cast %rem3A_287 : i32 to index
        %get3A_675 = arith.index_cast %get3A_673 : i32 to index
        %get3A_676 = arith.index_cast %mul3A_672 : i32 to index
        %get3A_677 = tpu.vector_load %arg9[%get3A_674, %get3A_675, %get3A_676] {strides = array<i32>} : memref<3x64x256xf32, #tpu.memory_space<vmem>>, vector<16xf32>,
        %max3A_678 = arith.maximumf %max3A_670, %get3A_677 : vector<16xf32>
        %mul3A_679 = arith.constant 16 : i32
        %mul3A_680 = arith.muli %scan3A_386, %mul3A_679 : i32
        %get3A_681 = arith.constant 46 : i32
        %get3A_682 = arith.index_cast %rem3A_287 : i32 to index
        %get3A_683 = arith.index_cast %get3A_681 : i32 to index
        %get3A_684 = arith.index_cast %mul3A_680 : i32 to index
        %get3A_685 = tpu.vector_load %arg9[%get3A_682, %get3A_683, %get3A_684] {strides = array<i32>} : memref<3x64x256xf32, #tpu.memory_space<vmem>>, vector<16xf32>,
        %max3A_686 = arith.maximumf %max3A_678, %get3A_685 : vector<16xf32>
        %mul3A_687 = arith.constant 16 : i32
        %mul3A_688 = arith.muli %scan3A_386, %mul3A_687 : i32
        %get3A_689 = arith.constant 47 : i32
        %get3A_690 = arith.index_cast %rem3A_287 : i32 to index
        %get3A_691 = arith.index_cast %get3A_689 : i32 to index
        %get3A_692 = arith.index_cast %mul3A_688 : i32 to index
        %get3A_693 = tpu.vector_load %arg9[%get3A_690, %get3A_691, %get3A_692] {strides = array<i32>} : memref<3x64x256xf32, #tpu.memory_space<vmem>>, vector<16xf32>,
        %max3A_694 = arith.maximumf %max3A_686, %get3A_693 : vector<16xf32>
        %add3A_695 = arith.constant 640 : i32
        %add3A_696 = arith.addi %add3A_695, %add3A_430 : i32
        %swap3A_697 = arith.index_cast %rem3A_287 : i32 to index
        %swap3A_698 = arith.index_cast %add3A_696 : i32 to index
        %swap3A_699 = tpu.vector_load %arg10[%swap3A_697, %swap3A_698] {strides = array<i32>} : memref<3x2048xf32, #tpu.memory_space<vmem>>, vector<16xf32>,
        tpu.vector_store %arg10[%swap3A_697, %swap3A_698], %max3A_694 {strides = array<i32>} : memref<3x2048xf32, #tpu.memory_space<vmem>>, vector<16xf32>,
        %mul3A_700 = arith.constant 16 : i32
        %mul3A_701 = arith.muli %scan3A_386, %mul3A_700 : i32
        %get3A_702 = arith.constant 16 : i32
        %get3A_703 = arith.index_cast %rem3A_287 : i32 to index
        %get3A_704 = arith.index_cast %get3A_702 : i32 to index
        %get3A_705 = arith.index_cast %mul3A_701 : i32 to index
        %get3A_706 = tpu.vector_load %arg9[%get3A_703, %get3A_704, %get3A_705] {strides = array<i32>} : memref<3x64x256xf32, #tpu.memory_space<vmem>>, vector<16xf32>,
        %mul3A_707 = arith.constant 16 : i32
        %mul3A_708 = arith.muli %scan3A_386, %mul3A_707 : i32
        %get3A_709 = arith.constant 17 : i32
        %get3A_710 = arith.index_cast %rem3A_287 : i32 to index
        %get3A_711 = arith.index_cast %get3A_709 : i32 to index
        %get3A_712 = arith.index_cast %mul3A_708 : i32 to index
        %get3A_713 = tpu.vector_load %arg9[%get3A_710, %get3A_711, %get3A_712] {strides = array<i32>} : memref<3x64x256xf32, #tpu.memory_space<vmem>>, vector<16xf32>,
        %max3A_714 = arith.maximumf %get3A_706, %get3A_713 : vector<16xf32>
        %mul3A_715 = arith.constant 16 : i32
        %mul3A_716 = arith.muli %scan3A_386, %mul3A_715 : i32
        %get3A_717 = arith.constant 18 : i32
        %get3A_718 = arith.index_cast %rem3A_287 : i32 to index
        %get3A_719 = arith.index_cast %get3A_717 : i32 to index
        %get3A_720 = arith.index_cast %mul3A_716 : i32 to index
        %get3A_721 = tpu.vector_load %arg9[%get3A_718, %get3A_719, %get3A_720] {strides = array<i32>} : memref<3x64x256xf32, #tpu.memory_space<vmem>>, vector<16xf32>,
        %max3A_722 = arith.maximumf %max3A_714, %get3A_721 : vector<16xf32>
        %mul3A_723 = arith.constant 16 : i32
        %mul3A_724 = arith.muli %scan3A_386, %mul3A_723 : i32
        %get3A_725 = arith.constant 19 : i32
        %get3A_726 = arith.index_cast %rem3A_287 : i32 to index
        %get3A_727 = arith.index_cast %get3A_725 : i32 to index
        %get3A_728 = arith.index_cast %mul3A_724 : i32 to index
        %get3A_729 = tpu.vector_load %arg9[%get3A_726, %get3A_727, %get3A_728] {strides = array<i32>} : memref<3x64x256xf32, #tpu.memory_space<vmem>>, vector<16xf32>,
        %max3A_730 = arith.maximumf %max3A_722, %get3A_729 : vector<16xf32>
        %mul3A_731 = arith.constant 16 : i32
        %mul3A_732 = arith.muli %scan3A_386, %mul3A_731 : i32
        %get3A_733 = arith.constant 20 : i32
        %get3A_734 = arith.index_cast %rem3A_287 : i32 to index
        %get3A_735 = arith.index_cast %get3A_733 : i32 to index
        %get3A_736 = arith.index_cast %mul3A_732 : i32 to index
        %get3A_737 = tpu.vector_load %arg9[%get3A_734, %get3A_735, %get3A_736] {strides = array<i32>} : memref<3x64x256xf32, #tpu.memory_space<vmem>>, vector<16xf32>,
        %max3A_738 = arith.maximumf %max3A_730, %get3A_737 : vector<16xf32>
        %mul3A_739 = arith.constant 16 : i32
        %mul3A_740 = arith.muli %scan3A_386, %mul3A_739 : i32
        %get3A_741 = arith.constant 21 : i32
        %get3A_742 = arith.index_cast %rem3A_287 : i32 to index
        %get3A_743 = arith.index_cast %get3A_741 : i32 to index
        %get3A_744 = arith.index_cast %mul3A_740 : i32 to index
        %get3A_745 = tpu.vector_load %arg9[%get3A_742, %get3A_743, %get3A_744] {strides = array<i32>} : memref<3x64x256xf32, #tpu.memory_space<vmem>>, vector<16xf32>,
        %max3A_746 = arith.maximumf %max3A_738, %get3A_745 : vector<16xf32>
        %mul3A_747 = arith.constant 16 : i32
        %mul3A_748 = arith.muli %scan3A_386, %mul3A_747 : i32
        %get3A_749 = arith.constant 22 : i32
        %get3A_750 = arith.index_cast %rem3A_287 : i32 to index
        %get3A_751 = arith.index_cast %get3A_749 : i32 to index
        %get3A_752 = arith.index_cast %mul3A_748 : i32 to index
        %get3A_753 = tpu.vector_load %arg9[%get3A_750, %get3A_751, %get3A_752] {strides = array<i32>} : memref<3x64x256xf32, #tpu.memory_space<vmem>>, vector<16xf32>,
        %max3A_754 = arith.maximumf %max3A_746, %get3A_753 : vector<16xf32>
        %mul3A_755 = arith.constant 16 : i32
        %mul3A_756 = arith.muli %scan3A_386, %mul3A_755 : i32
        %get3A_757 = arith.constant 23 : i32
        %get3A_758 = arith.index_cast %rem3A_287 : i32 to index
        %get3A_759 = arith.index_cast %get3A_757 : i32 to index
        %get3A_760 = arith.index_cast %mul3A_756 : i32 to index
        %get3A_761 = tpu.vector_load %arg9[%get3A_758, %get3A_759, %get3A_760] {strides = array<i32>} : memref<3x64x256xf32, #tpu.memory_space<vmem>>, vector<16xf32>,
        %max3A_762 = arith.maximumf %max3A_754, %get3A_761 : vector<16xf32>
        %add3A_763 = arith.constant 1024 : i32
        %add3A_764 = arith.addi %add3A_763, %add3A_430 : i32
        %swap3A_765 = arith.index_cast %rem3A_287 : i32 to index
        %swap3A_766 = arith.index_cast %add3A_764 : i32 to index
        %swap3A_767 = tpu.vector_load %arg10[%swap3A_765, %swap3A_766] {strides = array<i32>} : memref<3x2048xf32, #tpu.memory_space<vmem>>, vector<16xf32>,
        tpu.vector_store %arg10[%swap3A_765, %swap3A_766], %max3A_762 {strides = array<i32>} : memref<3x2048xf32, #tpu.memory_space<vmem>>, vector<16xf32>,
        %mul3A_768 = arith.constant 16 : i32
        %mul3A_769 = arith.muli %scan3A_386, %mul3A_768 : i32
        %get3A_770 = arith.constant 48 : i32
        %get3A_771 = arith.index_cast %rem3A_287 : i32 to index
        %get3A_772 = arith.index_cast %get3A_770 : i32 to index
        %get3A_773 = arith.index_cast %mul3A_769 : i32 to index
        %get3A_774 = tpu.vector_load %arg9[%get3A_771, %get3A_772, %get3A_773] {strides = array<i32>} : memref<3x64x256xf32, #tpu.memory_space<vmem>>, vector<16xf32>,
        %mul3A_775 = arith.constant 16 : i32
        %mul3A_776 = arith.muli %scan3A_386, %mul3A_775 : i32
        %get3A_777 = arith.constant 49 : i32
        %get3A_778 = arith.index_cast %rem3A_287 : i32 to index
        %get3A_779 = arith.index_cast %get3A_777 : i32 to index
        %get3A_780 = arith.index_cast %mul3A_776 : i32 to index
        %get3A_781 = tpu.vector_load %arg9[%get3A_778, %get3A_779, %get3A_780] {strides = array<i32>} : memref<3x64x256xf32, #tpu.memory_space<vmem>>, vector<16xf32>,
        %max3A_782 = arith.maximumf %get3A_774, %get3A_781 : vector<16xf32>
        %mul3A_783 = arith.constant 16 : i32
        %mul3A_784 = arith.muli %scan3A_386, %mul3A_783 : i32
        %get3A_785 = arith.constant 50 : i32
        %get3A_786 = arith.index_cast %rem3A_287 : i32 to index
        %get3A_787 = arith.index_cast %get3A_785 : i32 to index
        %get3A_788 = arith.index_cast %mul3A_784 : i32 to index
        %get3A_789 = tpu.vector_load %arg9[%get3A_786, %get3A_787, %get3A_788] {strides = array<i32>} : memref<3x64x256xf32, #tpu.memory_space<vmem>>, vector<16xf32>,
        %max3A_790 = arith.maximumf %max3A_782, %get3A_789 : vector<16xf32>
        %mul3A_791 = arith.constant 16 : i32
        %mul3A_792 = arith.muli %scan3A_386, %mul3A_791 : i32
        %get3A_793 = arith.constant 51 : i32
        %get3A_794 = arith.index_cast %rem3A_287 : i32 to index
        %get3A_795 = arith.index_cast %get3A_793 : i32 to index
        %get3A_796 = arith.index_cast %mul3A_792 : i32 to index
        %get3A_797 = tpu.vector_load %arg9[%get3A_794, %get3A_795, %get3A_796] {strides = array<i32>} : memref<3x64x256xf32, #tpu.memory_space<vmem>>, vector<16xf32>,
        %max3A_798 = arith.maximumf %max3A_790, %get3A_797 : vector<16xf32>
        %mul3A_799 = arith.constant 16 : i32
        %mul3A_800 = arith.muli %scan3A_386, %mul3A_799 : i32
        %get3A_801 = arith.constant 52 : i32
        %get3A_802 = arith.index_cast %rem3A_287 : i32 to index
        %get3A_803 = arith.index_cast %get3A_801 : i32 to index
        %get3A_804 = arith.index_cast %mul3A_800 : i32 to index
        %get3A_805 = tpu.vector_load %arg9[%get3A_802, %get3A_803, %get3A_804] {strides = array<i32>} : memref<3x64x256xf32, #tpu.memory_space<vmem>>, vector<16xf32>,
        %max3A_806 = arith.maximumf %max3A_798, %get3A_805 : vector<16xf32>
        %mul3A_807 = arith.constant 16 : i32
        %mul3A_808 = arith.muli %scan3A_386, %mul3A_807 : i32
        %get3A_809 = arith.constant 53 : i32
        %get3A_810 = arith.index_cast %rem3A_287 : i32 to index
        %get3A_811 = arith.index_cast %get3A_809 : i32 to index
        %get3A_812 = arith.index_cast %mul3A_808 : i32 to index
        %get3A_813 = tpu.vector_load %arg9[%get3A_810, %get3A_811, %get3A_812] {strides = array<i32>} : memref<3x64x256xf32, #tpu.memory_space<vmem>>, vector<16xf32>,
        %max3A_814 = arith.maximumf %max3A_806, %get3A_813 : vector<16xf32>
        %mul3A_815 = arith.constant 16 : i32
        %mul3A_816 = arith.muli %scan3A_386, %mul3A_815 : i32
        %get3A_817 = arith.constant 54 : i32
        %get3A_818 = arith.index_cast %rem3A_287 : i32 to index
        %get3A_819 = arith.index_cast %get3A_817 : i32 to index
        %get3A_820 = arith.index_cast %mul3A_816 : i32 to index
        %get3A_821 = tpu.vector_load %arg9[%get3A_818, %get3A_819, %get3A_820] {strides = array<i32>} : memref<3x64x256xf32, #tpu.memory_space<vmem>>, vector<16xf32>,
        %max3A_822 = arith.maximumf %max3A_814, %get3A_821 : vector<16xf32>
        %mul3A_823 = arith.constant 16 : i32
        %mul3A_824 = arith.muli %scan3A_386, %mul3A_823 : i32
        %get3A_825 = arith.constant 55 : i32
        %get3A_826 = arith.index_cast %rem3A_287 : i32 to index
        %get3A_827 = arith.index_cast %get3A_825 : i32 to index
        %get3A_828 = arith.index_cast %mul3A_824 : i32 to index
        %get3A_829 = tpu.vector_load %arg9[%get3A_826, %get3A_827, %get3A_828] {strides = array<i32>} : memref<3x64x256xf32, #tpu.memory_space<vmem>>, vector<16xf32>,
        %max3A_830 = arith.maximumf %max3A_822, %get3A_829 : vector<16xf32>
        %add3A_831 = arith.constant 1152 : i32
        %add3A_832 = arith.addi %add3A_831, %add3A_430 : i32
        %swap3A_833 = arith.index_cast %rem3A_287 : i32 to index
        %swap3A_834 = arith.index_cast %add3A_832 : i32 to index
        %swap3A_835 = tpu.vector_load %arg10[%swap3A_833, %swap3A_834] {strides = array<i32>} : memref<3x2048xf32, #tpu.memory_space<vmem>>, vector<16xf32>,
        tpu.vector_store %arg10[%swap3A_833, %swap3A_834], %max3A_830 {strides = array<i32>} : memref<3x2048xf32, #tpu.memory_space<vmem>>, vector<16xf32>,
        %mul3A_836 = arith.constant 16 : i32
        %mul3A_837 = arith.muli %scan3A_386, %mul3A_836 : i32
        %get3A_838 = arith.constant 24 : i32
        %get3A_839 = arith.index_cast %rem3A_287 : i32 to index
        %get3A_840 = arith.index_cast %get3A_838 : i32 to index
        %get3A_841 = arith.index_cast %mul3A_837 : i32 to index
        %get3A_842 = tpu.vector_load %arg9[%get3A_839, %get3A_840, %get3A_841] {strides = array<i32>} : memref<3x64x256xf32, #tpu.memory_space<vmem>>, vector<16xf32>,
        %mul3A_843 = arith.constant 16 : i32
        %mul3A_844 = arith.muli %scan3A_386, %mul3A_843 : i32
        %get3A_845 = arith.constant 25 : i32
        %get3A_846 = arith.index_cast %rem3A_287 : i32 to index
        %get3A_847 = arith.index_cast %get3A_845 : i32 to index
        %get3A_848 = arith.index_cast %mul3A_844 : i32 to index
        %get3A_849 = tpu.vector_load %arg9[%get3A_846, %get3A_847, %get3A_848] {strides = array<i32>} : memref<3x64x256xf32, #tpu.memory_space<vmem>>, vector<16xf32>,
        %max3A_850 = arith.maximumf %get3A_842, %get3A_849 : vector<16xf32>
        %mul3A_851 = arith.constant 16 : i32
        %mul3A_852 = arith.muli %scan3A_386, %mul3A_851 : i32
        %get3A_853 = arith.constant 26 : i32
        %get3A_854 = arith.index_cast %rem3A_287 : i32 to index
        %get3A_855 = arith.index_cast %get3A_853 : i32 to index
        %get3A_856 = arith.index_cast %mul3A_852 : i32 to index
        %get3A_857 = tpu.vector_load %arg9[%get3A_854, %get3A_855, %get3A_856] {strides = array<i32>} : memref<3x64x256xf32, #tpu.memory_space<vmem>>, vector<16xf32>,
        %max3A_858 = arith.maximumf %max3A_850, %get3A_857 : vector<16xf32>
        %mul3A_859 = arith.constant 16 : i32
        %mul3A_860 = arith.muli %scan3A_386, %mul3A_859 : i32
        %get3A_861 = arith.constant 27 : i32
        %get3A_862 = arith.index_cast %rem3A_287 : i32 to index
        %get3A_863 = arith.index_cast %get3A_861 : i32 to index
        %get3A_864 = arith.index_cast %mul3A_860 : i32 to index
        %get3A_865 = tpu.vector_load %arg9[%get3A_862, %get3A_863, %get3A_864] {strides = array<i32>} : memref<3x64x256xf32, #tpu.memory_space<vmem>>, vector<16xf32>,
        %max3A_866 = arith.maximumf %max3A_858, %get3A_865 : vector<16xf32>
        %mul3A_867 = arith.constant 16 : i32
        %mul3A_868 = arith.muli %scan3A_386, %mul3A_867 : i32
        %get3A_869 = arith.constant 28 : i32
        %get3A_870 = arith.index_cast %rem3A_287 : i32 to index
        %get3A_871 = arith.index_cast %get3A_869 : i32 to index
        %get3A_872 = arith.index_cast %mul3A_868 : i32 to index
        %get3A_873 = tpu.vector_load %arg9[%get3A_870, %get3A_871, %get3A_872] {strides = array<i32>} : memref<3x64x256xf32, #tpu.memory_space<vmem>>, vector<16xf32>,
        %max3A_874 = arith.maximumf %max3A_866, %get3A_873 : vector<16xf32>
        %mul3A_875 = arith.constant 16 : i32
        %mul3A_876 = arith.muli %scan3A_386, %mul3A_875 : i32
        %get3A_877 = arith.constant 29 : i32
        %get3A_878 = arith.index_cast %rem3A_287 : i32 to index
        %get3A_879 = arith.index_cast %get3A_877 : i32 to index
        %get3A_880 = arith.index_cast %mul3A_876 : i32 to index
        %get3A_881 = tpu.vector_load %arg9[%get3A_878, %get3A_879, %get3A_880] {strides = array<i32>} : memref<3x64x256xf32, #tpu.memory_space<vmem>>, vector<16xf32>,
        %max3A_882 = arith.maximumf %max3A_874, %get3A_881 : vector<16xf32>
        %mul3A_883 = arith.constant 16 : i32
        %mul3A_884 = arith.muli %scan3A_386, %mul3A_883 : i32
        %get3A_885 = arith.constant 30 : i32
        %get3A_886 = arith.index_cast %rem3A_287 : i32 to index
        %get3A_887 = arith.index_cast %get3A_885 : i32 to index
        %get3A_888 = arith.index_cast %mul3A_884 : i32 to index
        %get3A_889 = tpu.vector_load %arg9[%get3A_886, %get3A_887, %get3A_888] {strides = array<i32>} : memref<3x64x256xf32, #tpu.memory_space<vmem>>, vector<16xf32>,
        %max3A_890 = arith.maximumf %max3A_882, %get3A_889 : vector<16xf32>
        %mul3A_891 = arith.constant 16 : i32
        %mul3A_892 = arith.muli %scan3A_386, %mul3A_891 : i32
        %get3A_893 = arith.constant 31 : i32
        %get3A_894 = arith.index_cast %rem3A_287 : i32 to index
        %get3A_895 = arith.index_cast %get3A_893 : i32 to index
        %get3A_896 = arith.index_cast %mul3A_892 : i32 to index
        %get3A_897 = tpu.vector_load %arg9[%get3A_894, %get3A_895, %get3A_896] {strides = array<i32>} : memref<3x64x256xf32, #tpu.memory_space<vmem>>, vector<16xf32>,
        %max3A_898 = arith.maximumf %max3A_890, %get3A_897 : vector<16xf32>
        %add3A_899 = arith.constant 1536 : i32
        %add3A_900 = arith.addi %add3A_899, %add3A_430 : i32
        %swap3A_901 = arith.index_cast %rem3A_287 : i32 to index
        %swap3A_902 = arith.index_cast %add3A_900 : i32 to index
        %swap3A_903 = tpu.vector_load %arg10[%swap3A_901, %swap3A_902] {strides = array<i32>} : memref<3x2048xf32, #tpu.memory_space<vmem>>, vector<16xf32>,
        tpu.vector_store %arg10[%swap3A_901, %swap3A_902], %max3A_898 {strides = array<i32>} : memref<3x2048xf32, #tpu.memory_space<vmem>>, vector<16xf32>,
        %mul3A_904 = arith.constant 16 : i32
        %mul3A_905 = arith.muli %scan3A_386, %mul3A_904 : i32
        %get3A_906 = arith.constant 56 : i32
        %get3A_907 = arith.index_cast %rem3A_287 : i32 to index
        %get3A_908 = arith.index_cast %get3A_906 : i32 to index
        %get3A_909 = arith.index_cast %mul3A_905 : i32 to index
        %get3A_910 = tpu.vector_load %arg9[%get3A_907, %get3A_908, %get3A_909] {strides = array<i32>} : memref<3x64x256xf32, #tpu.memory_space<vmem>>, vector<16xf32>,
        %mul3A_911 = arith.constant 16 : i32
        %mul3A_912 = arith.muli %scan3A_386, %mul3A_911 : i32
        %get3A_913 = arith.constant 57 : i32
        %get3A_914 = arith.index_cast %rem3A_287 : i32 to index
        %get3A_915 = arith.index_cast %get3A_913 : i32 to index
        %get3A_916 = arith.index_cast %mul3A_912 : i32 to index
        %get3A_917 = tpu.vector_load %arg9[%get3A_914, %get3A_915, %get3A_916] {strides = array<i32>} : memref<3x64x256xf32, #tpu.memory_space<vmem>>, vector<16xf32>,
        %max3A_918 = arith.maximumf %get3A_910, %get3A_917 : vector<16xf32>
        %mul3A_919 = arith.constant 16 : i32
        %mul3A_920 = arith.muli %scan3A_386, %mul3A_919 : i32
        %get3A_921 = arith.constant 58 : i32
        %get3A_922 = arith.index_cast %rem3A_287 : i32 to index
        %get3A_923 = arith.index_cast %get3A_921 : i32 to index
        %get3A_924 = arith.index_cast %mul3A_920 : i32 to index
        %get3A_925 = tpu.vector_load %arg9[%get3A_922, %get3A_923, %get3A_924] {strides = array<i32>} : memref<3x64x256xf32, #tpu.memory_space<vmem>>, vector<16xf32>,
        %max3A_926 = arith.maximumf %max3A_918, %get3A_925 : vector<16xf32>
        %mul3A_927 = arith.constant 16 : i32
        %mul3A_928 = arith.muli %scan3A_386, %mul3A_927 : i32
        %get3A_929 = arith.constant 59 : i32
        %get3A_930 = arith.index_cast %rem3A_287 : i32 to index
        %get3A_931 = arith.index_cast %get3A_929 : i32 to index
        %get3A_932 = arith.index_cast %mul3A_928 : i32 to index
        %get3A_933 = tpu.vector_load %arg9[%get3A_930, %get3A_931, %get3A_932] {strides = array<i32>} : memref<3x64x256xf32, #tpu.memory_space<vmem>>, vector<16xf32>,
        %max3A_934 = arith.maximumf %max3A_926, %get3A_933 : vector<16xf32>
        %mul3A_935 = arith.constant 16 : i32
        %mul3A_936 = arith.muli %scan3A_386, %mul3A_935 : i32
        %get3A_937 = arith.constant 60 : i32
        %get3A_938 = arith.index_cast %rem3A_287 : i32 to index
        %get3A_939 = arith.index_cast %get3A_937 : i32 to index
        %get3A_940 = arith.index_cast %mul3A_936 : i32 to index
        %get3A_941 = tpu.vector_load %arg9[%get3A_938, %get3A_939, %get3A_940] {strides = array<i32>} : memref<3x64x256xf32, #tpu.memory_space<vmem>>, vector<16xf32>,
        %max3A_942 = arith.maximumf %max3A_934, %get3A_941 : vector<16xf32>
        %mul3A_943 = arith.constant 16 : i32
        %mul3A_944 = arith.muli %scan3A_386, %mul3A_943 : i32
        %get3A_945 = arith.constant 61 : i32
        %get3A_946 = arith.index_cast %rem3A_287 : i32 to index
        %get3A_947 = arith.index_cast %get3A_945 : i32 to index
        %get3A_948 = arith.index_cast %mul3A_944 : i32 to index
        %get3A_949 = tpu.vector_load %arg9[%get3A_946, %get3A_947, %get3A_948] {strides = array<i32>} : memref<3x64x256xf32, #tpu.memory_space<vmem>>, vector<16xf32>,
        %max3A_950 = arith.maximumf %max3A_942, %get3A_949 : vector<16xf32>
        %mul3A_951 = arith.constant 16 : i32
        %mul3A_952 = arith.muli %scan3A_386, %mul3A_951 : i32
        %get3A_953 = arith.constant 62 : i32
        %get3A_954 = arith.index_cast %rem3A_287 : i32 to index
        %get3A_955 = arith.index_cast %get3A_953 : i32 to index
        %get3A_956 = arith.index_cast %mul3A_952 : i32 to index
        %get3A_957 = tpu.vector_load %arg9[%get3A_954, %get3A_955, %get3A_956] {strides = array<i32>} : memref<3x64x256xf32, #tpu.memory_space<vmem>>, vector<16xf32>,
        %max3A_958 = arith.maximumf %max3A_950, %get3A_957 : vector<16xf32>
        %mul3A_959 = arith.constant 16 : i32
        %mul3A_960 = arith.muli %scan3A_386, %mul3A_959 : i32
        %get3A_961 = arith.constant 63 : i32
        %get3A_962 = arith.index_cast %rem3A_287 : i32 to index
        %get3A_963 = arith.index_cast %get3A_961 : i32 to index
        %get3A_964 = arith.index_cast %mul3A_960 : i32 to index
        %get3A_965 = tpu.vector_load %arg9[%get3A_962, %get3A_963, %get3A_964] {strides = array<i32>} : memref<3x64x256xf32, #tpu.memory_space<vmem>>, vector<16xf32>,
        %max3A_966 = arith.maximumf %max3A_958, %get3A_965 : vector<16xf32>
        %add3A_967 = arith.constant 1664 : i32
        %add3A_968 = arith.addi %add3A_967, %add3A_430 : i32
        %swap3A_969 = arith.index_cast %rem3A_287 : i32 to index
        %swap3A_970 = arith.index_cast %add3A_968 : i32 to index
        %swap3A_971 = tpu.vector_load %arg10[%swap3A_969, %swap3A_970] {strides = array<i32>} : memref<3x2048xf32, #tpu.memory_space<vmem>>, vector<16xf32>,
        tpu.vector_store %arg10[%swap3A_969, %swap3A_970], %max3A_966 {strides = array<i32>} : memref<3x2048xf32, #tpu.memory_space<vmem>>, vector<16xf32>,
        %scan3A_972 = arith.constant 1 : i32
        %scan3A_973 = arith.addi %scan3A_386, %scan3A_972 : i32
        %jit3A_974 = arith.constant 8 : i32
        %div3A_975 = arith.divsi %scan3A_973, %jit3A_974 : i32
        %sign3A_976 = arith.constant 0 : i32
        %sign3A_977 = arith.cmpi sgt, %scan3A_973, %sign3A_976 : i32
        %sign3A_978 = arith.extui %sign3A_977 : i1 to i32
        %sign3A_979 = arith.constant 0 : i32
        %sign3A_980 = arith.cmpi slt, %scan3A_973, %sign3A_979 : i32
        %sign3A_981 = arith.extui %sign3A_980 : i1 to i32
        %sign3A_982 = arith.subi %sign3A_978, %sign3A_981 : i32
        %sign3A_983 = arith.constant 0 : i32
        %sign3A_984 = arith.cmpi sgt, %jit3A_974, %sign3A_983 : i32
        %sign3A_985 = arith.extui %sign3A_984 : i1 to i32
        %sign3A_986 = arith.constant 0 : i32
        %sign3A_987 = arith.cmpi slt, %jit3A_974, %sign3A_986 : i32
        %sign3A_988 = arith.extui %sign3A_987 : i1 to i32
        %sign3A_989 = arith.subi %sign3A_985, %sign3A_988 : i32
        %ne3A_990 = arith.cmpi ne, %sign3A_982, %sign3A_989 : i32
        %rem3A_991 = arith.remsi %scan3A_973, %jit3A_974 : i32
        %ne3A_992 = arith.constant 0 : i32
        %ne3A_993 = arith.cmpi ne, %rem3A_991, %ne3A_992 : i32
        %and3A_994 = arith.andi %ne3A_990, %ne3A_993 : i1
        %sub3A_995 = arith.constant 1 : i32
        %sub3A_996 = arith.subi %div3A_975, %sub3A_995 : i32
        %select_n3A_997 = arith.select %and3A_994, %sub3A_996, %div3A_975 : i32
        %mul3A_998 = arith.constant 256 : i32
        %mul3A_999 = arith.muli %select_n3A_997, %mul3A_998 : i32
        %jit3A_1000 = arith.constant 8 : i32
        %eq3A_1001 = arith.constant 0 : i32
        %eq3A_1002 = arith.cmpi eq, %jit3A_1000, %eq3A_1001 : i32
        %jit3A_1003 = arith.constant 1 : i32
        %select_n3A_1004 = arith.select %eq3A_1002, %jit3A_1003, %jit3A_1000 : i32
        %rem3A_1005 = arith.remsi %scan3A_973, %select_n3A_1004 : i32
        %ne3A_1006 = arith.constant 0 : i32
        %ne3A_1007 = arith.cmpi ne, %rem3A_1005, %ne3A_1006 : i32
        %lt3A_1008 = arith.constant 0 : i32
        %lt3A_1009 = arith.cmpi slt, %rem3A_1005, %lt3A_1008 : i32
        %lt3A_1010 = arith.constant 0 : i32
        %lt3A_1011 = arith.cmpi slt, %select_n3A_1004, %lt3A_1010 : i32
        %ne3A_1012 = arith.xori %lt3A_1009, %lt3A_1011 : i1
        %and3A_1013 = arith.andi %ne3A_1012, %ne3A_1007 : i1
        %add3A_1014 = arith.addi %rem3A_1005, %select_n3A_1004 : i32
        %select_n3A_1015 = arith.select %and3A_1013, %add3A_1014, %rem3A_1005 : i32
        %mul3A_1016 = arith.constant 16 : i32
        %mul3A_1017 = arith.muli %select_n3A_1015, %mul3A_1016 : i32
        %add3A_1018 = arith.addi %mul3A_999, %mul3A_1017 : i32
        %mul3A_1019 = arith.constant 16 : i32
        %mul3A_1020 = arith.muli %scan3A_973, %mul3A_1019 : i32
        %get3A_1021 = arith.constant 0 : i32
        %get3A_1022 = arith.index_cast %rem3A_287 : i32 to index
        %get3A_1023 = arith.index_cast %get3A_1021 : i32 to index
        %get3A_1024 = arith.index_cast %mul3A_1020 : i32 to index
        %get3A_1025 = tpu.vector_load %arg9[%get3A_1022, %get3A_1023, %get3A_1024] {strides = array<i32>} : memref<3x64x256xf32, #tpu.memory_space<vmem>>, vector<16xf32>,
        %mul3A_1026 = arith.constant 16 : i32
        %mul3A_1027 = arith.muli %scan3A_973, %mul3A_1026 : i32
        %get3A_1028 = arith.constant 1 : i32
        %get3A_1029 = arith.index_cast %rem3A_287 : i32 to index
        %get3A_1030 = arith.index_cast %get3A_1028 : i32 to index
        %get3A_1031 = arith.index_cast %mul3A_1027 : i32 to index
        %get3A_1032 = tpu.vector_load %arg9[%get3A_1029, %get3A_1030, %get3A_1031] {strides = array<i32>} : memref<3x64x256xf32, #tpu.memory_space<vmem>>, vector<16xf32>,
        %max3A_1033 = arith.maximumf %get3A_1025, %get3A_1032 : vector<16xf32>
        %mul3A_1034 = arith.constant 16 : i32
        %mul3A_1035 = arith.muli %scan3A_973, %mul3A_1034 : i32
        %get3A_1036 = arith.constant 2 : i32
        %get3A_1037 = arith.index_cast %rem3A_287 : i32 to index
        %get3A_1038 = arith.index_cast %get3A_1036 : i32 to index
        %get3A_1039 = arith.index_cast %mul3A_1035 : i32 to index
        %get3A_1040 = tpu.vector_load %arg9[%get3A_1037, %get3A_1038, %get3A_1039] {strides = array<i32>} : memref<3x64x256xf32, #tpu.memory_space<vmem>>, vector<16xf32>,
        %max3A_1041 = arith.maximumf %max3A_1033, %get3A_1040 : vector<16xf32>
        %mul3A_1042 = arith.constant 16 : i32
        %mul3A_1043 = arith.muli %scan3A_973, %mul3A_1042 : i32
        %get3A_1044 = arith.constant 3 : i32
        %get3A_1045 = arith.index_cast %rem3A_287 : i32 to index
        %get3A_1046 = arith.index_cast %get3A_1044 : i32 to index
        %get3A_1047 = arith.index_cast %mul3A_1043 : i32 to index
        %get3A_1048 = tpu.vector_load %arg9[%get3A_1045, %get3A_1046, %get3A_1047] {strides = array<i32>} : memref<3x64x256xf32, #tpu.memory_space<vmem>>, vector<16xf32>,
        %max3A_1049 = arith.maximumf %max3A_1041, %get3A_1048 : vector<16xf32>
        %mul3A_1050 = arith.constant 16 : i32
        %mul3A_1051 = arith.muli %scan3A_973, %mul3A_1050 : i32
        %get3A_1052 = arith.constant 4 : i32
        %get3A_1053 = arith.index_cast %rem3A_287 : i32 to index
        %get3A_1054 = arith.index_cast %get3A_1052 : i32 to index
        %get3A_1055 = arith.index_cast %mul3A_1051 : i32 to index
        %get3A_1056 = tpu.vector_load %arg9[%get3A_1053, %get3A_1054, %get3A_1055] {strides = array<i32>} : memref<3x64x256xf32, #tpu.memory_space<vmem>>, vector<16xf32>,
        %max3A_1057 = arith.maximumf %max3A_1049, %get3A_1056 : vector<16xf32>
        %mul3A_1058 = arith.constant 16 : i32
        %mul3A_1059 = arith.muli %scan3A_973, %mul3A_1058 : i32
        %get3A_1060 = arith.constant 5 : i32
        %get3A_1061 = arith.index_cast %rem3A_287 : i32 to index
        %get3A_1062 = arith.index_cast %get3A_1060 : i32 to index
        %get3A_1063 = arith.index_cast %mul3A_1059 : i32 to index
        %get3A_1064 = tpu.vector_load %arg9[%get3A_1061, %get3A_1062, %get3A_1063] {strides = array<i32>} : memref<3x64x256xf32, #tpu.memory_space<vmem>>, vector<16xf32>,
        %max3A_1065 = arith.maximumf %max3A_1057, %get3A_1064 : vector<16xf32>
        %mul3A_1066 = arith.constant 16 : i32
        %mul3A_1067 = arith.muli %scan3A_973, %mul3A_1066 : i32
        %get3A_1068 = arith.constant 6 : i32
        %get3A_1069 = arith.index_cast %rem3A_287 : i32 to index
        %get3A_1070 = arith.index_cast %get3A_1068 : i32 to index
        %get3A_1071 = arith.index_cast %mul3A_1067 : i32 to index
        %get3A_1072 = tpu.vector_load %arg9[%get3A_1069, %get3A_1070, %get3A_1071] {strides = array<i32>} : memref<3x64x256xf32, #tpu.memory_space<vmem>>, vector<16xf32>,
        %max3A_1073 = arith.maximumf %max3A_1065, %get3A_1072 : vector<16xf32>
        %mul3A_1074 = arith.constant 16 : i32
        %mul3A_1075 = arith.muli %scan3A_973, %mul3A_1074 : i32
        %get3A_1076 = arith.constant 7 : i32
        %get3A_1077 = arith.index_cast %rem3A_287 : i32 to index
        %get3A_1078 = arith.index_cast %get3A_1076 : i32 to index
        %get3A_1079 = arith.index_cast %mul3A_1075 : i32 to index
        %get3A_1080 = tpu.vector_load %arg9[%get3A_1077, %get3A_1078, %get3A_1079] {strides = array<i32>} : memref<3x64x256xf32, #tpu.memory_space<vmem>>, vector<16xf32>,
        %max3A_1081 = arith.maximumf %max3A_1073, %get3A_1080 : vector<16xf32>
        %add3A_1082 = arith.constant 0 : i32
        %add3A_1083 = arith.addi %add3A_1082, %add3A_1018 : i32
        %swap3A_1084 = arith.index_cast %rem3A_287 : i32 to index
        %swap3A_1085 = arith.index_cast %add3A_1083 : i32 to index
        %swap3A_1086 = tpu.vector_load %arg10[%swap3A_1084, %swap3A_1085] {strides = array<i32>} : memref<3x2048xf32, #tpu.memory_space<vmem>>, vector<16xf32>,
        tpu.vector_store %arg10[%swap3A_1084, %swap3A_1085], %max3A_1081 {strides = array<i32>} : memref<3x2048xf32, #tpu.memory_space<vmem>>, vector<16xf32>,
        %mul3A_1087 = arith.constant 16 : i32
        %mul3A_1088 = arith.muli %scan3A_973, %mul3A_1087 : i32
        %get3A_1089 = arith.constant 32 : i32
        %get3A_1090 = arith.index_cast %rem3A_287 : i32 to index
        %get3A_1091 = arith.index_cast %get3A_1089 : i32 to index
        %get3A_1092 = arith.index_cast %mul3A_1088 : i32 to index
        %get3A_1093 = tpu.vector_load %arg9[%get3A_1090, %get3A_1091, %get3A_1092] {strides = array<i32>} : memref<3x64x256xf32, #tpu.memory_space<vmem>>, vector<16xf32>,
        %mul3A_1094 = arith.constant 16 : i32
        %mul3A_1095 = arith.muli %scan3A_973, %mul3A_1094 : i32
        %get3A_1096 = arith.constant 33 : i32
        %get3A_1097 = arith.index_cast %rem3A_287 : i32 to index
        %get3A_1098 = arith.index_cast %get3A_1096 : i32 to index
        %get3A_1099 = arith.index_cast %mul3A_1095 : i32 to index
        %get3A_1100 = tpu.vector_load %arg9[%get3A_1097, %get3A_1098, %get3A_1099] {strides = array<i32>} : memref<3x64x256xf32, #tpu.memory_space<vmem>>, vector<16xf32>,
        %max3A_1101 = arith.maximumf %get3A_1093, %get3A_1100 : vector<16xf32>
        %mul3A_1102 = arith.constant 16 : i32
        %mul3A_1103 = arith.muli %scan3A_973, %mul3A_1102 : i32
        %get3A_1104 = arith.constant 34 : i32
        %get3A_1105 = arith.index_cast %rem3A_287 : i32 to index
        %get3A_1106 = arith.index_cast %get3A_1104 : i32 to index
        %get3A_1107 = arith.index_cast %mul3A_1103 : i32 to index
        %get3A_1108 = tpu.vector_load %arg9[%get3A_1105, %get3A_1106, %get3A_1107] {strides = array<i32>} : memref<3x64x256xf32, #tpu.memory_space<vmem>>, vector<16xf32>,
        %max3A_1109 = arith.maximumf %max3A_1101, %get3A_1108 : vector<16xf32>
        %mul3A_1110 = arith.constant 16 : i32
        %mul3A_1111 = arith.muli %scan3A_973, %mul3A_1110 : i32
        %get3A_1112 = arith.constant 35 : i32
        %get3A_1113 = arith.index_cast %rem3A_287 : i32 to index
        %get3A_1114 = arith.index_cast %get3A_1112 : i32 to index
        %get3A_1115 = arith.index_cast %mul3A_1111 : i32 to index
        %get3A_1116 = tpu.vector_load %arg9[%get3A_1113, %get3A_1114, %get3A_1115] {strides = array<i32>} : memref<3x64x256xf32, #tpu.memory_space<vmem>>, vector<16xf32>,
        %max3A_1117 = arith.maximumf %max3A_1109, %get3A_1116 : vector<16xf32>
        %mul3A_1118 = arith.constant 16 : i32
        %mul3A_1119 = arith.muli %scan3A_973, %mul3A_1118 : i32
        %get3A_1120 = arith.constant 36 : i32
        %get3A_1121 = arith.index_cast %rem3A_287 : i32 to index
        %get3A_1122 = arith.index_cast %get3A_1120 : i32 to index
        %get3A_1123 = arith.index_cast %mul3A_1119 : i32 to index
        %get3A_1124 = tpu.vector_load %arg9[%get3A_1121, %get3A_1122, %get3A_1123] {strides = array<i32>} : memref<3x64x256xf32, #tpu.memory_space<vmem>>, vector<16xf32>,
        %max3A_1125 = arith.maximumf %max3A_1117, %get3A_1124 : vector<16xf32>
        %mul3A_1126 = arith.constant 16 : i32
        %mul3A_1127 = arith.muli %scan3A_973, %mul3A_1126 : i32
        %get3A_1128 = arith.constant 37 : i32
        %get3A_1129 = arith.index_cast %rem3A_287 : i32 to index
        %get3A_1130 = arith.index_cast %get3A_1128 : i32 to index
        %get3A_1131 = arith.index_cast %mul3A_1127 : i32 to index
        %get3A_1132 = tpu.vector_load %arg9[%get3A_1129, %get3A_1130, %get3A_1131] {strides = array<i32>} : memref<3x64x256xf32, #tpu.memory_space<vmem>>, vector<16xf32>,
        %max3A_1133 = arith.maximumf %max3A_1125, %get3A_1132 : vector<16xf32>
        %mul3A_1134 = arith.constant 16 : i32
        %mul3A_1135 = arith.muli %scan3A_973, %mul3A_1134 : i32
        %get3A_1136 = arith.constant 38 : i32
        %get3A_1137 = arith.index_cast %rem3A_287 : i32 to index
        %get3A_1138 = arith.index_cast %get3A_1136 : i32 to index
        %get3A_1139 = arith.index_cast %mul3A_1135 : i32 to index
        %get3A_1140 = tpu.vector_load %arg9[%get3A_1137, %get3A_1138, %get3A_1139] {strides = array<i32>} : memref<3x64x256xf32, #tpu.memory_space<vmem>>, vector<16xf32>,
        %max3A_1141 = arith.maximumf %max3A_1133, %get3A_1140 : vector<16xf32>
        %mul3A_1142 = arith.constant 16 : i32
        %mul3A_1143 = arith.muli %scan3A_973, %mul3A_1142 : i32
        %get3A_1144 = arith.constant 39 : i32
        %get3A_1145 = arith.index_cast %rem3A_287 : i32 to index
        %get3A_1146 = arith.index_cast %get3A_1144 : i32 to index
        %get3A_1147 = arith.index_cast %mul3A_1143 : i32 to index
        %get3A_1148 = tpu.vector_load %arg9[%get3A_1145, %get3A_1146, %get3A_1147] {strides = array<i32>} : memref<3x64x256xf32, #tpu.memory_space<vmem>>, vector<16xf32>,
        %max3A_1149 = arith.maximumf %max3A_1141, %get3A_1148 : vector<16xf32>
        %add3A_1150 = arith.constant 128 : i32
        %add3A_1151 = arith.addi %add3A_1150, %add3A_1018 : i32
        %swap3A_1152 = arith.index_cast %rem3A_287 : i32 to index
        %swap3A_1153 = arith.index_cast %add3A_1151 : i32 to index
        %swap3A_1154 = tpu.vector_load %arg10[%swap3A_1152, %swap3A_1153] {strides = array<i32>} : memref<3x2048xf32, #tpu.memory_space<vmem>>, vector<16xf32>,
        tpu.vector_store %arg10[%swap3A_1152, %swap3A_1153], %max3A_1149 {strides = array<i32>} : memref<3x2048xf32, #tpu.memory_space<vmem>>, vector<16xf32>,
        %mul3A_1155 = arith.constant 16 : i32
        %mul3A_1156 = arith.muli %scan3A_973, %mul3A_1155 : i32
        %get3A_1157 = arith.constant 8 : i32
        %get3A_1158 = arith.index_cast %rem3A_287 : i32 to index
        %get3A_1159 = arith.index_cast %get3A_1157 : i32 to index
        %get3A_1160 = arith.index_cast %mul3A_1156 : i32 to index
        %get3A_1161 = tpu.vector_load %arg9[%get3A_1158, %get3A_1159, %get3A_1160] {strides = array<i32>} : memref<3x64x256xf32, #tpu.memory_space<vmem>>, vector<16xf32>,
        %mul3A_1162 = arith.constant 16 : i32
        %mul3A_1163 = arith.muli %scan3A_973, %mul3A_1162 : i32
        %get3A_1164 = arith.constant 9 : i32
        %get3A_1165 = arith.index_cast %rem3A_287 : i32 to index
        %get3A_1166 = arith.index_cast %get3A_1164 : i32 to index
        %get3A_1167 = arith.index_cast %mul3A_1163 : i32 to index
        %get3A_1168 = tpu.vector_load %arg9[%get3A_1165, %get3A_1166, %get3A_1167] {strides = array<i32>} : memref<3x64x256xf32, #tpu.memory_space<vmem>>, vector<16xf32>,
        %max3A_1169 = arith.maximumf %get3A_1161, %get3A_1168 : vector<16xf32>
        %mul3A_1170 = arith.constant 16 : i32
        %mul3A_1171 = arith.muli %scan3A_973, %mul3A_1170 : i32
        %get3A_1172 = arith.constant 10 : i32
        %get3A_1173 = arith.index_cast %rem3A_287 : i32 to index
        %get3A_1174 = arith.index_cast %get3A_1172 : i32 to index
        %get3A_1175 = arith.index_cast %mul3A_1171 : i32 to index
        %get3A_1176 = tpu.vector_load %arg9[%get3A_1173, %get3A_1174, %get3A_1175] {strides = array<i32>} : memref<3x64x256xf32, #tpu.memory_space<vmem>>, vector<16xf32>,
        %max3A_1177 = arith.maximumf %max3A_1169, %get3A_1176 : vector<16xf32>
        %mul3A_1178 = arith.constant 16 : i32
        %mul3A_1179 = arith.muli %scan3A_973, %mul3A_1178 : i32
        %get3A_1180 = arith.constant 11 : i32
        %get3A_1181 = arith.index_cast %rem3A_287 : i32 to index
        %get3A_1182 = arith.index_cast %get3A_1180 : i32 to index
        %get3A_1183 = arith.index_cast %mul3A_1179 : i32 to index
        %get3A_1184 = tpu.vector_load %arg9[%get3A_1181, %get3A_1182, %get3A_1183] {strides = array<i32>} : memref<3x64x256xf32, #tpu.memory_space<vmem>>, vector<16xf32>,
        %max3A_1185 = arith.maximumf %max3A_1177, %get3A_1184 : vector<16xf32>
        %mul3A_1186 = arith.constant 16 : i32
        %mul3A_1187 = arith.muli %scan3A_973, %mul3A_1186 : i32
        %get3A_1188 = arith.constant 12 : i32
        %get3A_1189 = arith.index_cast %rem3A_287 : i32 to index
        %get3A_1190 = arith.index_cast %get3A_1188 : i32 to index
        %get3A_1191 = arith.index_cast %mul3A_1187 : i32 to index
        %get3A_1192 = tpu.vector_load %arg9[%get3A_1189, %get3A_1190, %get3A_1191] {strides = array<i32>} : memref<3x64x256xf32, #tpu.memory_space<vmem>>, vector<16xf32>,
        %max3A_1193 = arith.maximumf %max3A_1185, %get3A_1192 : vector<16xf32>
        %mul3A_1194 = arith.constant 16 : i32
        %mul3A_1195 = arith.muli %scan3A_973, %mul3A_1194 : i32
        %get3A_1196 = arith.constant 13 : i32
        %get3A_1197 = arith.index_cast %rem3A_287 : i32 to index
        %get3A_1198 = arith.index_cast %get3A_1196 : i32 to index
        %get3A_1199 = arith.index_cast %mul3A_1195 : i32 to index
        %get3A_1200 = tpu.vector_load %arg9[%get3A_1197, %get3A_1198, %get3A_1199] {strides = array<i32>} : memref<3x64x256xf32, #tpu.memory_space<vmem>>, vector<16xf32>,
        %max3A_1201 = arith.maximumf %max3A_1193, %get3A_1200 : vector<16xf32>
        %mul3A_1202 = arith.constant 16 : i32
        %mul3A_1203 = arith.muli %scan3A_973, %mul3A_1202 : i32
        %get3A_1204 = arith.constant 14 : i32
        %get3A_1205 = arith.index_cast %rem3A_287 : i32 to index
        %get3A_1206 = arith.index_cast %get3A_1204 : i32 to index
        %get3A_1207 = arith.index_cast %mul3A_1203 : i32 to index
        %get3A_1208 = tpu.vector_load %arg9[%get3A_1205, %get3A_1206, %get3A_1207] {strides = array<i32>} : memref<3x64x256xf32, #tpu.memory_space<vmem>>, vector<16xf32>,
        %max3A_1209 = arith.maximumf %max3A_1201, %get3A_1208 : vector<16xf32>
        %mul3A_1210 = arith.constant 16 : i32
        %mul3A_1211 = arith.muli %scan3A_973, %mul3A_1210 : i32
        %get3A_1212 = arith.constant 15 : i32
        %get3A_1213 = arith.index_cast %rem3A_287 : i32 to index
        %get3A_1214 = arith.index_cast %get3A_1212 : i32 to index
        %get3A_1215 = arith.index_cast %mul3A_1211 : i32 to index
        %get3A_1216 = tpu.vector_load %arg9[%get3A_1213, %get3A_1214, %get3A_1215] {strides = array<i32>} : memref<3x64x256xf32, #tpu.memory_space<vmem>>, vector<16xf32>,
        %max3A_1217 = arith.maximumf %max3A_1209, %get3A_1216 : vector<16xf32>
        %add3A_1218 = arith.constant 512 : i32
        %add3A_1219 = arith.addi %add3A_1218, %add3A_1018 : i32
        %swap3A_1220 = arith.index_cast %rem3A_287 : i32 to index
        %swap3A_1221 = arith.index_cast %add3A_1219 : i32 to index
        %swap3A_1222 = tpu.vector_load %arg10[%swap3A_1220, %swap3A_1221] {strides = array<i32>} : memref<3x2048xf32, #tpu.memory_space<vmem>>, vector<16xf32>,
        tpu.vector_store %arg10[%swap3A_1220, %swap3A_1221], %max3A_1217 {strides = array<i32>} : memref<3x2048xf32, #tpu.memory_space<vmem>>, vector<16xf32>,
        %mul3A_1223 = arith.constant 16 : i32
        %mul3A_1224 = arith.muli %scan3A_973, %mul3A_1223 : i32
        %get3A_1225 = arith.constant 40 : i32
        %get3A_1226 = arith.index_cast %rem3A_287 : i32 to index
        %get3A_1227 = arith.index_cast %get3A_1225 : i32 to index
        %get3A_1228 = arith.index_cast %mul3A_1224 : i32 to index
        %get3A_1229 = tpu.vector_load %arg9[%get3A_1226, %get3A_1227, %get3A_1228] {strides = array<i32>} : memref<3x64x256xf32, #tpu.memory_space<vmem>>, vector<16xf32>,
        %mul3A_1230 = arith.constant 16 : i32
        %mul3A_1231 = arith.muli %scan3A_973, %mul3A_1230 : i32
        %get3A_1232 = arith.constant 41 : i32
        %get3A_1233 = arith.index_cast %rem3A_287 : i32 to index
        %get3A_1234 = arith.index_cast %get3A_1232 : i32 to index
        %get3A_1235 = arith.index_cast %mul3A_1231 : i32 to index
        %get3A_1236 = tpu.vector_load %arg9[%get3A_1233, %get3A_1234, %get3A_1235] {strides = array<i32>} : memref<3x64x256xf32, #tpu.memory_space<vmem>>, vector<16xf32>,
        %max3A_1237 = arith.maximumf %get3A_1229, %get3A_1236 : vector<16xf32>
        %mul3A_1238 = arith.constant 16 : i32
        %mul3A_1239 = arith.muli %scan3A_973, %mul3A_1238 : i32
        %get3A_1240 = arith.constant 42 : i32
        %get3A_1241 = arith.index_cast %rem3A_287 : i32 to index
        %get3A_1242 = arith.index_cast %get3A_1240 : i32 to index
        %get3A_1243 = arith.index_cast %mul3A_1239 : i32 to index
        %get3A_1244 = tpu.vector_load %arg9[%get3A_1241, %get3A_1242, %get3A_1243] {strides = array<i32>} : memref<3x64x256xf32, #tpu.memory_space<vmem>>, vector<16xf32>,
        %max3A_1245 = arith.maximumf %max3A_1237, %get3A_1244 : vector<16xf32>
        %mul3A_1246 = arith.constant 16 : i32
        %mul3A_1247 = arith.muli %scan3A_973, %mul3A_1246 : i32
        %get3A_1248 = arith.constant 43 : i32
        %get3A_1249 = arith.index_cast %rem3A_287 : i32 to index
        %get3A_1250 = arith.index_cast %get3A_1248 : i32 to index
        %get3A_1251 = arith.index_cast %mul3A_1247 : i32 to index
        %get3A_1252 = tpu.vector_load %arg9[%get3A_1249, %get3A_1250, %get3A_1251] {strides = array<i32>} : memref<3x64x256xf32, #tpu.memory_space<vmem>>, vector<16xf32>,
        %max3A_1253 = arith.maximumf %max3A_1245, %get3A_1252 : vector<16xf32>
        %mul3A_1254 = arith.constant 16 : i32
        %mul3A_1255 = arith.muli %scan3A_973, %mul3A_1254 : i32
        %get3A_1256 = arith.constant 44 : i32
        %get3A_1257 = arith.index_cast %rem3A_287 : i32 to index
        %get3A_1258 = arith.index_cast %get3A_1256 : i32 to index
        %get3A_1259 = arith.index_cast %mul3A_1255 : i32 to index
        %get3A_1260 = tpu.vector_load %arg9[%get3A_1257, %get3A_1258, %get3A_1259] {strides = array<i32>} : memref<3x64x256xf32, #tpu.memory_space<vmem>>, vector<16xf32>,
        %max3A_1261 = arith.maximumf %max3A_1253, %get3A_1260 : vector<16xf32>
        %mul3A_1262 = arith.constant 16 : i32
        %mul3A_1263 = arith.muli %scan3A_973, %mul3A_1262 : i32
        %get3A_1264 = arith.constant 45 : i32
        %get3A_1265 = arith.index_cast %rem3A_287 : i32 to index
        %get3A_1266 = arith.index_cast %get3A_1264 : i32 to index
        %get3A_1267 = arith.index_cast %mul3A_1263 : i32 to index
        %get3A_1268 = tpu.vector_load %arg9[%get3A_1265, %get3A_1266, %get3A_1267] {strides = array<i32>} : memref<3x64x256xf32, #tpu.memory_space<vmem>>, vector<16xf32>,
        %max3A_1269 = arith.maximumf %max3A_1261, %get3A_1268 : vector<16xf32>
        %mul3A_1270 = arith.constant 16 : i32
        %mul3A_1271 = arith.muli %scan3A_973, %mul3A_1270 : i32
        %get3A_1272 = arith.constant 46 : i32
        %get3A_1273 = arith.index_cast %rem3A_287 : i32 to index
        %get3A_1274 = arith.index_cast %get3A_1272 : i32 to index
        %get3A_1275 = arith.index_cast %mul3A_1271 : i32 to index
        %get3A_1276 = tpu.vector_load %arg9[%get3A_1273, %get3A_1274, %get3A_1275] {strides = array<i32>} : memref<3x64x256xf32, #tpu.memory_space<vmem>>, vector<16xf32>,
        %max3A_1277 = arith.maximumf %max3A_1269, %get3A_1276 : vector<16xf32>
        %mul3A_1278 = arith.constant 16 : i32
        %mul3A_1279 = arith.muli %scan3A_973, %mul3A_1278 : i32
        %get3A_1280 = arith.constant 47 : i32
        %get3A_1281 = arith.index_cast %rem3A_287 : i32 to index
        %get3A_1282 = arith.index_cast %get3A_1280 : i32 to index
        %get3A_1283 = arith.index_cast %mul3A_1279 : i32 to index
        %get3A_1284 = tpu.vector_load %arg9[%get3A_1281, %get3A_1282, %get3A_1283] {strides = array<i32>} : memref<3x64x256xf32, #tpu.memory_space<vmem>>, vector<16xf32>,
        %max3A_1285 = arith.maximumf %max3A_1277, %get3A_1284 : vector<16xf32>
        %add3A_1286 = arith.constant 640 : i32
        %add3A_1287 = arith.addi %add3A_1286, %add3A_1018 : i32
        %swap3A_1288 = arith.index_cast %rem3A_287 : i32 to index
        %swap3A_1289 = arith.index_cast %add3A_1287 : i32 to index
        %swap3A_1290 = tpu.vector_load %arg10[%swap3A_1288, %swap3A_1289] {strides = array<i32>} : memref<3x2048xf32, #tpu.memory_space<vmem>>, vector<16xf32>,
        tpu.vector_store %arg10[%swap3A_1288, %swap3A_1289], %max3A_1285 {strides = array<i32>} : memref<3x2048xf32, #tpu.memory_space<vmem>>, vector<16xf32>,
        %mul3A_1291 = arith.constant 16 : i32
        %mul3A_1292 = arith.muli %scan3A_973, %mul3A_1291 : i32
        %get3A_1293 = arith.constant 16 : i32
        %get3A_1294 = arith.index_cast %rem3A_287 : i32 to index
        %get3A_1295 = arith.index_cast %get3A_1293 : i32 to index
        %get3A_1296 = arith.index_cast %mul3A_1292 : i32 to index
        %get3A_1297 = tpu.vector_load %arg9[%get3A_1294, %get3A_1295, %get3A_1296] {strides = array<i32>} : memref<3x64x256xf32, #tpu.memory_space<vmem>>, vector<16xf32>,
        %mul3A_1298 = arith.constant 16 : i32
        %mul3A_1299 = arith.muli %scan3A_973, %mul3A_1298 : i32
        %get3A_1300 = arith.constant 17 : i32
        %get3A_1301 = arith.index_cast %rem3A_287 : i32 to index
        %get3A_1302 = arith.index_cast %get3A_1300 : i32 to index
        %get3A_1303 = arith.index_cast %mul3A_1299 : i32 to index
        %get3A_1304 = tpu.vector_load %arg9[%get3A_1301, %get3A_1302, %get3A_1303] {strides = array<i32>} : memref<3x64x256xf32, #tpu.memory_space<vmem>>, vector<16xf32>,
        %max3A_1305 = arith.maximumf %get3A_1297, %get3A_1304 : vector<16xf32>
        %mul3A_1306 = arith.constant 16 : i32
        %mul3A_1307 = arith.muli %scan3A_973, %mul3A_1306 : i32
        %get3A_1308 = arith.constant 18 : i32
        %get3A_1309 = arith.index_cast %rem3A_287 : i32 to index
        %get3A_1310 = arith.index_cast %get3A_1308 : i32 to index
        %get3A_1311 = arith.index_cast %mul3A_1307 : i32 to index
        %get3A_1312 = tpu.vector_load %arg9[%get3A_1309, %get3A_1310, %get3A_1311] {strides = array<i32>} : memref<3x64x256xf32, #tpu.memory_space<vmem>>, vector<16xf32>,
        %max3A_1313 = arith.maximumf %max3A_1305, %get3A_1312 : vector<16xf32>
        %mul3A_1314 = arith.constant 16 : i32
        %mul3A_1315 = arith.muli %scan3A_973, %mul3A_1314 : i32
        %get3A_1316 = arith.constant 19 : i32
        %get3A_1317 = arith.index_cast %rem3A_287 : i32 to index
        %get3A_1318 = arith.index_cast %get3A_1316 : i32 to index
        %get3A_1319 = arith.index_cast %mul3A_1315 : i32 to index
        %get3A_1320 = tpu.vector_load %arg9[%get3A_1317, %get3A_1318, %get3A_1319] {strides = array<i32>} : memref<3x64x256xf32, #tpu.memory_space<vmem>>, vector<16xf32>,
        %max3A_1321 = arith.maximumf %max3A_1313, %get3A_1320 : vector<16xf32>
        %mul3A_1322 = arith.constant 16 : i32
        %mul3A_1323 = arith.muli %scan3A_973, %mul3A_1322 : i32
        %get3A_1324 = arith.constant 20 : i32
        %get3A_1325 = arith.index_cast %rem3A_287 : i32 to index
        %get3A_1326 = arith.index_cast %get3A_1324 : i32 to index
        %get3A_1327 = arith.index_cast %mul3A_1323 : i32 to index
        %get3A_1328 = tpu.vector_load %arg9[%get3A_1325, %get3A_1326, %get3A_1327] {strides = array<i32>} : memref<3x64x256xf32, #tpu.memory_space<vmem>>, vector<16xf32>,
        %max3A_1329 = arith.maximumf %max3A_1321, %get3A_1328 : vector<16xf32>
        %mul3A_1330 = arith.constant 16 : i32
        %mul3A_1331 = arith.muli %scan3A_973, %mul3A_1330 : i32
        %get3A_1332 = arith.constant 21 : i32
        %get3A_1333 = arith.index_cast %rem3A_287 : i32 to index
        %get3A_1334 = arith.index_cast %get3A_1332 : i32 to index
        %get3A_1335 = arith.index_cast %mul3A_1331 : i32 to index
        %get3A_1336 = tpu.vector_load %arg9[%get3A_1333, %get3A_1334, %get3A_1335] {strides = array<i32>} : memref<3x64x256xf32, #tpu.memory_space<vmem>>, vector<16xf32>,
        %max3A_1337 = arith.maximumf %max3A_1329, %get3A_1336 : vector<16xf32>
        %mul3A_1338 = arith.constant 16 : i32
        %mul3A_1339 = arith.muli %scan3A_973, %mul3A_1338 : i32
        %get3A_1340 = arith.constant 22 : i32
        %get3A_1341 = arith.index_cast %rem3A_287 : i32 to index
        %get3A_1342 = arith.index_cast %get3A_1340 : i32 to index
        %get3A_1343 = arith.index_cast %mul3A_1339 : i32 to index
        %get3A_1344 = tpu.vector_load %arg9[%get3A_1341, %get3A_1342, %get3A_1343] {strides = array<i32>} : memref<3x64x256xf32, #tpu.memory_space<vmem>>, vector<16xf32>,
        %max3A_1345 = arith.maximumf %max3A_1337, %get3A_1344 : vector<16xf32>
        %mul3A_1346 = arith.constant 16 : i32
        %mul3A_1347 = arith.muli %scan3A_973, %mul3A_1346 : i32
        %get3A_1348 = arith.constant 23 : i32
        %get3A_1349 = arith.index_cast %rem3A_287 : i32 to index
        %get3A_1350 = arith.index_cast %get3A_1348 : i32 to index
        %get3A_1351 = arith.index_cast %mul3A_1347 : i32 to index
        %get3A_1352 = tpu.vector_load %arg9[%get3A_1349, %get3A_1350, %get3A_1351] {strides = array<i32>} : memref<3x64x256xf32, #tpu.memory_space<vmem>>, vector<16xf32>,
        %max3A_1353 = arith.maximumf %max3A_1345, %get3A_1352 : vector<16xf32>
        %add3A_1354 = arith.constant 1024 : i32
        %add3A_1355 = arith.addi %add3A_1354, %add3A_1018 : i32
        %swap3A_1356 = arith.index_cast %rem3A_287 : i32 to index
        %swap3A_1357 = arith.index_cast %add3A_1355 : i32 to index
        %swap3A_1358 = tpu.vector_load %arg10[%swap3A_1356, %swap3A_1357] {strides = array<i32>} : memref<3x2048xf32, #tpu.memory_space<vmem>>, vector<16xf32>,
        tpu.vector_store %arg10[%swap3A_1356, %swap3A_1357], %max3A_1353 {strides = array<i32>} : memref<3x2048xf32, #tpu.memory_space<vmem>>, vector<16xf32>,
        %mul3A_1359 = arith.constant 16 : i32
        %mul3A_1360 = arith.muli %scan3A_973, %mul3A_1359 : i32
        %get3A_1361 = arith.constant 48 : i32
        %get3A_1362 = arith.index_cast %rem3A_287 : i32 to index
        %get3A_1363 = arith.index_cast %get3A_1361 : i32 to index
        %get3A_1364 = arith.index_cast %mul3A_1360 : i32 to index
        %get3A_1365 = tpu.vector_load %arg9[%get3A_1362, %get3A_1363, %get3A_1364] {strides = array<i32>} : memref<3x64x256xf32, #tpu.memory_space<vmem>>, vector<16xf32>,
        %mul3A_1366 = arith.constant 16 : i32
        %mul3A_1367 = arith.muli %scan3A_973, %mul3A_1366 : i32
        %get3A_1368 = arith.constant 49 : i32
        %get3A_1369 = arith.index_cast %rem3A_287 : i32 to index
        %get3A_1370 = arith.index_cast %get3A_1368 : i32 to index
        %get3A_1371 = arith.index_cast %mul3A_1367 : i32 to index
        %get3A_1372 = tpu.vector_load %arg9[%get3A_1369, %get3A_1370, %get3A_1371] {strides = array<i32>} : memref<3x64x256xf32, #tpu.memory_space<vmem>>, vector<16xf32>,
        %max3A_1373 = arith.maximumf %get3A_1365, %get3A_1372 : vector<16xf32>
        %mul3A_1374 = arith.constant 16 : i32
        %mul3A_1375 = arith.muli %scan3A_973, %mul3A_1374 : i32
        %get3A_1376 = arith.constant 50 : i32
        %get3A_1377 = arith.index_cast %rem3A_287 : i32 to index
        %get3A_1378 = arith.index_cast %get3A_1376 : i32 to index
        %get3A_1379 = arith.index_cast %mul3A_1375 : i32 to index
        %get3A_1380 = tpu.vector_load %arg9[%get3A_1377, %get3A_1378, %get3A_1379] {strides = array<i32>} : memref<3x64x256xf32, #tpu.memory_space<vmem>>, vector<16xf32>,
        %max3A_1381 = arith.maximumf %max3A_1373, %get3A_1380 : vector<16xf32>
        %mul3A_1382 = arith.constant 16 : i32
        %mul3A_1383 = arith.muli %scan3A_973, %mul3A_1382 : i32
        %get3A_1384 = arith.constant 51 : i32
        %get3A_1385 = arith.index_cast %rem3A_287 : i32 to index
        %get3A_1386 = arith.index_cast %get3A_1384 : i32 to index
        %get3A_1387 = arith.index_cast %mul3A_1383 : i32 to index
        %get3A_1388 = tpu.vector_load %arg9[%get3A_1385, %get3A_1386, %get3A_1387] {strides = array<i32>} : memref<3x64x256xf32, #tpu.memory_space<vmem>>, vector<16xf32>,
        %max3A_1389 = arith.maximumf %max3A_1381, %get3A_1388 : vector<16xf32>
        %mul3A_1390 = arith.constant 16 : i32
        %mul3A_1391 = arith.muli %scan3A_973, %mul3A_1390 : i32
        %get3A_1392 = arith.constant 52 : i32
        %get3A_1393 = arith.index_cast %rem3A_287 : i32 to index
        %get3A_1394 = arith.index_cast %get3A_1392 : i32 to index
        %get3A_1395 = arith.index_cast %mul3A_1391 : i32 to index
        %get3A_1396 = tpu.vector_load %arg9[%get3A_1393, %get3A_1394, %get3A_1395] {strides = array<i32>} : memref<3x64x256xf32, #tpu.memory_space<vmem>>, vector<16xf32>,
        %max3A_1397 = arith.maximumf %max3A_1389, %get3A_1396 : vector<16xf32>
        %mul3A_1398 = arith.constant 16 : i32
        %mul3A_1399 = arith.muli %scan3A_973, %mul3A_1398 : i32
        %get3A_1400 = arith.constant 53 : i32
        %get3A_1401 = arith.index_cast %rem3A_287 : i32 to index
        %get3A_1402 = arith.index_cast %get3A_1400 : i32 to index
        %get3A_1403 = arith.index_cast %mul3A_1399 : i32 to index
        %get3A_1404 = tpu.vector_load %arg9[%get3A_1401, %get3A_1402, %get3A_1403] {strides = array<i32>} : memref<3x64x256xf32, #tpu.memory_space<vmem>>, vector<16xf32>,
        %max3A_1405 = arith.maximumf %max3A_1397, %get3A_1404 : vector<16xf32>
        %mul3A_1406 = arith.constant 16 : i32
        %mul3A_1407 = arith.muli %scan3A_973, %mul3A_1406 : i32
        %get3A_1408 = arith.constant 54 : i32
        %get3A_1409 = arith.index_cast %rem3A_287 : i32 to index
        %get3A_1410 = arith.index_cast %get3A_1408 : i32 to index
        %get3A_1411 = arith.index_cast %mul3A_1407 : i32 to index
        %get3A_1412 = tpu.vector_load %arg9[%get3A_1409, %get3A_1410, %get3A_1411] {strides = array<i32>} : memref<3x64x256xf32, #tpu.memory_space<vmem>>, vector<16xf32>,
        %max3A_1413 = arith.maximumf %max3A_1405, %get3A_1412 : vector<16xf32>
        %mul3A_1414 = arith.constant 16 : i32
        %mul3A_1415 = arith.muli %scan3A_973, %mul3A_1414 : i32
        %get3A_1416 = arith.constant 55 : i32
        %get3A_1417 = arith.index_cast %rem3A_287 : i32 to index
        %get3A_1418 = arith.index_cast %get3A_1416 : i32 to index
        %get3A_1419 = arith.index_cast %mul3A_1415 : i32 to index
        %get3A_1420 = tpu.vector_load %arg9[%get3A_1417, %get3A_1418, %get3A_1419] {strides = array<i32>} : memref<3x64x256xf32, #tpu.memory_space<vmem>>, vector<16xf32>,
        %max3A_1421 = arith.maximumf %max3A_1413, %get3A_1420 : vector<16xf32>
        %add3A_1422 = arith.constant 1152 : i32
        %add3A_1423 = arith.addi %add3A_1422, %add3A_1018 : i32
        %swap3A_1424 = arith.index_cast %rem3A_287 : i32 to index
        %swap3A_1425 = arith.index_cast %add3A_1423 : i32 to index
        %swap3A_1426 = tpu.vector_load %arg10[%swap3A_1424, %swap3A_1425] {strides = array<i32>} : memref<3x2048xf32, #tpu.memory_space<vmem>>, vector<16xf32>,
        tpu.vector_store %arg10[%swap3A_1424, %swap3A_1425], %max3A_1421 {strides = array<i32>} : memref<3x2048xf32, #tpu.memory_space<vmem>>, vector<16xf32>,
        %mul3A_1427 = arith.constant 16 : i32
        %mul3A_1428 = arith.muli %scan3A_973, %mul3A_1427 : i32
        %get3A_1429 = arith.constant 24 : i32
        %get3A_1430 = arith.index_cast %rem3A_287 : i32 to index
        %get3A_1431 = arith.index_cast %get3A_1429 : i32 to index
        %get3A_1432 = arith.index_cast %mul3A_1428 : i32 to index
        %get3A_1433 = tpu.vector_load %arg9[%get3A_1430, %get3A_1431, %get3A_1432] {strides = array<i32>} : memref<3x64x256xf32, #tpu.memory_space<vmem>>, vector<16xf32>,
        %mul3A_1434 = arith.constant 16 : i32
        %mul3A_1435 = arith.muli %scan3A_973, %mul3A_1434 : i32
        %get3A_1436 = arith.constant 25 : i32
        %get3A_1437 = arith.index_cast %rem3A_287 : i32 to index
        %get3A_1438 = arith.index_cast %get3A_1436 : i32 to index
        %get3A_1439 = arith.index_cast %mul3A_1435 : i32 to index
        %get3A_1440 = tpu.vector_load %arg9[%get3A_1437, %get3A_1438, %get3A_1439] {strides = array<i32>} : memref<3x64x256xf32, #tpu.memory_space<vmem>>, vector<16xf32>,
        %max3A_1441 = arith.maximumf %get3A_1433, %get3A_1440 : vector<16xf32>
        %mul3A_1442 = arith.constant 16 : i32
        %mul3A_1443 = arith.muli %scan3A_973, %mul3A_1442 : i32
        %get3A_1444 = arith.constant 26 : i32
        %get3A_1445 = arith.index_cast %rem3A_287 : i32 to index
        %get3A_1446 = arith.index_cast %get3A_1444 : i32 to index
        %get3A_1447 = arith.index_cast %mul3A_1443 : i32 to index
        %get3A_1448 = tpu.vector_load %arg9[%get3A_1445, %get3A_1446, %get3A_1447] {strides = array<i32>} : memref<3x64x256xf32, #tpu.memory_space<vmem>>, vector<16xf32>,
        %max3A_1449 = arith.maximumf %max3A_1441, %get3A_1448 : vector<16xf32>
        %mul3A_1450 = arith.constant 16 : i32
        %mul3A_1451 = arith.muli %scan3A_973, %mul3A_1450 : i32
        %get3A_1452 = arith.constant 27 : i32
        %get3A_1453 = arith.index_cast %rem3A_287 : i32 to index
        %get3A_1454 = arith.index_cast %get3A_1452 : i32 to index
        %get3A_1455 = arith.index_cast %mul3A_1451 : i32 to index
        %get3A_1456 = tpu.vector_load %arg9[%get3A_1453, %get3A_1454, %get3A_1455] {strides = array<i32>} : memref<3x64x256xf32, #tpu.memory_space<vmem>>, vector<16xf32>,
        %max3A_1457 = arith.maximumf %max3A_1449, %get3A_1456 : vector<16xf32>
        %mul3A_1458 = arith.constant 16 : i32
        %mul3A_1459 = arith.muli %scan3A_973, %mul3A_1458 : i32
        %get3A_1460 = arith.constant 28 : i32
        %get3A_1461 = arith.index_cast %rem3A_287 : i32 to index
        %get3A_1462 = arith.index_cast %get3A_1460 : i32 to index
        %get3A_1463 = arith.index_cast %mul3A_1459 : i32 to index
        %get3A_1464 = tpu.vector_load %arg9[%get3A_1461, %get3A_1462, %get3A_1463] {strides = array<i32>} : memref<3x64x256xf32, #tpu.memory_space<vmem>>, vector<16xf32>,
        %max3A_1465 = arith.maximumf %max3A_1457, %get3A_1464 : vector<16xf32>
        %mul3A_1466 = arith.constant 16 : i32
        %mul3A_1467 = arith.muli %scan3A_973, %mul3A_1466 : i32
        %get3A_1468 = arith.constant 29 : i32
        %get3A_1469 = arith.index_cast %rem3A_287 : i32 to index
        %get3A_1470 = arith.index_cast %get3A_1468 : i32 to index
        %get3A_1471 = arith.index_cast %mul3A_1467 : i32 to index
        %get3A_1472 = tpu.vector_load %arg9[%get3A_1469, %get3A_1470, %get3A_1471] {strides = array<i32>} : memref<3x64x256xf32, #tpu.memory_space<vmem>>, vector<16xf32>,
        %max3A_1473 = arith.maximumf %max3A_1465, %get3A_1472 : vector<16xf32>
        %mul3A_1474 = arith.constant 16 : i32
        %mul3A_1475 = arith.muli %scan3A_973, %mul3A_1474 : i32
        %get3A_1476 = arith.constant 30 : i32
        %get3A_1477 = arith.index_cast %rem3A_287 : i32 to index
        %get3A_1478 = arith.index_cast %get3A_1476 : i32 to index
        %get3A_1479 = arith.index_cast %mul3A_1475 : i32 to index
        %get3A_1480 = tpu.vector_load %arg9[%get3A_1477, %get3A_1478, %get3A_1479] {strides = array<i32>} : memref<3x64x256xf32, #tpu.memory_space<vmem>>, vector<16xf32>,
        %max3A_1481 = arith.maximumf %max3A_1473, %get3A_1480 : vector<16xf32>
        %mul3A_1482 = arith.constant 16 : i32
        %mul3A_1483 = arith.muli %scan3A_973, %mul3A_1482 : i32
        %get3A_1484 = arith.constant 31 : i32
        %get3A_1485 = arith.index_cast %rem3A_287 : i32 to index
        %get3A_1486 = arith.index_cast %get3A_1484 : i32 to index
        %get3A_1487 = arith.index_cast %mul3A_1483 : i32 to index
        %get3A_1488 = tpu.vector_load %arg9[%get3A_1485, %get3A_1486, %get3A_1487] {strides = array<i32>} : memref<3x64x256xf32, #tpu.memory_space<vmem>>, vector<16xf32>,
        %max3A_1489 = arith.maximumf %max3A_1481, %get3A_1488 : vector<16xf32>
        %add3A_1490 = arith.constant 1536 : i32
        %add3A_1491 = arith.addi %add3A_1490, %add3A_1018 : i32
        %swap3A_1492 = arith.index_cast %rem3A_287 : i32 to index
        %swap3A_1493 = arith.index_cast %add3A_1491 : i32 to index
        %swap3A_1494 = tpu.vector_load %arg10[%swap3A_1492, %swap3A_1493] {strides = array<i32>} : memref<3x2048xf32, #tpu.memory_space<vmem>>, vector<16xf32>,
        tpu.vector_store %arg10[%swap3A_1492, %swap3A_1493], %max3A_1489 {strides = array<i32>} : memref<3x2048xf32, #tpu.memory_space<vmem>>, vector<16xf32>,
        %mul3A_1495 = arith.constant 16 : i32
        %mul3A_1496 = arith.muli %scan3A_973, %mul3A_1495 : i32
        %get3A_1497 = arith.constant 56 : i32
        %get3A_1498 = arith.index_cast %rem3A_287 : i32 to index
        %get3A_1499 = arith.index_cast %get3A_1497 : i32 to index
        %get3A_1500 = arith.index_cast %mul3A_1496 : i32 to index
        %get3A_1501 = tpu.vector_load %arg9[%get3A_1498, %get3A_1499, %get3A_1500] {strides = array<i32>} : memref<3x64x256xf32, #tpu.memory_space<vmem>>, vector<16xf32>,
        %mul3A_1502 = arith.constant 16 : i32
        %mul3A_1503 = arith.muli %scan3A_973, %mul3A_1502 : i32
        %get3A_1504 = arith.constant 57 : i32
        %get3A_1505 = arith.index_cast %rem3A_287 : i32 to index
        %get3A_1506 = arith.index_cast %get3A_1504 : i32 to index
        %get3A_1507 = arith.index_cast %mul3A_1503 : i32 to index
        %get3A_1508 = tpu.vector_load %arg9[%get3A_1505, %get3A_1506, %get3A_1507] {strides = array<i32>} : memref<3x64x256xf32, #tpu.memory_space<vmem>>, vector<16xf32>,
        %max3A_1509 = arith.maximumf %get3A_1501, %get3A_1508 : vector<16xf32>
        %mul3A_1510 = arith.constant 16 : i32
        %mul3A_1511 = arith.muli %scan3A_973, %mul3A_1510 : i32
        %get3A_1512 = arith.constant 58 : i32
        %get3A_1513 = arith.index_cast %rem3A_287 : i32 to index
        %get3A_1514 = arith.index_cast %get3A_1512 : i32 to index
        %get3A_1515 = arith.index_cast %mul3A_1511 : i32 to index
        %get3A_1516 = tpu.vector_load %arg9[%get3A_1513, %get3A_1514, %get3A_1515] {strides = array<i32>} : memref<3x64x256xf32, #tpu.memory_space<vmem>>, vector<16xf32>,
        %max3A_1517 = arith.maximumf %max3A_1509, %get3A_1516 : vector<16xf32>
        %mul3A_1518 = arith.constant 16 : i32
        %mul3A_1519 = arith.muli %scan3A_973, %mul3A_1518 : i32
        %get3A_1520 = arith.constant 59 : i32
        %get3A_1521 = arith.index_cast %rem3A_287 : i32 to index
        %get3A_1522 = arith.index_cast %get3A_1520 : i32 to index
        %get3A_1523 = arith.index_cast %mul3A_1519 : i32 to index
        %get3A_1524 = tpu.vector_load %arg9[%get3A_1521, %get3A_1522, %get3A_1523] {strides = array<i32>} : memref<3x64x256xf32, #tpu.memory_space<vmem>>, vector<16xf32>,
        %max3A_1525 = arith.maximumf %max3A_1517, %get3A_1524 : vector<16xf32>
        %mul3A_1526 = arith.constant 16 : i32
        %mul3A_1527 = arith.muli %scan3A_973, %mul3A_1526 : i32
        %get3A_1528 = arith.constant 60 : i32
        %get3A_1529 = arith.index_cast %rem3A_287 : i32 to index
        %get3A_1530 = arith.index_cast %get3A_1528 : i32 to index
        %get3A_1531 = arith.index_cast %mul3A_1527 : i32 to index
        %get3A_1532 = tpu.vector_load %arg9[%get3A_1529, %get3A_1530, %get3A_1531] {strides = array<i32>} : memref<3x64x256xf32, #tpu.memory_space<vmem>>, vector<16xf32>,
        %max3A_1533 = arith.maximumf %max3A_1525, %get3A_1532 : vector<16xf32>
        %mul3A_1534 = arith.constant 16 : i32
        %mul3A_1535 = arith.muli %scan3A_973, %mul3A_1534 : i32
        %get3A_1536 = arith.constant 61 : i32
        %get3A_1537 = arith.index_cast %rem3A_287 : i32 to index
        %get3A_1538 = arith.index_cast %get3A_1536 : i32 to index
        %get3A_1539 = arith.index_cast %mul3A_1535 : i32 to index
        %get3A_1540 = tpu.vector_load %arg9[%get3A_1537, %get3A_1538, %get3A_1539] {strides = array<i32>} : memref<3x64x256xf32, #tpu.memory_space<vmem>>, vector<16xf32>,
        %max3A_1541 = arith.maximumf %max3A_1533, %get3A_1540 : vector<16xf32>
        %mul3A_1542 = arith.constant 16 : i32
        %mul3A_1543 = arith.muli %scan3A_973, %mul3A_1542 : i32
        %get3A_1544 = arith.constant 62 : i32
        %get3A_1545 = arith.index_cast %rem3A_287 : i32 to index
        %get3A_1546 = arith.index_cast %get3A_1544 : i32 to index
        %get3A_1547 = arith.index_cast %mul3A_1543 : i32 to index
        %get3A_1548 = tpu.vector_load %arg9[%get3A_1545, %get3A_1546, %get3A_1547] {strides = array<i32>} : memref<3x64x256xf32, #tpu.memory_space<vmem>>, vector<16xf32>,
        %max3A_1549 = arith.maximumf %max3A_1541, %get3A_1548 : vector<16xf32>
        %mul3A_1550 = arith.constant 16 : i32
        %mul3A_1551 = arith.muli %scan3A_973, %mul3A_1550 : i32
        %get3A_1552 = arith.constant 63 : i32
        %get3A_1553 = arith.index_cast %rem3A_287 : i32 to index
        %get3A_1554 = arith.index_cast %get3A_1552 : i32 to index
        %get3A_1555 = arith.index_cast %mul3A_1551 : i32 to index
        %get3A_1556 = tpu.vector_load %arg9[%get3A_1553, %get3A_1554, %get3A_1555] {strides = array<i32>} : memref<3x64x256xf32, #tpu.memory_space<vmem>>, vector<16xf32>,
        %max3A_1557 = arith.maximumf %max3A_1549, %get3A_1556 : vector<16xf32>
        %add3A_1558 = arith.constant 1664 : i32
        %add3A_1559 = arith.addi %add3A_1558, %add3A_1018 : i32
        %swap3A_1560 = arith.index_cast %rem3A_287 : i32 to index
        %swap3A_1561 = arith.index_cast %add3A_1559 : i32 to index
        %swap3A_1562 = tpu.vector_load %arg10[%swap3A_1560, %swap3A_1561] {strides = array<i32>} : memref<3x2048xf32, #tpu.memory_space<vmem>>, vector<16xf32>,
        tpu.vector_store %arg10[%swap3A_1560, %swap3A_1561], %max3A_1557 {strides = array<i32>} : memref<3x2048xf32, #tpu.memory_space<vmem>>, vector<16xf32>,
      }
      %scan3A_327 = arith.constant 16 : i32
      %jit3A_328 = arith.constant 32 : i32
      %div3A_329 = arith.divsi %while3A_285, %jit3A_328 : i32
      %sign3A_330 = arith.constant 0 : i32
      %sign3A_331 = arith.cmpi sgt, %while3A_285, %sign3A_330 : i32
      %sign3A_332 = arith.extui %sign3A_331 : i1 to i32
      %sign3A_333 = arith.constant 0 : i32
      %sign3A_334 = arith.cmpi slt, %while3A_285, %sign3A_333 : i32
      %sign3A_335 = arith.extui %sign3A_334 : i1 to i32
      %sign3A_336 = arith.subi %sign3A_332, %sign3A_335 : i32
      %sign3A_337 = arith.constant 0 : i32
      %sign3A_338 = arith.cmpi sgt, %jit3A_328, %sign3A_337 : i32
      %sign3A_339 = arith.extui %sign3A_338 : i1 to i32
      %sign3A_340 = arith.constant 0 : i32
      %sign3A_341 = arith.cmpi slt, %jit3A_328, %sign3A_340 : i32
      %sign3A_342 = arith.extui %sign3A_341 : i1 to i32
      %sign3A_343 = arith.subi %sign3A_339, %sign3A_342 : i32
      %ne3A_344 = arith.cmpi ne, %sign3A_336, %sign3A_343 : i32
      %rem3A_345 = arith.remsi %while3A_285, %jit3A_328 : i32
      %ne3A_346 = arith.constant 0 : i32
      %ne3A_347 = arith.cmpi ne, %rem3A_345, %ne3A_346 : i32
      %and3A_348 = arith.andi %ne3A_344, %ne3A_347 : i1
      %sub3A_349 = arith.constant 1 : i32
      %sub3A_350 = arith.subi %div3A_329, %sub3A_349 : i32
      %select_n3A_351 = arith.select %and3A_348, %sub3A_350, %div3A_329 : i32
      %mul3A_352 = arith.constant 32 : i32
      %mul3A_353 = arith.muli %mul3A_352, %select_n3A_351 : i32
      %add3A_354 = arith.addi %add3A, %mul3A_353 : i32
      %mul3A_355 = arith.constant 128 : i32
      %mul3A_356 = arith.muli %add3A_354, %mul3A_355 : i32
      %rem3A_357 = arith.constant 32 : i32
      %rem3A_358 = arith.remsi %while3A_285, %rem3A_357 : i32
      %mul3A_359 = arith.constant 4 : i32
      %mul3A_360 = arith.muli %rem3A_358, %mul3A_359 : i32
      %add3A_361 = arith.addi %mul3A_356, %mul3A_360 : i32
      %sub3A_362 = arith.constant 96 : i32
      %sub3A_363 = arith.subi %while3A_285, %sub3A_362 : i32
      %mul3A_364 = arith.constant 32 : i32
      %mul3A_365 = arith.muli %mul3A_364, %sub3A_363 : i32
      %add3A_366 = arith.addi %add3A, %mul3A_365 : i32
      %mul3A_367 = arith.constant 4 : i32
      %mul3A_368 = arith.muli %add3A_366, %mul3A_367 : i32
      %add3A_369 = arith.constant 12288 : i32
      %add3A_370 = arith.addi %add3A_369, %mul3A_368 : i32
      %lt3A_371 = arith.constant 96 : i32
      %lt3A_372 = arith.cmpi slt, %while3A_285, %lt3A_371 : i32
      %select_n3A_373 = arith.select %lt3A_372, %add3A_361, %add3A_370 : i32
      %mul3A_374 = arith.constant 512 : i32
      %mul3A_375 = arith.muli %select_n3A_373, %mul3A_374 : i32
      %dma_start3A_376 = arith.constant 0 : i32
      %dma_start3A_377 = tpu.memref_slice %arg10[%rem3A_287, %dma_start3A_376] : memref<3x2048xf32, #tpu.memory_space<vmem>> -> memref<1x2048xf32, #tpu.memory_space<vmem>>
      %dma_start3A_378 = tpu.memref_squeeze %dma_start3A_377 : memref<1x2048xf32, #tpu.memory_space<vmem>> -> memref<2048xf32, #tpu.memory_space<vmem>>
      %dma_start3A_379 = tpu.memref_slice %arg5[%mul3A_375] : memref<6400000xf32, #tpu.memory_space<hbm>> -> memref<2048xf32, #tpu.memory_space<hbm>>
      %dma_start3A_380 = tpu.memref_slice %arg12[%rem3A_287] : memref<3x!tpu.dma_semaphore, #tpu.memory_space<semaphore_mem>> -> memref<1x!tpu.dma_semaphore, #tpu.memory_space<semaphore_mem>>
      %dma_start3A_381 = tpu.memref_squeeze %dma_start3A_380 : memref<1x!tpu.dma_semaphore, #tpu.memory_space<semaphore_mem>> -> memref<!tpu.dma_semaphore, #tpu.memory_space<semaphore_mem>>
      %dma_start3A_382 = tpu.memref_slice %arg5[%mul3A_375] : memref<6400000xf32, #tpu.memory_space<hbm>> -> memref<2048xf32, #tpu.memory_space<hbm>>
      %dma_start3A_383 = arith.constant 0 : i32
      %dma_start3A_384 = tpu.memref_slice %arg10[%rem3A_287, %dma_start3A_383] : memref<3x2048xf32, #tpu.memory_space<vmem>> -> memref<1x2048xf32, #tpu.memory_space<vmem>>
      %dma_start3A_385 = tpu.memref_squeeze %dma_start3A_384 : memref<1x2048xf32, #tpu.memory_space<vmem>> -> memref<2048xf32, #tpu.memory_space<vmem>>
      tpu.enqueue_dma source(%dma_start3A_385 : memref<2048xf32, #tpu.memory_space<vmem>>) target(%dma_start3A_382 : memref<2048xf32, #tpu.memory_space<hbm>>) target_semaphore(%dma_start3A_381 : memref<!tpu.dma_semaphore, #tpu.memory_space<semaphore_mem>>)
    }
    %sub3A = arith.constant 3 : i32
    %sub3A_100 = arith.subi %add3A_39, %sub3A : i32
    %sub3A_101 = arith.constant 3 : i32
    %sub3A_102 = arith.subi %add3A_39, %sub3A_101 : i32
    %rem3A = arith.constant 3 : i32
    %rem3A_103 = arith.remsi %sub3A_102, %rem3A : i32
    %jit3A_104 = arith.constant 32 : i32
    %div3A = arith.divsi %sub3A_100, %jit3A_104 : i32
    %sign3A = arith.constant 0 : i32
    %sign3A_105 = arith.cmpi sgt, %sub3A_100, %sign3A : i32
    %sign3A_106 = arith.extui %sign3A_105 : i1 to i32
    %sign3A_107 = arith.constant 0 : i32
    %sign3A_108 = arith.cmpi slt, %sub3A_100, %sign3A_107 : i32
    %sign3A_109 = arith.extui %sign3A_108 : i1 to i32
    %sign3A_110 = arith.subi %sign3A_106, %sign3A_109 : i32
    %sign3A_111 = arith.constant 0 : i32
    %sign3A_112 = arith.cmpi sgt, %jit3A_104, %sign3A_111 : i32
    %sign3A_113 = arith.extui %sign3A_112 : i1 to i32
    %sign3A_114 = arith.constant 0 : i32
    %sign3A_115 = arith.cmpi slt, %jit3A_104, %sign3A_114 : i32
    %sign3A_116 = arith.extui %sign3A_115 : i1 to i32
    %sign3A_117 = arith.subi %sign3A_113, %sign3A_116 : i32
    %ne3A = arith.cmpi ne, %sign3A_110, %sign3A_117 : i32
    %rem3A_118 = arith.remsi %sub3A_100, %jit3A_104 : i32
    %ne3A_119 = arith.constant 0 : i32
    %ne3A_120 = arith.cmpi ne, %rem3A_118, %ne3A_119 : i32
    %and3A = arith.andi %ne3A, %ne3A_120 : i1
    %sub3A_121 = arith.constant 1 : i32
    %sub3A_122 = arith.subi %div3A, %sub3A_121 : i32
    %select_n3A_123 = arith.select %and3A, %sub3A_122, %div3A : i32
    %mul3A_124 = arith.constant 32 : i32
    %mul3A_125 = arith.muli %mul3A_124, %select_n3A_123 : i32
    %add3A_126 = arith.addi %add3A, %mul3A_125 : i32
    %mul3A_127 = arith.constant 128 : i32
    %mul3A_128 = arith.muli %add3A_126, %mul3A_127 : i32
    %rem3A_129 = arith.constant 32 : i32
    %rem3A_130 = arith.remsi %sub3A_100, %rem3A_129 : i32
    %mul3A_131 = arith.constant 4 : i32
    %mul3A_132 = arith.muli %rem3A_130, %mul3A_131 : i32
    %add3A_133 = arith.addi %mul3A_128, %mul3A_132 : i32
    %sub3A_134 = arith.constant 96 : i32
    %sub3A_135 = arith.subi %sub3A_100, %sub3A_134 : i32
    %mul3A_136 = arith.constant 32 : i32
    %mul3A_137 = arith.muli %mul3A_136, %sub3A_135 : i32
    %add3A_138 = arith.addi %add3A, %mul3A_137 : i32
    %mul3A_139 = arith.constant 4 : i32
    %mul3A_140 = arith.muli %add3A_138, %mul3A_139 : i32
    %add3A_141 = arith.constant 12288 : i32
    %add3A_142 = arith.addi %add3A_141, %mul3A_140 : i32
    %lt3A_143 = arith.constant 96 : i32
    %lt3A_144 = arith.cmpi slt, %sub3A_100, %lt3A_143 : i32
    %select_n3A_145 = arith.select %lt3A_144, %add3A_133, %add3A_142 : i32
    %mul3A_146 = arith.constant 512 : i32
    %mul3A_147 = arith.muli %select_n3A_145, %mul3A_146 : i32
    %dma_wait3A = arith.constant 0 : i32
    %dma_wait3A_148 = tpu.memref_slice %arg10[%rem3A_103, %dma_wait3A] : memref<3x2048xf32, #tpu.memory_space<vmem>> -> memref<1x2048xf32, #tpu.memory_space<vmem>>
    %dma_wait3A_149 = tpu.memref_squeeze %dma_wait3A_148 : memref<1x2048xf32, #tpu.memory_space<vmem>> -> memref<2048xf32, #tpu.memory_space<vmem>>
    %dma_wait3A_150 = tpu.memref_slice %arg5[%mul3A_147] : memref<6400000xf32, #tpu.memory_space<hbm>> -> memref<2048xf32, #tpu.memory_space<hbm>>
    %dma_wait3A_151 = tpu.memref_slice %arg12[%rem3A_103] : memref<3x!tpu.dma_semaphore, #tpu.memory_space<semaphore_mem>> -> memref<1x!tpu.dma_semaphore, #tpu.memory_space<semaphore_mem>>
    %dma_wait3A_152 = tpu.memref_squeeze %dma_wait3A_151 : memref<1x!tpu.dma_semaphore, #tpu.memory_space<semaphore_mem>> -> memref<!tpu.dma_semaphore, #tpu.memory_space<semaphore_mem>>
    %dma_wait3A_153 = tpu.memref_slice %arg5[%mul3A_147] : memref<6400000xf32, #tpu.memory_space<hbm>> -> memref<2048xf32, #tpu.memory_space<hbm>>
    %dma_wait3A_154 = arith.constant 0 : i32
    %dma_wait3A_155 = tpu.memref_slice %arg10[%rem3A_103, %dma_wait3A_154] : memref<3x2048xf32, #tpu.memory_space<vmem>> -> memref<1x2048xf32, #tpu.memory_space<vmem>>
    %dma_wait3A_156 = tpu.memref_squeeze %dma_wait3A_155 : memref<1x2048xf32, #tpu.memory_space<vmem>> -> memref<2048xf32, #tpu.memory_space<vmem>>
    tpu.wait_dma2 semaphore(%dma_wait3A_152 : memref<!tpu.dma_semaphore, #tpu.memory_space<semaphore_mem>>) src(%dma_wait3A_156 : memref<2048xf32, #tpu.memory_space<vmem>>) dst(%dma_wait3A_153 : memref<2048xf32, #tpu.memory_space<hbm>>)
    %sub3A_157 = arith.constant 2 : i32
    %sub3A_158 = arith.subi %add3A_39, %sub3A_157 : i32
    %sub3A_159 = arith.constant 2 : i32
    %sub3A_160 = arith.subi %add3A_39, %sub3A_159 : i32
    %rem3A_161 = arith.constant 3 : i32
    %rem3A_162 = arith.remsi %sub3A_160, %rem3A_161 : i32
    %jit3A_163 = arith.constant 32 : i32
    %div3A_164 = arith.divsi %sub3A_158, %jit3A_163 : i32
    %sign3A_165 = arith.constant 0 : i32
    %sign3A_166 = arith.cmpi sgt, %sub3A_158, %sign3A_165 : i32
    %sign3A_167 = arith.extui %sign3A_166 : i1 to i32
    %sign3A_168 = arith.constant 0 : i32
    %sign3A_169 = arith.cmpi slt, %sub3A_158, %sign3A_168 : i32
    %sign3A_170 = arith.extui %sign3A_169 : i1 to i32
    %sign3A_171 = arith.subi %sign3A_167, %sign3A_170 : i32
    %sign3A_172 = arith.constant 0 : i32
    %sign3A_173 = arith.cmpi sgt, %jit3A_163, %sign3A_172 : i32
    %sign3A_174 = arith.extui %sign3A_173 : i1 to i32
    %sign3A_175 = arith.constant 0 : i32
    %sign3A_176 = arith.cmpi slt, %jit3A_163, %sign3A_175 : i32
    %sign3A_177 = arith.extui %sign3A_176 : i1 to i32
    %sign3A_178 = arith.subi %sign3A_174, %sign3A_177 : i32
    %ne3A_179 = arith.cmpi ne, %sign3A_171, %sign3A_178 : i32
    %rem3A_180 = arith.remsi %sub3A_158, %jit3A_163 : i32
    %ne3A_181 = arith.constant 0 : i32
    %ne3A_182 = arith.cmpi ne, %rem3A_180, %ne3A_181 : i32
    %and3A_183 = arith.andi %ne3A_179, %ne3A_182 : i1
    %sub3A_184 = arith.constant 1 : i32
    %sub3A_185 = arith.subi %div3A_164, %sub3A_184 : i32
    %select_n3A_186 = arith.select %and3A_183, %sub3A_185, %div3A_164 : i32
    %mul3A_187 = arith.constant 32 : i32
    %mul3A_188 = arith.muli %mul3A_187, %select_n3A_186 : i32
    %add3A_189 = arith.addi %add3A, %mul3A_188 : i32
    %mul3A_190 = arith.constant 128 : i32
    %mul3A_191 = arith.muli %add3A_189, %mul3A_190 : i32
    %rem3A_192 = arith.constant 32 : i32
    %rem3A_193 = arith.remsi %sub3A_158, %rem3A_192 : i32
    %mul3A_194 = arith.constant 4 : i32
    %mul3A_195 = arith.muli %rem3A_193, %mul3A_194 : i32
    %add3A_196 = arith.addi %mul3A_191, %mul3A_195 : i32
    %sub3A_197 = arith.constant 96 : i32
    %sub3A_198 = arith.subi %sub3A_158, %sub3A_197 : i32
    %mul3A_199 = arith.constant 32 : i32
    %mul3A_200 = arith.muli %mul3A_199, %sub3A_198 : i32
    %add3A_201 = arith.addi %add3A, %mul3A_200 : i32
    %mul3A_202 = arith.constant 4 : i32
    %mul3A_203 = arith.muli %add3A_201, %mul3A_202 : i32
    %add3A_204 = arith.constant 12288 : i32
    %add3A_205 = arith.addi %add3A_204, %mul3A_203 : i32
    %lt3A_206 = arith.constant 96 : i32
    %lt3A_207 = arith.cmpi slt, %sub3A_158, %lt3A_206 : i32
    %select_n3A_208 = arith.select %lt3A_207, %add3A_196, %add3A_205 : i32
    %mul3A_209 = arith.constant 512 : i32
    %mul3A_210 = arith.muli %select_n3A_208, %mul3A_209 : i32
    %dma_wait3A_211 = arith.constant 0 : i32
    %dma_wait3A_212 = tpu.memref_slice %arg10[%rem3A_162, %dma_wait3A_211] : memref<3x2048xf32, #tpu.memory_space<vmem>> -> memref<1x2048xf32, #tpu.memory_space<vmem>>
    %dma_wait3A_213 = tpu.memref_squeeze %dma_wait3A_212 : memref<1x2048xf32, #tpu.memory_space<vmem>> -> memref<2048xf32, #tpu.memory_space<vmem>>
    %dma_wait3A_214 = tpu.memref_slice %arg5[%mul3A_210] : memref<6400000xf32, #tpu.memory_space<hbm>> -> memref<2048xf32, #tpu.memory_space<hbm>>
    %dma_wait3A_215 = tpu.memref_slice %arg12[%rem3A_162] : memref<3x!tpu.dma_semaphore, #tpu.memory_space<semaphore_mem>> -> memref<1x!tpu.dma_semaphore, #tpu.memory_space<semaphore_mem>>
    %dma_wait3A_216 = tpu.memref_squeeze %dma_wait3A_215 : memref<1x!tpu.dma_semaphore, #tpu.memory_space<semaphore_mem>> -> memref<!tpu.dma_semaphore, #tpu.memory_space<semaphore_mem>>
    %dma_wait3A_217 = tpu.memref_slice %arg5[%mul3A_210] : memref<6400000xf32, #tpu.memory_space<hbm>> -> memref<2048xf32, #tpu.memory_space<hbm>>
    %dma_wait3A_218 = arith.constant 0 : i32
    %dma_wait3A_219 = tpu.memref_slice %arg10[%rem3A_162, %dma_wait3A_218] : memref<3x2048xf32, #tpu.memory_space<vmem>> -> memref<1x2048xf32, #tpu.memory_space<vmem>>
    %dma_wait3A_220 = tpu.memref_squeeze %dma_wait3A_219 : memref<1x2048xf32, #tpu.memory_space<vmem>> -> memref<2048xf32, #tpu.memory_space<vmem>>
    tpu.wait_dma2 semaphore(%dma_wait3A_216 : memref<!tpu.dma_semaphore, #tpu.memory_space<semaphore_mem>>) src(%dma_wait3A_220 : memref<2048xf32, #tpu.memory_space<vmem>>) dst(%dma_wait3A_217 : memref<2048xf32, #tpu.memory_space<hbm>>)
    %sub3A_221 = arith.constant 1 : i32
    %sub3A_222 = arith.subi %add3A_39, %sub3A_221 : i32
    %sub3A_223 = arith.constant 1 : i32
    %sub3A_224 = arith.subi %add3A_39, %sub3A_223 : i32
    %rem3A_225 = arith.constant 3 : i32
    %rem3A_226 = arith.remsi %sub3A_224, %rem3A_225 : i32
    %jit3A_227 = arith.constant 32 : i32
    %div3A_228 = arith.divsi %sub3A_222, %jit3A_227 : i32
    %sign3A_229 = arith.constant 0 : i32
    %sign3A_230 = arith.cmpi sgt, %sub3A_222, %sign3A_229 : i32
    %sign3A_231 = arith.extui %sign3A_230 : i1 to i32
    %sign3A_232 = arith.constant 0 : i32
    %sign3A_233 = arith.cmpi slt, %sub3A_222, %sign3A_232 : i32
    %sign3A_234 = arith.extui %sign3A_233 : i1 to i32
    %sign3A_235 = arith.subi %sign3A_231, %sign3A_234 : i32
    %sign3A_236 = arith.constant 0 : i32
    %sign3A_237 = arith.cmpi sgt, %jit3A_227, %sign3A_236 : i32
    %sign3A_238 = arith.extui %sign3A_237 : i1 to i32
    %sign3A_239 = arith.constant 0 : i32
    %sign3A_240 = arith.cmpi slt, %jit3A_227, %sign3A_239 : i32
    %sign3A_241 = arith.extui %sign3A_240 : i1 to i32
    %sign3A_242 = arith.subi %sign3A_238, %sign3A_241 : i32
    %ne3A_243 = arith.cmpi ne, %sign3A_235, %sign3A_242 : i32
    %rem3A_244 = arith.remsi %sub3A_222, %jit3A_227 : i32
    %ne3A_245 = arith.constant 0 : i32
    %ne3A_246 = arith.cmpi ne, %rem3A_244, %ne3A_245 : i32
    %and3A_247 = arith.andi %ne3A_243, %ne3A_246 : i1
    %sub3A_248 = arith.constant 1 : i32
    %sub3A_249 = arith.subi %div3A_228, %sub3A_248 : i32
    %select_n3A_250 = arith.select %and3A_247, %sub3A_249, %div3A_228 : i32
    %mul3A_251 = arith.constant 32 : i32
    %mul3A_252 = arith.muli %mul3A_251, %select_n3A_250 : i32
    %add3A_253 = arith.addi %add3A, %mul3A_252 : i32
    %mul3A_254 = arith.constant 128 : i32
    %mul3A_255 = arith.muli %add3A_253, %mul3A_254 : i32
    %rem3A_256 = arith.constant 32 : i32
    %rem3A_257 = arith.remsi %sub3A_222, %rem3A_256 : i32
    %mul3A_258 = arith.constant 4 : i32
    %mul3A_259 = arith.muli %rem3A_257, %mul3A_258 : i32
    %add3A_260 = arith.addi %mul3A_255, %mul3A_259 : i32
    %sub3A_261 = arith.constant 96 : i32
    %sub3A_262 = arith.subi %sub3A_222, %sub3A_261 : i32
    %mul3A_263 = arith.constant 32 : i32
    %mul3A_264 = arith.muli %mul3A_263, %sub3A_262 : i32
    %add3A_265 = arith.addi %add3A, %mul3A_264 : i32
    %mul3A_266 = arith.constant 4 : i32
    %mul3A_267 = arith.muli %add3A_265, %mul3A_266 : i32
    %add3A_268 = arith.constant 12288 : i32
    %add3A_269 = arith.addi %add3A_268, %mul3A_267 : i32
    %lt3A_270 = arith.constant 96 : i32
    %lt3A_271 = arith.cmpi slt, %sub3A_222, %lt3A_270 : i32
    %select_n3A_272 = arith.select %lt3A_271, %add3A_260, %add3A_269 : i32
    %mul3A_273 = arith.constant 512 : i32
    %mul3A_274 = arith.muli %select_n3A_272, %mul3A_273 : i32
    %dma_wait3A_275 = arith.constant 0 : i32
    %dma_wait3A_276 = tpu.memref_slice %arg10[%rem3A_226, %dma_wait3A_275] : memref<3x2048xf32, #tpu.memory_space<vmem>> -> memref<1x2048xf32, #tpu.memory_space<vmem>>
    %dma_wait3A_277 = tpu.memref_squeeze %dma_wait3A_276 : memref<1x2048xf32, #tpu.memory_space<vmem>> -> memref<2048xf32, #tpu.memory_space<vmem>>
    %dma_wait3A_278 = tpu.memref_slice %arg5[%mul3A_274] : memref<6400000xf32, #tpu.memory_space<hbm>> -> memref<2048xf32, #tpu.memory_space<hbm>>
    %dma_wait3A_279 = tpu.memref_slice %arg12[%rem3A_226] : memref<3x!tpu.dma_semaphore, #tpu.memory_space<semaphore_mem>> -> memref<1x!tpu.dma_semaphore, #tpu.memory_space<semaphore_mem>>
    %dma_wait3A_280 = tpu.memref_squeeze %dma_wait3A_279 : memref<1x!tpu.dma_semaphore, #tpu.memory_space<semaphore_mem>> -> memref<!tpu.dma_semaphore, #tpu.memory_space<semaphore_mem>>
    %dma_wait3A_281 = tpu.memref_slice %arg5[%mul3A_274] : memref<6400000xf32, #tpu.memory_space<hbm>> -> memref<2048xf32, #tpu.memory_space<hbm>>
    %dma_wait3A_282 = arith.constant 0 : i32
    %dma_wait3A_283 = tpu.memref_slice %arg10[%rem3A_226, %dma_wait3A_282] : memref<3x2048xf32, #tpu.memory_space<vmem>> -> memref<1x2048xf32, #tpu.memory_space<vmem>>
    %dma_wait3A_284 = tpu.memref_squeeze %dma_wait3A_283 : memref<1x2048xf32, #tpu.memory_space<vmem>> -> memref<2048xf32, #tpu.memory_space<vmem>>
    tpu.wait_dma2 semaphore(%dma_wait3A_280 : memref<!tpu.dma_semaphore, #tpu.memory_space<semaphore_mem>>) src(%dma_wait3A_284 : memref<2048xf32, #tpu.memory_space<vmem>>) dst(%dma_wait3A_281 : memref<2048xf32, #tpu.memory_space<hbm>>)
    return
  }
}

</mosaic_0001>

<sc_bundles>
// kernel: kernel.3.cloned.1.call-start
scs
__scs_entry_jumppad:
0x0: {  	(pc) =	sbr.rel $0x88, $3  }
0x1: {  	(tag) =	ssettag $0x0;
	lr =	simm.s32 $0x1  }
0x2: {  	[smem:$0x3F9F] =	sst lr;
	_ =	strace $0xD0000000  }
0x3: {  	_ = 	snop  }
0x4: {  	_ = 	snop  }
0x5: {  	_ = 	snop  }
0x6: {  	_ = 	snop  }
0x7: {  	_ = 	snop  }
__scs_overlays_trampoline_lowered:
0x8: {  	[smem:$0x3FAE] =	sst s0  }
0x9: {  	[smem:$0x3FAF] =	sst s1  }
0xa: {  	[smem:$0x3FB0] =	sst s2  }
0xb: {  	[smem:$0x3FB1] =	sst s3  }
0xc: {  	[smem:$0x3FB2] =	sst s4  }
0xd: {  	[smem:$0x3FB3] =	sst s5  }
0xe: {  	[smem:$0x3FB4] =	sst s6  }
0xf: {  	[smem:$0x3FB5] =	sst s7  }
0x10: {  	[smem:$0x3FB6] =	sst s8  }
0x11: {  	[smem:$0x3FB7] =	sst s9;
	s0 =	simm.s32 @!p0 $0x0  }
0x12: {  	s1 =	sld [smem:$0x3F9D];
	s0 =	simm.s32 @p0 $0x1  }
0x13: {  	[smem:$0x3FB8] =	sst s0;
	s0 =	simm.s32 @!p1 $0x0  }
0x14: {  	s2 =	sld [smem:$0x3F9C];
	s0 =	simm.s32 @p1 $0x1  }
0x15: {  	[smem:$0x3FB9] =	sst s0;
	s0 =	simm.s32 @!p2 $0x0  }
0x16: {  	s3 =	sld [smem:$0x3FDB];
	s0 =	simm.s32 @p2 $0x1  }
0x17: {  	s4 =	simm.s32 $0x1BF5;
	[smem:$0x3FBB] =	sst s0  }
0x18: {  	s0 =	sld [smem:$0x3F9E];
	_ =	swait.ge [sflag:s4], $0x0  }
0x19: {  	s7 =	sld [smem:$0x3F9F]  }
0x1a: {  	s8 =	sadd.s32 $0xFFFFE003, lr  }
0x1b: {  	s9 =	sadd.s32 $0xFFFFFEF7, lr;
	s5 =	simm.s32 $0xFFFFFFFF;
	p2 =	slt.u32 s8, $0xFFFFF086  }
0x1c: {  	p1 =	slt.u32 s9, $0xF7A;
	s5 =	simm.s32 @!p2 $0x0  }
0x1d: {  	s5 =	simm.s32 @p1 $0x1;
	p0 =	seq.s32 s7, s2  }
0x1e: {  	s7 =	smul.u32 @!p0 $0xF7A, s2;
	p2 =	seq.s32 @!p0 s5, $0x0  }
0x1f: {  	s9 =	smul.u32 $0xF7A, s1;
	s8 =	simm.s32 @!p0 $0x1BF5;
	p2 =	por !p2, p0  }
0x20: {  	[sflag:s8] =	ssyncset.s32 @!p0 $0xFFFFF086;
	s6 =	sadd.s32 @!p0 s3, s7;
	s7 =	simm.s32 @!p0 $0x108  }
0x21: {  	s3 =	sadd.s32 s3, s9;
	s6 =	sadd.s32 @!p0 $0x88, s6;
	s7 =	simm.s32 @p2 $0x1082  }
0x22: {  	[simem:s7], [sflag:s8] =	dma.local @!p0 [hbm:s6], $0xF7A  }
0x23: {  	s9 =	sor.u32 $0xD0000000, s2;
	s6 =	simm.s32 $0x108;
	_ =	swait.ge @!p0 [sflag:s8], $0x0  }
0x24: {  	s3 =	sadd.s32 $0x88, s3;
	s6 =	simm.s32 @!p1 $0x1082;
	[sflag:s4] =	ssyncset.s32 $0xFFFFF086  }
0x25: {  	[simem:s6], [sflag:s4] =	dma.local [hbm:s3], $0xF7A  }
0x26: {  	[smem:$0x3F9F] =	sst s1;
	(tag) =	ssettag s2;
	_ =	strace s9  }
0x27: {  	s1 =	sld [smem:$0x3FAF]  }
0x28: {  	s2 =	sld [smem:$0x3FB0]  }
0x29: {  	s4 =	sld [smem:$0x3FB2]  }
0x2a: {  	p0 =	seq.s32 s5, $0x0;
	s5 =	sld [smem:$0x3FB3]  }
0x2b: {  	s6 =	sld [smem:$0x3FB4]  }
0x2c: {  	s7 =	sld [smem:$0x3FB5]  }
0x2d: {  	s3 =	simm.s32 $0x108;
	s8 =	sld [smem:$0x3FB6]  }
0x2e: {  	s3 =	simm.s32 @!p0 $0x1082;
	s9 =	sld [smem:$0x3FB7]  }
0x2f: {  	lr =	sadd.s32 s0, s3;
	s0 =	sld [smem:$0x3FAE]  }
0x30: {  	s3 =	sld [smem:$0x3FB1]  }
0x31: {  	[smem:$0x3FBA] =	sst s10  }
0x32: {  	s10 =	sld [smem:$0x3FB8];
	_ =	sdelay $0x3  }
0x33: {  	p0 =	seq.s32 s10, $0x1;
	s10 =	sld [smem:$0x3FBA];
	_ =	sdelay $0x3  }
0x34: {  	[smem:$0x3FBA] =	sst s10  }
0x35: {  	s10 =	sld [smem:$0x3FB9];
	_ =	sdelay $0x3  }
0x36: {  	p1 =	seq.s32 s10, $0x1;
	s10 =	sld [smem:$0x3FBA];
	_ =	sdelay $0x3  }
0x37: {  	[smem:$0x3FBA] =	sst s10  }
0x38: {  	s10 =	sld [smem:$0x3FBB]  }
0x39: {  	_ = 	snop;
	(pc) =	sbr.ind lr, $3  }
0x3a: {  	_ = 	snop  }
0x3b: {  	_ = 	snop  }
0x3c: {  	p2 =	seq.s32 s10, $0x1;
	s10 =	sld [smem:$0x3FBA]  }
0x3d: {  	_ =	shalt  }
0x3e: {  	_ =	shalt  }
0x3f: {  	_ =	shalt  }
0x40: {  	_ =	shalt  }
0x41: {  	_ =	shalt  }
0x42: {  	_ =	shalt  }
0x43: {  	_ =	shalt  }
0x44: {  	_ =	shalt  }
0x45: {  	_ =	shalt  }
0x46: {  	_ =	shalt  }
0x47: {  	_ =	shalt  }
0x48: {  	_ =	shalt  }
0x49: {  	_ =	shalt  }
0x4a: {  	_ =	shalt  }
0x4b: {  	_ =	shalt  }
0x4c: {  	_ =	shalt  }
0x4d: {  	_ =	shalt  }
0x4e: {  	_ =	shalt  }
0x4f: {  	_ =	shalt  }
0x50: {  	_ =	shalt  }
0x51: {  	_ =	shalt  }
0x52: {  	_ =	shalt  }
0x53: {  	_ =	shalt  }
0x54: {  	_ =	shalt  }
0x55: {  	_ =	shalt  }
0x56: {  	_ =	shalt  }
0x57: {  	_ =	shalt  }
0x58: {  	_ =	shalt  }
0x59: {  	_ =	shalt  }
0x5a: {  	_ =	shalt  }
0x5b: {  	_ =	shalt  }
0x5c: {  	_ =	shalt  }
0x5d: {  	_ =	shalt  }
0x5e: {  	_ =	shalt  }
0x5f: {  	_ =	shalt  }
0x60: {  	_ =	shalt  }
0x61: {  	_ =	shalt  }
0x62: {  	_ =	shalt  }
0x63: {  	_ =	shalt  }
0x64: {  	_ =	shalt  }
0x65: {  	_ =	shalt  }
0x66: {  	_ =	shalt  }
0x67: {  	_ =	shalt  }
0x68: {  	_ =	shalt  }
0x69: {  	_ =	shalt  }
0x6a: {  	_ =	shalt  }
0x6b: {  	_ =	shalt  }
0x6c: {  	_ =	shalt  }
0x6d: {  	_ =	shalt  }
0x6e: {  	_ =	shalt  }
0x6f: {  	_ =	shalt  }
0x70: {  	_ =	shalt  }
0x71: {  	_ =	shalt  }
0x72: {  	_ =	shalt  }
0x73: {  	_ =	shalt  }
0x74: {  	_ =	shalt  }
0x75: {  	_ =	shalt  }
0x76: {  	_ =	shalt  }
0x77: {  	_ =	shalt  }
0x78: {  	_ =	shalt  }
0x79: {  	_ =	shalt  }
0x7a: {  	_ =	shalt  }
0x7b: {  	_ =	shalt  }
0x7c: {  	_ =	shalt  }
0x7d: {  	_ =	shalt  }
0x7e: {  	_ =	shalt  }
0x7f: {  	_ =	shalt  }
0x80: {  	_ =	shalt  }
0x81: {  	_ =	shalt  }
0x82: {  	_ =	shalt  }
0x83: {  	_ =	shalt  }
0x84: {  	_ =	shalt  }
0x85: {  	_ =	shalt  }
0x86: {  	_ =	shalt  }
0x87: {  	_ =	shalt  }
.Lfunc_end0:
.L_simem_size_0:
called_computation_lowered:
.L_overlay_start_0:
0x88: {  	s2 =	sld [smem:$0x3FD9]  }
0x89: {  	s3 =	sld [smem:$0x3FFE];
	_ =	sdelay $0x1  }
0x8a: {  	s1 =	srdreg.scid  }
0x8b: {  	s0 =	sand.u32 $0x1, s1  }
0x8c: {  	s17 =	sshll.u32 s0, $0xA;
	s2 =	sadd.s32 s3, s2  }
0x8d: {  	s2 =	sadd.s32 s2, s17  }
0x8e: {  	[smem:$0x3FC6] =	sst s2  }
0x8f: {  	_ = 	snop  }
0x90: {  	s2 =	sld [smem:$0x3FC9]  }
0x91: {  	s18 =	sld [smem:$0x3FC8]  }
0x92: {  	s4 =	sld [smem:$0x3FD0];
	(tm) =	ssettm $0x1  }
0x93: {  	s5 =	sld [smem:$0x3FFB];
	_ =	sdelay $0x3  }
0x94: {  	_ =	strace s5  }
0x95: {  	s5 =	sld [smem:$0x3FFC];
	_ =	sdelay $0x3  }
0x96: {  	_ =	strace s5  }
0x97: {  	s5 =	sld [smem:$0x3FFD];
	_ =	sdelay $0x3  }
0x98: {  	_ =	strace s5  }
0x99: {  	_ =	strace $0x8FFFFFFF  }
0x9a: {  	s19 =	sld [smem:$0x3FDB];
	_ =	sdelay $0x1  }
0x9b: {  	s6 =	simm.s32 $_scs_section_size  }
0x9c: {  	s7 =	simm.s32 $_size__tile_overlayer_lowered;
	s8 =	simm.s32 $_tile_overlayer_lowered  }
0x9d: {  	s22 =	simm.s32 $0x1BFF;
	s21 =	sshll.u32 s8, $0x1;
	s5 =	sadd.s32 s6, s19  }
0x9e: {  	s9 =	simm.s32 $0x0;
	s20 =	sshll.u32 s7, $0x1;
	s7 =	sadd.s32 s21, s5  }
0x9f: {  	[timem:s9], [sflag:s22] =	dma.local [hbm:s7], s20  }
0xa0: {  	_ =	swait.ge [sflag:s22], s20  }
0xa1: {  	s6 =	ssub.s32 $0x0, s20;
	[sflag:s22] =	ssyncset.done $0x0  }
0xa2: {  	[sflag:s22] =	ssyncadd.s32 s6;
	_ =	sdelay $0x1  }
0xa3: {  	s23 =	simm.s32 $0x1B8B  }
0xa4: {  	_ =	swait.ge [sflag:s23], $0x1  }
0xa5: {  	[sflag:s23] =	ssyncset.done $0x0  }
0xa6: {  	s25 =	simm.s32 $0x1B8E;
	s24 =	sld [smem:$0x3FFE];
	[sflag:s23] =	ssyncadd.s32 $0xFFFFFFFF  }
0xa7: {  	s26 =	simm.s32 $execute0_lowered;
	[smem:$0x3FD2] =	sst s25  }
0xa8: {  	s7 =	sshll.u32 s26, $0x1;
	_ =	strace $0x80000046;
	[dreg:$0x1] =	wrdreg $0xFFFFFFFF  }
0xa9: {  	s28 =	simm.s32 $_size_execute0_lowered;
	s5 =	sadd.s32 s5, s7;
	[dreg:$0x0] =	wrdreg $0x0  }
0xaa: {  	s7 =	sshll.u32 s28, $0x1;
	[dreg:$0x2] =	wrdreg s5  }
0xab: {  	[dreg:$0x3] =	wrdreg s7  }
0xac: {  	[dreg:$0x4] =	wrdreg $0xC0  }
0xad: {  	_ =	task [dreg:s9], $0x5FFFF  }
0xae: {  	[dreg:$0x1] =	wrdreg $0xFFFFFFFF  }
0xaf: {  	[dreg:$0x0] =	wrdreg $0x60  }
0xb0: {  	[dreg:$0x2] =	wrdreg s2  }
0xb1: {  	[dreg:$0x3] =	wrdreg s18  }
0xb2: {  	[dreg:$0x4] =	wrdreg s24  }
0xb3: {  	[dreg:$0x5] =	wrdreg s4  }
0xb4: {  	[dreg:$0x6] =	wrdreg $0x9  }
0xb5: {  	_ =	task.clear_ibuf [dreg:s9], $0x7FFFF;
	_ =	strace $0x90000046  }
0xb6: {  	s29 =	simm.s32 $0x9;
	_ =	strace $0x80000048  }
0xb7: {  	_ =	swait.ge [sflag:s29], $0x1  }
0xb8: {  	[sflag:s29] =	ssyncadd.s32 $0xFFFFFFFF  }
0xb9: {  	_ =	strace $0x90000048  }
0xba: {  	_ =	sfence  }
0xbb: {  	s30 =	sld [smem:$0x0];
	_ =	sdelay $0x2  }
0xbc: {  	s31 =	sshll.u32 s1, $0xD;
	s1 =	sshrl.u32 s1, $0x2  }
0xbd: {  	s3 =	sand.u32 $0x4000, s31;
	s1 =	sadd.s32 s1, s30  }
0xbe: {  	s0 =	sor.u32 s3, s0;
	s1 =	sshll.u32 s1, $0x11  }
0xbf: {  	s0 =	sor.u32 s1, s0  }
0xc0: {  	s0 =	sadd.s32 $0x8F2B, s0  }
0xc1: {  	[sflag:s0] =	ssyncadd.remote.s32 $0x1  }
0xc2: {  	_ =	sfence.sel $0xFFFF  }
0xc3: {  	[dreg:$0x0] =	wrdreg $0xFFFFFFFF;
	(pc) =	sbr.abs _section_cstart, $3  }
0xc4: {  	[dreg:$0x1] =	wrdreg $0xFFFFFFFF  }
0xc5: {  	_ =	task.clear_ibuf [dreg:s9], $0x2FFFF;
	_ =	strace $0x9FFFFFFF  }
0xc6: {  	(tm) =	ssettm $0x7FFFFFFF  }
0xc7: {  	_ =	shalt  }
tec
execute0_lowered:
.L_overlay_start_1:
0x0: {  	(tag) =	ssettag $0x1  }
0x1: {  	s0 =	rddreg [dreg:$0x1]  }
0x2: {  	s1 =	rddreg [dreg:$0x2];
	s3 =	simm.s32 $0x0;
	s2 =	srdreg.scid  }
0x3: {  	s4 =	stileid.u32;
	s7 =	simm.s32 $0x62;
	s2 =	sand.u32 $0x1, s2  }
0x4: {  	[smem:$0x7FF] =	sst s3;
	s1 =	sadd.s32 $0x400, s1;
	s22 =	sshll.u32 s2, $0x4  }
0x5: {  	s3 =	simm.s32 $0x6;
	s2 =	ssub.s32 $0x2, s2;
	s6 =	sor.u32 s4, s22  }
0x6: {  	_ =	strace $0x80000047;
	s23 =	sshrl.u32 s2, $0x1;
	s4 =	sshll.u32 s6, $0x7  }
0x7: {  	s5 =	sor.u32 $0x20, s6;
	s31 =	sshll.u32 s6, $0xB;
	[dreg:$0x6] =	wrdreg s6  }
0x8: {  	p0 =	slt.u32 s6, $0x15;
	s4 =	sadd.s32 s0, s4;
	[dreg:$0x11] =	wrdreg s31  }
0x9: {  	s2 =	ssub.s32 s2, s23;
	s3 =	simm.s32 @!p0 $0x5;
	[dreg:$0x7] =	wrdreg s4  }
0xa: {  	s26 =	sshll.u32 s6, $0x2;
	s30 =	smax.u32 s2, $0x1;
	[dreg:$0xc] =	wrdreg s3  }
0xb: {  	s24 =	sshll.u32 s5, $0x7;
	s7 =	simm.s32 @!p0 $0x61;
	[dreg:$0x10] =	wrdreg s30  }
0xc: {  	s28 =	sshll.u32 s5, $0x2;
	s0 =	sadd.s32 s0, s24;
	[dreg:$0xb] =	wrdreg s7  }
0xd: {  	v10 =	vlaneseq.u32;
	s5 =	simm.s32 $0xC00;
	s25 =	sadd.s32 $0x2000, s4;
	[dreg:$0x8] =	wrdreg s0  }
0xe: {  	v0 =	vmul.u32 $0x8, v10;
	s4 =	simm.s32 $0x4;
	[dreg:$0x9] =	wrdreg s25;
	s0 =	sadd.s32 s1, s26  }
0xf: {  	vm0 =	vmmov $0xffff;
	v8 =	vand.u32 $0x7, v10;
	v9 =	vshrl.u32 v10, $0x3;
	s3 =	simm.s32 $0x1;
	s4 =	simm.s32 @!p0 $0x6;
	[dreg:$0xa] =	wrdreg s0  }
0x10: {  	v10 =	vor.u32 $0x8, v10;
	v9 =	vmul.u32 $0x8, v9;
	v1 =	vor.u32 $0x1, v0;
	s3 =	simm.s32 @!p0 $0x0;
	s0 =	sadd.s32 s1, s28;
	[dreg:$0xd] =	wrdreg s4  }
0x11: {  	v2 =	vor.u32 $0x2, v0;
	v3 =	vor.u32 $0x3, v0;
	v4 =	vor.u32 $0x4, v0;
	s2 =	simm.s32 $0x0;
	s29 =	sor.u32 $0x4, s3;
	[dreg:$0xe] =	wrdreg s0  }
0x12: {  	v5 =	vor.u32 $0x5, v0;
	v6 =	vor.u32 $0x6, v0;
	v7 =	vor.u32 $0x7, v0;
	p0 =	sgt.u32 s6, $0x14;
	s6 =	simm.s32 $0x1880;
	[dreg:$0xf] =	wrdreg s29  }
.LBB2_1:
0x13: {  	[dreg:$0x12] =	wrdreg s2  }
0x14: {  	s3 =	simm.s32 $0x0;
	s0 =	rddreg [dreg:$0x7];
	s1 =	simm.s32 $0x7  }
0x15: {  	[tilespmem:s3], [sflag:$0x7] =	stream.linear.gather [hbm4b:s0+s3], $0x400, $0x38;
	[tilespmem:$0x10500] =	vst v63  }
0x16: {  	_ =	swait.ge [sflag:s1], $0x400  }
0x17: {  	[sflag:s1] =	ssyncset.done $0x0  }
0x18: {  	s22 =	simm.s32 $0x400;
	s21 =	rddreg [dreg:$0x8];
	[sflag:s1] =	ssyncadd.s32 $0xFFFFFC00  }
0x19: {  	[tilespmem:s22], [sflag:$0x7] =	stream.linear.gather [hbm4b:s21+s3], $0x400, $0x38;
	[tilespmem:$0x10500] =	vst v63  }
0x1a: {  	_ =	swait.ge [sflag:s1], $0x400  }
0x1b: {  	[sflag:s1] =	ssyncset.done $0x0  }
0x1c: {  	s24 =	simm.s32 $0x800;
	s23 =	rddreg [dreg:$0x9];
	[sflag:s1] =	ssyncadd.s32 $0xFFFFFC00  }
0x1d: {  	[tilespmem:s24], [sflag:$0x7] =	stream.linear.gather [hbm4b:s23+s3], $0x400, $0x38;
	[tilespmem:$0x10500] =	vst v63  }
0x1e: {  	_ =	swait.ge [sflag:s1], $0x400  }
0x1f: {  	[sflag:s1] =	ssyncset.done $0x0  }
0x20: {  	s26 =	simm.s32 $0x1800;
	s25 =	rddreg [dreg:$0xa];
	[sflag:s1] =	ssyncadd.s32 $0xFFFFFC00  }
0x21: {  	[tilespmem:s26], [sflag:$0x7] =	stream.linear.gather [hbm4b:s25+s3], $0x20, $0x38;
	[tilespmem:$0x10500] =	vst v63  }
0x22: {  	_ =	swait.ge [sflag:s1], $0x20  }
0x23: {  	s0 =	simm.s32 @!p0 $0x0;
	[sflag:s1] =	ssyncset.done $0x0  }
0x24: {  	s2 =	rddreg [dreg:$0xe];
	[sflag:s1] =	ssyncadd.s32 $0xFFFFFFE0;
	s1 =	simm.s32 @!p0 $0x1820  }
0x25: {  	v11 =	vmov s3;
	[tilespmem:s1], [sflag:$0x7] =	stream.linear.gather @!p0 [hbm4b:s2+s0], $0x20, $0x38;
	[tilespmem:$0x10500] =	vst v63  }
0x26: {  	v11 =	vshrl.u32 v11, $0x7;
	s0 =	simm.s32 @!p0 $0x7  }
0x27: {  	v11 =	vshll.u32 v11, $0x7;
	_ =	swait.ge @!p0 [sflag:s0], $0x20  }
0x28: {  	s28 =	sand.u32 $0x70, s3;
	s29 =	sand.u32 $0xC00, s3;
	v11 =	vbroadcast v11, $0x0;
	[sflag:s0] =	ssyncset.done @!p0 $0x0  }
0x29: {  	s30 =	sor.u32 s28, s29;
	[sflag:s0] =	ssyncadd.s32 @!p0 $0xFFFFFFE0  }
0x2a: {  	v13 =	vor.u32 v0, v11;
	v12 =	vld [tilespmem:s30+$0x0];
	_ =	sdelay $0x4  }
0x2b: {  	[tilespmem:v13+s5+$0x0] =	vst.idx.msk $0xffff, v12;
	v12 =	vadd.s32 $0xC350, v12  }
0x2c: {  	[tilespmem:v13+s6+$0x0] =	vst.idx.msk $0xffff, v12  }
0x2d: {  	v13 =	vor.u32 v1, v11;
	v12 =	vld [tilespmem:s30+$0x80];
	_ =	sdelay $0x4  }
0x2e: {  	[tilespmem:v13+s5+$0x0] =	vst.idx.msk $0xffff, v12;
	v12 =	vadd.s32 $0xC350, v12  }
0x2f: {  	[tilespmem:v13+s6+$0x0] =	vst.idx.msk $0xffff, v12  }
0x30: {  	v13 =	vor.u32 v2, v11;
	v12 =	vld [tilespmem:s30+$0x100];
	_ =	sdelay $0x4  }
0x31: {  	[tilespmem:v13+s5+$0x0] =	vst.idx.msk $0xffff, v12;
	v12 =	vadd.s32 $0xC350, v12  }
0x32: {  	[tilespmem:v13+s6+$0x0] =	vst.idx.msk $0xffff, v12  }
0x33: {  	v13 =	vor.u32 v3, v11;
	v12 =	vld [tilespmem:s30+$0x180];
	_ =	sdelay $0x4  }
0x34: {  	[tilespmem:v13+s5+$0x0] =	vst.idx.msk $0xffff, v12;
	v12 =	vadd.s32 $0xC350, v12  }
0x35: {  	[tilespmem:v13+s6+$0x0] =	vst.idx.msk $0xffff, v12  }
0x36: {  	v13 =	vor.u32 v4, v11;
	v12 =	vld [tilespmem:s30+$0x200];
	_ =	sdelay $0x4  }
0x37: {  	[tilespmem:v13+s5+$0x0] =	vst.idx.msk $0xffff, v12;
	v12 =	vadd.s32 $0xC350, v12  }
0x38: {  	[tilespmem:v13+s6+$0x0] =	vst.idx.msk $0xffff, v12  }
0x39: {  	v13 =	vor.u32 v5, v11;
	v12 =	vld [tilespmem:s30+$0x280];
	_ =	sdelay $0x4  }
0x3a: {  	[tilespmem:v13+s5+$0x0] =	vst.idx.msk $0xffff, v12;
	v12 =	vadd.s32 $0xC350, v12  }
0x3b: {  	[tilespmem:v13+s6+$0x0] =	vst.idx.msk $0xffff, v12  }
0x3c: {  	v13 =	vor.u32 v6, v11;
	v12 =	vld [tilespmem:s30+$0x300];
	_ =	sdelay $0x4  }
0x3d: {  	s31 =	sor.u32 s3, s3;
	[tilespmem:v13+s5+$0x0] =	vst.idx.msk $0xffff, v12;
	v12 =	vadd.s32 $0xC350, v12  }
0x3e: {  	s0 =	sor.u32 $0x380, s31;
	[tilespmem:v13+s6+$0x0] =	vst.idx.msk $0xffff, v12  }
0x3f: {  	v12 =	vor.u32 v7, v11;
	v13 =	vld [tilespmem:s0+$0x0]  }
0x40: {  	s0 =	simm.s32 $0x80  }
0x41: {  	v11 =	vmov s0  }
0x42: {  	v11 =	vshrl.u32 v11, $0x7  }
0x43: {  	s1 =	simm.s32 $0x10;
	v11 =	vshll.u32 v11, $0x7  }
0x44: {  	s2 =	simm.s32 $0x20;
	s3 =	sand.u32 $0x70, s1;
	s4 =	sand.u32 $0xC00, s0;
	v11 =	vbroadcast v11, $0x0;
	[tilespmem:v12+s5+$0x0] =	vst.idx.msk $0xffff, v13;
	v13 =	vadd.s32 $0xC350, v13  }
.LBB2_2:
0x45: {  	p1 =	sne.s32 s2, $0x170  }
0x46: {  	s4 =	sor.u32 s3, s4;
	[tilespmem:v12+s6+$0x0] =	vst.idx.msk $0xffff, v13;
	s3 =	smov.u32 s2;
	s2 =	sadd.s32 $0x10, s2  }
0x47: {  	v12 =	vld [tilespmem:s4+$0x0];
	v13 =	vor.u32 v0, v11;
	_ =	sdelay $0x4  }
0x48: {  	[tilespmem:v13+s5+$0x0] =	vst.idx.msk $0xffff, v12;
	v12 =	vadd.s32 $0xC350, v12  }
0x49: {  	[tilespmem:v13+s6+$0x0] =	vst.idx.msk $0xffff, v12  }
0x4a: {  	v13 =	vor.u32 v1, v11;
	v12 =	vld [tilespmem:s4+$0x80];
	_ =	sdelay $0x4  }
0x4b: {  	[tilespmem:v13+s5+$0x0] =	vst.idx.msk $0xffff, v12;
	v12 =	vadd.s32 $0xC350, v12  }
0x4c: {  	[tilespmem:v13+s6+$0x0] =	vst.idx.msk $0xffff, v12  }
0x4d: {  	v13 =	vor.u32 v2, v11;
	v12 =	vld [tilespmem:s4+$0x100];
	_ =	sdelay $0x4  }
0x4e: {  	[tilespmem:v13+s5+$0x0] =	vst.idx.msk $0xffff, v12;
	v12 =	vadd.s32 $0xC350, v12  }
0x4f: {  	[tilespmem:v13+s6+$0x0] =	vst.idx.msk $0xffff, v12  }
0x50: {  	v13 =	vor.u32 v3, v11;
	v12 =	vld [tilespmem:s4+$0x180];
	_ =	sdelay $0x4  }
0x51: {  	[tilespmem:v13+s5+$0x0] =	vst.idx.msk $0xffff, v12;
	v12 =	vadd.s32 $0xC350, v12  }
0x52: {  	[tilespmem:v13+s6+$0x0] =	vst.idx.msk $0xffff, v12  }
0x53: {  	v13 =	vor.u32 v4, v11;
	v12 =	vld [tilespmem:s4+$0x200];
	_ =	sdelay $0x4  }
0x54: {  	[tilespmem:v13+s5+$0x0] =	vst.idx.msk $0xffff, v12;
	v12 =	vadd.s32 $0xC350, v12  }
0x55: {  	[tilespmem:v13+s6+$0x0] =	vst.idx.msk $0xffff, v12  }
0x56: {  	v13 =	vor.u32 v5, v11;
	v12 =	vld [tilespmem:s4+$0x280];
	_ =	sdelay $0x4  }
0x57: {  	[tilespmem:v13+s5+$0x0] =	vst.idx.msk $0xffff, v12;
	v12 =	vadd.s32 $0xC350, v12  }
0x58: {  	[tilespmem:v13+s6+$0x0] =	vst.idx.msk $0xffff, v12  }
0x59: {  	v13 =	vor.u32 v6, v11;
	v12 =	vld [tilespmem:s4+$0x300];
	_ =	sdelay $0x4  }
0x5a: {  	s4 =	sor.u32 s0, s1;
	s1 =	smov.u32 s3;
	[tilespmem:v13+s5+$0x0] =	vst.idx.msk $0xffff, v12;
	v12 =	vadd.s32 $0xC350, v12  }
0x5b: {  	s3 =	sor.u32 $0x380, s4;
	[tilespmem:v13+s6+$0x0] =	vst.idx.msk $0xffff, v12  }
0x5c: {  	v12 =	vor.u32 v7, v11;
	v13 =	vld [tilespmem:s3+$0x0]  }
.Ltmp0:
0x5d: {  	s0 =	sadd.s32 $0x80, s0;
	(pc) =	sbr.rel @p1 .LBB2_2-.Ltmp0, $4  }
0x5e: {  	v11 =	vmov s0  }
0x5f: {  	v11 =	vshrl.u32 v11, $0x7  }
0x60: {  	v11 =	vshll.u32 v11, $0x7  }
0x61: {  	s4 =	sand.u32 $0xC00, s0;
	s3 =	sand.u32 $0x70, s1;
	v11 =	vbroadcast v11, $0x0;
	[tilespmem:v12+s5+$0x0] =	vst.idx.msk $0xffff, v13;
	v13 =	vadd.s32 $0xC350, v13  }
0x62: {  	_ =	sdelay $0x3  }
0x63: {  	s2 =	sor.u32 s3, s4;
	[tilespmem:v12+s6+$0x0] =	vst.idx.msk $0xffff, v13  }
0x64: {  	v12 =	vld [tilespmem:s2+$0x0];
	v45 =	vor.u32 v0, v11;
	_ =	sdelay $0x4  }
0x65: {  	[tilespmem:v45+s5+$0x0] =	vst.idx.msk $0xffff, v12;
	v12 =	vadd.s32 $0xC350, v12  }
0x66: {  	[tilespmem:v45+s6+$0x0] =	vst.idx.msk $0xffff, v12  }
0x67: {  	v46 =	vor.u32 v1, v11;
	v12 =	vld [tilespmem:s2+$0x80];
	_ =	sdelay $0x4  }
0x68: {  	[tilespmem:v46+s5+$0x0] =	vst.idx.msk $0xffff, v12;
	v12 =	vadd.s32 $0xC350, v12  }
0x69: {  	[tilespmem:v46+s6+$0x0] =	vst.idx.msk $0xffff, v12  }
0x6a: {  	v47 =	vor.u32 v2, v11;
	v12 =	vld [tilespmem:s2+$0x100];
	_ =	sdelay $0x4  }
0x6b: {  	[tilespmem:v47+s5+$0x0] =	vst.idx.msk $0xffff, v12;
	v12 =	vadd.s32 $0xC350, v12  }
0x6c: {  	[tilespmem:v47+s6+$0x0] =	vst.idx.msk $0xffff, v12  }
0x6d: {  	v48 =	vor.u32 v3, v11;
	v12 =	vld [tilespmem:s2+$0x180];
	_ =	sdelay $0x4  }
0x6e: {  	[tilespmem:v48+s5+$0x0] =	vst.idx.msk $0xffff, v12;
	v12 =	vadd.s32 $0xC350, v12  }
0x6f: {  	[tilespmem:v48+s6+$0x0] =	vst.idx.msk $0xffff, v12  }
0x70: {  	v49 =	vor.u32 v4, v11;
	v12 =	vld [tilespmem:s2+$0x200];
	_ =	sdelay $0x4  }
0x71: {  	[tilespmem:v49+s5+$0x0] =	vst.idx.msk $0xffff, v12;
	v12 =	vadd.s32 $0xC350, v12  }
0x72: {  	[tilespmem:v49+s6+$0x0] =	vst.idx.msk $0xffff, v12  }
0x73: {  	v50 =	vor.u32 v5, v11;
	v12 =	vld [tilespmem:s2+$0x280];
	_ =	sdelay $0x4  }
0x74: {  	[tilespmem:v50+s5+$0x0] =	vst.idx.msk $0xffff, v12;
	v12 =	vadd.s32 $0xC350, v12  }
0x75: {  	[tilespmem:v50+s6+$0x0] =	vst.idx.msk $0xffff, v12  }
0x76: {  	v51 =	vor.u32 v6, v11;
	v12 =	vld [tilespmem:s2+$0x300];
	_ =	sdelay $0x4  }
0x77: {  	s0 =	sor.u32 s0, s1;
	[tilespmem:v51+s5+$0x0] =	vst.idx.msk $0xffff, v12;
	v12 =	vadd.s32 $0xC350, v12  }
0x78: {  	s0 =	sor.u32 $0x380, s0;
	[tilespmem:v51+s6+$0x0] =	vst.idx.msk $0xffff, v12  }
0x79: {  	v11 =	vor.u32 v7, v11;
	v12 =	vld [tilespmem:s0+$0x0];
	_ =	sdelay $0x4  }
0x7a: {  	[tilespmem:v11+s5+$0x0] =	vst.idx.msk $0xffff, v12;
	v12 =	vadd.s32 $0xC350, v12  }
0x7b: {  	[tilespmem:v11+s6+$0x0] =	vst.idx.msk $0xffff, v12  }
0x7c: {  	v11 =	vld [tilespmem:$0xC00];
	_ =	sdelay $0x4  }
0x7d: {  	v12 =	vld [tilespmem:$0x1800];
	v52 =	vshll.u32 v11, $0x1  }
0x7e: {  	v14 =	vld [tilespmem:$0x1810];
	v11 =	vand.u32 $0x7, v11;
	v13 =	vand.u32 $0xFFFFFFF0, v52  }
0x7f: {  	v15 =	vld [tilespmem:$0x1820];
	v11 =	vor.u32 v11, v13  }
0x80: {  	v53 =	vld [tilespmem:$0x1830];
	v16 =	vperm.xlane v11, v8;
	_ =	sdelay $0x1  }
0x81: {  	v12 =	vadd.s32 $0xC350, v12;
	v11 =	vperm.xlane v11, v10;
	v16 =	vadd.s32 v9, v16  }
0x82: {  	v54 =	vadd.s32 $0xC350, v14;
	[tilespmem:$0x2480] =	vst v12  }
0x83: {  	v55 =	vadd.s32 $0xC350, v15;
	[tilespmem:$0x2490] =	vst v54;
	v11 =	vadd.s32 v9, v11  }
0x84: {  	v56 =	vadd.s32 $0xC350, v53;
	[tilespmem:$0x24A0] =	vst v55  }
0x85: {  	s14 =	rddreg [dreg:$0x0];
	s15 =	simm.s32 $0x2500;
	s6 =	simm.s32 $0x0;
	[tilespmem:$0x24B0] =	vst v56  }
0x86: {  	[tilespmem:s15], [sflag:$0x1] =	stream.indirect_vreg.gather [hbm4b:s14+s6], $0x80, v16, vm0, $0xb8;
	[tilespmem:$0x10500] =	vst v63  }
0x87: {  	s16 =	simm.s32 $0x2D00  }
0x88: {  	[tilespmem:s16], [sflag:$0x1] =	stream.indirect_vreg.gather [hbm4b:s14+s6], $0x80, v11, vm0, $0xb8;
	[tilespmem:$0x10500] =	vst v63  }
0x89: {  	v11 =	vld [tilespmem:$0xC10];
	_ =	sdelay $0x4  }
0x8a: {  	v57 =	vshll.u32 v11, $0x1  }
0x8b: {  	v11 =	vand.u32 $0x7, v11;
	v12 =	vand.u32 $0xFFFFFFF0, v57  }
0x8c: {  	v11 =	vor.u32 v11, v12  }
0x8d: {  	v12 =	vperm.xlane v11, v8;
	_ =	sdelay $0x1  }
0x8e: {  	v11 =	vperm.xlane v11, v10;
	v12 =	vadd.s32 v9, v12;
	_ =	sdelay $0x1  }
0x8f: {  	v11 =	vadd.s32 v9, v11;
	_ =	sdelay $0x1  }
0x90: {  	s17 =	simm.s32 $0x3500  }
0x91: {  	[tilespmem:s17], [sflag:$0x1] =	stream.indirect_vreg.gather [hbm4b:s14+s6], $0x80, v12, vm0, $0xb8;
	[tilespmem:$0x10500] =	vst v63  }
0x92: {  	s18 =	simm.s32 $0x3D00  }
0x93: {  	[tilespmem:s18], [sflag:$0x1] =	stream.indirect_vreg.gather [hbm4b:s14+s6], $0x80, v11, vm0, $0xb8;
	[tilespmem:$0x10500] =	vst v63  }
0x94: {  	v11 =	vld [tilespmem:$0x1880];
	_ =	sdelay $0x4  }
0x95: {  	v58 =	vshll.u32 v11, $0x1  }
0x96: {  	v11 =	vand.u32 $0x7, v11;
	v12 =	vand.u32 $0xFFFFFFF0, v58  }
0x97: {  	v11 =	vor.u32 v11, v12  }
0x98: {  	v12 =	vperm.xlane v11, v8;
	_ =	sdelay $0x1  }
0x99: {  	v11 =	vperm.xlane v11, v10;
	v12 =	vadd.s32 v9, v12;
	_ =	sdelay $0x1  }
0x9a: {  	v11 =	vadd.s32 v9, v11;
	_ =	sdelay $0x1  }
0x9b: {  	s19 =	simm.s32 $0x4500  }
0x9c: {  	[tilespmem:s19], [sflag:$0x1] =	stream.indirect_vreg.gather [hbm4b:s14+s6], $0x80, v12, vm0, $0xb8;
	[tilespmem:$0x10500] =	vst v63  }
0x9d: {  	s20 =	simm.s32 $0x4D00  }
0x9e: {  	[tilespmem:s20], [sflag:$0x1] =	stream.indirect_vreg.gather [hbm4b:s14+s6], $0x80, v11, vm0, $0xb8;
	[tilespmem:$0x10500] =	vst v63  }
0x9f: {  	v11 =	vld [tilespmem:$0x1890];
	_ =	sdelay $0x4  }
0xa0: {  	v59 =	vshll.u32 v11, $0x1  }
0xa1: {  	v11 =	vand.u32 $0x7, v11;
	v12 =	vand.u32 $0xFFFFFFF0, v59  }
0xa2: {  	v11 =	vor.u32 v11, v12  }
0xa3: {  	v12 =	vperm.xlane v11, v8;
	_ =	sdelay $0x1  }
0xa4: {  	v11 =	vperm.xlane v11, v10;
	v12 =	vadd.s32 v9, v12;
	_ =	sdelay $0x1  }
0xa5: {  	v11 =	vadd.s32 v9, v11;
	_ =	sdelay $0x1  }
0xa6: {  	s21 =	simm.s32 $0x5500  }
0xa7: {  	[tilespmem:s21], [sflag:$0x1] =	stream.indirect_vreg.gather [hbm4b:s14+s6], $0x80, v12, vm0, $0xb8;
	[tilespmem:$0x10500] =	vst v63  }
0xa8: {  	s22 =	simm.s32 $0x5D00  }
0xa9: {  	[tilespmem:s22], [sflag:$0x1] =	stream.indirect_vreg.gather [hbm4b:s14+s6], $0x80, v11, vm0, $0xb8;
	[tilespmem:$0x10500] =	vst v63  }
0xaa: {  	v11 =	vld [tilespmem:$0xC20];
	_ =	sdelay $0x4  }
0xab: {  	v60 =	vshll.u32 v11, $0x1  }
0xac: {  	v11 =	vand.u32 $0x7, v11;
	v12 =	vand.u32 $0xFFFFFFF0, v60  }
0xad: {  	v11 =	vor.u32 v11, v12  }
0xae: {  	v12 =	vperm.xlane v11, v8;
	_ =	sdelay $0x1  }
0xaf: {  	v11 =	vperm.xlane v11, v10;
	v12 =	vadd.s32 v9, v12;
	_ =	sdelay $0x1  }
0xb0: {  	v11 =	vadd.s32 v9, v11;
	_ =	sdelay $0x1  }
0xb1: {  	s23 =	simm.s32 $0x6500  }
0xb2: {  	[tilespmem:s23], [sflag:$0x2] =	stream.indirect_vreg.gather [hbm4b:s14+s6], $0x80, v12, vm0, $0xb8;
	[tilespmem:$0x10500] =	vst v63  }
0xb3: {  	s24 =	simm.s32 $0x6D00  }
0xb4: {  	[tilespmem:s24], [sflag:$0x2] =	stream.indirect_vreg.gather [hbm4b:s14+s6], $0x80, v11, vm0, $0xb8;
	[tilespmem:$0x10500] =	vst v63  }
0xb5: {  	v11 =	vld [tilespmem:$0xC30];
	_ =	sdelay $0x4  }
0xb6: {  	v61 =	vshll.u32 v11, $0x1  }
0xb7: {  	v11 =	vand.u32 $0x7, v11;
	v12 =	vand.u32 $0xFFFFFFF0, v61  }
0xb8: {  	v11 =	vor.u32 v11, v12  }
0xb9: {  	v12 =	vperm.xlane v11, v8;
	_ =	sdelay $0x1  }
0xba: {  	v11 =	vperm.xlane v11, v10;
	v12 =	vadd.s32 v9, v12;
	_ =	sdelay $0x1  }
0xbb: {  	v11 =	vadd.s32 v9, v11;
	_ =	sdelay $0x1  }
0xbc: {  	s25 =	simm.s32 $0x7500  }
0xbd: {  	[tilespmem:s25], [sflag:$0x2] =	stream.indirect_vreg.gather [hbm4b:s14+s6], $0x80, v12, vm0, $0xb8;
	[tilespmem:$0x10500] =	vst v63  }
0xbe: {  	s26 =	simm.s32 $0x7D00  }
0xbf: {  	[tilespmem:s26], [sflag:$0x2] =	stream.indirect_vreg.gather [hbm4b:s14+s6], $0x80, v11, vm0, $0xb8;
	[tilespmem:$0x10500] =	vst v63  }
0xc0: {  	v11 =	vld [tilespmem:$0x18A0];
	_ =	sdelay $0x4  }
0xc1: {  	v62 =	vshll.u32 v11, $0x1  }
0xc2: {  	v11 =	vand.u32 $0x7, v11;
	v12 =	vand.u32 $0xFFFFFFF0, v62  }
0xc3: {  	v11 =	vor.u32 v11, v12  }
0xc4: {  	v12 =	vperm.xlane v11, v8;
	_ =	sdelay $0x1  }
0xc5: {  	v11 =	vperm.xlane v11, v10;
	v12 =	vadd.s32 v9, v12;
	_ =	sdelay $0x1  }
0xc6: {  	v11 =	vadd.s32 v9, v11;
	_ =	sdelay $0x1  }
0xc7: {  	s28 =	simm.s32 $0x8500  }
0xc8: {  	[tilespmem:s28], [sflag:$0x2] =	stream.indirect_vreg.gather [hbm4b:s14+s6], $0x80, v12, vm0, $0xb8;
	[tilespmem:$0x10500] =	vst v63  }
0xc9: {  	s29 =	simm.s32 $0x8D00  }
0xca: {  	[tilespmem:s29], [sflag:$0x2] =	stream.indirect_vreg.gather [hbm4b:s14+s6], $0x80, v11, vm0, $0xb8;
	[tilespmem:$0x10500] =	vst v63  }
0xcb: {  	v11 =	vld [tilespmem:$0x18B0];
	_ =	sdelay $0x4  }
0xcc: {  	v63 =	vshll.u32 v11, $0x1  }
0xcd: {  	v11 =	vand.u32 $0x7, v11;
	v12 =	vand.u32 $0xFFFFFFF0, v63  }
0xce: {  	v11 =	vor.u32 v11, v12  }
0xcf: {  	v12 =	vperm.xlane v11, v8;
	_ =	sdelay $0x1  }
0xd0: {  	v11 =	vperm.xlane v11, v10;
	v12 =	vadd.s32 v9, v12;
	_ =	sdelay $0x1  }
0xd1: {  	v11 =	vadd.s32 v9, v11;
	_ =	sdelay $0x1  }
0xd2: {  	s30 =	simm.s32 $0x9500  }
0xd3: {  	[tilespmem:s30], [sflag:$0x2] =	stream.indirect_vreg.gather [hbm4b:s14+s6], $0x80, v12, vm0, $0xb8;
	[tilespmem:$0x10500] =	vst v63  }
0xd4: {  	s31 =	simm.s32 $0x9D00  }
0xd5: {  	[tilespmem:s31], [sflag:$0x2] =	stream.indirect_vreg.gather [hbm4b:s14+s6], $0x80, v11, vm0, $0xb8;
	[tilespmem:$0x10500] =	vst v63  }
.LBB2_4:
0xd6: {  	s0 =	sadd.s32 $0x2, s6  }
0xd7: {  	p1 =	sge.u32 s0, s7  }
.Ltmp1:
0xd8: {  	_ = 	snop;
	(pc) =	sbr.rel @p1 .LBB2_6-.Ltmp1, $1  }
0xd9: {  	_ =	sdelay $0x3  }
0xda: {  	s1 =	sshll.u32 s0, $0x5  }
0xdb: {  	v11 =	vld [tilespmem:s1+$0xC00];
	_ =	sdelay $0x4  }
0xdc: {  	v12 =	vshll.u32 v11, $0x1  }
0xdd: {  	v11 =	vand.u32 $0x7, v11;
	v12 =	vand.u32 $0xFFFFFFF0, v12  }
0xde: {  	s2 =	smulhi.u32 $0xAAAAAAAB, s0;
	v11 =	vor.u32 v11, v12  }
0xdf: {  	v12 =	vperm.xlane v11, v8  }
0xe0: {  	s2 =	sshrl.u32 s2, $0x1  }
0xe1: {  	s2 =	smul.u32 $0x3, s2;
	v11 =	vperm.xlane v11, v10;
	v12 =	vadd.s32 v9, v12;
	_ =	sdelay $0x1  }
0xe2: {  	s23 =	ssub.s32 s0, s2;
	v11 =	vadd.s32 v9, v11  }
0xe3: {  	s4 =	rddreg [dreg:$0x0];
	s2 =	sshll.u32 s23, $0xE  }
0xe4: {  	s5 =	simm.s32 $0x0;
	s0 =	sadd.s32 $0x1, s23;
	s3 =	sor.u32 $0x2500, s2  }
0xe5: {  	[tilespmem:s3], [sflag:s0] =	stream.indirect_vreg.gather [hbm4b:s4+s5], $0x80, v12, vm0, $0xb8;
	[tilespmem:$0x10500] =	vst v63  }
0xe6: {  	s24 =	sor.u32 $0x2D00, s2  }
0xe7: {  	[tilespmem:s24], [sflag:s0] =	stream.indirect_vreg.gather [hbm4b:s4+s5], $0x80, v11, vm0, $0xb8;
	[tilespmem:$0x10500] =	vst v63  }
0xe8: {  	v11 =	vld [tilespmem:s1+$0xC10];
	_ =	sdelay $0x4  }
0xe9: {  	v61 =	vshll.u32 v11, $0x1  }
0xea: {  	v11 =	vand.u32 $0x7, v11;
	v12 =	vand.u32 $0xFFFFFFF0, v61  }
0xeb: {  	v11 =	vor.u32 v11, v12  }
0xec: {  	v12 =	vperm.xlane v11, v8;
	_ =	sdelay $0x1  }
0xed: {  	v11 =	vperm.xlane v11, v10;
	v12 =	vadd.s32 v9, v12;
	_ =	sdelay $0x1  }
0xee: {  	v11 =	vadd.s32 v9, v11;
	_ =	sdelay $0x1  }
0xef: {  	s25 =	sor.u32 $0x3500, s2  }
0xf0: {  	[tilespmem:s25], [sflag:s0] =	stream.indirect_vreg.gather [hbm4b:s4+s5], $0x80, v12, vm0, $0xb8;
	[tilespmem:$0x10500] =	vst v63  }
0xf1: {  	s26 =	sor.u32 $0x3D00, s2  }
0xf2: {  	[tilespmem:s26], [sflag:s0] =	stream.indirect_vreg.gather [hbm4b:s4+s5], $0x80, v11, vm0, $0xb8;
	[tilespmem:$0x10500] =	vst v63  }
0xf3: {  	v11 =	vld [tilespmem:s1+$0x1880];
	_ =	sdelay $0x4  }
0xf4: {  	v62 =	vshll.u32 v11, $0x1  }
0xf5: {  	v11 =	vand.u32 $0x7, v11;
	v12 =	vand.u32 $0xFFFFFFF0, v62  }
0xf6: {  	v11 =	vor.u32 v11, v12  }
0xf7: {  	v12 =	vperm.xlane v11, v8;
	_ =	sdelay $0x1  }
0xf8: {  	v11 =	vperm.xlane v11, v10;
	v12 =	vadd.s32 v9, v12;
	_ =	sdelay $0x1  }
0xf9: {  	v11 =	vadd.s32 v9, v11;
	_ =	sdelay $0x1  }
0xfa: {  	s28 =	sadd.s32 $0x4500, s2  }
0xfb: {  	[tilespmem:s28], [sflag:s0] =	stream.indirect_vreg.gather [hbm4b:s4+s5], $0x80, v12, vm0, $0xb8;
	[tilespmem:$0x10500] =	vst v63  }
0xfc: {  	s29 =	sadd.s32 $0x4D00, s2  }
0xfd: {  	[tilespmem:s29], [sflag:s0] =	stream.indirect_vreg.gather [hbm4b:s4+s5], $0x80, v11, vm0, $0xb8;
	[tilespmem:$0x10500] =	vst v63  }
0xfe: {  	v11 =	vld [tilespmem:s1+$0x1890];
	_ =	sdelay $0x4  }
0xff: {  	v63 =	vshll.u32 v11, $0x1  }
0x100: {  	v11 =	vand.u32 $0x7, v11;
	v12 =	vand.u32 $0xFFFFFFF0, v63  }
0x101: {  	v11 =	vor.u32 v11, v12  }
0x102: {  	v12 =	vperm.xlane v11, v8;
	_ =	sdelay $0x1  }
0x103: {  	v11 =	vperm.xlane v11, v10;
	v12 =	vadd.s32 v9, v12;
	_ =	sdelay $0x1  }
0x104: {  	v11 =	vadd.s32 v9, v11;
	_ =	sdelay $0x1  }
0x105: {  	s30 =	sadd.s32 $0x5500, s2  }
0x106: {  	[tilespmem:s30], [sflag:s0] =	stream.indirect_vreg.gather [hbm4b:s4+s5], $0x80, v12, vm0, $0xb8;
	[tilespmem:$0x10500] =	vst v63  }
0x107: {  	s31 =	sadd.s32 $0x5D00, s2  }
0x108: {  	[tilespmem:s31], [sflag:s0] =	stream.indirect_vreg.gather [hbm4b:s4+s5], $0x80, v11, vm0, $0xb8;
	[tilespmem:$0x10500] =	vst v63  }
.LBB2_6:
0x109: {  	s0 =	smulhi.u32 $0xAAAAAAAB, s6;
	_ =	sdelay $0x1  }
0x10a: {  	s0 =	sshrl.u32 s0, $0x1  }
0x10b: {  	s0 =	smul.u32 $0x3, s0;
	_ =	sdelay $0x1  }
0x10c: {  	s4 =	ssub.s32 s6, s0  }
0x10d: {  	s0 =	sadd.s32 $0x1, s4  }
0x10e: {  	_ =	swait.ge [sflag:s0], $0x2000  }
0x10f: {  	[sflag:s0] =	ssyncset.done $0x0  }
0x110: {  	s1 =	sshll.u32 s4, $0xE;
	[sflag:s0] =	ssyncadd.s32 $0xFFFFE000  }
0x111: {  	s1 =	sand.u32 $0x3FFFC000, s1;
	_ =	swait.ge [sflag:s0], $0x2000  }
0x112: {  	p1 =	slt.u32 s6, $0x3;
	s1 =	sor.u32 $0x2500, s1;
	[sflag:s0] =	ssyncset.done $0x0  }
0x113: {  	[dreg:$0x13] =	wrdreg s6;
	[sflag:s0] =	ssyncadd.s32 $0xFFFFE000;
	s0 =	sadd.s32 @!p1 $0x4, s4  }
0x114: {  	s31 =	simm.s32 $0x0;
	_ =	swait.ge @!p1 [sflag:s0], $0x800;
	[dreg:$0x5] =	wrdreg s1  }
0x115: {  	s3 =	sand.u32 $0x400, s31;
	s2 =	rddreg [dreg:$0x5]  }
0x116: {  	s1 =	sand.u32 $0x60, s31;
	[sflag:s0] =	ssyncset.done @!p1 $0x0;
	s2 =	sadd.s32 s3, s2  }
0x117: {  	[sflag:s0] =	ssyncadd.s32 @!p1 $0xFFFFF800;
	s13 =	sadd.s32 s1, s2  }
0x118: {  	v11 =	vld [tilespmem:s13+$0x0]  }
0x119: {  	v12 =	vld [tilespmem:s13+$0x80]  }
0x11a: {  	v13 =	vld [tilespmem:s13+$0x100]  }
0x11b: {  	v14 =	vld [tilespmem:s13+$0x180]  }
0x11c: {  	v15 =	vld [tilespmem:s13+$0x200]  }
0x11d: {  	v16 =	vld [tilespmem:s13+$0x280]  }
0x11e: {  	v11 =	vmax.f32 v11, v12;
	v12 =	vld [tilespmem:s13+$0x300]  }
0x11f: {  	v11 =	vmax.f32 v11, v13;
	v13 =	vld [tilespmem:s13+$0x380]  }
0x120: {  	s14 =	simm.s32 $0x0;
	v11 =	vmax.f32 v11, v14  }
0x121: {  	s30 =	sshll.u32 s4, $0x7;
	[dreg:$0x14] =	wrdreg s4;
	s4 =	sand.u32 $0x400, s14;
	v11 =	vmax.f32 v11, v15  }
0x122: {  	s0 =	sadd.s32 s30, s4;
	v11 =	vmax.f32 v11, v16  }
0x123: {  	s7 =	sadd.s32 $0xE500, s0;
	v11 =	vmax.f32 v11, v12  }
0x124: {  	s5 =	sadd.s32 $0x2000, s2;
	s15 =	sadd.s32 s1, s7;
	v11 =	vmax.f32 v11, v13  }
0x125: {  	s16 =	sadd.s32 s1, s5;
	[tilespmem:s15+$0x0] =	vst v11  }
0x126: {  	v11 =	vld [tilespmem:s16+$0x0]  }
0x127: {  	v12 =	vld [tilespmem:s16+$0x80]  }
0x128: {  	v13 =	vld [tilespmem:s16+$0x100]  }
0x129: {  	v14 =	vld [tilespmem:s16+$0x180]  }
0x12a: {  	v15 =	vld [tilespmem:s16+$0x200]  }
0x12b: {  	v16 =	vld [tilespmem:s16+$0x280]  }
0x12c: {  	v11 =	vmax.f32 v11, v12;
	v12 =	vld [tilespmem:s16+$0x300]  }
0x12d: {  	v11 =	vmax.f32 v11, v13;
	v13 =	vld [tilespmem:s16+$0x380]  }
0x12e: {  	v11 =	vmax.f32 v11, v14  }
0x12f: {  	v11 =	vmax.f32 v11, v15  }
0x130: {  	v11 =	vmax.f32 v11, v16  }
0x131: {  	s8 =	sadd.s32 $0xE700, s0;
	v11 =	vmax.f32 v11, v12  }
0x132: {  	s6 =	sadd.s32 $0x800, s2;
	s17 =	sadd.s32 s1, s8;
	v11 =	vmax.f32 v11, v13  }
0x133: {  	s18 =	sadd.s32 s1, s6;
	[tilespmem:s17+$0x0] =	vst v11  }
0x134: {  	v11 =	vld [tilespmem:s18+$0x0]  }
0x135: {  	v12 =	vld [tilespmem:s18+$0x80]  }
0x136: {  	v13 =	vld [tilespmem:s18+$0x100]  }
0x137: {  	v14 =	vld [tilespmem:s18+$0x180]  }
0x138: {  	v15 =	vld [tilespmem:s18+$0x200]  }
0x139: {  	v16 =	vld [tilespmem:s18+$0x280]  }
0x13a: {  	v11 =	vmax.f32 v11, v12;
	v12 =	vld [tilespmem:s18+$0x300]  }
0x13b: {  	v11 =	vmax.f32 v11, v13;
	v13 =	vld [tilespmem:s18+$0x380]  }
0x13c: {  	v11 =	vmax.f32 v11, v14  }
0x13d: {  	v11 =	vmax.f32 v11, v15  }
0x13e: {  	v11 =	vmax.f32 v11, v16  }
0x13f: {  	s11 =	sadd.s32 $0xED00, s0;
	v11 =	vmax.f32 v11, v12  }
0x140: {  	s9 =	sadd.s32 $0x2800, s2;
	s19 =	sadd.s32 s1, s11;
	v11 =	vmax.f32 v11, v13  }
0x141: {  	s20 =	sadd.s32 s1, s9;
	[tilespmem:s19+$0x0] =	vst v11  }
0x142: {  	v11 =	vld [tilespmem:s20+$0x0]  }
0x143: {  	v12 =	vld [tilespmem:s20+$0x80]  }
0x144: {  	v13 =	vld [tilespmem:s20+$0x100]  }
0x145: {  	v14 =	vld [tilespmem:s20+$0x180]  }
0x146: {  	v15 =	vld [tilespmem:s20+$0x200]  }
0x147: {  	v16 =	vld [tilespmem:s20+$0x280]  }
0x148: {  	v11 =	vmax.f32 v11, v12;
	v12 =	vld [tilespmem:s20+$0x300]  }
0x149: {  	v11 =	vmax.f32 v11, v13;
	v13 =	vld [tilespmem:s20+$0x380]  }
0x14a: {  	v11 =	vmax.f32 v11, v14  }
0x14b: {  	v11 =	vmax.f32 v11, v15  }
0x14c: {  	v11 =	vmax.f32 v11, v16  }
0x14d: {  	s12 =	sadd.s32 $0xEF00, s0;
	v11 =	vmax.f32 v11, v12  }
0x14e: {  	s10 =	sadd.s32 $0x1000, s2;
	s21 =	sadd.s32 s1, s12;
	v11 =	vmax.f32 v11, v13  }
0x14f: {  	s22 =	sadd.s32 s1, s10;
	[tilespmem:s21+$0x0] =	vst v11  }
0x150: {  	v11 =	vld [tilespmem:s22+$0x0]  }
0x151: {  	v12 =	vld [tilespmem:s22+$0x80]  }
0x152: {  	v13 =	vld [tilespmem:s22+$0x100]  }
0x153: {  	v14 =	vld [tilespmem:s22+$0x180]  }
0x154: {  	v15 =	vld [tilespmem:s22+$0x200]  }
0x155: {  	v16 =	vld [tilespmem:s22+$0x280]  }
0x156: {  	v11 =	vmax.f32 v11, v12;
	v12 =	vld [tilespmem:s22+$0x300]  }
0x157: {  	v11 =	vmax.f32 v11, v13;
	v13 =	vld [tilespmem:s22+$0x380]  }
0x158: {  	v11 =	vmax.f32 v11, v14  }
0x159: {  	v11 =	vmax.f32 v11, v15  }
0x15a: {  	v11 =	vmax.f32 v11, v16  }
0x15b: {  	s14 =	sadd.s32 $0xF500, s0;
	v11 =	vmax.f32 v11, v12  }
0x15c: {  	s23 =	sadd.s32 s1, s14;
	s13 =	sadd.s32 $0x3000, s2;
	v11 =	vmax.f32 v11, v13  }
0x15d: {  	s24 =	sadd.s32 s1, s13;
	[tilespmem:s23+$0x0] =	vst v11  }
0x15e: {  	v11 =	vld [tilespmem:s24+$0x0]  }
0x15f: {  	v12 =	vld [tilespmem:s24+$0x80]  }
0x160: {  	v13 =	vld [tilespmem:s24+$0x100]  }
0x161: {  	v14 =	vld [tilespmem:s24+$0x180]  }
0x162: {  	v15 =	vld [tilespmem:s24+$0x200]  }
0x163: {  	v16 =	vld [tilespmem:s24+$0x280]  }
0x164: {  	v11 =	vmax.f32 v11, v12;
	v12 =	vld [tilespmem:s24+$0x300]  }
0x165: {  	v11 =	vmax.f32 v11, v13;
	v13 =	vld [tilespmem:s24+$0x380]  }
0x166: {  	v11 =	vmax.f32 v11, v14  }
0x167: {  	v11 =	vmax.f32 v11, v15  }
0x168: {  	v11 =	vmax.f32 v11, v16  }
0x169: {  	s16 =	sadd.s32 $0xF700, s0;
	v11 =	vmax.f32 v11, v12  }
0x16a: {  	s15 =	sadd.s32 $0x1800, s2;
	s25 =	sadd.s32 s1, s16;
	v11 =	vmax.f32 v11, v13  }
0x16b: {  	s26 =	sadd.s32 s1, s15;
	[tilespmem:s25+$0x0] =	vst v11  }
0x16c: {  	v11 =	vld [tilespmem:s26+$0x80]  }
0x16d: {  	v12 =	vld [tilespmem:s26+$0x0]  }
0x16e: {  	v13 =	vld [tilespmem:s26+$0x100]  }
0x16f: {  	v14 =	vld [tilespmem:s26+$0x180]  }
0x170: {  	v15 =	vld [tilespmem:s26+$0x200]  }
0x171: {  	v16 =	vld [tilespmem:s26+$0x280]  }
0x172: {  	v11 =	vmax.f32 v12, v11;
	v12 =	vld [tilespmem:s26+$0x300]  }
0x173: {  	v11 =	vmax.f32 v11, v13;
	v13 =	vld [tilespmem:s26+$0x380]  }
0x174: {  	v11 =	vmax.f32 v11, v14  }
0x175: {  	v11 =	vmax.f32 v11, v15  }
0x176: {  	v11 =	vmax.f32 v11, v16  }
0x177: {  	s17 =	sadd.s32 $0xFD00, s0;
	v11 =	vmax.f32 v11, v12  }
0x178: {  	s0 =	sadd.s32 $0x3800, s2;
	s28 =	sadd.s32 s1, s17;
	v11 =	vmax.f32 v11, v13  }
0x179: {  	s29 =	sadd.s32 s1, s0;
	[tilespmem:s28+$0x0] =	vst v11  }
0x17a: {  	v11 =	vld [tilespmem:s29+$0x0]  }
0x17b: {  	v12 =	vld [tilespmem:s29+$0x80]  }
0x17c: {  	v13 =	vld [tilespmem:s29+$0x100]  }
0x17d: {  	v14 =	vld [tilespmem:s29+$0x180]  }
0x17e: {  	v15 =	vld [tilespmem:s29+$0x200]  }
0x17f: {  	v16 =	vld [tilespmem:s29+$0x280]  }
0x180: {  	v11 =	vmax.f32 v11, v12;
	v12 =	vld [tilespmem:s29+$0x300]  }
0x181: {  	v17 =	vld [tilespmem:s29+$0x380];
	v13 =	vmax.f32 v11, v13  }
0x182: {  	v11 =	vmov s30;
	v13 =	vmax.f32 v13, v14  }
0x183: {  	v13 =	vmax.f32 v13, v15  }
0x184: {  	v13 =	vmax.f32 v13, v16  }
0x185: {  	s19 =	sadd.s32 $0xFF00, s4;
	v12 =	vmax.f32 v13, v12  }
0x186: {  	s4 =	sor.u32 $0x10, s1;
	s1 =	sor.u32 s1, s19;
	v12 =	vmax.f32 v12, v17  }
0x187: {  	s3 =	sadd.s32 s4, s2;
	[tilespmem:v11+s1+$0x0 ss:$0x1] =	vst.idx.msk $0xffff, v12  }
0x188: {  	v12 =	vld [tilespmem:s3+$0x0]  }
0x189: {  	v13 =	vld [tilespmem:s3+$0x80]  }
0x18a: {  	v14 =	vld [tilespmem:s3+$0x100]  }
0x18b: {  	v15 =	vld [tilespmem:s3+$0x180]  }
0x18c: {  	v16 =	vld [tilespmem:s3+$0x200]  }
0x18d: {  	v17 =	vld [tilespmem:s3+$0x280]  }
0x18e: {  	v12 =	vmax.f32 v12, v13;
	v13 =	vld [tilespmem:s3+$0x300]  }
0x18f: {  	v18 =	vld [tilespmem:s3+$0x380];
	v12 =	vmax.f32 v12, v14  }
0x190: {  	v12 =	vmax.f32 v12, v15  }
0x191: {  	v12 =	vmax.f32 v12, v16  }
0x192: {  	v12 =	vmax.f32 v12, v17  }
0x193: {  	v12 =	vmax.f32 v12, v13  }
0x194: {  	s7 =	sadd.s32 s4, s7;
	v12 =	vmax.f32 v12, v18  }
0x195: {  	s18 =	sadd.s32 s4, s5;
	[tilespmem:s7+$0x0] =	vst v12  }
0x196: {  	v12 =	vld [tilespmem:s18+$0x0]  }
0x197: {  	v13 =	vld [tilespmem:s18+$0x80]  }
0x198: {  	v14 =	vld [tilespmem:s18+$0x100]  }
0x199: {  	v15 =	vld [tilespmem:s18+$0x180]  }
0x19a: {  	v16 =	vld [tilespmem:s18+$0x200]  }
0x19b: {  	v17 =	vld [tilespmem:s18+$0x280]  }
0x19c: {  	v12 =	vmax.f32 v12, v13;
	v13 =	vld [tilespmem:s18+$0x300]  }
0x19d: {  	v18 =	vld [tilespmem:s18+$0x380];
	v12 =	vmax.f32 v12, v14  }
0x19e: {  	v12 =	vmax.f32 v12, v15  }
0x19f: {  	v12 =	vmax.f32 v12, v16  }
0x1a0: {  	v12 =	vmax.f32 v12, v17  }
0x1a1: {  	v12 =	vmax.f32 v12, v13  }
0x1a2: {  	s20 =	sadd.s32 s4, s8;
	v12 =	vmax.f32 v12, v18  }
0x1a3: {  	s21 =	sadd.s32 s4, s6;
	[tilespmem:s20+$0x0] =	vst v12  }
0x1a4: {  	v12 =	vld [tilespmem:s21+$0x0]  }
0x1a5: {  	v13 =	vld [tilespmem:s21+$0x80]  }
0x1a6: {  	v14 =	vld [tilespmem:s21+$0x100]  }
0x1a7: {  	v15 =	vld [tilespmem:s21+$0x180]  }
0x1a8: {  	v16 =	vld [tilespmem:s21+$0x200]  }
0x1a9: {  	v17 =	vld [tilespmem:s21+$0x280]  }
0x1aa: {  	v12 =	vmax.f32 v12, v13;
	v13 =	vld [tilespmem:s21+$0x300]  }
0x1ab: {  	v18 =	vld [tilespmem:s21+$0x380];
	v12 =	vmax.f32 v12, v14  }
0x1ac: {  	v12 =	vmax.f32 v12, v15  }
0x1ad: {  	v12 =	vmax.f32 v12, v16  }
0x1ae: {  	v12 =	vmax.f32 v12, v17  }
0x1af: {  	v12 =	vmax.f32 v12, v13  }
0x1b0: {  	s22 =	sadd.s32 s4, s11;
	v12 =	vmax.f32 v12, v18  }
0x1b1: {  	s23 =	sadd.s32 s4, s9;
	[tilespmem:s22+$0x0] =	vst v12  }
0x1b2: {  	v12 =	vld [tilespmem:s23+$0x0]  }
0x1b3: {  	v13 =	vld [tilespmem:s23+$0x80]  }
0x1b4: {  	v14 =	vld [tilespmem:s23+$0x100]  }
0x1b5: {  	v15 =	vld [tilespmem:s23+$0x180]  }
0x1b6: {  	v16 =	vld [tilespmem:s23+$0x200]  }
0x1b7: {  	v17 =	vld [tilespmem:s23+$0x280]  }
0x1b8: {  	v12 =	vmax.f32 v12, v13;
	v13 =	vld [tilespmem:s23+$0x300]  }
0x1b9: {  	v18 =	vld [tilespmem:s23+$0x380];
	v12 =	vmax.f32 v12, v14  }
0x1ba: {  	v12 =	vmax.f32 v12, v15  }
0x1bb: {  	v12 =	vmax.f32 v12, v16  }
0x1bc: {  	v12 =	vmax.f32 v12, v17  }
0x1bd: {  	v12 =	vmax.f32 v12, v13  }
0x1be: {  	s24 =	sadd.s32 s4, s12;
	v12 =	vmax.f32 v12, v18  }
0x1bf: {  	s25 =	sadd.s32 s4, s10;
	[tilespmem:s24+$0x0] =	vst v12  }
0x1c0: {  	v12 =	vld [tilespmem:s25+$0x0]  }
0x1c1: {  	v13 =	vld [tilespmem:s25+$0x80]  }
0x1c2: {  	v14 =	vld [tilespmem:s25+$0x100]  }
0x1c3: {  	v15 =	vld [tilespmem:s25+$0x180]  }
0x1c4: {  	v16 =	vld [tilespmem:s25+$0x200]  }
0x1c5: {  	v17 =	vld [tilespmem:s25+$0x280]  }
0x1c6: {  	v12 =	vmax.f32 v12, v13;
	v13 =	vld [tilespmem:s25+$0x300]  }
0x1c7: {  	v18 =	vld [tilespmem:s25+$0x380];
	v12 =	vmax.f32 v12, v14  }
0x1c8: {  	v12 =	vmax.f32 v12, v15  }
0x1c9: {  	v12 =	vmax.f32 v12, v16  }
0x1ca: {  	v12 =	vmax.f32 v12, v17  }
0x1cb: {  	v12 =	vmax.f32 v12, v13  }
0x1cc: {  	s26 =	sadd.s32 s4, s14;
	v12 =	vmax.f32 v12, v18  }
0x1cd: {  	s28 =	sadd.s32 s4, s13;
	[tilespmem:s26+$0x0] =	vst v12  }
0x1ce: {  	v12 =	vld [tilespmem:s28+$0x0]  }
0x1cf: {  	v13 =	vld [tilespmem:s28+$0x80]  }
0x1d0: {  	v14 =	vld [tilespmem:s28+$0x100]  }
0x1d1: {  	v15 =	vld [tilespmem:s28+$0x180]  }
0x1d2: {  	v16 =	vld [tilespmem:s28+$0x200]  }
0x1d3: {  	v17 =	vld [tilespmem:s28+$0x280]  }
0x1d4: {  	v18 =	vld [tilespmem:s28+$0x300];
	v12 =	vmax.f32 v12, v13  }
0x1d5: {  	v13 =	vld [tilespmem:s28+$0x380];
	v12 =	vmax.f32 v12, v14  }
0x1d6: {  	v12 =	vmax.f32 v12, v15  }
0x1d7: {  	v12 =	vmax.f32 v12, v16  }
0x1d8: {  	v12 =	vmax.f32 v12, v17  }
0x1d9: {  	v12 =	vmax.f32 v12, v18  }
0x1da: {  	s29 =	sadd.s32 s4, s16;
	v12 =	vmax.f32 v12, v13  }
0x1db: {  	s1 =	sadd.s32 s4, s15;
	[tilespmem:s29+$0x0] =	vst v12  }
0x1dc: {  	v16 =	vld [tilespmem:s1+$0x0]  }
0x1dd: {  	v17 =	vld [tilespmem:s1+$0x80]  }
0x1de: {  	v15 =	vld [tilespmem:s1+$0x100]  }
0x1df: {  	v12 =	vld [tilespmem:s1+$0x180]  }
0x1e0: {  	v13 =	vld [tilespmem:s1+$0x200]  }
0x1e1: {  	s18 =	simm.s32 $0x0;
	s20 =	simm.s32 $0x0;
	v14 =	vld [tilespmem:s1+$0x280]  }
0x1e2: {  	s23 =	sor.u32 s4, s19;
	s19 =	simm.s32 $0x400;
	s25 =	sadd.s32 s4, s17;
	v17 =	vmax.f32 v16, v17;
	v16 =	vld [tilespmem:s1+$0x300]  }
.LBB2_7:
0x1e3: {  	v15 =	vmax.f32 v17, v15;
	v17 =	vld [tilespmem:s1+$0x380]  }
0x1e4: {  	v12 =	vmax.f32 v15, v12  }
0x1e5: {  	v12 =	vmax.f32 v12, v13  }
0x1e6: {  	v12 =	vmax.f32 v12, v14  }
0x1e7: {  	v12 =	vmax.f32 v12, v16  }
0x1e8: {  	v12 =	vmax.f32 v12, v17  }
0x1e9: {  	s0 =	sadd.s32 s4, s0;
	[tilespmem:s25+$0x0] =	vst v12  }
0x1ea: {  	v14 =	vld [tilespmem:s0+$0x0]  }
0x1eb: {  	v15 =	vld [tilespmem:s0+$0x80]  }
0x1ec: {  	v13 =	vld [tilespmem:s0+$0x100]  }
0x1ed: {  	v12 =	vld [tilespmem:s0+$0x180]  }
0x1ee: {  	v16 =	vld [tilespmem:s0+$0x200]  }
0x1ef: {  	v17 =	vld [tilespmem:s0+$0x280]  }
0x1f0: {  	v18 =	vld [tilespmem:s0+$0x300];
	v14 =	vmax.f32 v14, v15  }
0x1f1: {  	v19 =	vld [tilespmem:s0+$0x380];
	v13 =	vmax.f32 v14, v13  }
0x1f2: {  	v12 =	vmax.f32 v13, v12  }
0x1f3: {  	v12 =	vmax.f32 v12, v16  }
0x1f4: {  	s31 =	sadd.s32 $0x100, s31;
	v12 =	vmax.f32 v12, v17  }
0x1f5: {  	s20 =	sadd.s32 $0x20, s20;
	s15 =	rddreg [dreg:$0x5];
	s16 =	sand.u32 $0x400, s31;
	v12 =	vmax.f32 v12, v18  }
0x1f6: {  	s26 =	sand.u32 $0x60, s20;
	s12 =	sadd.s32 s16, s15;
	v12 =	vmax.f32 v12, v19  }
0x1f7: {  	s1 =	sadd.s32 s26, s12;
	[tilespmem:v11+s23+$0x0 ss:$0x1] =	vst.idx.msk $0xffff, v12  }
0x1f8: {  	v12 =	vld [tilespmem:s1+$0x0]  }
0x1f9: {  	v13 =	vld [tilespmem:s1+$0x80]  }
0x1fa: {  	v14 =	vld [tilespmem:s1+$0x100]  }
0x1fb: {  	v15 =	vld [tilespmem:s1+$0x180]  }
0x1fc: {  	v16 =	vld [tilespmem:s1+$0x200]  }
0x1fd: {  	v17 =	vld [tilespmem:s1+$0x280]  }
0x1fe: {  	v12 =	vmax.f32 v12, v13;
	v13 =	vld [tilespmem:s1+$0x300]  }
0x1ff: {  	v12 =	vmax.f32 v12, v14;
	v14 =	vld [tilespmem:s1+$0x380]  }
0x200: {  	s17 =	sshrl.u32 s19, $0x2;
	v12 =	vmax.f32 v12, v15  }
0x201: {  	s1 =	sand.u32 $0x400, s17;
	v12 =	vmax.f32 v12, v16  }
0x202: {  	s5 =	sadd.s32 s30, s1;
	v12 =	vmax.f32 v12, v17  }
0x203: {  	s2 =	sadd.s32 $0xE500, s5;
	v12 =	vmax.f32 v12, v13  }
0x204: {  	s11 =	sadd.s32 $0x2000, s12;
	s21 =	sadd.s32 s26, s2;
	v12 =	vmax.f32 v12, v14  }
0x205: {  	[tilespmem:s21+$0x0] =	vst v12;
	s21 =	sadd.s32 s26, s11  }
0x206: {  	v12 =	vld [tilespmem:s21+$0x0]  }
0x207: {  	v13 =	vld [tilespmem:s21+$0x80]  }
0x208: {  	v14 =	vld [tilespmem:s21+$0x100]  }
0x209: {  	v15 =	vld [tilespmem:s21+$0x180]  }
0x20a: {  	v16 =	vld [tilespmem:s21+$0x200]  }
0x20b: {  	v17 =	vld [tilespmem:s21+$0x280]  }
0x20c: {  	v12 =	vmax.f32 v12, v13;
	v13 =	vld [tilespmem:s21+$0x300]  }
0x20d: {  	v12 =	vmax.f32 v12, v14;
	v14 =	vld [tilespmem:s21+$0x380]  }
0x20e: {  	v12 =	vmax.f32 v12, v15  }
0x20f: {  	s4 =	sor.u32 $0x10, s26;
	v12 =	vmax.f32 v12, v16  }
0x210: {  	s6 =	sadd.s32 $0x800, s12;
	s23 =	sadd.s32 $0xFF00, s1;
	s9 =	sadd.s32 $0xE700, s5;
	v12 =	vmax.f32 v12, v17  }
0x211: {  	s25 =	sadd.s32 $0xF700, s5;
	s22 =	sadd.s32 $0xFD00, s5;
	s28 =	sadd.s32 s26, s9;
	v12 =	vmax.f32 v12, v13  }
0x212: {  	s1 =	sadd.s32 s26, s25;
	s10 =	sadd.s32 s26, s22;
	s17 =	sadd.s32 s4, s9;
	v12 =	vmax.f32 v12, v14  }
0x213: {  	s9 =	sadd.s32 s4, s25;
	s25 =	sadd.s32 s4, s22;
	s22 =	sadd.s32 s26, s6;
	[tilespmem:s28+$0x0] =	vst v12  }
0x214: {  	v12 =	vld [tilespmem:s22+$0x0]  }
0x215: {  	v13 =	vld [tilespmem:s22+$0x80]  }
0x216: {  	v14 =	vld [tilespmem:s22+$0x100]  }
0x217: {  	v15 =	vld [tilespmem:s22+$0x180]  }
0x218: {  	v16 =	vld [tilespmem:s22+$0x200]  }
0x219: {  	v17 =	vld [tilespmem:s22+$0x280]  }
0x21a: {  	v12 =	vmax.f32 v12, v13;
	v13 =	vld [tilespmem:s22+$0x300]  }
0x21b: {  	v12 =	vmax.f32 v12, v14;
	v14 =	vld [tilespmem:s22+$0x380]  }
0x21c: {  	v12 =	vmax.f32 v12, v15  }
0x21d: {  	v12 =	vmax.f32 v12, v16  }
0x21e: {  	v12 =	vmax.f32 v12, v17  }
0x21f: {  	s14 =	sadd.s32 $0xEF00, s5;
	s15 =	sadd.s32 $0xF500, s5;
	s5 =	sadd.s32 $0xED00, s5;
	v12 =	vmax.f32 v12, v13  }
0x220: {  	s13 =	sadd.s32 $0x2800, s12;
	s28 =	sadd.s32 s26, s5;
	v12 =	vmax.f32 v12, v14  }
0x221: {  	s22 =	sadd.s32 s26, s13;
	[tilespmem:s28+$0x0] =	vst v12  }
0x222: {  	v12 =	vld [tilespmem:s22+$0x0]  }
0x223: {  	v13 =	vld [tilespmem:s22+$0x80]  }
0x224: {  	v14 =	vld [tilespmem:s22+$0x100]  }
0x225: {  	v15 =	vld [tilespmem:s22+$0x180]  }
0x226: {  	v16 =	vld [tilespmem:s22+$0x200]  }
0x227: {  	v17 =	vld [tilespmem:s22+$0x280]  }
0x228: {  	v12 =	vmax.f32 v12, v13;
	v13 =	vld [tilespmem:s22+$0x300]  }
0x229: {  	v12 =	vmax.f32 v12, v14;
	v14 =	vld [tilespmem:s22+$0x380]  }
0x22a: {  	v12 =	vmax.f32 v12, v15  }
0x22b: {  	v12 =	vmax.f32 v12, v16  }
0x22c: {  	v12 =	vmax.f32 v12, v17  }
0x22d: {  	v12 =	vmax.f32 v12, v13  }
0x22e: {  	s8 =	sadd.s32 $0x1000, s12;
	s3 =	sadd.s32 s26, s14;
	v12 =	vmax.f32 v12, v14  }
0x22f: {  	s28 =	sadd.s32 s26, s8;
	[tilespmem:s3+$0x0] =	vst v12  }
0x230: {  	v12 =	vld [tilespmem:s28+$0x0]  }
0x231: {  	v13 =	vld [tilespmem:s28+$0x80]  }
0x232: {  	v14 =	vld [tilespmem:s28+$0x100]  }
0x233: {  	v15 =	vld [tilespmem:s28+$0x180]  }
0x234: {  	v16 =	vld [tilespmem:s28+$0x200]  }
0x235: {  	v17 =	vld [tilespmem:s28+$0x280]  }
0x236: {  	v12 =	vmax.f32 v12, v13;
	v13 =	vld [tilespmem:s28+$0x300]  }
0x237: {  	v12 =	vmax.f32 v12, v14;
	v14 =	vld [tilespmem:s28+$0x380]  }
0x238: {  	v12 =	vmax.f32 v12, v15  }
0x239: {  	v12 =	vmax.f32 v12, v16  }
0x23a: {  	v12 =	vmax.f32 v12, v17  }
0x23b: {  	v12 =	vmax.f32 v12, v13  }
0x23c: {  	s7 =	sadd.s32 $0x3000, s12;
	s29 =	sadd.s32 s26, s15;
	v12 =	vmax.f32 v12, v14  }
0x23d: {  	[tilespmem:s29+$0x0] =	vst v12;
	s29 =	sadd.s32 s26, s7  }
0x23e: {  	v13 =	vld [tilespmem:s29+$0x0]  }
0x23f: {  	v14 =	vld [tilespmem:s29+$0x80]  }
0x240: {  	v15 =	vld [tilespmem:s29+$0x100]  }
0x241: {  	v12 =	vld [tilespmem:s29+$0x180]  }
0x242: {  	v16 =	vld [tilespmem:s29+$0x200]  }
0x243: {  	v17 =	vld [tilespmem:s29+$0x280]  }
0x244: {  	v13 =	vmax.f32 v13, v14;
	v14 =	vld [tilespmem:s29+$0x300]  }
0x245: {  	v13 =	vmax.f32 v13, v15;
	v15 =	vld [tilespmem:s29+$0x380]  }
0x246: {  	v12 =	vmax.f32 v13, v12  }
0x247: {  	v12 =	vmax.f32 v12, v16  }
0x248: {  	v12 =	vmax.f32 v12, v17  }
0x249: {  	v12 =	vmax.f32 v12, v14  }
0x24a: {  	s24 =	sadd.s32 $0x1800, s12;
	v12 =	vmax.f32 v12, v15  }
0x24b: {  	s3 =	sadd.s32 s26, s24;
	[tilespmem:s1+$0x0] =	vst v12  }
0x24c: {  	v13 =	vld [tilespmem:s3+$0x80]  }
0x24d: {  	v14 =	vld [tilespmem:s3+$0x0]  }
0x24e: {  	v15 =	vld [tilespmem:s3+$0x100]  }
0x24f: {  	v12 =	vld [tilespmem:s3+$0x180]  }
0x250: {  	v16 =	vld [tilespmem:s3+$0x200]  }
0x251: {  	v17 =	vld [tilespmem:s3+$0x280]  }
0x252: {  	v13 =	vmax.f32 v14, v13;
	v14 =	vld [tilespmem:s3+$0x300]  }
0x253: {  	v13 =	vmax.f32 v13, v15;
	v15 =	vld [tilespmem:s3+$0x380]  }
0x254: {  	v12 =	vmax.f32 v13, v12  }
0x255: {  	v12 =	vmax.f32 v12, v16  }
0x256: {  	v12 =	vmax.f32 v12, v17  }
0x257: {  	v12 =	vmax.f32 v12, v14  }
0x258: {  	s0 =	sadd.s32 $0x3800, s12;
	v12 =	vmax.f32 v12, v15  }
0x259: {  	[tilespmem:s10+$0x0] =	vst v12;
	s10 =	sadd.s32 s26, s0  }
0x25a: {  	v12 =	vld [tilespmem:s10+$0x0]  }
0x25b: {  	v13 =	vld [tilespmem:s10+$0x80]  }
0x25c: {  	v14 =	vld [tilespmem:s10+$0x100]  }
0x25d: {  	v15 =	vld [tilespmem:s10+$0x180]  }
0x25e: {  	v16 =	vld [tilespmem:s10+$0x200]  }
0x25f: {  	v17 =	vld [tilespmem:s10+$0x280]  }
0x260: {  	v12 =	vmax.f32 v12, v13;
	v13 =	vld [tilespmem:s10+$0x300]  }
0x261: {  	v12 =	vmax.f32 v12, v14;
	v14 =	vld [tilespmem:s10+$0x380]  }
0x262: {  	v12 =	vmax.f32 v12, v15  }
0x263: {  	v12 =	vmax.f32 v12, v16  }
0x264: {  	v12 =	vmax.f32 v12, v17  }
0x265: {  	v12 =	vmax.f32 v12, v13  }
0x266: {  	s16 =	sor.u32 s26, s23;
	v12 =	vmax.f32 v12, v14  }
0x267: {  	[tilespmem:v11+s16+$0x0 ss:$0x1] =	vst.idx.msk $0xffff, v12;
	s16 =	sadd.s32 s4, s12  }
0x268: {  	v12 =	vld [tilespmem:s16+$0x0]  }
0x269: {  	v13 =	vld [tilespmem:s16+$0x80]  }
0x26a: {  	v14 =	vld [tilespmem:s16+$0x100]  }
0x26b: {  	v15 =	vld [tilespmem:s16+$0x180]  }
0x26c: {  	v16 =	vld [tilespmem:s16+$0x200]  }
0x26d: {  	v17 =	vld [tilespmem:s16+$0x280]  }
0x26e: {  	v12 =	vmax.f32 v12, v13;
	v13 =	vld [tilespmem:s16+$0x300]  }
0x26f: {  	v12 =	vmax.f32 v12, v14;
	v14 =	vld [tilespmem:s16+$0x380]  }
0x270: {  	v12 =	vmax.f32 v12, v15  }
0x271: {  	v12 =	vmax.f32 v12, v16  }
0x272: {  	v12 =	vmax.f32 v12, v17  }
0x273: {  	v12 =	vmax.f32 v12, v13  }
0x274: {  	s2 =	sadd.s32 s4, s2;
	v12 =	vmax.f32 v12, v14  }
0x275: {  	s21 =	sadd.s32 s4, s11;
	[tilespmem:s2+$0x0] =	vst v12  }
0x276: {  	v12 =	vld [tilespmem:s21+$0x0]  }
0x277: {  	v13 =	vld [tilespmem:s21+$0x80]  }
0x278: {  	v14 =	vld [tilespmem:s21+$0x100]  }
0x279: {  	v15 =	vld [tilespmem:s21+$0x180]  }
0x27a: {  	v16 =	vld [tilespmem:s21+$0x200]  }
0x27b: {  	v17 =	vld [tilespmem:s21+$0x280]  }
0x27c: {  	v12 =	vmax.f32 v12, v13;
	v13 =	vld [tilespmem:s21+$0x300]  }
0x27d: {  	v12 =	vmax.f32 v12, v14;
	v14 =	vld [tilespmem:s21+$0x380]  }
0x27e: {  	v12 =	vmax.f32 v12, v15  }
0x27f: {  	v12 =	vmax.f32 v12, v16  }
0x280: {  	v12 =	vmax.f32 v12, v17  }
0x281: {  	v12 =	vmax.f32 v12, v13  }
0x282: {  	v12 =	vmax.f32 v12, v14  }
0x283: {  	s22 =	sadd.s32 s4, s6;
	[tilespmem:s17+$0x0] =	vst v12  }
0x284: {  	v12 =	vld [tilespmem:s22+$0x0]  }
0x285: {  	v13 =	vld [tilespmem:s22+$0x80]  }
0x286: {  	v14 =	vld [tilespmem:s22+$0x100]  }
0x287: {  	v15 =	vld [tilespmem:s22+$0x180]  }
0x288: {  	v16 =	vld [tilespmem:s22+$0x200]  }
0x289: {  	v17 =	vld [tilespmem:s22+$0x280]  }
0x28a: {  	v12 =	vmax.f32 v12, v13;
	v13 =	vld [tilespmem:s22+$0x300]  }
0x28b: {  	v12 =	vmax.f32 v12, v14;
	v14 =	vld [tilespmem:s22+$0x380]  }
0x28c: {  	v12 =	vmax.f32 v12, v15  }
0x28d: {  	v12 =	vmax.f32 v12, v16  }
0x28e: {  	v12 =	vmax.f32 v12, v17  }
0x28f: {  	v12 =	vmax.f32 v12, v13  }
0x290: {  	s5 =	sadd.s32 s4, s5;
	v12 =	vmax.f32 v12, v14  }
0x291: {  	s26 =	sadd.s32 s4, s13;
	[tilespmem:s5+$0x0] =	vst v12  }
0x292: {  	v12 =	vld [tilespmem:s26+$0x0]  }
0x293: {  	v13 =	vld [tilespmem:s26+$0x80]  }
0x294: {  	v14 =	vld [tilespmem:s26+$0x100]  }
0x295: {  	v15 =	vld [tilespmem:s26+$0x180]  }
0x296: {  	v16 =	vld [tilespmem:s26+$0x200]  }
0x297: {  	v17 =	vld [tilespmem:s26+$0x280]  }
0x298: {  	v12 =	vmax.f32 v12, v13;
	v13 =	vld [tilespmem:s26+$0x300]  }
0x299: {  	v12 =	vmax.f32 v12, v14;
	v14 =	vld [tilespmem:s26+$0x380]  }
0x29a: {  	v12 =	vmax.f32 v12, v15  }
0x29b: {  	v12 =	vmax.f32 v12, v16  }
0x29c: {  	v12 =	vmax.f32 v12, v17  }
0x29d: {  	v12 =	vmax.f32 v12, v13  }
0x29e: {  	s14 =	sadd.s32 s4, s14;
	v12 =	vmax.f32 v12, v14  }
0x29f: {  	s28 =	sadd.s32 s4, s8;
	[tilespmem:s14+$0x0] =	vst v12  }
0x2a0: {  	v12 =	vld [tilespmem:s28+$0x0]  }
0x2a1: {  	v13 =	vld [tilespmem:s28+$0x80]  }
0x2a2: {  	v14 =	vld [tilespmem:s28+$0x100]  }
0x2a3: {  	v15 =	vld [tilespmem:s28+$0x180]  }
0x2a4: {  	v16 =	vld [tilespmem:s28+$0x200]  }
0x2a5: {  	v17 =	vld [tilespmem:s28+$0x280]  }
0x2a6: {  	v12 =	vmax.f32 v12, v13;
	v13 =	vld [tilespmem:s28+$0x300]  }
0x2a7: {  	v12 =	vmax.f32 v12, v14;
	v14 =	vld [tilespmem:s28+$0x380]  }
0x2a8: {  	v12 =	vmax.f32 v12, v15  }
0x2a9: {  	v12 =	vmax.f32 v12, v16  }
0x2aa: {  	v12 =	vmax.f32 v12, v17  }
0x2ab: {  	v12 =	vmax.f32 v12, v13  }
0x2ac: {  	s15 =	sadd.s32 s4, s15;
	v12 =	vmax.f32 v12, v14  }
0x2ad: {  	s29 =	sadd.s32 s4, s7;
	[tilespmem:s15+$0x0] =	vst v12  }
0x2ae: {  	v13 =	vld [tilespmem:s29+$0x0]  }
0x2af: {  	v14 =	vld [tilespmem:s29+$0x80]  }
0x2b0: {  	v12 =	vld [tilespmem:s29+$0x100]  }
0x2b1: {  	v15 =	vld [tilespmem:s29+$0x180]  }
0x2b2: {  	v16 =	vld [tilespmem:s29+$0x200]  }
0x2b3: {  	v17 =	vld [tilespmem:s29+$0x280]  }
0x2b4: {  	v18 =	vld [tilespmem:s29+$0x300];
	v13 =	vmax.f32 v13, v14  }
0x2b5: {  	v14 =	vld [tilespmem:s29+$0x380];
	v12 =	vmax.f32 v13, v12  }
0x2b6: {  	v12 =	vmax.f32 v12, v15  }
0x2b7: {  	v12 =	vmax.f32 v12, v16  }
0x2b8: {  	v12 =	vmax.f32 v12, v17  }
0x2b9: {  	v12 =	vmax.f32 v12, v18  }
0x2ba: {  	v12 =	vmax.f32 v12, v14  }
0x2bb: {  	s1 =	sadd.s32 s4, s24;
	[tilespmem:s9+$0x0] =	vst v12  }
0x2bc: {  	s18 =	sadd.s32 $0x2, s18;
	v16 =	vld [tilespmem:s1+$0x0]  }
0x2bd: {  	p1 =	slt.u32 s18, $0xE;
	v17 =	vld [tilespmem:s1+$0x80]  }
.Ltmp2:
0x2be: {  	v15 =	vld [tilespmem:s1+$0x100];
	(pc) =	sbr.rel @p1 .LBB2_7-.Ltmp2, $4  }
0x2bf: {  	v12 =	vld [tilespmem:s1+$0x180]  }
0x2c0: {  	v13 =	vld [tilespmem:s1+$0x200]  }
0x2c1: {  	v14 =	vld [tilespmem:s1+$0x280]  }
0x2c2: {  	s19 =	sadd.s32 $0x400, s19;
	s23 =	sor.u32 s4, s23;
	v17 =	vmax.f32 v16, v17;
	v16 =	vld [tilespmem:s1+$0x300]  }
0x2c3: {  	v15 =	vmax.f32 v17, v15;
	v57 =	vld [tilespmem:s1+$0x380]  }
0x2c4: {  	v12 =	vmax.f32 v15, v12  }
0x2c5: {  	v12 =	vmax.f32 v12, v13  }
0x2c6: {  	v12 =	vmax.f32 v12, v14  }
0x2c7: {  	v12 =	vmax.f32 v12, v16  }
0x2c8: {  	v12 =	vmax.f32 v12, v57  }
0x2c9: {  	s0 =	sadd.s32 s4, s0;
	[tilespmem:s25+$0x0] =	vst v12  }
0x2ca: {  	v12 =	vld [tilespmem:s0+$0x0]  }
0x2cb: {  	v58 =	vld [tilespmem:s0+$0x80]  }
0x2cc: {  	v59 =	vld [tilespmem:s0+$0x100]  }
0x2cd: {  	v60 =	vld [tilespmem:s0+$0x180]  }
0x2ce: {  	v61 =	vld [tilespmem:s0+$0x200]  }
0x2cf: {  	v62 =	vld [tilespmem:s0+$0x280]  }
0x2d0: {  	s6 =	rddreg [dreg:$0x13];
	v18 =	vld [tilespmem:s0+$0x300];
	v12 =	vmax.f32 v12, v58  }
0x2d1: {  	s21 =	rddreg [dreg:$0x6];
	s20 =	sand.u32 $0xFFE0, s6;
	v63 =	vld [tilespmem:s0+$0x380];
	v12 =	vmax.f32 v12, v59  }
0x2d2: {  	s24 =	rddreg [dreg:$0x11];
	s22 =	sshll.u32 s6, $0xB;
	s0 =	sor.u32 s21, s20;
	v12 =	vmax.f32 v12, v60  }
0x2d3: {  	s2 =	sshll.u32 s6, $0x10;
	s1 =	sand.u32 $0xF800, s22;
	s0 =	sshll.u32 s0, $0x10;
	v12 =	vmax.f32 v12, v61  }
0x2d4: {  	p1 =	slt.u32 s6, $0x60;
	s0 =	sor.u32 s1, s0;
	s1 =	sor.u32 s24, s2;
	v12 =	vmax.f32 v12, v62  }
0x2d5: {  	s3 =	rddreg [dreg:$0x3];
	s5 =	simm.s32 $0x0;
	s1 =	smov.u32 @p1 s0;
	v12 =	vmax.f32 v12, v18  }
0x2d6: {  	s25 =	rddreg [dreg:$0x14];
	s0 =	sshrl.u32 s1, $0x3;
	s1 =	sand.u32 $0x3FFFFF80, s30;
	v12 =	vmax.f32 v12, v63  }
0x2d7: {  	s2 =	sadd.s32 $0x4, s25;
	s0 =	sadd.s32 s3, s0;
	s26 =	sadd.s32 $0xE500, s1;
	[tilespmem:v11+s23+$0x0 ss:$0x1] =	vst.idx.msk $0xffff, v12  }
0x2d8: {  	[hbm4b:s0+s5] =	stream.linear.scatter [tilespmem:s26], [sflag:s2], $0x80, $0x38;
	[tilespmem:$0x10500] =	vst v63  }
0x2d9: {  	s28 =	sadd.s32 $0xE700, s1;
	s29 =	sadd.s32 $0x10, s0  }
0x2da: {  	[hbm4b:s29+s5] =	stream.linear.scatter [tilespmem:s28], [sflag:s2], $0x80, $0x38;
	[tilespmem:$0x10500] =	vst v63  }
0x2db: {  	s30 =	sadd.s32 $0xE900, s1;
	s31 =	sadd.s32 $0x20, s0  }
0x2dc: {  	[hbm4b:s31+s5] =	stream.linear.scatter [tilespmem:s30], [sflag:s2], $0x80, $0x38;
	[tilespmem:$0x10500] =	vst v63  }
0x2dd: {  	s7 =	sadd.s32 $0xEB00, s1;
	s8 =	sadd.s32 $0x30, s0  }
0x2de: {  	[hbm4b:s8+s5] =	stream.linear.scatter [tilespmem:s7], [sflag:s2], $0x80, $0x38;
	[tilespmem:$0x10500] =	vst v63  }
0x2df: {  	s9 =	sadd.s32 $0xED00, s1;
	s10 =	sadd.s32 $0x40, s0  }
0x2e0: {  	[hbm4b:s10+s5] =	stream.linear.scatter [tilespmem:s9], [sflag:s2], $0x80, $0x38;
	[tilespmem:$0x10500] =	vst v63  }
0x2e1: {  	s11 =	sadd.s32 $0xEF00, s1;
	s12 =	sadd.s32 $0x50, s0  }
0x2e2: {  	[hbm4b:s12+s5] =	stream.linear.scatter [tilespmem:s11], [sflag:s2], $0x80, $0x38;
	[tilespmem:$0x10500] =	vst v63  }
0x2e3: {  	s13 =	sadd.s32 $0xF100, s1;
	s14 =	sadd.s32 $0x60, s0  }
0x2e4: {  	[hbm4b:s14+s5] =	stream.linear.scatter [tilespmem:s13], [sflag:s2], $0x80, $0x38;
	[tilespmem:$0x10500] =	vst v63  }
0x2e5: {  	s15 =	sadd.s32 $0xF300, s1;
	s16 =	sadd.s32 $0x70, s0  }
0x2e6: {  	[hbm4b:s16+s5] =	stream.linear.scatter [tilespmem:s15], [sflag:s2], $0x80, $0x38;
	[tilespmem:$0x10500] =	vst v63  }
0x2e7: {  	s17 =	sadd.s32 $0xF500, s1;
	s18 =	sadd.s32 $0x80, s0  }
0x2e8: {  	[hbm4b:s18+s5] =	stream.linear.scatter [tilespmem:s17], [sflag:s2], $0x80, $0x38;
	[tilespmem:$0x10500] =	vst v63  }
0x2e9: {  	s19 =	sadd.s32 $0xF700, s1;
	s20 =	sadd.s32 $0x90, s0  }
0x2ea: {  	[hbm4b:s20+s5] =	stream.linear.scatter [tilespmem:s19], [sflag:s2], $0x80, $0x38;
	[tilespmem:$0x10500] =	vst v63  }
0x2eb: {  	s21 =	sadd.s32 $0xF900, s1;
	s22 =	sadd.s32 $0xA0, s0  }
0x2ec: {  	[hbm4b:s22+s5] =	stream.linear.scatter [tilespmem:s21], [sflag:s2], $0x80, $0x38;
	[tilespmem:$0x10500] =	vst v63  }
0x2ed: {  	s6 =	sadd.s32 $0x1, s6;
	s24 =	sadd.s32 $0xB0, s0;
	s23 =	sadd.s32 $0xFB00, s1  }
0x2ee: {  	[hbm4b:s24+s5] =	stream.linear.scatter [tilespmem:s23], [sflag:s2], $0x80, $0x38;
	[tilespmem:$0x10500] =	vst v63  }
0x2ef: {  	s25 =	sadd.s32 $0xFD00, s1;
	s26 =	sadd.s32 $0xC0, s0;
	s7 =	rddreg [dreg:$0xb]  }
0x2f0: {  	[hbm4b:s26+s5] =	stream.linear.scatter [tilespmem:s25], [sflag:s2], $0x80, $0x38;
	[tilespmem:$0x10500] =	vst v63  }
0x2f1: {  	s28 =	sadd.s32 $0xFF00, s1;
	s29 =	sadd.s32 $0xD0, s0;
	p1 =	sne.s32 s6, s7  }
0x2f2: {  	[hbm4b:s29+s5] =	stream.linear.scatter [tilespmem:s28], [sflag:s2], $0x80, $0x38;
	[tilespmem:$0x10500] =	vst v63  }
.Ltmp3:
0x2f3: {  	_ = 	snop;
	(pc) =	sbr.rel @p1 .LBB2_4-.Ltmp3, $4  }
0x2f4: {  	s30 =	sadd.s32 $0x10100, s1;
	s31 =	sadd.s32 $0xE0, s0  }
0x2f5: {  	[hbm4b:s31+s5] =	stream.linear.scatter [tilespmem:s30], [sflag:s2], $0x80, $0x38;
	[tilespmem:$0x10500] =	vst v63  }
0x2f6: {  	s1 =	sadd.s32 $0x10300, s1;
	s0 =	sadd.s32 $0xF0, s0  }
0x2f7: {  	[hbm4b:s0+s5] =	stream.linear.scatter [tilespmem:s1], [sflag:s2], $0x80, $0x38;
	[tilespmem:$0x10500] =	vst v63  }
0x2f8: {  	s0 =	rddreg [dreg:$0xc]  }
0x2f9: {  	_ =	swait.ge [sflag:s0], $0x800  }
0x2fa: {  	[sflag:s0] =	ssyncset.done $0x0  }
0x2fb: {  	s30 =	rddreg [dreg:$0xd];
	[sflag:s0] =	ssyncadd.s32 $0xFFFFF800  }
0x2fc: {  	_ =	swait.ge [sflag:s30], $0x800  }
0x2fd: {  	[sflag:s30] =	ssyncset.done $0x0  }
0x2fe: {  	s31 =	rddreg [dreg:$0xf];
	[sflag:s30] =	ssyncadd.s32 $0xFFFFF800  }
0x2ff: {  	_ =	swait.ge [sflag:s31], $0x800  }
0x300: {  	s2 =	rddreg [dreg:$0x12]  }
0x301: {  	s1 =	rddreg [dreg:$0x10];
	s2 =	sadd.s32 $0x1, s2  }
0x302: {  	p1 =	sne.s32 s2, s1  }
.Ltmp4:
0x303: {  	_ = 	snop;
	(pc) =	sbr.rel @p1 .LBB2_1-.Ltmp4, $3  }
0x304: {  	_ =	sdelay $0x1  }
0x305: {  	[sflag:s31] =	ssyncset.done $0x0  }
0x306: {  	s5 =	simm.s32 $0xC00;
	s6 =	simm.s32 $0x1880;
	[sflag:s31] =	ssyncadd.s32 $0xFFFFF800  }
0x307: {  	_ =	sfence.sel $0x180000  }
0x308: {  	[bflag:$0x0] =	sbarrier.arrive $0xFFFF  }
0x309: {  	_ =	strace $0x90000047  }
0x30a: {  	s0 =	stileid.u32;
	[bflag:$0x2] =	sbarrier.arrive $0xFFFF  }
0x30b: {  	p0 =	sne.s32 s0, $0x0;
	s0 =	rddreg [dreg:$0x4]  }
0x30c: {  	s0 =	sadd.s32 @!p0 $0x100000, s0  }
0x30d: {  	[sflag:s0] =	ssyncadd.tile.s32 @!p0 $0x1;
	_ =	shalt  }
.Lfunc_end2:
_tile_overlayer_lowered:
.L_overlay_start_2:
0x30e: {  	(tag) =	ssettag $0x2  }
0x30f: {  	s0 =	rddreg [dreg:$0x0];
	s2 =	stileid.u32  }
0x310: {  	s1 =	rddreg [dreg:$0x1];
	p0 =	sne.s32 s2, $0x0  }
0x311: {  	s3 =	rddreg [dreg:$0x2];
	[bflag:$0x3] =	sbarrier.arrive $0xFFFF;
	s2 =	simm.s32 @!p0 $0x1C07  }
0x312: {  	[timem:s3], [sflag:s2] =	dma.local @!p0 [hbm:s0], s1  }
0x313: {  	s0 =	simm.s32 @!p0 $0x7  }
0x314: {  	_ =	swait.ge @!p0 [sflag:s0], s1  }
0x315: {  	s1 =	ssub.s32 @!p0 $0x0, s1;
	[sflag:s0] =	ssyncset.done @!p0 $0x0  }
0x316: {  	[sflag:s0] =	ssyncadd.s32 @!p0 s1  }
0x317: {  	[bflag:$0x3] =	sbarrier.arrive $0xFFFF  }
0x318: {  	_ =	shalt  }

</sc_bundles>
